<compile_context>
chip_gen: v7x
topology: tpu7x:2x2x1
jax: 0.10.2.dev20260603
libtpu: 0.0.44.dev20260713+nightly
codegen_flags: <defaults>
</compile_context>

<pallas_src>
import functools

import jax
import jax.numpy as jnp
from jax import lax
from jax.experimental import pallas as pl
from jax.experimental.pallas import tpu as pltpu
from jax.experimental.pallas import tpu_sc as plsc

A = 8192
B = 4096

NC = 2
NS = 16
LANES = 16
NW = NC * NS
JW = A // NW
CH = 2
NCHUNK = JW // CH


NBUF = 4


def _sc_gather_body(opp_hbm, w_hbm, outt_hbm, idx_v,
                    stage0, stage1, stage2, stage3,
                    frag0, frag1, frag2, frag3,
                    si0, si1, si2, si3, so0, so1, so2, so3):
    wid = lax.axis_index("s") * NC + lax.axis_index("c")
    j0 = wid * JW

    pltpu.sync_copy(opp_hbm, idx_v)

    stages = (stage0, stage1, stage2, stage3)
    frags = (frag0, frag1, frag2, frag3)
    sems_in = (si0, si1, si2, si3)
    sems_out = (so0, so1, so2, so3)

    def start_in(c):
        buf = c % NBUF
        cp = pltpu.make_async_copy(
            w_hbm.at[pl.ds(j0 + c * CH, CH), :], stages[buf], sems_in[buf])
        cp.start()
        return cp

    in_cp = [None] * NBUF
    out_cp = [None] * NBUF
    for c in range(NBUF):
        in_cp[c] = start_in(c)

    for c in range(NCHUNK):
        buf = c % NBUF
        in_cp[buf].wait()
        if out_cp[buf] is not None:
            out_cp[buf].wait()

        if True:
            pass
        else:
            @plsc.parallel_loop(0, B, LANES, unroll=4)
            def _(off, buf=buf):
                iv = idx_v[pl.ds(off, LANES)]
                for r in range(CH):
                    rv = jnp.full((LANES,), r, jnp.int32)
                    vals = plsc.load_gather(stages[buf], [rv, iv])
                    frags[buf][r, pl.ds(off, LANES)] = vals

        cp = pltpu.make_async_copy(
            frags[buf], outt_hbm.at[pl.ds(j0 + c * CH, CH), :],
            sems_out[buf])
        cp.start()
        out_cp[buf] = cp
        if c + NBUF < NCHUNK:
            in_cp[buf] = start_in(c + NBUF)

    for b in range(NBUF):
        if out_cp[b] is not None:
            out_cp[b].wait()


def _sc_gather(opp, weights):
    mesh = plsc.VectorSubcoreMesh(core_axis_name="c", subcore_axis_name="s")
    fn = pl.kernel(
        _sc_gather_body,
        out_type=jax.ShapeDtypeStruct((A, B), jnp.float32),
        mesh=mesh,
        compiler_params=pltpu.CompilerParams(needs_layout_passes=False),
        scratch_types=(
            [pltpu.VMEM((B,), jnp.int32)]
            + [pltpu.VMEM((CH, A), jnp.float32)] * NBUF
            + [pltpu.VMEM((CH, B), jnp.float32)] * NBUF
            + [pltpu.SemaphoreType.DMA] * (2 * NBUF)
        ),
    )
    return fn(opp, weights)


BB = 512
JB = 512


def _tc_sample_body(outt_ref, g_ref, pol_ref, act_ref, max_sc, idx_sc):
    j = pl.program_id(1)
    nj = pl.num_programs(1)

    p = outt_ref[...].T
    pol_ref[...] = p
    s = jnp.log(p + jnp.float32(1e-9)) + g_ref[...]

    bmax = jnp.max(s, axis=1, keepdims=True)
    jidx = lax.broadcasted_iota(jnp.int32, (BB, JB), 1) + j * JB
    cand = jnp.min(jnp.where(s == bmax, jidx, jnp.int32(2**30)),
                   axis=1, keepdims=True)

    @pl.when(j == 0)
    def _():
        max_sc[...] = bmax
        idx_sc[...] = cand

    @pl.when(j > 0)
    def _():
        upd = bmax > max_sc[...]
        idx_sc[...] = jnp.where(upd, cand, idx_sc[...])
        max_sc[...] = jnp.where(upd, bmax, max_sc[...])

    @pl.when(j == nj - 1)
    def _():
        act_ref[...] = idx_sc[...]


def _tc_sample(outt, g):
    grid = (B // BB, A // JB)
    return pl.pallas_call(
        _tc_sample_body,
        grid=grid,
        in_specs=[
            pl.BlockSpec((JB, BB), lambda b, j: (j, b)),
            pl.BlockSpec((BB, JB), lambda b, j: (b, j)),
        ],
        out_specs=[
            pl.BlockSpec((BB, JB), lambda b, j: (b, j)),
            pl.BlockSpec((BB, 1), lambda b, j: (b, 0)),
        ],
        out_shape=[
            jax.ShapeDtypeStruct((B, A), jnp.float32),
            jax.ShapeDtypeStruct((B, 1), jnp.int32),
        ],
        scratch_shapes=[
            pltpu.VMEM((BB, 1), jnp.float32),
            pltpu.VMEM((BB, 1), jnp.int32),
        ],
    )(outt, g)


@jax.jit
def kernel(opponent_action, weights):
    opp = opponent_action.astype(jnp.int32)
    g = jax.random.gumbel(jax.random.key(42), (B, A), jnp.float32)
    outt = _sc_gather(opp, weights)
    policy_cols, actions = _tc_sample(outt, g)
    return (actions.reshape(B), policy_cols)

# --- scband reference (transcript-rebuilt; emitter-appended) ---
"""Pipeline reference for scband-lola-15375982919966 (READ-ONLY COPY).

The authoritative reference and input builder live on the scoring server;
editing this copy changes nothing except your own understanding.
"""

import jax, jax.numpy as jnp
import numpy as np

NUM_ACTIONS = 8192
BATCH = 4096

def setup_inputs(seed: int = 0) -> dict:
    key = jax.random.key(seed)
    k1, k2 = jax.random.split(key)
    opponent_action = jax.random.randint(k1, (BATCH,), 0, NUM_ACTIONS)
    # The LOLA agent keeps Q and derives weights = softmax(Q, dim=0).
    Q = jax.random.normal(k2, (NUM_ACTIONS, NUM_ACTIONS), dtype=jnp.float32)
    weights = jax.nn.softmax(Q, axis=0)
    return {"opponent_action": opponent_action, "weights": weights}

def reference(opponent_action, weights):
    # select_action: policy = weights.unsqueeze(0); policy[:, :, opponent_action]
    # gathers the column of the joint policy matrix conditioned on the
    # opponent's action, then multinomial-samples one own-action.
    # Batched over a vector of opponent actions.
    policy_cols = jnp.take(weights, opponent_action, axis=1).T  # [B, num_actions]
    key = jax.random.key(42)
    actions = jax.random.categorical(key, jnp.log(policy_cols + 1e-9), axis=-1)  # [B]
    return (actions, policy_cols)

if __name__ == "__main__":
    import jax
    _d = setup_inputs()
    print(jax.jit(kernel)(*tuple(_d.values())))

</pallas_src>

<mosaic_0001>
#map = affine_map<(d0, d1) -> (0)>
#map1 = affine_map<(d0, d1) -> (0, 0)>
module attributes {stable_mosaic.version = 14 : i64} {
  func.func @_sc_gather_body(%arg0: i32, %arg1: i32, %arg2: memref<4096xi32, #tpu.memory_space<hbm>>, %arg3: memref<8192x8192xf32, #tpu.memory_space<hbm>>, %arg4: memref<8192x4096xf32, #tpu.memory_space<hbm>>, %arg5: memref<4096xi32, #tpu.memory_space<vmem>>, %arg6: memref<2x8192xf32, #tpu.memory_space<vmem>>, %arg7: memref<2x8192xf32, #tpu.memory_space<vmem>>, %arg8: memref<2x8192xf32, #tpu.memory_space<vmem>>, %arg9: memref<2x8192xf32, #tpu.memory_space<vmem>>, %arg10: memref<2x4096xf32, #tpu.memory_space<vmem>>, %arg11: memref<2x4096xf32, #tpu.memory_space<vmem>>, %arg12: memref<2x4096xf32, #tpu.memory_space<vmem>>, %arg13: memref<2x4096xf32, #tpu.memory_space<vmem>>, %arg14: memref<!tpu.dma_semaphore, #tpu.memory_space<semaphore_mem>>, %arg15: memref<!tpu.dma_semaphore, #tpu.memory_space<semaphore_mem>>, %arg16: memref<!tpu.dma_semaphore, #tpu.memory_space<semaphore_mem>>, %arg17: memref<!tpu.dma_semaphore, #tpu.memory_space<semaphore_mem>>, %arg18: memref<!tpu.dma_semaphore, #tpu.memory_space<semaphore_mem>>, %arg19: memref<!tpu.dma_semaphore, #tpu.memory_space<semaphore_mem>>, %arg20: memref<!tpu.dma_semaphore, #tpu.memory_space<semaphore_mem>>, %arg21: memref<!tpu.dma_semaphore, #tpu.memory_space<semaphore_mem>>) attributes {dimension_semantics = [#tpu.dimension_semantics<core_parallel>, #tpu.dimension_semantics<subcore_parallel>], iteration_bounds = array<i64: 2, 16>, scalar_prefetch = 0 : i64, scratch_operands = 17 : i64, tpu.core_type = #tpu.core_type<sc_vector_subcore>, window_params = [{transform_indices = #map}, {transform_indices = #map1}, {transform_indices = #map1}]} {
    %mul3A = arith.constant 2 : i32
    %mul3A_0 = arith.muli %arg1, %mul3A : i32
    %add3A = arith.addi %mul3A_0, %arg0 : i32
    %mul3A_1 = arith.constant 256 : i32
    %mul3A_2 = arith.muli %add3A, %mul3A_1 : i32
    "tpu.region"() ({
      %run_scoped3A = tpu.sem_alloc : memref<!tpu.dma_semaphore, #tpu.memory_space<semaphore_mem>>
      tpu.enqueue_dma source(%arg2 : memref<4096xi32, #tpu.memory_space<hbm>>) target(%arg5 : memref<4096xi32, #tpu.memory_space<vmem>>) target_semaphore(%run_scoped3A : memref<!tpu.dma_semaphore, #tpu.memory_space<semaphore_mem>>)
      tpu.wait_dma2 semaphore(%run_scoped3A : memref<!tpu.dma_semaphore, #tpu.memory_space<semaphore_mem>>) src(%arg2 : memref<4096xi32, #tpu.memory_space<hbm>>) dst(%arg5 : memref<4096xi32, #tpu.memory_space<vmem>>)
      tpu.yield
    }) : () -> ()
    %add3A_3 = arith.constant 0 : i32
    %add3A_4 = arith.addi %mul3A_2, %add3A_3 : i32
    %dma_start3A = arith.constant 0 : i32
    %dma_start3A_5 = tpu.memref_slice %arg3[%add3A_4, %dma_start3A] : memref<8192x8192xf32, #tpu.memory_space<hbm>> -> memref<2x8192xf32, #tpu.memory_space<hbm>>
    %dma_start3A_6 = arith.constant 0 : i32
    %dma_start3A_7 = tpu.memref_slice %arg3[%add3A_4, %dma_start3A_6] : memref<8192x8192xf32, #tpu.memory_space<hbm>> -> memref<2x8192xf32, #tpu.memory_space<hbm>>
    tpu.enqueue_dma source(%dma_start3A_7 : memref<2x8192xf32, #tpu.memory_space<hbm>>) target(%arg6 : memref<2x8192xf32, #tpu.memory_space<vmem>>) target_semaphore(%arg14 : memref<!tpu.dma_semaphore, #tpu.memory_space<semaphore_mem>>)
    %add3A_8 = arith.constant 2 : i32
    %add3A_9 = arith.addi %mul3A_2, %add3A_8 : i32
    %dma_start3A_10 = arith.constant 0 : i32
    %dma_start3A_11 = tpu.memref_slice %arg3[%add3A_9, %dma_start3A_10] : memref<8192x8192xf32, #tpu.memory_space<hbm>> -> memref<2x8192xf32, #tpu.memory_space<hbm>>
    %dma_start3A_12 = arith.constant 0 : i32
    %dma_start3A_13 = tpu.memref_slice %arg3[%add3A_9, %dma_start3A_12] : memref<8192x8192xf32, #tpu.memory_space<hbm>> -> memref<2x8192xf32, #tpu.memory_space<hbm>>
    tpu.enqueue_dma source(%dma_start3A_13 : memref<2x8192xf32, #tpu.memory_space<hbm>>) target(%arg7 : memref<2x8192xf32, #tpu.memory_space<vmem>>) target_semaphore(%arg15 : memref<!tpu.dma_semaphore, #tpu.memory_space<semaphore_mem>>)
    %add3A_14 = arith.constant 4 : i32
    %add3A_15 = arith.addi %mul3A_2, %add3A_14 : i32
    %dma_start3A_16 = arith.constant 0 : i32
    %dma_start3A_17 = tpu.memref_slice %arg3[%add3A_15, %dma_start3A_16] : memref<8192x8192xf32, #tpu.memory_space<hbm>> -> memref<2x8192xf32, #tpu.memory_space<hbm>>
    %dma_start3A_18 = arith.constant 0 : i32
    %dma_start3A_19 = tpu.memref_slice %arg3[%add3A_15, %dma_start3A_18] : memref<8192x8192xf32, #tpu.memory_space<hbm>> -> memref<2x8192xf32, #tpu.memory_space<hbm>>
    tpu.enqueue_dma source(%dma_start3A_19 : memref<2x8192xf32, #tpu.memory_space<hbm>>) target(%arg8 : memref<2x8192xf32, #tpu.memory_space<vmem>>) target_semaphore(%arg16 : memref<!tpu.dma_semaphore, #tpu.memory_space<semaphore_mem>>)
    %add3A_20 = arith.constant 6 : i32
    %add3A_21 = arith.addi %mul3A_2, %add3A_20 : i32
    %dma_start3A_22 = arith.constant 0 : i32
    %dma_start3A_23 = tpu.memref_slice %arg3[%add3A_21, %dma_start3A_22] : memref<8192x8192xf32, #tpu.memory_space<hbm>> -> memref<2x8192xf32, #tpu.memory_space<hbm>>
    %dma_start3A_24 = arith.constant 0 : i32
    %dma_start3A_25 = tpu.memref_slice %arg3[%add3A_21, %dma_start3A_24] : memref<8192x8192xf32, #tpu.memory_space<hbm>> -> memref<2x8192xf32, #tpu.memory_space<hbm>>
    tpu.enqueue_dma source(%dma_start3A_25 : memref<2x8192xf32, #tpu.memory_space<hbm>>) target(%arg9 : memref<2x8192xf32, #tpu.memory_space<vmem>>) target_semaphore(%arg17 : memref<!tpu.dma_semaphore, #tpu.memory_space<semaphore_mem>>)
    %dma_wait3A = arith.constant 0 : i32
    %dma_wait3A_26 = tpu.memref_slice %arg3[%add3A_4, %dma_wait3A] : memref<8192x8192xf32, #tpu.memory_space<hbm>> -> memref<2x8192xf32, #tpu.memory_space<hbm>>
    %dma_wait3A_27 = arith.constant 0 : i32
    %dma_wait3A_28 = tpu.memref_slice %arg3[%add3A_4, %dma_wait3A_27] : memref<8192x8192xf32, #tpu.memory_space<hbm>> -> memref<2x8192xf32, #tpu.memory_space<hbm>>
    tpu.wait_dma2 semaphore(%arg14 : memref<!tpu.dma_semaphore, #tpu.memory_space<semaphore_mem>>) src(%dma_wait3A_28 : memref<2x8192xf32, #tpu.memory_space<hbm>>) dst(%arg6 : memref<2x8192xf32, #tpu.memory_space<vmem>>)
    %add3A_29 = arith.constant 0 : i32
    %add3A_30 = arith.addi %mul3A_2, %add3A_29 : i32
    %dma_start3A_31 = arith.constant 0 : i32
    %dma_start3A_32 = tpu.memref_slice %arg4[%add3A_30, %dma_start3A_31] : memref<8192x4096xf32, #tpu.memory_space<hbm>> -> memref<2x4096xf32, #tpu.memory_space<hbm>>
    %dma_start3A_33 = arith.constant 0 : i32
    %dma_start3A_34 = tpu.memref_slice %arg4[%add3A_30, %dma_start3A_33] : memref<8192x4096xf32, #tpu.memory_space<hbm>> -> memref<2x4096xf32, #tpu.memory_space<hbm>>
    tpu.enqueue_dma source(%arg10 : memref<2x4096xf32, #tpu.memory_space<vmem>>) target(%dma_start3A_34 : memref<2x4096xf32, #tpu.memory_space<hbm>>) target_semaphore(%arg18 : memref<!tpu.dma_semaphore, #tpu.memory_space<semaphore_mem>>)
    %add3A_35 = arith.constant 8 : i32
    %add3A_36 = arith.addi %mul3A_2, %add3A_35 : i32
    %dma_start3A_37 = arith.constant 0 : i32
    %dma_start3A_38 = tpu.memref_slice %arg3[%add3A_36, %dma_start3A_37] : memref<8192x8192xf32, #tpu.memory_space<hbm>> -> memref<2x8192xf32, #tpu.memory_space<hbm>>
    %dma_start3A_39 = arith.constant 0 : i32
    %dma_start3A_40 = tpu.memref_slice %arg3[%add3A_36, %dma_start3A_39] : memref<8192x8192xf32, #tpu.memory_space<hbm>> -> memref<2x8192xf32, #tpu.memory_space<hbm>>
    tpu.enqueue_dma source(%dma_start3A_40 : memref<2x8192xf32, #tpu.memory_space<hbm>>) target(%arg6 : memref<2x8192xf32, #tpu.memory_space<vmem>>) target_semaphore(%arg14 : memref<!tpu.dma_semaphore, #tpu.memory_space<semaphore_mem>>)
    %dma_wait3A_41 = arith.constant 0 : i32
    %dma_wait3A_42 = tpu.memref_slice %arg3[%add3A_9, %dma_wait3A_41] : memref<8192x8192xf32, #tpu.memory_space<hbm>> -> memref<2x8192xf32, #tpu.memory_space<hbm>>
    %dma_wait3A_43 = arith.constant 0 : i32
    %dma_wait3A_44 = tpu.memref_slice %arg3[%add3A_9, %dma_wait3A_43] : memref<8192x8192xf32, #tpu.memory_space<hbm>> -> memref<2x8192xf32, #tpu.memory_space<hbm>>
    tpu.wait_dma2 semaphore(%arg15 : memref<!tpu.dma_semaphore, #tpu.memory_space<semaphore_mem>>) src(%dma_wait3A_44 : memref<2x8192xf32, #tpu.memory_space<hbm>>) dst(%arg7 : memref<2x8192xf32, #tpu.memory_space<vmem>>)
    %add3A_45 = arith.constant 2 : i32
    %add3A_46 = arith.addi %mul3A_2, %add3A_45 : i32
    %dma_start3A_47 = arith.constant 0 : i32
    %dma_start3A_48 = tpu.memref_slice %arg4[%add3A_46, %dma_start3A_47] : memref<8192x4096xf32, #tpu.memory_space<hbm>> -> memref<2x4096xf32, #tpu.memory_space<hbm>>
    %dma_start3A_49 = arith.constant 0 : i32
    %dma_start3A_50 = tpu.memref_slice %arg4[%add3A_46, %dma_start3A_49] : memref<8192x4096xf32, #tpu.memory_space<hbm>> -> memref<2x4096xf32, #tpu.memory_space<hbm>>
    tpu.enqueue_dma source(%arg11 : memref<2x4096xf32, #tpu.memory_space<vmem>>) target(%dma_start3A_50 : memref<2x4096xf32, #tpu.memory_space<hbm>>) target_semaphore(%arg19 : memref<!tpu.dma_semaphore, #tpu.memory_space<semaphore_mem>>)
    %add3A_51 = arith.constant 10 : i32
    %add3A_52 = arith.addi %mul3A_2, %add3A_51 : i32
    %dma_start3A_53 = arith.constant 0 : i32
    %dma_start3A_54 = tpu.memref_slice %arg3[%add3A_52, %dma_start3A_53] : memref<8192x8192xf32, #tpu.memory_space<hbm>> -> memref<2x8192xf32, #tpu.memory_space<hbm>>
    %dma_start3A_55 = arith.constant 0 : i32
    %dma_start3A_56 = tpu.memref_slice %arg3[%add3A_52, %dma_start3A_55] : memref<8192x8192xf32, #tpu.memory_space<hbm>> -> memref<2x8192xf32, #tpu.memory_space<hbm>>
    tpu.enqueue_dma source(%dma_start3A_56 : memref<2x8192xf32, #tpu.memory_space<hbm>>) target(%arg7 : memref<2x8192xf32, #tpu.memory_space<vmem>>) target_semaphore(%arg15 : memref<!tpu.dma_semaphore, #tpu.memory_space<semaphore_mem>>)
    %dma_wait3A_57 = arith.constant 0 : i32
    %dma_wait3A_58 = tpu.memref_slice %arg3[%add3A_15, %dma_wait3A_57] : memref<8192x8192xf32, #tpu.memory_space<hbm>> -> memref<2x8192xf32, #tpu.memory_space<hbm>>
    %dma_wait3A_59 = arith.constant 0 : i32
    %dma_wait3A_60 = tpu.memref_slice %arg3[%add3A_15, %dma_wait3A_59] : memref<8192x8192xf32, #tpu.memory_space<hbm>> -> memref<2x8192xf32, #tpu.memory_space<hbm>>
    tpu.wait_dma2 semaphore(%arg16 : memref<!tpu.dma_semaphore, #tpu.memory_space<semaphore_mem>>) src(%dma_wait3A_60 : memref<2x8192xf32, #tpu.memory_space<hbm>>) dst(%arg8 : memref<2x8192xf32, #tpu.memory_space<vmem>>)
    %add3A_61 = arith.constant 4 : i32
    %add3A_62 = arith.addi %mul3A_2, %add3A_61 : i32
    %dma_start3A_63 = arith.constant 0 : i32
    %dma_start3A_64 = tpu.memref_slice %arg4[%add3A_62, %dma_start3A_63] : memref<8192x4096xf32, #tpu.memory_space<hbm>> -> memref<2x4096xf32, #tpu.memory_space<hbm>>
    %dma_start3A_65 = arith.constant 0 : i32
    %dma_start3A_66 = tpu.memref_slice %arg4[%add3A_62, %dma_start3A_65] : memref<8192x4096xf32, #tpu.memory_space<hbm>> -> memref<2x4096xf32, #tpu.memory_space<hbm>>
    tpu.enqueue_dma source(%arg12 : memref<2x4096xf32, #tpu.memory_space<vmem>>) target(%dma_start3A_66 : memref<2x4096xf32, #tpu.memory_space<hbm>>) target_semaphore(%arg20 : memref<!tpu.dma_semaphore, #tpu.memory_space<semaphore_mem>>)
    %add3A_67 = arith.constant 12 : i32
    %add3A_68 = arith.addi %mul3A_2, %add3A_67 : i32
    %dma_start3A_69 = arith.constant 0 : i32
    %dma_start3A_70 = tpu.memref_slice %arg3[%add3A_68, %dma_start3A_69] : memref<8192x8192xf32, #tpu.memory_space<hbm>> -> memref<2x8192xf32, #tpu.memory_space<hbm>>
    %dma_start3A_71 = arith.constant 0 : i32
    %dma_start3A_72 = tpu.memref_slice %arg3[%add3A_68, %dma_start3A_71] : memref<8192x8192xf32, #tpu.memory_space<hbm>> -> memref<2x8192xf32, #tpu.memory_space<hbm>>
    tpu.enqueue_dma source(%dma_start3A_72 : memref<2x8192xf32, #tpu.memory_space<hbm>>) target(%arg8 : memref<2x8192xf32, #tpu.memory_space<vmem>>) target_semaphore(%arg16 : memref<!tpu.dma_semaphore, #tpu.memory_space<semaphore_mem>>)
    %dma_wait3A_73 = arith.constant 0 : i32
    %dma_wait3A_74 = tpu.memref_slice %arg3[%add3A_21, %dma_wait3A_73] : memref<8192x8192xf32, #tpu.memory_space<hbm>> -> memref<2x8192xf32, #tpu.memory_space<hbm>>
    %dma_wait3A_75 = arith.constant 0 : i32
    %dma_wait3A_76 = tpu.memref_slice %arg3[%add3A_21, %dma_wait3A_75] : memref<8192x8192xf32, #tpu.memory_space<hbm>> -> memref<2x8192xf32, #tpu.memory_space<hbm>>
    tpu.wait_dma2 semaphore(%arg17 : memref<!tpu.dma_semaphore, #tpu.memory_space<semaphore_mem>>) src(%dma_wait3A_76 : memref<2x8192xf32, #tpu.memory_space<hbm>>) dst(%arg9 : memref<2x8192xf32, #tpu.memory_space<vmem>>)
    %add3A_77 = arith.constant 6 : i32
    %add3A_78 = arith.addi %mul3A_2, %add3A_77 : i32
    %dma_start3A_79 = arith.constant 0 : i32
    %dma_start3A_80 = tpu.memref_slice %arg4[%add3A_78, %dma_start3A_79] : memref<8192x4096xf32, #tpu.memory_space<hbm>> -> memref<2x4096xf32, #tpu.memory_space<hbm>>
    %dma_start3A_81 = arith.constant 0 : i32
    %dma_start3A_82 = tpu.memref_slice %arg4[%add3A_78, %dma_start3A_81] : memref<8192x4096xf32, #tpu.memory_space<hbm>> -> memref<2x4096xf32, #tpu.memory_space<hbm>>
    tpu.enqueue_dma source(%arg13 : memref<2x4096xf32, #tpu.memory_space<vmem>>) target(%dma_start3A_82 : memref<2x4096xf32, #tpu.memory_space<hbm>>) target_semaphore(%arg21 : memref<!tpu.dma_semaphore, #tpu.memory_space<semaphore_mem>>)
    %add3A_83 = arith.constant 14 : i32
    %add3A_84 = arith.addi %mul3A_2, %add3A_83 : i32
    %dma_start3A_85 = arith.constant 0 : i32
    %dma_start3A_86 = tpu.memref_slice %arg3[%add3A_84, %dma_start3A_85] : memref<8192x8192xf32, #tpu.memory_space<hbm>> -> memref<2x8192xf32, #tpu.memory_space<hbm>>
    %dma_start3A_87 = arith.constant 0 : i32
    %dma_start3A_88 = tpu.memref_slice %arg3[%add3A_84, %dma_start3A_87] : memref<8192x8192xf32, #tpu.memory_space<hbm>> -> memref<2x8192xf32, #tpu.memory_space<hbm>>
    tpu.enqueue_dma source(%dma_start3A_88 : memref<2x8192xf32, #tpu.memory_space<hbm>>) target(%arg9 : memref<2x8192xf32, #tpu.memory_space<vmem>>) target_semaphore(%arg17 : memref<!tpu.dma_semaphore, #tpu.memory_space<semaphore_mem>>)
    %dma_wait3A_89 = arith.constant 0 : i32
    %dma_wait3A_90 = tpu.memref_slice %arg3[%add3A_36, %dma_wait3A_89] : memref<8192x8192xf32, #tpu.memory_space<hbm>> -> memref<2x8192xf32, #tpu.memory_space<hbm>>
    %dma_wait3A_91 = arith.constant 0 : i32
    %dma_wait3A_92 = tpu.memref_slice %arg3[%add3A_36, %dma_wait3A_91] : memref<8192x8192xf32, #tpu.memory_space<hbm>> -> memref<2x8192xf32, #tpu.memory_space<hbm>>
    tpu.wait_dma2 semaphore(%arg14 : memref<!tpu.dma_semaphore, #tpu.memory_space<semaphore_mem>>) src(%dma_wait3A_92 : memref<2x8192xf32, #tpu.memory_space<hbm>>) dst(%arg6 : memref<2x8192xf32, #tpu.memory_space<vmem>>)
    %dma_wait3A_93 = arith.constant 0 : i32
    %dma_wait3A_94 = tpu.memref_slice %arg4[%add3A_30, %dma_wait3A_93] : memref<8192x4096xf32, #tpu.memory_space<hbm>> -> memref<2x4096xf32, #tpu.memory_space<hbm>>
    %dma_wait3A_95 = arith.constant 0 : i32
    %dma_wait3A_96 = tpu.memref_slice %arg4[%add3A_30, %dma_wait3A_95] : memref<8192x4096xf32, #tpu.memory_space<hbm>> -> memref<2x4096xf32, #tpu.memory_space<hbm>>
    tpu.wait_dma2 semaphore(%arg18 : memref<!tpu.dma_semaphore, #tpu.memory_space<semaphore_mem>>) src(%arg10 : memref<2x4096xf32, #tpu.memory_space<vmem>>) dst(%dma_wait3A_96 : memref<2x4096xf32, #tpu.memory_space<hbm>>)
    %add3A_97 = arith.constant 8 : i32
    %add3A_98 = arith.addi %mul3A_2, %add3A_97 : i32
    %dma_start3A_99 = arith.constant 0 : i32
    %dma_start3A_100 = tpu.memref_slice %arg4[%add3A_98, %dma_start3A_99] : memref<8192x4096xf32, #tpu.memory_space<hbm>> -> memref<2x4096xf32, #tpu.memory_space<hbm>>
    %dma_start3A_101 = arith.constant 0 : i32
    %dma_start3A_102 = tpu.memref_slice %arg4[%add3A_98, %dma_start3A_101] : memref<8192x4096xf32, #tpu.memory_space<hbm>> -> memref<2x4096xf32, #tpu.memory_space<hbm>>
    tpu.enqueue_dma source(%arg10 : memref<2x4096xf32, #tpu.memory_space<vmem>>) target(%dma_start3A_102 : memref<2x4096xf32, #tpu.memory_space<hbm>>) target_semaphore(%arg18 : memref<!tpu.dma_semaphore, #tpu.memory_space<semaphore_mem>>)
    %add3A_103 = arith.constant 16 : i32
    %add3A_104 = arith.addi %mul3A_2, %add3A_103 : i32
    %dma_start3A_105 = arith.constant 0 : i32
    %dma_start3A_106 = tpu.memref_slice %arg3[%add3A_104, %dma_start3A_105] : memref<8192x8192xf32, #tpu.memory_space<hbm>> -> memref<2x8192xf32, #tpu.memory_space<hbm>>
    %dma_start3A_107 = arith.constant 0 : i32
    %dma_start3A_108 = tpu.memref_slice %arg3[%add3A_104, %dma_start3A_107] : memref<8192x8192xf32, #tpu.memory_space<hbm>> -> memref<2x8192xf32, #tpu.memory_space<hbm>>
    tpu.enqueue_dma source(%dma_start3A_108 : memref<2x8192xf32, #tpu.memory_space<hbm>>) target(%arg6 : memref<2x8192xf32, #tpu.memory_space<vmem>>) target_semaphore(%arg14 : memref<!tpu.dma_semaphore, #tpu.memory_space<semaphore_mem>>)
    %dma_wait3A_109 = arith.constant 0 : i32
    %dma_wait3A_110 = tpu.memref_slice %arg3[%add3A_52, %dma_wait3A_109] : memref<8192x8192xf32, #tpu.memory_space<hbm>> -> memref<2x8192xf32, #tpu.memory_space<hbm>>
    %dma_wait3A_111 = arith.constant 0 : i32
    %dma_wait3A_112 = tpu.memref_slice %arg3[%add3A_52, %dma_wait3A_111] : memref<8192x8192xf32, #tpu.memory_space<hbm>> -> memref<2x8192xf32, #tpu.memory_space<hbm>>
    tpu.wait_dma2 semaphore(%arg15 : memref<!tpu.dma_semaphore, #tpu.memory_space<semaphore_mem>>) src(%dma_wait3A_112 : memref<2x8192xf32, #tpu.memory_space<hbm>>) dst(%arg7 : memref<2x8192xf32, #tpu.memory_space<vmem>>)
    %dma_wait3A_113 = arith.constant 0 : i32
    %dma_wait3A_114 = tpu.memref_slice %arg4[%add3A_46, %dma_wait3A_113] : memref<8192x4096xf32, #tpu.memory_space<hbm>> -> memref<2x4096xf32, #tpu.memory_space<hbm>>
    %dma_wait3A_115 = arith.constant 0 : i32
    %dma_wait3A_116 = tpu.memref_slice %arg4[%add3A_46, %dma_wait3A_115] : memref<8192x4096xf32, #tpu.memory_space<hbm>> -> memref<2x4096xf32, #tpu.memory_space<hbm>>
    tpu.wait_dma2 semaphore(%arg19 : memref<!tpu.dma_semaphore, #tpu.memory_space<semaphore_mem>>) src(%arg11 : memref<2x4096xf32, #tpu.memory_space<vmem>>) dst(%dma_wait3A_116 : memref<2x4096xf32, #tpu.memory_space<hbm>>)
    %add3A_117 = arith.constant 10 : i32
    %add3A_118 = arith.addi %mul3A_2, %add3A_117 : i32
    %dma_start3A_119 = arith.constant 0 : i32
    %dma_start3A_120 = tpu.memref_slice %arg4[%add3A_118, %dma_start3A_119] : memref<8192x4096xf32, #tpu.memory_space<hbm>> -> memref<2x4096xf32, #tpu.memory_space<hbm>>
    %dma_start3A_121 = arith.constant 0 : i32
    %dma_start3A_122 = tpu.memref_slice %arg4[%add3A_118, %dma_start3A_121] : memref<8192x4096xf32, #tpu.memory_space<hbm>> -> memref<2x4096xf32, #tpu.memory_space<hbm>>
    tpu.enqueue_dma source(%arg11 : memref<2x4096xf32, #tpu.memory_space<vmem>>) target(%dma_start3A_122 : memref<2x4096xf32, #tpu.memory_space<hbm>>) target_semaphore(%arg19 : memref<!tpu.dma_semaphore, #tpu.memory_space<semaphore_mem>>)
    %add3A_123 = arith.constant 18 : i32
    %add3A_124 = arith.addi %mul3A_2, %add3A_123 : i32
    %dma_start3A_125 = arith.constant 0 : i32
    %dma_start3A_126 = tpu.memref_slice %arg3[%add3A_124, %dma_start3A_125] : memref<8192x8192xf32, #tpu.memory_space<hbm>> -> memref<2x8192xf32, #tpu.memory_space<hbm>>
    %dma_start3A_127 = arith.constant 0 : i32
    %dma_start3A_128 = tpu.memref_slice %arg3[%add3A_124, %dma_start3A_127] : memref<8192x8192xf32, #tpu.memory_space<hbm>> -> memref<2x8192xf32, #tpu.memory_space<hbm>>
    tpu.enqueue_dma source(%dma_start3A_128 : memref<2x8192xf32, #tpu.memory_space<hbm>>) target(%arg7 : memref<2x8192xf32, #tpu.memory_space<vmem>>) target_semaphore(%arg15 : memref<!tpu.dma_semaphore, #tpu.memory_space<semaphore_mem>>)
    %dma_wait3A_129 = arith.constant 0 : i32
    %dma_wait3A_130 = tpu.memref_slice %arg3[%add3A_68, %dma_wait3A_129] : memref<8192x8192xf32, #tpu.memory_space<hbm>> -> memref<2x8192xf32, #tpu.memory_space<hbm>>
    %dma_wait3A_131 = arith.constant 0 : i32
    %dma_wait3A_132 = tpu.memref_slice %arg3[%add3A_68, %dma_wait3A_131] : memref<8192x8192xf32, #tpu.memory_space<hbm>> -> memref<2x8192xf32, #tpu.memory_space<hbm>>
    tpu.wait_dma2 semaphore(%arg16 : memref<!tpu.dma_semaphore, #tpu.memory_space<semaphore_mem>>) src(%dma_wait3A_132 : memref<2x8192xf32, #tpu.memory_space<hbm>>) dst(%arg8 : memref<2x8192xf32, #tpu.memory_space<vmem>>)
    %dma_wait3A_133 = arith.constant 0 : i32
    %dma_wait3A_134 = tpu.memref_slice %arg4[%add3A_62, %dma_wait3A_133] : memref<8192x4096xf32, #tpu.memory_space<hbm>> -> memref<2x4096xf32, #tpu.memory_space<hbm>>
    %dma_wait3A_135 = arith.constant 0 : i32
    %dma_wait3A_136 = tpu.memref_slice %arg4[%add3A_62, %dma_wait3A_135] : memref<8192x4096xf32, #tpu.memory_space<hbm>> -> memref<2x4096xf32, #tpu.memory_space<hbm>>
    tpu.wait_dma2 semaphore(%arg20 : memref<!tpu.dma_semaphore, #tpu.memory_space<semaphore_mem>>) src(%arg12 : memref<2x4096xf32, #tpu.memory_space<vmem>>) dst(%dma_wait3A_136 : memref<2x4096xf32, #tpu.memory_space<hbm>>)
    %add3A_137 = arith.constant 12 : i32
    %add3A_138 = arith.addi %mul3A_2, %add3A_137 : i32
    %dma_start3A_139 = arith.constant 0 : i32
    %dma_start3A_140 = tpu.memref_slice %arg4[%add3A_138, %dma_start3A_139] : memref<8192x4096xf32, #tpu.memory_space<hbm>> -> memref<2x4096xf32, #tpu.memory_space<hbm>>
    %dma_start3A_141 = arith.constant 0 : i32
    %dma_start3A_142 = tpu.memref_slice %arg4[%add3A_138, %dma_start3A_141] : memref<8192x4096xf32, #tpu.memory_space<hbm>> -> memref<2x4096xf32, #tpu.memory_space<hbm>>
    tpu.enqueue_dma source(%arg12 : memref<2x4096xf32, #tpu.memory_space<vmem>>) target(%dma_start3A_142 : memref<2x4096xf32, #tpu.memory_space<hbm>>) target_semaphore(%arg20 : memref<!tpu.dma_semaphore, #tpu.memory_space<semaphore_mem>>)
    %add3A_143 = arith.constant 20 : i32
    %add3A_144 = arith.addi %mul3A_2, %add3A_143 : i32
    %dma_start3A_145 = arith.constant 0 : i32
    %dma_start3A_146 = tpu.memref_slice %arg3[%add3A_144, %dma_start3A_145] : memref<8192x8192xf32, #tpu.memory_space<hbm>> -> memref<2x8192xf32, #tpu.memory_space<hbm>>
    %dma_start3A_147 = arith.constant 0 : i32
    %dma_start3A_148 = tpu.memref_slice %arg3[%add3A_144, %dma_start3A_147] : memref<8192x8192xf32, #tpu.memory_space<hbm>> -> memref<2x8192xf32, #tpu.memory_space<hbm>>
    tpu.enqueue_dma source(%dma_start3A_148 : memref<2x8192xf32, #tpu.memory_space<hbm>>) target(%arg8 : memref<2x8192xf32, #tpu.memory_space<vmem>>) target_semaphore(%arg16 : memref<!tpu.dma_semaphore, #tpu.memory_space<semaphore_mem>>)
    %dma_wait3A_149 = arith.constant 0 : i32
    %dma_wait3A_150 = tpu.memref_slice %arg3[%add3A_84, %dma_wait3A_149] : memref<8192x8192xf32, #tpu.memory_space<hbm>> -> memref<2x8192xf32, #tpu.memory_space<hbm>>
    %dma_wait3A_151 = arith.constant 0 : i32
    %dma_wait3A_152 = tpu.memref_slice %arg3[%add3A_84, %dma_wait3A_151] : memref<8192x8192xf32, #tpu.memory_space<hbm>> -> memref<2x8192xf32, #tpu.memory_space<hbm>>
    tpu.wait_dma2 semaphore(%arg17 : memref<!tpu.dma_semaphore, #tpu.memory_space<semaphore_mem>>) src(%dma_wait3A_152 : memref<2x8192xf32, #tpu.memory_space<hbm>>) dst(%arg9 : memref<2x8192xf32, #tpu.memory_space<vmem>>)
    %dma_wait3A_153 = arith.constant 0 : i32
    %dma_wait3A_154 = tpu.memref_slice %arg4[%add3A_78, %dma_wait3A_153] : memref<8192x4096xf32, #tpu.memory_space<hbm>> -> memref<2x4096xf32, #tpu.memory_space<hbm>>
    %dma_wait3A_155 = arith.constant 0 : i32
    %dma_wait3A_156 = tpu.memref_slice %arg4[%add3A_78, %dma_wait3A_155] : memref<8192x4096xf32, #tpu.memory_space<hbm>> -> memref<2x4096xf32, #tpu.memory_space<hbm>>
    tpu.wait_dma2 semaphore(%arg21 : memref<!tpu.dma_semaphore, #tpu.memory_space<semaphore_mem>>) src(%arg13 : memref<2x4096xf32, #tpu.memory_space<vmem>>) dst(%dma_wait3A_156 : memref<2x4096xf32, #tpu.memory_space<hbm>>)
    %add3A_157 = arith.constant 14 : i32
    %add3A_158 = arith.addi %mul3A_2, %add3A_157 : i32
    %dma_start3A_159 = arith.constant 0 : i32
    %dma_start3A_160 = tpu.memref_slice %arg4[%add3A_158, %dma_start3A_159] : memref<8192x4096xf32, #tpu.memory_space<hbm>> -> memref<2x4096xf32, #tpu.memory_space<hbm>>
    %dma_start3A_161 = arith.constant 0 : i32
    %dma_start3A_162 = tpu.memref_slice %arg4[%add3A_158, %dma_start3A_161] : memref<8192x4096xf32, #tpu.memory_space<hbm>> -> memref<2x4096xf32, #tpu.memory_space<hbm>>
    tpu.enqueue_dma source(%arg13 : memref<2x4096xf32, #tpu.memory_space<vmem>>) target(%dma_start3A_162 : memref<2x4096xf32, #tpu.memory_space<hbm>>) target_semaphore(%arg21 : memref<!tpu.dma_semaphore, #tpu.memory_space<semaphore_mem>>)
    %add3A_163 = arith.constant 22 : i32
    %add3A_164 = arith.addi %mul3A_2, %add3A_163 : i32
    %dma_start3A_165 = arith.constant 0 : i32
    %dma_start3A_166 = tpu.memref_slice %arg3[%add3A_164, %dma_start3A_165] : memref<8192x8192xf32, #tpu.memory_space<hbm>> -> memref<2x8192xf32, #tpu.memory_space<hbm>>
    %dma_start3A_167 = arith.constant 0 : i32
    %dma_start3A_168 = tpu.memref_slice %arg3[%add3A_164, %dma_start3A_167] : memref<8192x8192xf32, #tpu.memory_space<hbm>> -> memref<2x8192xf32, #tpu.memory_space<hbm>>
    tpu.enqueue_dma source(%dma_start3A_168 : memref<2x8192xf32, #tpu.memory_space<hbm>>) target(%arg9 : memref<2x8192xf32, #tpu.memory_space<vmem>>) target_semaphore(%arg17 : memref<!tpu.dma_semaphore, #tpu.memory_space<semaphore_mem>>)
    %dma_wait3A_169 = arith.constant 0 : i32
    %dma_wait3A_170 = tpu.memref_slice %arg3[%add3A_104, %dma_wait3A_169] : memref<8192x8192xf32, #tpu.memory_space<hbm>> -> memref<2x8192xf32, #tpu.memory_space<hbm>>
    %dma_wait3A_171 = arith.constant 0 : i32
    %dma_wait3A_172 = tpu.memref_slice %arg3[%add3A_104, %dma_wait3A_171] : memref<8192x8192xf32, #tpu.memory_space<hbm>> -> memref<2x8192xf32, #tpu.memory_space<hbm>>
    tpu.wait_dma2 semaphore(%arg14 : memref<!tpu.dma_semaphore, #tpu.memory_space<semaphore_mem>>) src(%dma_wait3A_172 : memref<2x8192xf32, #tpu.memory_space<hbm>>) dst(%arg6 : memref<2x8192xf32, #tpu.memory_space<vmem>>)
    %dma_wait3A_173 = arith.constant 0 : i32
    %dma_wait3A_174 = tpu.memref_slice %arg4[%add3A_98, %dma_wait3A_173] : memref<8192x4096xf32, #tpu.memory_space<hbm>> -> memref<2x4096xf32, #tpu.memory_space<hbm>>
    %dma_wait3A_175 = arith.constant 0 : i32
    %dma_wait3A_176 = tpu.memref_slice %arg4[%add3A_98, %dma_wait3A_175] : memref<8192x4096xf32, #tpu.memory_space<hbm>> -> memref<2x4096xf32, #tpu.memory_space<hbm>>
    tpu.wait_dma2 semaphore(%arg18 : memref<!tpu.dma_semaphore, #tpu.memory_space<semaphore_mem>>) src(%arg10 : memref<2x4096xf32, #tpu.memory_space<vmem>>) dst(%dma_wait3A_176 : memref<2x4096xf32, #tpu.memory_space<hbm>>)
    %add3A_177 = arith.constant 16 : i32
    %add3A_178 = arith.addi %mul3A_2, %add3A_177 : i32
    %dma_start3A_179 = arith.constant 0 : i32
    %dma_start3A_180 = tpu.memref_slice %arg4[%add3A_178, %dma_start3A_179] : memref<8192x4096xf32, #tpu.memory_space<hbm>> -> memref<2x4096xf32, #tpu.memory_space<hbm>>
    %dma_start3A_181 = arith.constant 0 : i32
    %dma_start3A_182 = tpu.memref_slice %arg4[%add3A_178, %dma_start3A_181] : memref<8192x4096xf32, #tpu.memory_space<hbm>> -> memref<2x4096xf32, #tpu.memory_space<hbm>>
    tpu.enqueue_dma source(%arg10 : memref<2x4096xf32, #tpu.memory_space<vmem>>) target(%dma_start3A_182 : memref<2x4096xf32, #tpu.memory_space<hbm>>) target_semaphore(%arg18 : memref<!tpu.dma_semaphore, #tpu.memory_space<semaphore_mem>>)
    %add3A_183 = arith.constant 24 : i32
    %add3A_184 = arith.addi %mul3A_2, %add3A_183 : i32
    %dma_start3A_185 = arith.constant 0 : i32
    %dma_start3A_186 = tpu.memref_slice %arg3[%add3A_184, %dma_start3A_185] : memref<8192x8192xf32, #tpu.memory_space<hbm>> -> memref<2x8192xf32, #tpu.memory_space<hbm>>
    %dma_start3A_187 = arith.constant 0 : i32
    %dma_start3A_188 = tpu.memref_slice %arg3[%add3A_184, %dma_start3A_187] : memref<8192x8192xf32, #tpu.memory_space<hbm>> -> memref<2x8192xf32, #tpu.memory_space<hbm>>
    tpu.enqueue_dma source(%dma_start3A_188 : memref<2x8192xf32, #tpu.memory_space<hbm>>) target(%arg6 : memref<2x8192xf32, #tpu.memory_space<vmem>>) target_semaphore(%arg14 : memref<!tpu.dma_semaphore, #tpu.memory_space<semaphore_mem>>)
    %dma_wait3A_189 = arith.constant 0 : i32
    %dma_wait3A_190 = tpu.memref_slice %arg3[%add3A_124, %dma_wait3A_189] : memref<8192x8192xf32, #tpu.memory_space<hbm>> -> memref<2x8192xf32, #tpu.memory_space<hbm>>
    %dma_wait3A_191 = arith.constant 0 : i32
    %dma_wait3A_192 = tpu.memref_slice %arg3[%add3A_124, %dma_wait3A_191] : memref<8192x8192xf32, #tpu.memory_space<hbm>> -> memref<2x8192xf32, #tpu.memory_space<hbm>>
    tpu.wait_dma2 semaphore(%arg15 : memref<!tpu.dma_semaphore, #tpu.memory_space<semaphore_mem>>) src(%dma_wait3A_192 : memref<2x8192xf32, #tpu.memory_space<hbm>>) dst(%arg7 : memref<2x8192xf32, #tpu.memory_space<vmem>>)
    %dma_wait3A_193 = arith.constant 0 : i32
    %dma_wait3A_194 = tpu.memref_slice %arg4[%add3A_118, %dma_wait3A_193] : memref<8192x4096xf32, #tpu.memory_space<hbm>> -> memref<2x4096xf32, #tpu.memory_space<hbm>>
    %dma_wait3A_195 = arith.constant 0 : i32
    %dma_wait3A_196 = tpu.memref_slice %arg4[%add3A_118, %dma_wait3A_195] : memref<8192x4096xf32, #tpu.memory_space<hbm>> -> memref<2x4096xf32, #tpu.memory_space<hbm>>
    tpu.wait_dma2 semaphore(%arg19 : memref<!tpu.dma_semaphore, #tpu.memory_space<semaphore_mem>>) src(%arg11 : memref<2x4096xf32, #tpu.memory_space<vmem>>) dst(%dma_wait3A_196 : memref<2x4096xf32, #tpu.memory_space<hbm>>)
    %add3A_197 = arith.constant 18 : i32
    %add3A_198 = arith.addi %mul3A_2, %add3A_197 : i32
    %dma_start3A_199 = arith.constant 0 : i32
    %dma_start3A_200 = tpu.memref_slice %arg4[%add3A_198, %dma_start3A_199] : memref<8192x4096xf32, #tpu.memory_space<hbm>> -> memref<2x4096xf32, #tpu.memory_space<hbm>>
    %dma_start3A_201 = arith.constant 0 : i32
    %dma_start3A_202 = tpu.memref_slice %arg4[%add3A_198, %dma_start3A_201] : memref<8192x4096xf32, #tpu.memory_space<hbm>> -> memref<2x4096xf32, #tpu.memory_space<hbm>>
    tpu.enqueue_dma source(%arg11 : memref<2x4096xf32, #tpu.memory_space<vmem>>) target(%dma_start3A_202 : memref<2x4096xf32, #tpu.memory_space<hbm>>) target_semaphore(%arg19 : memref<!tpu.dma_semaphore, #tpu.memory_space<semaphore_mem>>)
    %add3A_203 = arith.constant 26 : i32
    %add3A_204 = arith.addi %mul3A_2, %add3A_203 : i32
    %dma_start3A_205 = arith.constant 0 : i32
    %dma_start3A_206 = tpu.memref_slice %arg3[%add3A_204, %dma_start3A_205] : memref<8192x8192xf32, #tpu.memory_space<hbm>> -> memref<2x8192xf32, #tpu.memory_space<hbm>>
    %dma_start3A_207 = arith.constant 0 : i32
    %dma_start3A_208 = tpu.memref_slice %arg3[%add3A_204, %dma_start3A_207] : memref<8192x8192xf32, #tpu.memory_space<hbm>> -> memref<2x8192xf32, #tpu.memory_space<hbm>>
    tpu.enqueue_dma source(%dma_start3A_208 : memref<2x8192xf32, #tpu.memory_space<hbm>>) target(%arg7 : memref<2x8192xf32, #tpu.memory_space<vmem>>) target_semaphore(%arg15 : memref<!tpu.dma_semaphore, #tpu.memory_space<semaphore_mem>>)
    %dma_wait3A_209 = arith.constant 0 : i32
    %dma_wait3A_210 = tpu.memref_slice %arg3[%add3A_144, %dma_wait3A_209] : memref<8192x8192xf32, #tpu.memory_space<hbm>> -> memref<2x8192xf32, #tpu.memory_space<hbm>>
    %dma_wait3A_211 = arith.constant 0 : i32
    %dma_wait3A_212 = tpu.memref_slice %arg3[%add3A_144, %dma_wait3A_211] : memref<8192x8192xf32, #tpu.memory_space<hbm>> -> memref<2x8192xf32, #tpu.memory_space<hbm>>
    tpu.wait_dma2 semaphore(%arg16 : memref<!tpu.dma_semaphore, #tpu.memory_space<semaphore_mem>>) src(%dma_wait3A_212 : memref<2x8192xf32, #tpu.memory_space<hbm>>) dst(%arg8 : memref<2x8192xf32, #tpu.memory_space<vmem>>)
    %dma_wait3A_213 = arith.constant 0 : i32
    %dma_wait3A_214 = tpu.memref_slice %arg4[%add3A_138, %dma_wait3A_213] : memref<8192x4096xf32, #tpu.memory_space<hbm>> -> memref<2x4096xf32, #tpu.memory_space<hbm>>
    %dma_wait3A_215 = arith.constant 0 : i32
    %dma_wait3A_216 = tpu.memref_slice %arg4[%add3A_138, %dma_wait3A_215] : memref<8192x4096xf32, #tpu.memory_space<hbm>> -> memref<2x4096xf32, #tpu.memory_space<hbm>>
    tpu.wait_dma2 semaphore(%arg20 : memref<!tpu.dma_semaphore, #tpu.memory_space<semaphore_mem>>) src(%arg12 : memref<2x4096xf32, #tpu.memory_space<vmem>>) dst(%dma_wait3A_216 : memref<2x4096xf32, #tpu.memory_space<hbm>>)
    %add3A_217 = arith.constant 20 : i32
    %add3A_218 = arith.addi %mul3A_2, %add3A_217 : i32
    %dma_start3A_219 = arith.constant 0 : i32
    %dma_start3A_220 = tpu.memref_slice %arg4[%add3A_218, %dma_start3A_219] : memref<8192x4096xf32, #tpu.memory_space<hbm>> -> memref<2x4096xf32, #tpu.memory_space<hbm>>
    %dma_start3A_221 = arith.constant 0 : i32
    %dma_start3A_222 = tpu.memref_slice %arg4[%add3A_218, %dma_start3A_221] : memref<8192x4096xf32, #tpu.memory_space<hbm>> -> memref<2x4096xf32, #tpu.memory_space<hbm>>
    tpu.enqueue_dma source(%arg12 : memref<2x4096xf32, #tpu.memory_space<vmem>>) target(%dma_start3A_222 : memref<2x4096xf32, #tpu.memory_space<hbm>>) target_semaphore(%arg20 : memref<!tpu.dma_semaphore, #tpu.memory_space<semaphore_mem>>)
    %add3A_223 = arith.constant 28 : i32
    %add3A_224 = arith.addi %mul3A_2, %add3A_223 : i32
    %dma_start3A_225 = arith.constant 0 : i32
    %dma_start3A_226 = tpu.memref_slice %arg3[%add3A_224, %dma_start3A_225] : memref<8192x8192xf32, #tpu.memory_space<hbm>> -> memref<2x8192xf32, #tpu.memory_space<hbm>>
    %dma_start3A_227 = arith.constant 0 : i32
    %dma_start3A_228 = tpu.memref_slice %arg3[%add3A_224, %dma_start3A_227] : memref<8192x8192xf32, #tpu.memory_space<hbm>> -> memref<2x8192xf32, #tpu.memory_space<hbm>>
    tpu.enqueue_dma source(%dma_start3A_228 : memref<2x8192xf32, #tpu.memory_space<hbm>>) target(%arg8 : memref<2x8192xf32, #tpu.memory_space<vmem>>) target_semaphore(%arg16 : memref<!tpu.dma_semaphore, #tpu.memory_space<semaphore_mem>>)
    %dma_wait3A_229 = arith.constant 0 : i32
    %dma_wait3A_230 = tpu.memref_slice %arg3[%add3A_164, %dma_wait3A_229] : memref<8192x8192xf32, #tpu.memory_space<hbm>> -> memref<2x8192xf32, #tpu.memory_space<hbm>>
    %dma_wait3A_231 = arith.constant 0 : i32
    %dma_wait3A_232 = tpu.memref_slice %arg3[%add3A_164, %dma_wait3A_231] : memref<8192x8192xf32, #tpu.memory_space<hbm>> -> memref<2x8192xf32, #tpu.memory_space<hbm>>
    tpu.wait_dma2 semaphore(%arg17 : memref<!tpu.dma_semaphore, #tpu.memory_space<semaphore_mem>>) src(%dma_wait3A_232 : memref<2x8192xf32, #tpu.memory_space<hbm>>) dst(%arg9 : memref<2x8192xf32, #tpu.memory_space<vmem>>)
    %dma_wait3A_233 = arith.constant 0 : i32
    %dma_wait3A_234 = tpu.memref_slice %arg4[%add3A_158, %dma_wait3A_233] : memref<8192x4096xf32, #tpu.memory_space<hbm>> -> memref<2x4096xf32, #tpu.memory_space<hbm>>
    %dma_wait3A_235 = arith.constant 0 : i32
    %dma_wait3A_236 = tpu.memref_slice %arg4[%add3A_158, %dma_wait3A_235] : memref<8192x4096xf32, #tpu.memory_space<hbm>> -> memref<2x4096xf32, #tpu.memory_space<hbm>>
    tpu.wait_dma2 semaphore(%arg21 : memref<!tpu.dma_semaphore, #tpu.memory_space<semaphore_mem>>) src(%arg13 : memref<2x4096xf32, #tpu.memory_space<vmem>>) dst(%dma_wait3A_236 : memref<2x4096xf32, #tpu.memory_space<hbm>>)
    %add3A_237 = arith.constant 22 : i32
    %add3A_238 = arith.addi %mul3A_2, %add3A_237 : i32
    %dma_start3A_239 = arith.constant 0 : i32
    %dma_start3A_240 = tpu.memref_slice %arg4[%add3A_238, %dma_start3A_239] : memref<8192x4096xf32, #tpu.memory_space<hbm>> -> memref<2x4096xf32, #tpu.memory_space<hbm>>
    %dma_start3A_241 = arith.constant 0 : i32
    %dma_start3A_242 = tpu.memref_slice %arg4[%add3A_238, %dma_start3A_241] : memref<8192x4096xf32, #tpu.memory_space<hbm>> -> memref<2x4096xf32, #tpu.memory_space<hbm>>
    tpu.enqueue_dma source(%arg13 : memref<2x4096xf32, #tpu.memory_space<vmem>>) target(%dma_start3A_242 : memref<2x4096xf32, #tpu.memory_space<hbm>>) target_semaphore(%arg21 : memref<!tpu.dma_semaphore, #tpu.memory_space<semaphore_mem>>)
    %add3A_243 = arith.constant 30 : i32
    %add3A_244 = arith.addi %mul3A_2, %add3A_243 : i32
    %dma_start3A_245 = arith.constant 0 : i32
    %dma_start3A_246 = tpu.memref_slice %arg3[%add3A_244, %dma_start3A_245] : memref<8192x8192xf32, #tpu.memory_space<hbm>> -> memref<2x8192xf32, #tpu.memory_space<hbm>>
    %dma_start3A_247 = arith.constant 0 : i32
    %dma_start3A_248 = tpu.memref_slice %arg3[%add3A_244, %dma_start3A_247] : memref<8192x8192xf32, #tpu.memory_space<hbm>> -> memref<2x8192xf32, #tpu.memory_space<hbm>>
    tpu.enqueue_dma source(%dma_start3A_248 : memref<2x8192xf32, #tpu.memory_space<hbm>>) target(%arg9 : memref<2x8192xf32, #tpu.memory_space<vmem>>) target_semaphore(%arg17 : memref<!tpu.dma_semaphore, #tpu.memory_space<semaphore_mem>>)
    %dma_wait3A_249 = arith.constant 0 : i32
    %dma_wait3A_250 = tpu.memref_slice %arg3[%add3A_184, %dma_wait3A_249] : memref<8192x8192xf32, #tpu.memory_space<hbm>> -> memref<2x8192xf32, #tpu.memory_space<hbm>>
    %dma_wait3A_251 = arith.constant 0 : i32
    %dma_wait3A_252 = tpu.memref_slice %arg3[%add3A_184, %dma_wait3A_251] : memref<8192x8192xf32, #tpu.memory_space<hbm>> -> memref<2x8192xf32, #tpu.memory_space<hbm>>
    tpu.wait_dma2 semaphore(%arg14 : memref<!tpu.dma_semaphore, #tpu.memory_space<semaphore_mem>>) src(%dma_wait3A_252 : memref<2x8192xf32, #tpu.memory_space<hbm>>) dst(%arg6 : memref<2x8192xf32, #tpu.memory_space<vmem>>)
    %dma_wait3A_253 = arith.constant 0 : i32
    %dma_wait3A_254 = tpu.memref_slice %arg4[%add3A_178, %dma_wait3A_253] : memref<8192x4096xf32, #tpu.memory_space<hbm>> -> memref<2x4096xf32, #tpu.memory_space<hbm>>
    %dma_wait3A_255 = arith.constant 0 : i32
    %dma_wait3A_256 = tpu.memref_slice %arg4[%add3A_178, %dma_wait3A_255] : memref<8192x4096xf32, #tpu.memory_space<hbm>> -> memref<2x4096xf32, #tpu.memory_space<hbm>>
    tpu.wait_dma2 semaphore(%arg18 : memref<!tpu.dma_semaphore, #tpu.memory_space<semaphore_mem>>) src(%arg10 : memref<2x4096xf32, #tpu.memory_space<vmem>>) dst(%dma_wait3A_256 : memref<2x4096xf32, #tpu.memory_space<hbm>>)
    %add3A_257 = arith.constant 24 : i32
    %add3A_258 = arith.addi %mul3A_2, %add3A_257 : i32
    %dma_start3A_259 = arith.constant 0 : i32
    %dma_start3A_260 = tpu.memref_slice %arg4[%add3A_258, %dma_start3A_259] : memref<8192x4096xf32, #tpu.memory_space<hbm>> -> memref<2x4096xf32, #tpu.memory_space<hbm>>
    %dma_start3A_261 = arith.constant 0 : i32
    %dma_start3A_262 = tpu.memref_slice %arg4[%add3A_258, %dma_start3A_261] : memref<8192x4096xf32, #tpu.memory_space<hbm>> -> memref<2x4096xf32, #tpu.memory_space<hbm>>
    tpu.enqueue_dma source(%arg10 : memref<2x4096xf32, #tpu.memory_space<vmem>>) target(%dma_start3A_262 : memref<2x4096xf32, #tpu.memory_space<hbm>>) target_semaphore(%arg18 : memref<!tpu.dma_semaphore, #tpu.memory_space<semaphore_mem>>)
    %add3A_263 = arith.constant 32 : i32
    %add3A_264 = arith.addi %mul3A_2, %add3A_263 : i32
    %dma_start3A_265 = arith.constant 0 : i32
    %dma_start3A_266 = tpu.memref_slice %arg3[%add3A_264, %dma_start3A_265] : memref<8192x8192xf32, #tpu.memory_space<hbm>> -> memref<2x8192xf32, #tpu.memory_space<hbm>>
    %dma_start3A_267 = arith.constant 0 : i32
    %dma_start3A_268 = tpu.memref_slice %arg3[%add3A_264, %dma_start3A_267] : memref<8192x8192xf32, #tpu.memory_space<hbm>> -> memref<2x8192xf32, #tpu.memory_space<hbm>>
    tpu.enqueue_dma source(%dma_start3A_268 : memref<2x8192xf32, #tpu.memory_space<hbm>>) target(%arg6 : memref<2x8192xf32, #tpu.memory_space<vmem>>) target_semaphore(%arg14 : memref<!tpu.dma_semaphore, #tpu.memory_space<semaphore_mem>>)
    %dma_wait3A_269 = arith.constant 0 : i32
    %dma_wait3A_270 = tpu.memref_slice %arg3[%add3A_204, %dma_wait3A_269] : memref<8192x8192xf32, #tpu.memory_space<hbm>> -> memref<2x8192xf32, #tpu.memory_space<hbm>>
    %dma_wait3A_271 = arith.constant 0 : i32
    %dma_wait3A_272 = tpu.memref_slice %arg3[%add3A_204, %dma_wait3A_271] : memref<8192x8192xf32, #tpu.memory_space<hbm>> -> memref<2x8192xf32, #tpu.memory_space<hbm>>
    tpu.wait_dma2 semaphore(%arg15 : memref<!tpu.dma_semaphore, #tpu.memory_space<semaphore_mem>>) src(%dma_wait3A_272 : memref<2x8192xf32, #tpu.memory_space<hbm>>) dst(%arg7 : memref<2x8192xf32, #tpu.memory_space<vmem>>)
    %dma_wait3A_273 = arith.constant 0 : i32
    %dma_wait3A_274 = tpu.memref_slice %arg4[%add3A_198, %dma_wait3A_273] : memref<8192x4096xf32, #tpu.memory_space<hbm>> -> memref<2x4096xf32, #tpu.memory_space<hbm>>
    %dma_wait3A_275 = arith.constant 0 : i32
    %dma_wait3A_276 = tpu.memref_slice %arg4[%add3A_198, %dma_wait3A_275] : memref<8192x4096xf32, #tpu.memory_space<hbm>> -> memref<2x4096xf32, #tpu.memory_space<hbm>>
    tpu.wait_dma2 semaphore(%arg19 : memref<!tpu.dma_semaphore, #tpu.memory_space<semaphore_mem>>) src(%arg11 : memref<2x4096xf32, #tpu.memory_space<vmem>>) dst(%dma_wait3A_276 : memref<2x4096xf32, #tpu.memory_space<hbm>>)
    %add3A_277 = arith.constant 26 : i32
    %add3A_278 = arith.addi %mul3A_2, %add3A_277 : i32
    %dma_start3A_279 = arith.constant 0 : i32
    %dma_start3A_280 = tpu.memref_slice %arg4[%add3A_278, %dma_start3A_279] : memref<8192x4096xf32, #tpu.memory_space<hbm>> -> memref<2x4096xf32, #tpu.memory_space<hbm>>
    %dma_start3A_281 = arith.constant 0 : i32
    %dma_start3A_282 = tpu.memref_slice %arg4[%add3A_278, %dma_start3A_281] : memref<8192x4096xf32, #tpu.memory_space<hbm>> -> memref<2x4096xf32, #tpu.memory_space<hbm>>
    tpu.enqueue_dma source(%arg11 : memref<2x4096xf32, #tpu.memory_space<vmem>>) target(%dma_start3A_282 : memref<2x4096xf32, #tpu.memory_space<hbm>>) target_semaphore(%arg19 : memref<!tpu.dma_semaphore, #tpu.memory_space<semaphore_mem>>)
    %add3A_283 = arith.constant 34 : i32
    %add3A_284 = arith.addi %mul3A_2, %add3A_283 : i32
    %dma_start3A_285 = arith.constant 0 : i32
    %dma_start3A_286 = tpu.memref_slice %arg3[%add3A_284, %dma_start3A_285] : memref<8192x8192xf32, #tpu.memory_space<hbm>> -> memref<2x8192xf32, #tpu.memory_space<hbm>>
    %dma_start3A_287 = arith.constant 0 : i32
    %dma_start3A_288 = tpu.memref_slice %arg3[%add3A_284, %dma_start3A_287] : memref<8192x8192xf32, #tpu.memory_space<hbm>> -> memref<2x8192xf32, #tpu.memory_space<hbm>>
    tpu.enqueue_dma source(%dma_start3A_288 : memref<2x8192xf32, #tpu.memory_space<hbm>>) target(%arg7 : memref<2x8192xf32, #tpu.memory_space<vmem>>) target_semaphore(%arg15 : memref<!tpu.dma_semaphore, #tpu.memory_space<semaphore_mem>>)
    %dma_wait3A_289 = arith.constant 0 : i32
    %dma_wait3A_290 = tpu.memref_slice %arg3[%add3A_224, %dma_wait3A_289] : memref<8192x8192xf32, #tpu.memory_space<hbm>> -> memref<2x8192xf32, #tpu.memory_space<hbm>>
    %dma_wait3A_291 = arith.constant 0 : i32
    %dma_wait3A_292 = tpu.memref_slice %arg3[%add3A_224, %dma_wait3A_291] : memref<8192x8192xf32, #tpu.memory_space<hbm>> -> memref<2x8192xf32, #tpu.memory_space<hbm>>
    tpu.wait_dma2 semaphore(%arg16 : memref<!tpu.dma_semaphore, #tpu.memory_space<semaphore_mem>>) src(%dma_wait3A_292 : memref<2x8192xf32, #tpu.memory_space<hbm>>) dst(%arg8 : memref<2x8192xf32, #tpu.memory_space<vmem>>)
    %dma_wait3A_293 = arith.constant 0 : i32
    %dma_wait3A_294 = tpu.memref_slice %arg4[%add3A_218, %dma_wait3A_293] : memref<8192x4096xf32, #tpu.memory_space<hbm>> -> memref<2x4096xf32, #tpu.memory_space<hbm>>
    %dma_wait3A_295 = arith.constant 0 : i32
    %dma_wait3A_296 = tpu.memref_slice %arg4[%add3A_218, %dma_wait3A_295] : memref<8192x4096xf32, #tpu.memory_space<hbm>> -> memref<2x4096xf32, #tpu.memory_space<hbm>>
    tpu.wait_dma2 semaphore(%arg20 : memref<!tpu.dma_semaphore, #tpu.memory_space<semaphore_mem>>) src(%arg12 : memref<2x4096xf32, #tpu.memory_space<vmem>>) dst(%dma_wait3A_296 : memref<2x4096xf32, #tpu.memory_space<hbm>>)
    %add3A_297 = arith.constant 28 : i32
    %add3A_298 = arith.addi %mul3A_2, %add3A_297 : i32
    %dma_start3A_299 = arith.constant 0 : i32
    %dma_start3A_300 = tpu.memref_slice %arg4[%add3A_298, %dma_start3A_299] : memref<8192x4096xf32, #tpu.memory_space<hbm>> -> memref<2x4096xf32, #tpu.memory_space<hbm>>
    %dma_start3A_301 = arith.constant 0 : i32
    %dma_start3A_302 = tpu.memref_slice %arg4[%add3A_298, %dma_start3A_301] : memref<8192x4096xf32, #tpu.memory_space<hbm>> -> memref<2x4096xf32, #tpu.memory_space<hbm>>
    tpu.enqueue_dma source(%arg12 : memref<2x4096xf32, #tpu.memory_space<vmem>>) target(%dma_start3A_302 : memref<2x4096xf32, #tpu.memory_space<hbm>>) target_semaphore(%arg20 : memref<!tpu.dma_semaphore, #tpu.memory_space<semaphore_mem>>)
    %add3A_303 = arith.constant 36 : i32
    %add3A_304 = arith.addi %mul3A_2, %add3A_303 : i32
    %dma_start3A_305 = arith.constant 0 : i32
    %dma_start3A_306 = tpu.memref_slice %arg3[%add3A_304, %dma_start3A_305] : memref<8192x8192xf32, #tpu.memory_space<hbm>> -> memref<2x8192xf32, #tpu.memory_space<hbm>>
    %dma_start3A_307 = arith.constant 0 : i32
    %dma_start3A_308 = tpu.memref_slice %arg3[%add3A_304, %dma_start3A_307] : memref<8192x8192xf32, #tpu.memory_space<hbm>> -> memref<2x8192xf32, #tpu.memory_space<hbm>>
    tpu.enqueue_dma source(%dma_start3A_308 : memref<2x8192xf32, #tpu.memory_space<hbm>>) target(%arg8 : memref<2x8192xf32, #tpu.memory_space<vmem>>) target_semaphore(%arg16 : memref<!tpu.dma_semaphore, #tpu.memory_space<semaphore_mem>>)
    %dma_wait3A_309 = arith.constant 0 : i32
    %dma_wait3A_310 = tpu.memref_slice %arg3[%add3A_244, %dma_wait3A_309] : memref<8192x8192xf32, #tpu.memory_space<hbm>> -> memref<2x8192xf32, #tpu.memory_space<hbm>>
    %dma_wait3A_311 = arith.constant 0 : i32
    %dma_wait3A_312 = tpu.memref_slice %arg3[%add3A_244, %dma_wait3A_311] : memref<8192x8192xf32, #tpu.memory_space<hbm>> -> memref<2x8192xf32, #tpu.memory_space<hbm>>
    tpu.wait_dma2 semaphore(%arg17 : memref<!tpu.dma_semaphore, #tpu.memory_space<semaphore_mem>>) src(%dma_wait3A_312 : memref<2x8192xf32, #tpu.memory_space<hbm>>) dst(%arg9 : memref<2x8192xf32, #tpu.memory_space<vmem>>)
    %dma_wait3A_313 = arith.constant 0 : i32
    %dma_wait3A_314 = tpu.memref_slice %arg4[%add3A_238, %dma_wait3A_313] : memref<8192x4096xf32, #tpu.memory_space<hbm>> -> memref<2x4096xf32, #tpu.memory_space<hbm>>
    %dma_wait3A_315 = arith.constant 0 : i32
    %dma_wait3A_316 = tpu.memref_slice %arg4[%add3A_238, %dma_wait3A_315] : memref<8192x4096xf32, #tpu.memory_space<hbm>> -> memref<2x4096xf32, #tpu.memory_space<hbm>>
    tpu.wait_dma2 semaphore(%arg21 : memref<!tpu.dma_semaphore, #tpu.memory_space<semaphore_mem>>) src(%arg13 : memref<2x4096xf32, #tpu.memory_space<vmem>>) dst(%dma_wait3A_316 : memref<2x4096xf32, #tpu.memory_space<hbm>>)
    %add3A_317 = arith.constant 30 : i32
    %add3A_318 = arith.addi %mul3A_2, %add3A_317 : i32
    %dma_start3A_319 = arith.constant 0 : i32
    %dma_start3A_320 = tpu.memref_slice %arg4[%add3A_318, %dma_start3A_319] : memref<8192x4096xf32, #tpu.memory_space<hbm>> -> memref<2x4096xf32, #tpu.memory_space<hbm>>
    %dma_start3A_321 = arith.constant 0 : i32
    %dma_start3A_322 = tpu.memref_slice %arg4[%add3A_318, %dma_start3A_321] : memref<8192x4096xf32, #tpu.memory_space<hbm>> -> memref<2x4096xf32, #tpu.memory_space<hbm>>
    tpu.enqueue_dma source(%arg13 : memref<2x4096xf32, #tpu.memory_space<vmem>>) target(%dma_start3A_322 : memref<2x4096xf32, #tpu.memory_space<hbm>>) target_semaphore(%arg21 : memref<!tpu.dma_semaphore, #tpu.memory_space<semaphore_mem>>)
    %add3A_323 = arith.constant 38 : i32
    %add3A_324 = arith.addi %mul3A_2, %add3A_323 : i32
    %dma_start3A_325 = arith.constant 0 : i32
    %dma_start3A_326 = tpu.memref_slice %arg3[%add3A_324, %dma_start3A_325] : memref<8192x8192xf32, #tpu.memory_space<hbm>> -> memref<2x8192xf32, #tpu.memory_space<hbm>>
    %dma_start3A_327 = arith.constant 0 : i32
    %dma_start3A_328 = tpu.memref_slice %arg3[%add3A_324, %dma_start3A_327] : memref<8192x8192xf32, #tpu.memory_space<hbm>> -> memref<2x8192xf32, #tpu.memory_space<hbm>>
    tpu.enqueue_dma source(%dma_start3A_328 : memref<2x8192xf32, #tpu.memory_space<hbm>>) target(%arg9 : memref<2x8192xf32, #tpu.memory_space<vmem>>) target_semaphore(%arg17 : memref<!tpu.dma_semaphore, #tpu.memory_space<semaphore_mem>>)
    %dma_wait3A_329 = arith.constant 0 : i32
    %dma_wait3A_330 = tpu.memref_slice %arg3[%add3A_264, %dma_wait3A_329] : memref<8192x8192xf32, #tpu.memory_space<hbm>> -> memref<2x8192xf32, #tpu.memory_space<hbm>>
    %dma_wait3A_331 = arith.constant 0 : i32
    %dma_wait3A_332 = tpu.memref_slice %arg3[%add3A_264, %dma_wait3A_331] : memref<8192x8192xf32, #tpu.memory_space<hbm>> -> memref<2x8192xf32, #tpu.memory_space<hbm>>
    tpu.wait_dma2 semaphore(%arg14 : memref<!tpu.dma_semaphore, #tpu.memory_space<semaphore_mem>>) src(%dma_wait3A_332 : memref<2x8192xf32, #tpu.memory_space<hbm>>) dst(%arg6 : memref<2x8192xf32, #tpu.memory_space<vmem>>)
    %dma_wait3A_333 = arith.constant 0 : i32
    %dma_wait3A_334 = tpu.memref_slice %arg4[%add3A_258, %dma_wait3A_333] : memref<8192x4096xf32, #tpu.memory_space<hbm>> -> memref<2x4096xf32, #tpu.memory_space<hbm>>
    %dma_wait3A_335 = arith.constant 0 : i32
    %dma_wait3A_336 = tpu.memref_slice %arg4[%add3A_258, %dma_wait3A_335] : memref<8192x4096xf32, #tpu.memory_space<hbm>> -> memref<2x4096xf32, #tpu.memory_space<hbm>>
    tpu.wait_dma2 semaphore(%arg18 : memref<!tpu.dma_semaphore, #tpu.memory_space<semaphore_mem>>) src(%arg10 : memref<2x4096xf32, #tpu.memory_space<vmem>>) dst(%dma_wait3A_336 : memref<2x4096xf32, #tpu.memory_space<hbm>>)
    %add3A_337 = arith.constant 32 : i32
    %add3A_338 = arith.addi %mul3A_2, %add3A_337 : i32
    %dma_start3A_339 = arith.constant 0 : i32
    %dma_start3A_340 = tpu.memref_slice %arg4[%add3A_338, %dma_start3A_339] : memref<8192x4096xf32, #tpu.memory_space<hbm>> -> memref<2x4096xf32, #tpu.memory_space<hbm>>
    %dma_start3A_341 = arith.constant 0 : i32
    %dma_start3A_342 = tpu.memref_slice %arg4[%add3A_338, %dma_start3A_341] : memref<8192x4096xf32, #tpu.memory_space<hbm>> -> memref<2x4096xf32, #tpu.memory_space<hbm>>
    tpu.enqueue_dma source(%arg10 : memref<2x4096xf32, #tpu.memory_space<vmem>>) target(%dma_start3A_342 : memref<2x4096xf32, #tpu.memory_space<hbm>>) target_semaphore(%arg18 : memref<!tpu.dma_semaphore, #tpu.memory_space<semaphore_mem>>)
    %add3A_343 = arith.constant 40 : i32
    %add3A_344 = arith.addi %mul3A_2, %add3A_343 : i32
    %dma_start3A_345 = arith.constant 0 : i32
    %dma_start3A_346 = tpu.memref_slice %arg3[%add3A_344, %dma_start3A_345] : memref<8192x8192xf32, #tpu.memory_space<hbm>> -> memref<2x8192xf32, #tpu.memory_space<hbm>>
    %dma_start3A_347 = arith.constant 0 : i32
    %dma_start3A_348 = tpu.memref_slice %arg3[%add3A_344, %dma_start3A_347] : memref<8192x8192xf32, #tpu.memory_space<hbm>> -> memref<2x8192xf32, #tpu.memory_space<hbm>>
    tpu.enqueue_dma source(%dma_start3A_348 : memref<2x8192xf32, #tpu.memory_space<hbm>>) target(%arg6 : memref<2x8192xf32, #tpu.memory_space<vmem>>) target_semaphore(%arg14 : memref<!tpu.dma_semaphore, #tpu.memory_space<semaphore_mem>>)
    %dma_wait3A_349 = arith.constant 0 : i32
    %dma_wait3A_350 = tpu.memref_slice %arg3[%add3A_284, %dma_wait3A_349] : memref<8192x8192xf32, #tpu.memory_space<hbm>> -> memref<2x8192xf32, #tpu.memory_space<hbm>>
    %dma_wait3A_351 = arith.constant 0 : i32
    %dma_wait3A_352 = tpu.memref_slice %arg3[%add3A_284, %dma_wait3A_351] : memref<8192x8192xf32, #tpu.memory_space<hbm>> -> memref<2x8192xf32, #tpu.memory_space<hbm>>
    tpu.wait_dma2 semaphore(%arg15 : memref<!tpu.dma_semaphore, #tpu.memory_space<semaphore_mem>>) src(%dma_wait3A_352 : memref<2x8192xf32, #tpu.memory_space<hbm>>) dst(%arg7 : memref<2x8192xf32, #tpu.memory_space<vmem>>)
    %dma_wait3A_353 = arith.constant 0 : i32
    %dma_wait3A_354 = tpu.memref_slice %arg4[%add3A_278, %dma_wait3A_353] : memref<8192x4096xf32, #tpu.memory_space<hbm>> -> memref<2x4096xf32, #tpu.memory_space<hbm>>
    %dma_wait3A_355 = arith.constant 0 : i32
    %dma_wait3A_356 = tpu.memref_slice %arg4[%add3A_278, %dma_wait3A_355] : memref<8192x4096xf32, #tpu.memory_space<hbm>> -> memref<2x4096xf32, #tpu.memory_space<hbm>>
    tpu.wait_dma2 semaphore(%arg19 : memref<!tpu.dma_semaphore, #tpu.memory_space<semaphore_mem>>) src(%arg11 : memref<2x4096xf32, #tpu.memory_space<vmem>>) dst(%dma_wait3A_356 : memref<2x4096xf32, #tpu.memory_space<hbm>>)
    %add3A_357 = arith.constant 34 : i32
    %add3A_358 = arith.addi %mul3A_2, %add3A_357 : i32
    %dma_start3A_359 = arith.constant 0 : i32
    %dma_start3A_360 = tpu.memref_slice %arg4[%add3A_358, %dma_start3A_359] : memref<8192x4096xf32, #tpu.memory_space<hbm>> -> memref<2x4096xf32, #tpu.memory_space<hbm>>
    %dma_start3A_361 = arith.constant 0 : i32
    %dma_start3A_362 = tpu.memref_slice %arg4[%add3A_358, %dma_start3A_361] : memref<8192x4096xf32, #tpu.memory_space<hbm>> -> memref<2x4096xf32, #tpu.memory_space<hbm>>
    tpu.enqueue_dma source(%arg11 : memref<2x4096xf32, #tpu.memory_space<vmem>>) target(%dma_start3A_362 : memref<2x4096xf32, #tpu.memory_space<hbm>>) target_semaphore(%arg19 : memref<!tpu.dma_semaphore, #tpu.memory_space<semaphore_mem>>)
    %add3A_363 = arith.constant 42 : i32
    %add3A_364 = arith.addi %mul3A_2, %add3A_363 : i32
    %dma_start3A_365 = arith.constant 0 : i32
    %dma_start3A_366 = tpu.memref_slice %arg3[%add3A_364, %dma_start3A_365] : memref<8192x8192xf32, #tpu.memory_space<hbm>> -> memref<2x8192xf32, #tpu.memory_space<hbm>>
    %dma_start3A_367 = arith.constant 0 : i32
    %dma_start3A_368 = tpu.memref_slice %arg3[%add3A_364, %dma_start3A_367] : memref<8192x8192xf32, #tpu.memory_space<hbm>> -> memref<2x8192xf32, #tpu.memory_space<hbm>>
    tpu.enqueue_dma source(%dma_start3A_368 : memref<2x8192xf32, #tpu.memory_space<hbm>>) target(%arg7 : memref<2x8192xf32, #tpu.memory_space<vmem>>) target_semaphore(%arg15 : memref<!tpu.dma_semaphore, #tpu.memory_space<semaphore_mem>>)
    %dma_wait3A_369 = arith.constant 0 : i32
    %dma_wait3A_370 = tpu.memref_slice %arg3[%add3A_304, %dma_wait3A_369] : memref<8192x8192xf32, #tpu.memory_space<hbm>> -> memref<2x8192xf32, #tpu.memory_space<hbm>>
    %dma_wait3A_371 = arith.constant 0 : i32
    %dma_wait3A_372 = tpu.memref_slice %arg3[%add3A_304, %dma_wait3A_371] : memref<8192x8192xf32, #tpu.memory_space<hbm>> -> memref<2x8192xf32, #tpu.memory_space<hbm>>
    tpu.wait_dma2 semaphore(%arg16 : memref<!tpu.dma_semaphore, #tpu.memory_space<semaphore_mem>>) src(%dma_wait3A_372 : memref<2x8192xf32, #tpu.memory_space<hbm>>) dst(%arg8 : memref<2x8192xf32, #tpu.memory_space<vmem>>)
    %dma_wait3A_373 = arith.constant 0 : i32
    %dma_wait3A_374 = tpu.memref_slice %arg4[%add3A_298, %dma_wait3A_373] : memref<8192x4096xf32, #tpu.memory_space<hbm>> -> memref<2x4096xf32, #tpu.memory_space<hbm>>
    %dma_wait3A_375 = arith.constant 0 : i32
    %dma_wait3A_376 = tpu.memref_slice %arg4[%add3A_298, %dma_wait3A_375] : memref<8192x4096xf32, #tpu.memory_space<hbm>> -> memref<2x4096xf32, #tpu.memory_space<hbm>>
    tpu.wait_dma2 semaphore(%arg20 : memref<!tpu.dma_semaphore, #tpu.memory_space<semaphore_mem>>) src(%arg12 : memref<2x4096xf32, #tpu.memory_space<vmem>>) dst(%dma_wait3A_376 : memref<2x4096xf32, #tpu.memory_space<hbm>>)
    %add3A_377 = arith.constant 36 : i32
    %add3A_378 = arith.addi %mul3A_2, %add3A_377 : i32
    %dma_start3A_379 = arith.constant 0 : i32
    %dma_start3A_380 = tpu.memref_slice %arg4[%add3A_378, %dma_start3A_379] : memref<8192x4096xf32, #tpu.memory_space<hbm>> -> memref<2x4096xf32, #tpu.memory_space<hbm>>
    %dma_start3A_381 = arith.constant 0 : i32
    %dma_start3A_382 = tpu.memref_slice %arg4[%add3A_378, %dma_start3A_381] : memref<8192x4096xf32, #tpu.memory_space<hbm>> -> memref<2x4096xf32, #tpu.memory_space<hbm>>
    tpu.enqueue_dma source(%arg12 : memref<2x4096xf32, #tpu.memory_space<vmem>>) target(%dma_start3A_382 : memref<2x4096xf32, #tpu.memory_space<hbm>>) target_semaphore(%arg20 : memref<!tpu.dma_semaphore, #tpu.memory_space<semaphore_mem>>)
    %add3A_383 = arith.constant 44 : i32
    %add3A_384 = arith.addi %mul3A_2, %add3A_383 : i32
    %dma_start3A_385 = arith.constant 0 : i32
    %dma_start3A_386 = tpu.memref_slice %arg3[%add3A_384, %dma_start3A_385] : memref<8192x8192xf32, #tpu.memory_space<hbm>> -> memref<2x8192xf32, #tpu.memory_space<hbm>>
    %dma_start3A_387 = arith.constant 0 : i32
    %dma_start3A_388 = tpu.memref_slice %arg3[%add3A_384, %dma_start3A_387] : memref<8192x8192xf32, #tpu.memory_space<hbm>> -> memref<2x8192xf32, #tpu.memory_space<hbm>>
    tpu.enqueue_dma source(%dma_start3A_388 : memref<2x8192xf32, #tpu.memory_space<hbm>>) target(%arg8 : memref<2x8192xf32, #tpu.memory_space<vmem>>) target_semaphore(%arg16 : memref<!tpu.dma_semaphore, #tpu.memory_space<semaphore_mem>>)
    %dma_wait3A_389 = arith.constant 0 : i32
    %dma_wait3A_390 = tpu.memref_slice %arg3[%add3A_324, %dma_wait3A_389] : memref<8192x8192xf32, #tpu.memory_space<hbm>> -> memref<2x8192xf32, #tpu.memory_space<hbm>>
    %dma_wait3A_391 = arith.constant 0 : i32
    %dma_wait3A_392 = tpu.memref_slice %arg3[%add3A_324, %dma_wait3A_391] : memref<8192x8192xf32, #tpu.memory_space<hbm>> -> memref<2x8192xf32, #tpu.memory_space<hbm>>
    tpu.wait_dma2 semaphore(%arg17 : memref<!tpu.dma_semaphore, #tpu.memory_space<semaphore_mem>>) src(%dma_wait3A_392 : memref<2x8192xf32, #tpu.memory_space<hbm>>) dst(%arg9 : memref<2x8192xf32, #tpu.memory_space<vmem>>)
    %dma_wait3A_393 = arith.constant 0 : i32
    %dma_wait3A_394 = tpu.memref_slice %arg4[%add3A_318, %dma_wait3A_393] : memref<8192x4096xf32, #tpu.memory_space<hbm>> -> memref<2x4096xf32, #tpu.memory_space<hbm>>
    %dma_wait3A_395 = arith.constant 0 : i32
    %dma_wait3A_396 = tpu.memref_slice %arg4[%add3A_318, %dma_wait3A_395] : memref<8192x4096xf32, #tpu.memory_space<hbm>> -> memref<2x4096xf32, #tpu.memory_space<hbm>>
    tpu.wait_dma2 semaphore(%arg21 : memref<!tpu.dma_semaphore, #tpu.memory_space<semaphore_mem>>) src(%arg13 : memref<2x4096xf32, #tpu.memory_space<vmem>>) dst(%dma_wait3A_396 : memref<2x4096xf32, #tpu.memory_space<hbm>>)
    %add3A_397 = arith.constant 38 : i32
    %add3A_398 = arith.addi %mul3A_2, %add3A_397 : i32
    %dma_start3A_399 = arith.constant 0 : i32
    %dma_start3A_400 = tpu.memref_slice %arg4[%add3A_398, %dma_start3A_399] : memref<8192x4096xf32, #tpu.memory_space<hbm>> -> memref<2x4096xf32, #tpu.memory_space<hbm>>
    %dma_start3A_401 = arith.constant 0 : i32
    %dma_start3A_402 = tpu.memref_slice %arg4[%add3A_398, %dma_start3A_401] : memref<8192x4096xf32, #tpu.memory_space<hbm>> -> memref<2x4096xf32, #tpu.memory_space<hbm>>
    tpu.enqueue_dma source(%arg13 : memref<2x4096xf32, #tpu.memory_space<vmem>>) target(%dma_start3A_402 : memref<2x4096xf32, #tpu.memory_space<hbm>>) target_semaphore(%arg21 : memref<!tpu.dma_semaphore, #tpu.memory_space<semaphore_mem>>)
    %add3A_403 = arith.constant 46 : i32
    %add3A_404 = arith.addi %mul3A_2, %add3A_403 : i32
    %dma_start3A_405 = arith.constant 0 : i32
    %dma_start3A_406 = tpu.memref_slice %arg3[%add3A_404, %dma_start3A_405] : memref<8192x8192xf32, #tpu.memory_space<hbm>> -> memref<2x8192xf32, #tpu.memory_space<hbm>>
    %dma_start3A_407 = arith.constant 0 : i32
    %dma_start3A_408 = tpu.memref_slice %arg3[%add3A_404, %dma_start3A_407] : memref<8192x8192xf32, #tpu.memory_space<hbm>> -> memref<2x8192xf32, #tpu.memory_space<hbm>>
    tpu.enqueue_dma source(%dma_start3A_408 : memref<2x8192xf32, #tpu.memory_space<hbm>>) target(%arg9 : memref<2x8192xf32, #tpu.memory_space<vmem>>) target_semaphore(%arg17 : memref<!tpu.dma_semaphore, #tpu.memory_space<semaphore_mem>>)
    %dma_wait3A_409 = arith.constant 0 : i32
    %dma_wait3A_410 = tpu.memref_slice %arg3[%add3A_344, %dma_wait3A_409] : memref<8192x8192xf32, #tpu.memory_space<hbm>> -> memref<2x8192xf32, #tpu.memory_space<hbm>>
    %dma_wait3A_411 = arith.constant 0 : i32
    %dma_wait3A_412 = tpu.memref_slice %arg3[%add3A_344, %dma_wait3A_411] : memref<8192x8192xf32, #tpu.memory_space<hbm>> -> memref<2x8192xf32, #tpu.memory_space<hbm>>
    tpu.wait_dma2 semaphore(%arg14 : memref<!tpu.dma_semaphore, #tpu.memory_space<semaphore_mem>>) src(%dma_wait3A_412 : memref<2x8192xf32, #tpu.memory_space<hbm>>) dst(%arg6 : memref<2x8192xf32, #tpu.memory_space<vmem>>)
    %dma_wait3A_413 = arith.constant 0 : i32
    %dma_wait3A_414 = tpu.memref_slice %arg4[%add3A_338, %dma_wait3A_413] : memref<8192x4096xf32, #tpu.memory_space<hbm>> -> memref<2x4096xf32, #tpu.memory_space<hbm>>
    %dma_wait3A_415 = arith.constant 0 : i32
    %dma_wait3A_416 = tpu.memref_slice %arg4[%add3A_338, %dma_wait3A_415] : memref<8192x4096xf32, #tpu.memory_space<hbm>> -> memref<2x4096xf32, #tpu.memory_space<hbm>>
    tpu.wait_dma2 semaphore(%arg18 : memref<!tpu.dma_semaphore, #tpu.memory_space<semaphore_mem>>) src(%arg10 : memref<2x4096xf32, #tpu.memory_space<vmem>>) dst(%dma_wait3A_416 : memref<2x4096xf32, #tpu.memory_space<hbm>>)
    %add3A_417 = arith.constant 40 : i32
    %add3A_418 = arith.addi %mul3A_2, %add3A_417 : i32
    %dma_start3A_419 = arith.constant 0 : i32
    %dma_start3A_420 = tpu.memref_slice %arg4[%add3A_418, %dma_start3A_419] : memref<8192x4096xf32, #tpu.memory_space<hbm>> -> memref<2x4096xf32, #tpu.memory_space<hbm>>
    %dma_start3A_421 = arith.constant 0 : i32
    %dma_start3A_422 = tpu.memref_slice %arg4[%add3A_418, %dma_start3A_421] : memref<8192x4096xf32, #tpu.memory_space<hbm>> -> memref<2x4096xf32, #tpu.memory_space<hbm>>
    tpu.enqueue_dma source(%arg10 : memref<2x4096xf32, #tpu.memory_space<vmem>>) target(%dma_start3A_422 : memref<2x4096xf32, #tpu.memory_space<hbm>>) target_semaphore(%arg18 : memref<!tpu.dma_semaphore, #tpu.memory_space<semaphore_mem>>)
    %add3A_423 = arith.constant 48 : i32
    %add3A_424 = arith.addi %mul3A_2, %add3A_423 : i32
    %dma_start3A_425 = arith.constant 0 : i32
    %dma_start3A_426 = tpu.memref_slice %arg3[%add3A_424, %dma_start3A_425] : memref<8192x8192xf32, #tpu.memory_space<hbm>> -> memref<2x8192xf32, #tpu.memory_space<hbm>>
    %dma_start3A_427 = arith.constant 0 : i32
    %dma_start3A_428 = tpu.memref_slice %arg3[%add3A_424, %dma_start3A_427] : memref<8192x8192xf32, #tpu.memory_space<hbm>> -> memref<2x8192xf32, #tpu.memory_space<hbm>>
    tpu.enqueue_dma source(%dma_start3A_428 : memref<2x8192xf32, #tpu.memory_space<hbm>>) target(%arg6 : memref<2x8192xf32, #tpu.memory_space<vmem>>) target_semaphore(%arg14 : memref<!tpu.dma_semaphore, #tpu.memory_space<semaphore_mem>>)
    %dma_wait3A_429 = arith.constant 0 : i32
    %dma_wait3A_430 = tpu.memref_slice %arg3[%add3A_364, %dma_wait3A_429] : memref<8192x8192xf32, #tpu.memory_space<hbm>> -> memref<2x8192xf32, #tpu.memory_space<hbm>>
    %dma_wait3A_431 = arith.constant 0 : i32
    %dma_wait3A_432 = tpu.memref_slice %arg3[%add3A_364, %dma_wait3A_431] : memref<8192x8192xf32, #tpu.memory_space<hbm>> -> memref<2x8192xf32, #tpu.memory_space<hbm>>
    tpu.wait_dma2 semaphore(%arg15 : memref<!tpu.dma_semaphore, #tpu.memory_space<semaphore_mem>>) src(%dma_wait3A_432 : memref<2x8192xf32, #tpu.memory_space<hbm>>) dst(%arg7 : memref<2x8192xf32, #tpu.memory_space<vmem>>)
    %dma_wait3A_433 = arith.constant 0 : i32
    %dma_wait3A_434 = tpu.memref_slice %arg4[%add3A_358, %dma_wait3A_433] : memref<8192x4096xf32, #tpu.memory_space<hbm>> -> memref<2x4096xf32, #tpu.memory_space<hbm>>
    %dma_wait3A_435 = arith.constant 0 : i32
    %dma_wait3A_436 = tpu.memref_slice %arg4[%add3A_358, %dma_wait3A_435] : memref<8192x4096xf32, #tpu.memory_space<hbm>> -> memref<2x4096xf32, #tpu.memory_space<hbm>>
    tpu.wait_dma2 semaphore(%arg19 : memref<!tpu.dma_semaphore, #tpu.memory_space<semaphore_mem>>) src(%arg11 : memref<2x4096xf32, #tpu.memory_space<vmem>>) dst(%dma_wait3A_436 : memref<2x4096xf32, #tpu.memory_space<hbm>>)
    %add3A_437 = arith.constant 42 : i32
    %add3A_438 = arith.addi %mul3A_2, %add3A_437 : i32
    %dma_start3A_439 = arith.constant 0 : i32
    %dma_start3A_440 = tpu.memref_slice %arg4[%add3A_438, %dma_start3A_439] : memref<8192x4096xf32, #tpu.memory_space<hbm>> -> memref<2x4096xf32, #tpu.memory_space<hbm>>
    %dma_start3A_441 = arith.constant 0 : i32
    %dma_start3A_442 = tpu.memref_slice %arg4[%add3A_438, %dma_start3A_441] : memref<8192x4096xf32, #tpu.memory_space<hbm>> -> memref<2x4096xf32, #tpu.memory_space<hbm>>
    tpu.enqueue_dma source(%arg11 : memref<2x4096xf32, #tpu.memory_space<vmem>>) target(%dma_start3A_442 : memref<2x4096xf32, #tpu.memory_space<hbm>>) target_semaphore(%arg19 : memref<!tpu.dma_semaphore, #tpu.memory_space<semaphore_mem>>)
    %add3A_443 = arith.constant 50 : i32
    %add3A_444 = arith.addi %mul3A_2, %add3A_443 : i32
    %dma_start3A_445 = arith.constant 0 : i32
    %dma_start3A_446 = tpu.memref_slice %arg3[%add3A_444, %dma_start3A_445] : memref<8192x8192xf32, #tpu.memory_space<hbm>> -> memref<2x8192xf32, #tpu.memory_space<hbm>>
    %dma_start3A_447 = arith.constant 0 : i32
    %dma_start3A_448 = tpu.memref_slice %arg3[%add3A_444, %dma_start3A_447] : memref<8192x8192xf32, #tpu.memory_space<hbm>> -> memref<2x8192xf32, #tpu.memory_space<hbm>>
    tpu.enqueue_dma source(%dma_start3A_448 : memref<2x8192xf32, #tpu.memory_space<hbm>>) target(%arg7 : memref<2x8192xf32, #tpu.memory_space<vmem>>) target_semaphore(%arg15 : memref<!tpu.dma_semaphore, #tpu.memory_space<semaphore_mem>>)
    %dma_wait3A_449 = arith.constant 0 : i32
    %dma_wait3A_450 = tpu.memref_slice %arg3[%add3A_384, %dma_wait3A_449] : memref<8192x8192xf32, #tpu.memory_space<hbm>> -> memref<2x8192xf32, #tpu.memory_space<hbm>>
    %dma_wait3A_451 = arith.constant 0 : i32
    %dma_wait3A_452 = tpu.memref_slice %arg3[%add3A_384, %dma_wait3A_451] : memref<8192x8192xf32, #tpu.memory_space<hbm>> -> memref<2x8192xf32, #tpu.memory_space<hbm>>
    tpu.wait_dma2 semaphore(%arg16 : memref<!tpu.dma_semaphore, #tpu.memory_space<semaphore_mem>>) src(%dma_wait3A_452 : memref<2x8192xf32, #tpu.memory_space<hbm>>) dst(%arg8 : memref<2x8192xf32, #tpu.memory_space<vmem>>)
    %dma_wait3A_453 = arith.constant 0 : i32
    %dma_wait3A_454 = tpu.memref_slice %arg4[%add3A_378, %dma_wait3A_453] : memref<8192x4096xf32, #tpu.memory_space<hbm>> -> memref<2x4096xf32, #tpu.memory_space<hbm>>
    %dma_wait3A_455 = arith.constant 0 : i32
    %dma_wait3A_456 = tpu.memref_slice %arg4[%add3A_378, %dma_wait3A_455] : memref<8192x4096xf32, #tpu.memory_space<hbm>> -> memref<2x4096xf32, #tpu.memory_space<hbm>>
    tpu.wait_dma2 semaphore(%arg20 : memref<!tpu.dma_semaphore, #tpu.memory_space<semaphore_mem>>) src(%arg12 : memref<2x4096xf32, #tpu.memory_space<vmem>>) dst(%dma_wait3A_456 : memref<2x4096xf32, #tpu.memory_space<hbm>>)
    %add3A_457 = arith.constant 44 : i32
    %add3A_458 = arith.addi %mul3A_2, %add3A_457 : i32
    %dma_start3A_459 = arith.constant 0 : i32
    %dma_start3A_460 = tpu.memref_slice %arg4[%add3A_458, %dma_start3A_459] : memref<8192x4096xf32, #tpu.memory_space<hbm>> -> memref<2x4096xf32, #tpu.memory_space<hbm>>
    %dma_start3A_461 = arith.constant 0 : i32
    %dma_start3A_462 = tpu.memref_slice %arg4[%add3A_458, %dma_start3A_461] : memref<8192x4096xf32, #tpu.memory_space<hbm>> -> memref<2x4096xf32, #tpu.memory_space<hbm>>
    tpu.enqueue_dma source(%arg12 : memref<2x4096xf32, #tpu.memory_space<vmem>>) target(%dma_start3A_462 : memref<2x4096xf32, #tpu.memory_space<hbm>>) target_semaphore(%arg20 : memref<!tpu.dma_semaphore, #tpu.memory_space<semaphore_mem>>)
    %add3A_463 = arith.constant 52 : i32
    %add3A_464 = arith.addi %mul3A_2, %add3A_463 : i32
    %dma_start3A_465 = arith.constant 0 : i32
    %dma_start3A_466 = tpu.memref_slice %arg3[%add3A_464, %dma_start3A_465] : memref<8192x8192xf32, #tpu.memory_space<hbm>> -> memref<2x8192xf32, #tpu.memory_space<hbm>>
    %dma_start3A_467 = arith.constant 0 : i32
    %dma_start3A_468 = tpu.memref_slice %arg3[%add3A_464, %dma_start3A_467] : memref<8192x8192xf32, #tpu.memory_space<hbm>> -> memref<2x8192xf32, #tpu.memory_space<hbm>>
    tpu.enqueue_dma source(%dma_start3A_468 : memref<2x8192xf32, #tpu.memory_space<hbm>>) target(%arg8 : memref<2x8192xf32, #tpu.memory_space<vmem>>) target_semaphore(%arg16 : memref<!tpu.dma_semaphore, #tpu.memory_space<semaphore_mem>>)
    %dma_wait3A_469 = arith.constant 0 : i32
    %dma_wait3A_470 = tpu.memref_slice %arg3[%add3A_404, %dma_wait3A_469] : memref<8192x8192xf32, #tpu.memory_space<hbm>> -> memref<2x8192xf32, #tpu.memory_space<hbm>>
    %dma_wait3A_471 = arith.constant 0 : i32
    %dma_wait3A_472 = tpu.memref_slice %arg3[%add3A_404, %dma_wait3A_471] : memref<8192x8192xf32, #tpu.memory_space<hbm>> -> memref<2x8192xf32, #tpu.memory_space<hbm>>
    tpu.wait_dma2 semaphore(%arg17 : memref<!tpu.dma_semaphore, #tpu.memory_space<semaphore_mem>>) src(%dma_wait3A_472 : memref<2x8192xf32, #tpu.memory_space<hbm>>) dst(%arg9 : memref<2x8192xf32, #tpu.memory_space<vmem>>)
    %dma_wait3A_473 = arith.constant 0 : i32
    %dma_wait3A_474 = tpu.memref_slice %arg4[%add3A_398, %dma_wait3A_473] : memref<8192x4096xf32, #tpu.memory_space<hbm>> -> memref<2x4096xf32, #tpu.memory_space<hbm>>
    %dma_wait3A_475 = arith.constant 0 : i32
    %dma_wait3A_476 = tpu.memref_slice %arg4[%add3A_398, %dma_wait3A_475] : memref<8192x4096xf32, #tpu.memory_space<hbm>> -> memref<2x4096xf32, #tpu.memory_space<hbm>>
    tpu.wait_dma2 semaphore(%arg21 : memref<!tpu.dma_semaphore, #tpu.memory_space<semaphore_mem>>) src(%arg13 : memref<2x4096xf32, #tpu.memory_space<vmem>>) dst(%dma_wait3A_476 : memref<2x4096xf32, #tpu.memory_space<hbm>>)
    %add3A_477 = arith.constant 46 : i32
    %add3A_478 = arith.addi %mul3A_2, %add3A_477 : i32
    %dma_start3A_479 = arith.constant 0 : i32
    %dma_start3A_480 = tpu.memref_slice %arg4[%add3A_478, %dma_start3A_479] : memref<8192x4096xf32, #tpu.memory_space<hbm>> -> memref<2x4096xf32, #tpu.memory_space<hbm>>
    %dma_start3A_481 = arith.constant 0 : i32
    %dma_start3A_482 = tpu.memref_slice %arg4[%add3A_478, %dma_start3A_481] : memref<8192x4096xf32, #tpu.memory_space<hbm>> -> memref<2x4096xf32, #tpu.memory_space<hbm>>
    tpu.enqueue_dma source(%arg13 : memref<2x4096xf32, #tpu.memory_space<vmem>>) target(%dma_start3A_482 : memref<2x4096xf32, #tpu.memory_space<hbm>>) target_semaphore(%arg21 : memref<!tpu.dma_semaphore, #tpu.memory_space<semaphore_mem>>)
    %add3A_483 = arith.constant 54 : i32
    %add3A_484 = arith.addi %mul3A_2, %add3A_483 : i32
    %dma_start3A_485 = arith.constant 0 : i32
    %dma_start3A_486 = tpu.memref_slice %arg3[%add3A_484, %dma_start3A_485] : memref<8192x8192xf32, #tpu.memory_space<hbm>> -> memref<2x8192xf32, #tpu.memory_space<hbm>>
    %dma_start3A_487 = arith.constant 0 : i32
    %dma_start3A_488 = tpu.memref_slice %arg3[%add3A_484, %dma_start3A_487] : memref<8192x8192xf32, #tpu.memory_space<hbm>> -> memref<2x8192xf32, #tpu.memory_space<hbm>>
    tpu.enqueue_dma source(%dma_start3A_488 : memref<2x8192xf32, #tpu.memory_space<hbm>>) target(%arg9 : memref<2x8192xf32, #tpu.memory_space<vmem>>) target_semaphore(%arg17 : memref<!tpu.dma_semaphore, #tpu.memory_space<semaphore_mem>>)
    %dma_wait3A_489 = arith.constant 0 : i32
    %dma_wait3A_490 = tpu.memref_slice %arg3[%add3A_424, %dma_wait3A_489] : memref<8192x8192xf32, #tpu.memory_space<hbm>> -> memref<2x8192xf32, #tpu.memory_space<hbm>>
    %dma_wait3A_491 = arith.constant 0 : i32
    %dma_wait3A_492 = tpu.memref_slice %arg3[%add3A_424, %dma_wait3A_491] : memref<8192x8192xf32, #tpu.memory_space<hbm>> -> memref<2x8192xf32, #tpu.memory_space<hbm>>
    tpu.wait_dma2 semaphore(%arg14 : memref<!tpu.dma_semaphore, #tpu.memory_space<semaphore_mem>>) src(%dma_wait3A_492 : memref<2x8192xf32, #tpu.memory_space<hbm>>) dst(%arg6 : memref<2x8192xf32, #tpu.memory_space<vmem>>)
    %dma_wait3A_493 = arith.constant 0 : i32
    %dma_wait3A_494 = tpu.memref_slice %arg4[%add3A_418, %dma_wait3A_493] : memref<8192x4096xf32, #tpu.memory_space<hbm>> -> memref<2x4096xf32, #tpu.memory_space<hbm>>
    %dma_wait3A_495 = arith.constant 0 : i32
    %dma_wait3A_496 = tpu.memref_slice %arg4[%add3A_418, %dma_wait3A_495] : memref<8192x4096xf32, #tpu.memory_space<hbm>> -> memref<2x4096xf32, #tpu.memory_space<hbm>>
    tpu.wait_dma2 semaphore(%arg18 : memref<!tpu.dma_semaphore, #tpu.memory_space<semaphore_mem>>) src(%arg10 : memref<2x4096xf32, #tpu.memory_space<vmem>>) dst(%dma_wait3A_496 : memref<2x4096xf32, #tpu.memory_space<hbm>>)
    %add3A_497 = arith.constant 48 : i32
    %add3A_498 = arith.addi %mul3A_2, %add3A_497 : i32
    %dma_start3A_499 = arith.constant 0 : i32
    %dma_start3A_500 = tpu.memref_slice %arg4[%add3A_498, %dma_start3A_499] : memref<8192x4096xf32, #tpu.memory_space<hbm>> -> memref<2x4096xf32, #tpu.memory_space<hbm>>
    %dma_start3A_501 = arith.constant 0 : i32
    %dma_start3A_502 = tpu.memref_slice %arg4[%add3A_498, %dma_start3A_501] : memref<8192x4096xf32, #tpu.memory_space<hbm>> -> memref<2x4096xf32, #tpu.memory_space<hbm>>
    tpu.enqueue_dma source(%arg10 : memref<2x4096xf32, #tpu.memory_space<vmem>>) target(%dma_start3A_502 : memref<2x4096xf32, #tpu.memory_space<hbm>>) target_semaphore(%arg18 : memref<!tpu.dma_semaphore, #tpu.memory_space<semaphore_mem>>)
    %add3A_503 = arith.constant 56 : i32
    %add3A_504 = arith.addi %mul3A_2, %add3A_503 : i32
    %dma_start3A_505 = arith.constant 0 : i32
    %dma_start3A_506 = tpu.memref_slice %arg3[%add3A_504, %dma_start3A_505] : memref<8192x8192xf32, #tpu.memory_space<hbm>> -> memref<2x8192xf32, #tpu.memory_space<hbm>>
    %dma_start3A_507 = arith.constant 0 : i32
    %dma_start3A_508 = tpu.memref_slice %arg3[%add3A_504, %dma_start3A_507] : memref<8192x8192xf32, #tpu.memory_space<hbm>> -> memref<2x8192xf32, #tpu.memory_space<hbm>>
    tpu.enqueue_dma source(%dma_start3A_508 : memref<2x8192xf32, #tpu.memory_space<hbm>>) target(%arg6 : memref<2x8192xf32, #tpu.memory_space<vmem>>) target_semaphore(%arg14 : memref<!tpu.dma_semaphore, #tpu.memory_space<semaphore_mem>>)
    %dma_wait3A_509 = arith.constant 0 : i32
    %dma_wait3A_510 = tpu.memref_slice %arg3[%add3A_444, %dma_wait3A_509] : memref<8192x8192xf32, #tpu.memory_space<hbm>> -> memref<2x8192xf32, #tpu.memory_space<hbm>>
    %dma_wait3A_511 = arith.constant 0 : i32
    %dma_wait3A_512 = tpu.memref_slice %arg3[%add3A_444, %dma_wait3A_511] : memref<8192x8192xf32, #tpu.memory_space<hbm>> -> memref<2x8192xf32, #tpu.memory_space<hbm>>
    tpu.wait_dma2 semaphore(%arg15 : memref<!tpu.dma_semaphore, #tpu.memory_space<semaphore_mem>>) src(%dma_wait3A_512 : memref<2x8192xf32, #tpu.memory_space<hbm>>) dst(%arg7 : memref<2x8192xf32, #tpu.memory_space<vmem>>)
    %dma_wait3A_513 = arith.constant 0 : i32
    %dma_wait3A_514 = tpu.memref_slice %arg4[%add3A_438, %dma_wait3A_513] : memref<8192x4096xf32, #tpu.memory_space<hbm>> -> memref<2x4096xf32, #tpu.memory_space<hbm>>
    %dma_wait3A_515 = arith.constant 0 : i32
    %dma_wait3A_516 = tpu.memref_slice %arg4[%add3A_438, %dma_wait3A_515] : memref<8192x4096xf32, #tpu.memory_space<hbm>> -> memref<2x4096xf32, #tpu.memory_space<hbm>>
    tpu.wait_dma2 semaphore(%arg19 : memref<!tpu.dma_semaphore, #tpu.memory_space<semaphore_mem>>) src(%arg11 : memref<2x4096xf32, #tpu.memory_space<vmem>>) dst(%dma_wait3A_516 : memref<2x4096xf32, #tpu.memory_space<hbm>>)
    %add3A_517 = arith.constant 50 : i32
    %add3A_518 = arith.addi %mul3A_2, %add3A_517 : i32
    %dma_start3A_519 = arith.constant 0 : i32
    %dma_start3A_520 = tpu.memref_slice %arg4[%add3A_518, %dma_start3A_519] : memref<8192x4096xf32, #tpu.memory_space<hbm>> -> memref<2x4096xf32, #tpu.memory_space<hbm>>
    %dma_start3A_521 = arith.constant 0 : i32
    %dma_start3A_522 = tpu.memref_slice %arg4[%add3A_518, %dma_start3A_521] : memref<8192x4096xf32, #tpu.memory_space<hbm>> -> memref<2x4096xf32, #tpu.memory_space<hbm>>
    tpu.enqueue_dma source(%arg11 : memref<2x4096xf32, #tpu.memory_space<vmem>>) target(%dma_start3A_522 : memref<2x4096xf32, #tpu.memory_space<hbm>>) target_semaphore(%arg19 : memref<!tpu.dma_semaphore, #tpu.memory_space<semaphore_mem>>)
    %add3A_523 = arith.constant 58 : i32
    %add3A_524 = arith.addi %mul3A_2, %add3A_523 : i32
    %dma_start3A_525 = arith.constant 0 : i32
    %dma_start3A_526 = tpu.memref_slice %arg3[%add3A_524, %dma_start3A_525] : memref<8192x8192xf32, #tpu.memory_space<hbm>> -> memref<2x8192xf32, #tpu.memory_space<hbm>>
    %dma_start3A_527 = arith.constant 0 : i32
    %dma_start3A_528 = tpu.memref_slice %arg3[%add3A_524, %dma_start3A_527] : memref<8192x8192xf32, #tpu.memory_space<hbm>> -> memref<2x8192xf32, #tpu.memory_space<hbm>>
    tpu.enqueue_dma source(%dma_start3A_528 : memref<2x8192xf32, #tpu.memory_space<hbm>>) target(%arg7 : memref<2x8192xf32, #tpu.memory_space<vmem>>) target_semaphore(%arg15 : memref<!tpu.dma_semaphore, #tpu.memory_space<semaphore_mem>>)
    %dma_wait3A_529 = arith.constant 0 : i32
    %dma_wait3A_530 = tpu.memref_slice %arg3[%add3A_464, %dma_wait3A_529] : memref<8192x8192xf32, #tpu.memory_space<hbm>> -> memref<2x8192xf32, #tpu.memory_space<hbm>>
    %dma_wait3A_531 = arith.constant 0 : i32
    %dma_wait3A_532 = tpu.memref_slice %arg3[%add3A_464, %dma_wait3A_531] : memref<8192x8192xf32, #tpu.memory_space<hbm>> -> memref<2x8192xf32, #tpu.memory_space<hbm>>
    tpu.wait_dma2 semaphore(%arg16 : memref<!tpu.dma_semaphore, #tpu.memory_space<semaphore_mem>>) src(%dma_wait3A_532 : memref<2x8192xf32, #tpu.memory_space<hbm>>) dst(%arg8 : memref<2x8192xf32, #tpu.memory_space<vmem>>)
    %dma_wait3A_533 = arith.constant 0 : i32
    %dma_wait3A_534 = tpu.memref_slice %arg4[%add3A_458, %dma_wait3A_533] : memref<8192x4096xf32, #tpu.memory_space<hbm>> -> memref<2x4096xf32, #tpu.memory_space<hbm>>
    %dma_wait3A_535 = arith.constant 0 : i32
    %dma_wait3A_536 = tpu.memref_slice %arg4[%add3A_458, %dma_wait3A_535] : memref<8192x4096xf32, #tpu.memory_space<hbm>> -> memref<2x4096xf32, #tpu.memory_space<hbm>>
    tpu.wait_dma2 semaphore(%arg20 : memref<!tpu.dma_semaphore, #tpu.memory_space<semaphore_mem>>) src(%arg12 : memref<2x4096xf32, #tpu.memory_space<vmem>>) dst(%dma_wait3A_536 : memref<2x4096xf32, #tpu.memory_space<hbm>>)
    %add3A_537 = arith.constant 52 : i32
    %add3A_538 = arith.addi %mul3A_2, %add3A_537 : i32
    %dma_start3A_539 = arith.constant 0 : i32
    %dma_start3A_540 = tpu.memref_slice %arg4[%add3A_538, %dma_start3A_539] : memref<8192x4096xf32, #tpu.memory_space<hbm>> -> memref<2x4096xf32, #tpu.memory_space<hbm>>
    %dma_start3A_541 = arith.constant 0 : i32
    %dma_start3A_542 = tpu.memref_slice %arg4[%add3A_538, %dma_start3A_541] : memref<8192x4096xf32, #tpu.memory_space<hbm>> -> memref<2x4096xf32, #tpu.memory_space<hbm>>
    tpu.enqueue_dma source(%arg12 : memref<2x4096xf32, #tpu.memory_space<vmem>>) target(%dma_start3A_542 : memref<2x4096xf32, #tpu.memory_space<hbm>>) target_semaphore(%arg20 : memref<!tpu.dma_semaphore, #tpu.memory_space<semaphore_mem>>)
    %add3A_543 = arith.constant 60 : i32
    %add3A_544 = arith.addi %mul3A_2, %add3A_543 : i32
    %dma_start3A_545 = arith.constant 0 : i32
    %dma_start3A_546 = tpu.memref_slice %arg3[%add3A_544, %dma_start3A_545] : memref<8192x8192xf32, #tpu.memory_space<hbm>> -> memref<2x8192xf32, #tpu.memory_space<hbm>>
    %dma_start3A_547 = arith.constant 0 : i32
    %dma_start3A_548 = tpu.memref_slice %arg3[%add3A_544, %dma_start3A_547] : memref<8192x8192xf32, #tpu.memory_space<hbm>> -> memref<2x8192xf32, #tpu.memory_space<hbm>>
    tpu.enqueue_dma source(%dma_start3A_548 : memref<2x8192xf32, #tpu.memory_space<hbm>>) target(%arg8 : memref<2x8192xf32, #tpu.memory_space<vmem>>) target_semaphore(%arg16 : memref<!tpu.dma_semaphore, #tpu.memory_space<semaphore_mem>>)
    %dma_wait3A_549 = arith.constant 0 : i32
    %dma_wait3A_550 = tpu.memref_slice %arg3[%add3A_484, %dma_wait3A_549] : memref<8192x8192xf32, #tpu.memory_space<hbm>> -> memref<2x8192xf32, #tpu.memory_space<hbm>>
    %dma_wait3A_551 = arith.constant 0 : i32
    %dma_wait3A_552 = tpu.memref_slice %arg3[%add3A_484, %dma_wait3A_551] : memref<8192x8192xf32, #tpu.memory_space<hbm>> -> memref<2x8192xf32, #tpu.memory_space<hbm>>
    tpu.wait_dma2 semaphore(%arg17 : memref<!tpu.dma_semaphore, #tpu.memory_space<semaphore_mem>>) src(%dma_wait3A_552 : memref<2x8192xf32, #tpu.memory_space<hbm>>) dst(%arg9 : memref<2x8192xf32, #tpu.memory_space<vmem>>)
    %dma_wait3A_553 = arith.constant 0 : i32
    %dma_wait3A_554 = tpu.memref_slice %arg4[%add3A_478, %dma_wait3A_553] : memref<8192x4096xf32, #tpu.memory_space<hbm>> -> memref<2x4096xf32, #tpu.memory_space<hbm>>
    %dma_wait3A_555 = arith.constant 0 : i32
    %dma_wait3A_556 = tpu.memref_slice %arg4[%add3A_478, %dma_wait3A_555] : memref<8192x4096xf32, #tpu.memory_space<hbm>> -> memref<2x4096xf32, #tpu.memory_space<hbm>>
    tpu.wait_dma2 semaphore(%arg21 : memref<!tpu.dma_semaphore, #tpu.memory_space<semaphore_mem>>) src(%arg13 : memref<2x4096xf32, #tpu.memory_space<vmem>>) dst(%dma_wait3A_556 : memref<2x4096xf32, #tpu.memory_space<hbm>>)
    %add3A_557 = arith.constant 54 : i32
    %add3A_558 = arith.addi %mul3A_2, %add3A_557 : i32
    %dma_start3A_559 = arith.constant 0 : i32
    %dma_start3A_560 = tpu.memref_slice %arg4[%add3A_558, %dma_start3A_559] : memref<8192x4096xf32, #tpu.memory_space<hbm>> -> memref<2x4096xf32, #tpu.memory_space<hbm>>
    %dma_start3A_561 = arith.constant 0 : i32
    %dma_start3A_562 = tpu.memref_slice %arg4[%add3A_558, %dma_start3A_561] : memref<8192x4096xf32, #tpu.memory_space<hbm>> -> memref<2x4096xf32, #tpu.memory_space<hbm>>
    tpu.enqueue_dma source(%arg13 : memref<2x4096xf32, #tpu.memory_space<vmem>>) target(%dma_start3A_562 : memref<2x4096xf32, #tpu.memory_space<hbm>>) target_semaphore(%arg21 : memref<!tpu.dma_semaphore, #tpu.memory_space<semaphore_mem>>)
    %add3A_563 = arith.constant 62 : i32
    %add3A_564 = arith.addi %mul3A_2, %add3A_563 : i32
    %dma_start3A_565 = arith.constant 0 : i32
    %dma_start3A_566 = tpu.memref_slice %arg3[%add3A_564, %dma_start3A_565] : memref<8192x8192xf32, #tpu.memory_space<hbm>> -> memref<2x8192xf32, #tpu.memory_space<hbm>>
    %dma_start3A_567 = arith.constant 0 : i32
    %dma_start3A_568 = tpu.memref_slice %arg3[%add3A_564, %dma_start3A_567] : memref<8192x8192xf32, #tpu.memory_space<hbm>> -> memref<2x8192xf32, #tpu.memory_space<hbm>>
    tpu.enqueue_dma source(%dma_start3A_568 : memref<2x8192xf32, #tpu.memory_space<hbm>>) target(%arg9 : memref<2x8192xf32, #tpu.memory_space<vmem>>) target_semaphore(%arg17 : memref<!tpu.dma_semaphore, #tpu.memory_space<semaphore_mem>>)
    %dma_wait3A_569 = arith.constant 0 : i32
    %dma_wait3A_570 = tpu.memref_slice %arg3[%add3A_504, %dma_wait3A_569] : memref<8192x8192xf32, #tpu.memory_space<hbm>> -> memref<2x8192xf32, #tpu.memory_space<hbm>>
    %dma_wait3A_571 = arith.constant 0 : i32
    %dma_wait3A_572 = tpu.memref_slice %arg3[%add3A_504, %dma_wait3A_571] : memref<8192x8192xf32, #tpu.memory_space<hbm>> -> memref<2x8192xf32, #tpu.memory_space<hbm>>
    tpu.wait_dma2 semaphore(%arg14 : memref<!tpu.dma_semaphore, #tpu.memory_space<semaphore_mem>>) src(%dma_wait3A_572 : memref<2x8192xf32, #tpu.memory_space<hbm>>) dst(%arg6 : memref<2x8192xf32, #tpu.memory_space<vmem>>)
    %dma_wait3A_573 = arith.constant 0 : i32
    %dma_wait3A_574 = tpu.memref_slice %arg4[%add3A_498, %dma_wait3A_573] : memref<8192x4096xf32, #tpu.memory_space<hbm>> -> memref<2x4096xf32, #tpu.memory_space<hbm>>
    %dma_wait3A_575 = arith.constant 0 : i32
    %dma_wait3A_576 = tpu.memref_slice %arg4[%add3A_498, %dma_wait3A_575] : memref<8192x4096xf32, #tpu.memory_space<hbm>> -> memref<2x4096xf32, #tpu.memory_space<hbm>>
    tpu.wait_dma2 semaphore(%arg18 : memref<!tpu.dma_semaphore, #tpu.memory_space<semaphore_mem>>) src(%arg10 : memref<2x4096xf32, #tpu.memory_space<vmem>>) dst(%dma_wait3A_576 : memref<2x4096xf32, #tpu.memory_space<hbm>>)
    %add3A_577 = arith.constant 56 : i32
    %add3A_578 = arith.addi %mul3A_2, %add3A_577 : i32
    %dma_start3A_579 = arith.constant 0 : i32
    %dma_start3A_580 = tpu.memref_slice %arg4[%add3A_578, %dma_start3A_579] : memref<8192x4096xf32, #tpu.memory_space<hbm>> -> memref<2x4096xf32, #tpu.memory_space<hbm>>
    %dma_start3A_581 = arith.constant 0 : i32
    %dma_start3A_582 = tpu.memref_slice %arg4[%add3A_578, %dma_start3A_581] : memref<8192x4096xf32, #tpu.memory_space<hbm>> -> memref<2x4096xf32, #tpu.memory_space<hbm>>
    tpu.enqueue_dma source(%arg10 : memref<2x4096xf32, #tpu.memory_space<vmem>>) target(%dma_start3A_582 : memref<2x4096xf32, #tpu.memory_space<hbm>>) target_semaphore(%arg18 : memref<!tpu.dma_semaphore, #tpu.memory_space<semaphore_mem>>)
    %add3A_583 = arith.constant 64 : i32
    %add3A_584 = arith.addi %mul3A_2, %add3A_583 : i32
    %dma_start3A_585 = arith.constant 0 : i32
    %dma_start3A_586 = tpu.memref_slice %arg3[%add3A_584, %dma_start3A_585] : memref<8192x8192xf32, #tpu.memory_space<hbm>> -> memref<2x8192xf32, #tpu.memory_space<hbm>>
    %dma_start3A_587 = arith.constant 0 : i32
    %dma_start3A_588 = tpu.memref_slice %arg3[%add3A_584, %dma_start3A_587] : memref<8192x8192xf32, #tpu.memory_space<hbm>> -> memref<2x8192xf32, #tpu.memory_space<hbm>>
    tpu.enqueue_dma source(%dma_start3A_588 : memref<2x8192xf32, #tpu.memory_space<hbm>>) target(%arg6 : memref<2x8192xf32, #tpu.memory_space<vmem>>) target_semaphore(%arg14 : memref<!tpu.dma_semaphore, #tpu.memory_space<semaphore_mem>>)
    %dma_wait3A_589 = arith.constant 0 : i32
    %dma_wait3A_590 = tpu.memref_slice %arg3[%add3A_524, %dma_wait3A_589] : memref<8192x8192xf32, #tpu.memory_space<hbm>> -> memref<2x8192xf32, #tpu.memory_space<hbm>>
    %dma_wait3A_591 = arith.constant 0 : i32
    %dma_wait3A_592 = tpu.memref_slice %arg3[%add3A_524, %dma_wait3A_591] : memref<8192x8192xf32, #tpu.memory_space<hbm>> -> memref<2x8192xf32, #tpu.memory_space<hbm>>
    tpu.wait_dma2 semaphore(%arg15 : memref<!tpu.dma_semaphore, #tpu.memory_space<semaphore_mem>>) src(%dma_wait3A_592 : memref<2x8192xf32, #tpu.memory_space<hbm>>) dst(%arg7 : memref<2x8192xf32, #tpu.memory_space<vmem>>)
    %dma_wait3A_593 = arith.constant 0 : i32
    %dma_wait3A_594 = tpu.memref_slice %arg4[%add3A_518, %dma_wait3A_593] : memref<8192x4096xf32, #tpu.memory_space<hbm>> -> memref<2x4096xf32, #tpu.memory_space<hbm>>
    %dma_wait3A_595 = arith.constant 0 : i32
    %dma_wait3A_596 = tpu.memref_slice %arg4[%add3A_518, %dma_wait3A_595] : memref<8192x4096xf32, #tpu.memory_space<hbm>> -> memref<2x4096xf32, #tpu.memory_space<hbm>>
    tpu.wait_dma2 semaphore(%arg19 : memref<!tpu.dma_semaphore, #tpu.memory_space<semaphore_mem>>) src(%arg11 : memref<2x4096xf32, #tpu.memory_space<vmem>>) dst(%dma_wait3A_596 : memref<2x4096xf32, #tpu.memory_space<hbm>>)
    %add3A_597 = arith.constant 58 : i32
    %add3A_598 = arith.addi %mul3A_2, %add3A_597 : i32
    %dma_start3A_599 = arith.constant 0 : i32
    %dma_start3A_600 = tpu.memref_slice %arg4[%add3A_598, %dma_start3A_599] : memref<8192x4096xf32, #tpu.memory_space<hbm>> -> memref<2x4096xf32, #tpu.memory_space<hbm>>
    %dma_start3A_601 = arith.constant 0 : i32
    %dma_start3A_602 = tpu.memref_slice %arg4[%add3A_598, %dma_start3A_601] : memref<8192x4096xf32, #tpu.memory_space<hbm>> -> memref<2x4096xf32, #tpu.memory_space<hbm>>
    tpu.enqueue_dma source(%arg11 : memref<2x4096xf32, #tpu.memory_space<vmem>>) target(%dma_start3A_602 : memref<2x4096xf32, #tpu.memory_space<hbm>>) target_semaphore(%arg19 : memref<!tpu.dma_semaphore, #tpu.memory_space<semaphore_mem>>)
    %add3A_603 = arith.constant 66 : i32
    %add3A_604 = arith.addi %mul3A_2, %add3A_603 : i32
    %dma_start3A_605 = arith.constant 0 : i32
    %dma_start3A_606 = tpu.memref_slice %arg3[%add3A_604, %dma_start3A_605] : memref<8192x8192xf32, #tpu.memory_space<hbm>> -> memref<2x8192xf32, #tpu.memory_space<hbm>>
    %dma_start3A_607 = arith.constant 0 : i32
    %dma_start3A_608 = tpu.memref_slice %arg3[%add3A_604, %dma_start3A_607] : memref<8192x8192xf32, #tpu.memory_space<hbm>> -> memref<2x8192xf32, #tpu.memory_space<hbm>>
    tpu.enqueue_dma source(%dma_start3A_608 : memref<2x8192xf32, #tpu.memory_space<hbm>>) target(%arg7 : memref<2x8192xf32, #tpu.memory_space<vmem>>) target_semaphore(%arg15 : memref<!tpu.dma_semaphore, #tpu.memory_space<semaphore_mem>>)
    %dma_wait3A_609 = arith.constant 0 : i32
    %dma_wait3A_610 = tpu.memref_slice %arg3[%add3A_544, %dma_wait3A_609] : memref<8192x8192xf32, #tpu.memory_space<hbm>> -> memref<2x8192xf32, #tpu.memory_space<hbm>>
    %dma_wait3A_611 = arith.constant 0 : i32
    %dma_wait3A_612 = tpu.memref_slice %arg3[%add3A_544, %dma_wait3A_611] : memref<8192x8192xf32, #tpu.memory_space<hbm>> -> memref<2x8192xf32, #tpu.memory_space<hbm>>
    tpu.wait_dma2 semaphore(%arg16 : memref<!tpu.dma_semaphore, #tpu.memory_space<semaphore_mem>>) src(%dma_wait3A_612 : memref<2x8192xf32, #tpu.memory_space<hbm>>) dst(%arg8 : memref<2x8192xf32, #tpu.memory_space<vmem>>)
    %dma_wait3A_613 = arith.constant 0 : i32
    %dma_wait3A_614 = tpu.memref_slice %arg4[%add3A_538, %dma_wait3A_613] : memref<8192x4096xf32, #tpu.memory_space<hbm>> -> memref<2x4096xf32, #tpu.memory_space<hbm>>
    %dma_wait3A_615 = arith.constant 0 : i32
    %dma_wait3A_616 = tpu.memref_slice %arg4[%add3A_538, %dma_wait3A_615] : memref<8192x4096xf32, #tpu.memory_space<hbm>> -> memref<2x4096xf32, #tpu.memory_space<hbm>>
    tpu.wait_dma2 semaphore(%arg20 : memref<!tpu.dma_semaphore, #tpu.memory_space<semaphore_mem>>) src(%arg12 : memref<2x4096xf32, #tpu.memory_space<vmem>>) dst(%dma_wait3A_616 : memref<2x4096xf32, #tpu.memory_space<hbm>>)
    %add3A_617 = arith.constant 60 : i32
    %add3A_618 = arith.addi %mul3A_2, %add3A_617 : i32
    %dma_start3A_619 = arith.constant 0 : i32
    %dma_start3A_620 = tpu.memref_slice %arg4[%add3A_618, %dma_start3A_619] : memref<8192x4096xf32, #tpu.memory_space<hbm>> -> memref<2x4096xf32, #tpu.memory_space<hbm>>
    %dma_start3A_621 = arith.constant 0 : i32
    %dma_start3A_622 = tpu.memref_slice %arg4[%add3A_618, %dma_start3A_621] : memref<8192x4096xf32, #tpu.memory_space<hbm>> -> memref<2x4096xf32, #tpu.memory_space<hbm>>
    tpu.enqueue_dma source(%arg12 : memref<2x4096xf32, #tpu.memory_space<vmem>>) target(%dma_start3A_622 : memref<2x4096xf32, #tpu.memory_space<hbm>>) target_semaphore(%arg20 : memref<!tpu.dma_semaphore, #tpu.memory_space<semaphore_mem>>)
    %add3A_623 = arith.constant 68 : i32
    %add3A_624 = arith.addi %mul3A_2, %add3A_623 : i32
    %dma_start3A_625 = arith.constant 0 : i32
    %dma_start3A_626 = tpu.memref_slice %arg3[%add3A_624, %dma_start3A_625] : memref<8192x8192xf32, #tpu.memory_space<hbm>> -> memref<2x8192xf32, #tpu.memory_space<hbm>>
    %dma_start3A_627 = arith.constant 0 : i32
    %dma_start3A_628 = tpu.memref_slice %arg3[%add3A_624, %dma_start3A_627] : memref<8192x8192xf32, #tpu.memory_space<hbm>> -> memref<2x8192xf32, #tpu.memory_space<hbm>>
    tpu.enqueue_dma source(%dma_start3A_628 : memref<2x8192xf32, #tpu.memory_space<hbm>>) target(%arg8 : memref<2x8192xf32, #tpu.memory_space<vmem>>) target_semaphore(%arg16 : memref<!tpu.dma_semaphore, #tpu.memory_space<semaphore_mem>>)
    %dma_wait3A_629 = arith.constant 0 : i32
    %dma_wait3A_630 = tpu.memref_slice %arg3[%add3A_564, %dma_wait3A_629] : memref<8192x8192xf32, #tpu.memory_space<hbm>> -> memref<2x8192xf32, #tpu.memory_space<hbm>>
    %dma_wait3A_631 = arith.constant 0 : i32
    %dma_wait3A_632 = tpu.memref_slice %arg3[%add3A_564, %dma_wait3A_631] : memref<8192x8192xf32, #tpu.memory_space<hbm>> -> memref<2x8192xf32, #tpu.memory_space<hbm>>
    tpu.wait_dma2 semaphore(%arg17 : memref<!tpu.dma_semaphore, #tpu.memory_space<semaphore_mem>>) src(%dma_wait3A_632 : memref<2x8192xf32, #tpu.memory_space<hbm>>) dst(%arg9 : memref<2x8192xf32, #tpu.memory_space<vmem>>)
    %dma_wait3A_633 = arith.constant 0 : i32
    %dma_wait3A_634 = tpu.memref_slice %arg4[%add3A_558, %dma_wait3A_633] : memref<8192x4096xf32, #tpu.memory_space<hbm>> -> memref<2x4096xf32, #tpu.memory_space<hbm>>
    %dma_wait3A_635 = arith.constant 0 : i32
    %dma_wait3A_636 = tpu.memref_slice %arg4[%add3A_558, %dma_wait3A_635] : memref<8192x4096xf32, #tpu.memory_space<hbm>> -> memref<2x4096xf32, #tpu.memory_space<hbm>>
    tpu.wait_dma2 semaphore(%arg21 : memref<!tpu.dma_semaphore, #tpu.memory_space<semaphore_mem>>) src(%arg13 : memref<2x4096xf32, #tpu.memory_space<vmem>>) dst(%dma_wait3A_636 : memref<2x4096xf32, #tpu.memory_space<hbm>>)
    %add3A_637 = arith.constant 62 : i32
    %add3A_638 = arith.addi %mul3A_2, %add3A_637 : i32
    %dma_start3A_639 = arith.constant 0 : i32
    %dma_start3A_640 = tpu.memref_slice %arg4[%add3A_638, %dma_start3A_639] : memref<8192x4096xf32, #tpu.memory_space<hbm>> -> memref<2x4096xf32, #tpu.memory_space<hbm>>
    %dma_start3A_641 = arith.constant 0 : i32
    %dma_start3A_642 = tpu.memref_slice %arg4[%add3A_638, %dma_start3A_641] : memref<8192x4096xf32, #tpu.memory_space<hbm>> -> memref<2x4096xf32, #tpu.memory_space<hbm>>
    tpu.enqueue_dma source(%arg13 : memref<2x4096xf32, #tpu.memory_space<vmem>>) target(%dma_start3A_642 : memref<2x4096xf32, #tpu.memory_space<hbm>>) target_semaphore(%arg21 : memref<!tpu.dma_semaphore, #tpu.memory_space<semaphore_mem>>)
    %add3A_643 = arith.constant 70 : i32
    %add3A_644 = arith.addi %mul3A_2, %add3A_643 : i32
    %dma_start3A_645 = arith.constant 0 : i32
    %dma_start3A_646 = tpu.memref_slice %arg3[%add3A_644, %dma_start3A_645] : memref<8192x8192xf32, #tpu.memory_space<hbm>> -> memref<2x8192xf32, #tpu.memory_space<hbm>>
    %dma_start3A_647 = arith.constant 0 : i32
    %dma_start3A_648 = tpu.memref_slice %arg3[%add3A_644, %dma_start3A_647] : memref<8192x8192xf32, #tpu.memory_space<hbm>> -> memref<2x8192xf32, #tpu.memory_space<hbm>>
    tpu.enqueue_dma source(%dma_start3A_648 : memref<2x8192xf32, #tpu.memory_space<hbm>>) target(%arg9 : memref<2x8192xf32, #tpu.memory_space<vmem>>) target_semaphore(%arg17 : memref<!tpu.dma_semaphore, #tpu.memory_space<semaphore_mem>>)
    %dma_wait3A_649 = arith.constant 0 : i32
    %dma_wait3A_650 = tpu.memref_slice %arg3[%add3A_584, %dma_wait3A_649] : memref<8192x8192xf32, #tpu.memory_space<hbm>> -> memref<2x8192xf32, #tpu.memory_space<hbm>>
    %dma_wait3A_651 = arith.constant 0 : i32
    %dma_wait3A_652 = tpu.memref_slice %arg3[%add3A_584, %dma_wait3A_651] : memref<8192x8192xf32, #tpu.memory_space<hbm>> -> memref<2x8192xf32, #tpu.memory_space<hbm>>
    tpu.wait_dma2 semaphore(%arg14 : memref<!tpu.dma_semaphore, #tpu.memory_space<semaphore_mem>>) src(%dma_wait3A_652 : memref<2x8192xf32, #tpu.memory_space<hbm>>) dst(%arg6 : memref<2x8192xf32, #tpu.memory_space<vmem>>)
    %dma_wait3A_653 = arith.constant 0 : i32
    %dma_wait3A_654 = tpu.memref_slice %arg4[%add3A_578, %dma_wait3A_653] : memref<8192x4096xf32, #tpu.memory_space<hbm>> -> memref<2x4096xf32, #tpu.memory_space<hbm>>
    %dma_wait3A_655 = arith.constant 0 : i32
    %dma_wait3A_656 = tpu.memref_slice %arg4[%add3A_578, %dma_wait3A_655] : memref<8192x4096xf32, #tpu.memory_space<hbm>> -> memref<2x4096xf32, #tpu.memory_space<hbm>>
    tpu.wait_dma2 semaphore(%arg18 : memref<!tpu.dma_semaphore, #tpu.memory_space<semaphore_mem>>) src(%arg10 : memref<2x4096xf32, #tpu.memory_space<vmem>>) dst(%dma_wait3A_656 : memref<2x4096xf32, #tpu.memory_space<hbm>>)
    %add3A_657 = arith.constant 64 : i32
    %add3A_658 = arith.addi %mul3A_2, %add3A_657 : i32
    %dma_start3A_659 = arith.constant 0 : i32
    %dma_start3A_660 = tpu.memref_slice %arg4[%add3A_658, %dma_start3A_659] : memref<8192x4096xf32, #tpu.memory_space<hbm>> -> memref<2x4096xf32, #tpu.memory_space<hbm>>
    %dma_start3A_661 = arith.constant 0 : i32
    %dma_start3A_662 = tpu.memref_slice %arg4[%add3A_658, %dma_start3A_661] : memref<8192x4096xf32, #tpu.memory_space<hbm>> -> memref<2x4096xf32, #tpu.memory_space<hbm>>
    tpu.enqueue_dma source(%arg10 : memref<2x4096xf32, #tpu.memory_space<vmem>>) target(%dma_start3A_662 : memref<2x4096xf32, #tpu.memory_space<hbm>>) target_semaphore(%arg18 : memref<!tpu.dma_semaphore, #tpu.memory_space<semaphore_mem>>)
    %add3A_663 = arith.constant 72 : i32
    %add3A_664 = arith.addi %mul3A_2, %add3A_663 : i32
    %dma_start3A_665 = arith.constant 0 : i32
    %dma_start3A_666 = tpu.memref_slice %arg3[%add3A_664, %dma_start3A_665] : memref<8192x8192xf32, #tpu.memory_space<hbm>> -> memref<2x8192xf32, #tpu.memory_space<hbm>>
    %dma_start3A_667 = arith.constant 0 : i32
    %dma_start3A_668 = tpu.memref_slice %arg3[%add3A_664, %dma_start3A_667] : memref<8192x8192xf32, #tpu.memory_space<hbm>> -> memref<2x8192xf32, #tpu.memory_space<hbm>>
    tpu.enqueue_dma source(%dma_start3A_668 : memref<2x8192xf32, #tpu.memory_space<hbm>>) target(%arg6 : memref<2x8192xf32, #tpu.memory_space<vmem>>) target_semaphore(%arg14 : memref<!tpu.dma_semaphore, #tpu.memory_space<semaphore_mem>>)
    %dma_wait3A_669 = arith.constant 0 : i32
    %dma_wait3A_670 = tpu.memref_slice %arg3[%add3A_604, %dma_wait3A_669] : memref<8192x8192xf32, #tpu.memory_space<hbm>> -> memref<2x8192xf32, #tpu.memory_space<hbm>>
    %dma_wait3A_671 = arith.constant 0 : i32
    %dma_wait3A_672 = tpu.memref_slice %arg3[%add3A_604, %dma_wait3A_671] : memref<8192x8192xf32, #tpu.memory_space<hbm>> -> memref<2x8192xf32, #tpu.memory_space<hbm>>
    tpu.wait_dma2 semaphore(%arg15 : memref<!tpu.dma_semaphore, #tpu.memory_space<semaphore_mem>>) src(%dma_wait3A_672 : memref<2x8192xf32, #tpu.memory_space<hbm>>) dst(%arg7 : memref<2x8192xf32, #tpu.memory_space<vmem>>)
    %dma_wait3A_673 = arith.constant 0 : i32
    %dma_wait3A_674 = tpu.memref_slice %arg4[%add3A_598, %dma_wait3A_673] : memref<8192x4096xf32, #tpu.memory_space<hbm>> -> memref<2x4096xf32, #tpu.memory_space<hbm>>
    %dma_wait3A_675 = arith.constant 0 : i32
    %dma_wait3A_676 = tpu.memref_slice %arg4[%add3A_598, %dma_wait3A_675] : memref<8192x4096xf32, #tpu.memory_space<hbm>> -> memref<2x4096xf32, #tpu.memory_space<hbm>>
    tpu.wait_dma2 semaphore(%arg19 : memref<!tpu.dma_semaphore, #tpu.memory_space<semaphore_mem>>) src(%arg11 : memref<2x4096xf32, #tpu.memory_space<vmem>>) dst(%dma_wait3A_676 : memref<2x4096xf32, #tpu.memory_space<hbm>>)
    %add3A_677 = arith.constant 66 : i32
    %add3A_678 = arith.addi %mul3A_2, %add3A_677 : i32
    %dma_start3A_679 = arith.constant 0 : i32
    %dma_start3A_680 = tpu.memref_slice %arg4[%add3A_678, %dma_start3A_679] : memref<8192x4096xf32, #tpu.memory_space<hbm>> -> memref<2x4096xf32, #tpu.memory_space<hbm>>
    %dma_start3A_681 = arith.constant 0 : i32
    %dma_start3A_682 = tpu.memref_slice %arg4[%add3A_678, %dma_start3A_681] : memref<8192x4096xf32, #tpu.memory_space<hbm>> -> memref<2x4096xf32, #tpu.memory_space<hbm>>
    tpu.enqueue_dma source(%arg11 : memref<2x4096xf32, #tpu.memory_space<vmem>>) target(%dma_start3A_682 : memref<2x4096xf32, #tpu.memory_space<hbm>>) target_semaphore(%arg19 : memref<!tpu.dma_semaphore, #tpu.memory_space<semaphore_mem>>)
    %add3A_683 = arith.constant 74 : i32
    %add3A_684 = arith.addi %mul3A_2, %add3A_683 : i32
    %dma_start3A_685 = arith.constant 0 : i32
    %dma_start3A_686 = tpu.memref_slice %arg3[%add3A_684, %dma_start3A_685] : memref<8192x8192xf32, #tpu.memory_space<hbm>> -> memref<2x8192xf32, #tpu.memory_space<hbm>>
    %dma_start3A_687 = arith.constant 0 : i32
    %dma_start3A_688 = tpu.memref_slice %arg3[%add3A_684, %dma_start3A_687] : memref<8192x8192xf32, #tpu.memory_space<hbm>> -> memref<2x8192xf32, #tpu.memory_space<hbm>>
    tpu.enqueue_dma source(%dma_start3A_688 : memref<2x8192xf32, #tpu.memory_space<hbm>>) target(%arg7 : memref<2x8192xf32, #tpu.memory_space<vmem>>) target_semaphore(%arg15 : memref<!tpu.dma_semaphore, #tpu.memory_space<semaphore_mem>>)
    %dma_wait3A_689 = arith.constant 0 : i32
    %dma_wait3A_690 = tpu.memref_slice %arg3[%add3A_624, %dma_wait3A_689] : memref<8192x8192xf32, #tpu.memory_space<hbm>> -> memref<2x8192xf32, #tpu.memory_space<hbm>>
    %dma_wait3A_691 = arith.constant 0 : i32
    %dma_wait3A_692 = tpu.memref_slice %arg3[%add3A_624, %dma_wait3A_691] : memref<8192x8192xf32, #tpu.memory_space<hbm>> -> memref<2x8192xf32, #tpu.memory_space<hbm>>
    tpu.wait_dma2 semaphore(%arg16 : memref<!tpu.dma_semaphore, #tpu.memory_space<semaphore_mem>>) src(%dma_wait3A_692 : memref<2x8192xf32, #tpu.memory_space<hbm>>) dst(%arg8 : memref<2x8192xf32, #tpu.memory_space<vmem>>)
    %dma_wait3A_693 = arith.constant 0 : i32
    %dma_wait3A_694 = tpu.memref_slice %arg4[%add3A_618, %dma_wait3A_693] : memref<8192x4096xf32, #tpu.memory_space<hbm>> -> memref<2x4096xf32, #tpu.memory_space<hbm>>
    %dma_wait3A_695 = arith.constant 0 : i32
    %dma_wait3A_696 = tpu.memref_slice %arg4[%add3A_618, %dma_wait3A_695] : memref<8192x4096xf32, #tpu.memory_space<hbm>> -> memref<2x4096xf32, #tpu.memory_space<hbm>>
    tpu.wait_dma2 semaphore(%arg20 : memref<!tpu.dma_semaphore, #tpu.memory_space<semaphore_mem>>) src(%arg12 : memref<2x4096xf32, #tpu.memory_space<vmem>>) dst(%dma_wait3A_696 : memref<2x4096xf32, #tpu.memory_space<hbm>>)
    %add3A_697 = arith.constant 68 : i32
    %add3A_698 = arith.addi %mul3A_2, %add3A_697 : i32
    %dma_start3A_699 = arith.constant 0 : i32
    %dma_start3A_700 = tpu.memref_slice %arg4[%add3A_698, %dma_start3A_699] : memref<8192x4096xf32, #tpu.memory_space<hbm>> -> memref<2x4096xf32, #tpu.memory_space<hbm>>
    %dma_start3A_701 = arith.constant 0 : i32
    %dma_start3A_702 = tpu.memref_slice %arg4[%add3A_698, %dma_start3A_701] : memref<8192x4096xf32, #tpu.memory_space<hbm>> -> memref<2x4096xf32, #tpu.memory_space<hbm>>
    tpu.enqueue_dma source(%arg12 : memref<2x4096xf32, #tpu.memory_space<vmem>>) target(%dma_start3A_702 : memref<2x4096xf32, #tpu.memory_space<hbm>>) target_semaphore(%arg20 : memref<!tpu.dma_semaphore, #tpu.memory_space<semaphore_mem>>)
    %add3A_703 = arith.constant 76 : i32
    %add3A_704 = arith.addi %mul3A_2, %add3A_703 : i32
    %dma_start3A_705 = arith.constant 0 : i32
    %dma_start3A_706 = tpu.memref_slice %arg3[%add3A_704, %dma_start3A_705] : memref<8192x8192xf32, #tpu.memory_space<hbm>> -> memref<2x8192xf32, #tpu.memory_space<hbm>>
    %dma_start3A_707 = arith.constant 0 : i32
    %dma_start3A_708 = tpu.memref_slice %arg3[%add3A_704, %dma_start3A_707] : memref<8192x8192xf32, #tpu.memory_space<hbm>> -> memref<2x8192xf32, #tpu.memory_space<hbm>>
    tpu.enqueue_dma source(%dma_start3A_708 : memref<2x8192xf32, #tpu.memory_space<hbm>>) target(%arg8 : memref<2x8192xf32, #tpu.memory_space<vmem>>) target_semaphore(%arg16 : memref<!tpu.dma_semaphore, #tpu.memory_space<semaphore_mem>>)
    %dma_wait3A_709 = arith.constant 0 : i32
    %dma_wait3A_710 = tpu.memref_slice %arg3[%add3A_644, %dma_wait3A_709] : memref<8192x8192xf32, #tpu.memory_space<hbm>> -> memref<2x8192xf32, #tpu.memory_space<hbm>>
    %dma_wait3A_711 = arith.constant 0 : i32
    %dma_wait3A_712 = tpu.memref_slice %arg3[%add3A_644, %dma_wait3A_711] : memref<8192x8192xf32, #tpu.memory_space<hbm>> -> memref<2x8192xf32, #tpu.memory_space<hbm>>
    tpu.wait_dma2 semaphore(%arg17 : memref<!tpu.dma_semaphore, #tpu.memory_space<semaphore_mem>>) src(%dma_wait3A_712 : memref<2x8192xf32, #tpu.memory_space<hbm>>) dst(%arg9 : memref<2x8192xf32, #tpu.memory_space<vmem>>)
    %dma_wait3A_713 = arith.constant 0 : i32
    %dma_wait3A_714 = tpu.memref_slice %arg4[%add3A_638, %dma_wait3A_713] : memref<8192x4096xf32, #tpu.memory_space<hbm>> -> memref<2x4096xf32, #tpu.memory_space<hbm>>
    %dma_wait3A_715 = arith.constant 0 : i32
    %dma_wait3A_716 = tpu.memref_slice %arg4[%add3A_638, %dma_wait3A_715] : memref<8192x4096xf32, #tpu.memory_space<hbm>> -> memref<2x4096xf32, #tpu.memory_space<hbm>>
    tpu.wait_dma2 semaphore(%arg21 : memref<!tpu.dma_semaphore, #tpu.memory_space<semaphore_mem>>) src(%arg13 : memref<2x4096xf32, #tpu.memory_space<vmem>>) dst(%dma_wait3A_716 : memref<2x4096xf32, #tpu.memory_space<hbm>>)
    %add3A_717 = arith.constant 70 : i32
    %add3A_718 = arith.addi %mul3A_2, %add3A_717 : i32
    %dma_start3A_719 = arith.constant 0 : i32
    %dma_start3A_720 = tpu.memref_slice %arg4[%add3A_718, %dma_start3A_719] : memref<8192x4096xf32, #tpu.memory_space<hbm>> -> memref<2x4096xf32, #tpu.memory_space<hbm>>
    %dma_start3A_721 = arith.constant 0 : i32
    %dma_start3A_722 = tpu.memref_slice %arg4[%add3A_718, %dma_start3A_721] : memref<8192x4096xf32, #tpu.memory_space<hbm>> -> memref<2x4096xf32, #tpu.memory_space<hbm>>
    tpu.enqueue_dma source(%arg13 : memref<2x4096xf32, #tpu.memory_space<vmem>>) target(%dma_start3A_722 : memref<2x4096xf32, #tpu.memory_space<hbm>>) target_semaphore(%arg21 : memref<!tpu.dma_semaphore, #tpu.memory_space<semaphore_mem>>)
    %add3A_723 = arith.constant 78 : i32
    %add3A_724 = arith.addi %mul3A_2, %add3A_723 : i32
    %dma_start3A_725 = arith.constant 0 : i32
    %dma_start3A_726 = tpu.memref_slice %arg3[%add3A_724, %dma_start3A_725] : memref<8192x8192xf32, #tpu.memory_space<hbm>> -> memref<2x8192xf32, #tpu.memory_space<hbm>>
    %dma_start3A_727 = arith.constant 0 : i32
    %dma_start3A_728 = tpu.memref_slice %arg3[%add3A_724, %dma_start3A_727] : memref<8192x8192xf32, #tpu.memory_space<hbm>> -> memref<2x8192xf32, #tpu.memory_space<hbm>>
    tpu.enqueue_dma source(%dma_start3A_728 : memref<2x8192xf32, #tpu.memory_space<hbm>>) target(%arg9 : memref<2x8192xf32, #tpu.memory_space<vmem>>) target_semaphore(%arg17 : memref<!tpu.dma_semaphore, #tpu.memory_space<semaphore_mem>>)
    %dma_wait3A_729 = arith.constant 0 : i32
    %dma_wait3A_730 = tpu.memref_slice %arg3[%add3A_664, %dma_wait3A_729] : memref<8192x8192xf32, #tpu.memory_space<hbm>> -> memref<2x8192xf32, #tpu.memory_space<hbm>>
    %dma_wait3A_731 = arith.constant 0 : i32
    %dma_wait3A_732 = tpu.memref_slice %arg3[%add3A_664, %dma_wait3A_731] : memref<8192x8192xf32, #tpu.memory_space<hbm>> -> memref<2x8192xf32, #tpu.memory_space<hbm>>
    tpu.wait_dma2 semaphore(%arg14 : memref<!tpu.dma_semaphore, #tpu.memory_space<semaphore_mem>>) src(%dma_wait3A_732 : memref<2x8192xf32, #tpu.memory_space<hbm>>) dst(%arg6 : memref<2x8192xf32, #tpu.memory_space<vmem>>)
    %dma_wait3A_733 = arith.constant 0 : i32
    %dma_wait3A_734 = tpu.memref_slice %arg4[%add3A_658, %dma_wait3A_733] : memref<8192x4096xf32, #tpu.memory_space<hbm>> -> memref<2x4096xf32, #tpu.memory_space<hbm>>
    %dma_wait3A_735 = arith.constant 0 : i32
    %dma_wait3A_736 = tpu.memref_slice %arg4[%add3A_658, %dma_wait3A_735] : memref<8192x4096xf32, #tpu.memory_space<hbm>> -> memref<2x4096xf32, #tpu.memory_space<hbm>>
    tpu.wait_dma2 semaphore(%arg18 : memref<!tpu.dma_semaphore, #tpu.memory_space<semaphore_mem>>) src(%arg10 : memref<2x4096xf32, #tpu.memory_space<vmem>>) dst(%dma_wait3A_736 : memref<2x4096xf32, #tpu.memory_space<hbm>>)
    %add3A_737 = arith.constant 72 : i32
    %add3A_738 = arith.addi %mul3A_2, %add3A_737 : i32
    %dma_start3A_739 = arith.constant 0 : i32
    %dma_start3A_740 = tpu.memref_slice %arg4[%add3A_738, %dma_start3A_739] : memref<8192x4096xf32, #tpu.memory_space<hbm>> -> memref<2x4096xf32, #tpu.memory_space<hbm>>
    %dma_start3A_741 = arith.constant 0 : i32
    %dma_start3A_742 = tpu.memref_slice %arg4[%add3A_738, %dma_start3A_741] : memref<8192x4096xf32, #tpu.memory_space<hbm>> -> memref<2x4096xf32, #tpu.memory_space<hbm>>
    tpu.enqueue_dma source(%arg10 : memref<2x4096xf32, #tpu.memory_space<vmem>>) target(%dma_start3A_742 : memref<2x4096xf32, #tpu.memory_space<hbm>>) target_semaphore(%arg18 : memref<!tpu.dma_semaphore, #tpu.memory_space<semaphore_mem>>)
    %add3A_743 = arith.constant 80 : i32
    %add3A_744 = arith.addi %mul3A_2, %add3A_743 : i32
    %dma_start3A_745 = arith.constant 0 : i32
    %dma_start3A_746 = tpu.memref_slice %arg3[%add3A_744, %dma_start3A_745] : memref<8192x8192xf32, #tpu.memory_space<hbm>> -> memref<2x8192xf32, #tpu.memory_space<hbm>>
    %dma_start3A_747 = arith.constant 0 : i32
    %dma_start3A_748 = tpu.memref_slice %arg3[%add3A_744, %dma_start3A_747] : memref<8192x8192xf32, #tpu.memory_space<hbm>> -> memref<2x8192xf32, #tpu.memory_space<hbm>>
    tpu.enqueue_dma source(%dma_start3A_748 : memref<2x8192xf32, #tpu.memory_space<hbm>>) target(%arg6 : memref<2x8192xf32, #tpu.memory_space<vmem>>) target_semaphore(%arg14 : memref<!tpu.dma_semaphore, #tpu.memory_space<semaphore_mem>>)
    %dma_wait3A_749 = arith.constant 0 : i32
    %dma_wait3A_750 = tpu.memref_slice %arg3[%add3A_684, %dma_wait3A_749] : memref<8192x8192xf32, #tpu.memory_space<hbm>> -> memref<2x8192xf32, #tpu.memory_space<hbm>>
    %dma_wait3A_751 = arith.constant 0 : i32
    %dma_wait3A_752 = tpu.memref_slice %arg3[%add3A_684, %dma_wait3A_751] : memref<8192x8192xf32, #tpu.memory_space<hbm>> -> memref<2x8192xf32, #tpu.memory_space<hbm>>
    tpu.wait_dma2 semaphore(%arg15 : memref<!tpu.dma_semaphore, #tpu.memory_space<semaphore_mem>>) src(%dma_wait3A_752 : memref<2x8192xf32, #tpu.memory_space<hbm>>) dst(%arg7 : memref<2x8192xf32, #tpu.memory_space<vmem>>)
    %dma_wait3A_753 = arith.constant 0 : i32
    %dma_wait3A_754 = tpu.memref_slice %arg4[%add3A_678, %dma_wait3A_753] : memref<8192x4096xf32, #tpu.memory_space<hbm>> -> memref<2x4096xf32, #tpu.memory_space<hbm>>
    %dma_wait3A_755 = arith.constant 0 : i32
    %dma_wait3A_756 = tpu.memref_slice %arg4[%add3A_678, %dma_wait3A_755] : memref<8192x4096xf32, #tpu.memory_space<hbm>> -> memref<2x4096xf32, #tpu.memory_space<hbm>>
    tpu.wait_dma2 semaphore(%arg19 : memref<!tpu.dma_semaphore, #tpu.memory_space<semaphore_mem>>) src(%arg11 : memref<2x4096xf32, #tpu.memory_space<vmem>>) dst(%dma_wait3A_756 : memref<2x4096xf32, #tpu.memory_space<hbm>>)
    %add3A_757 = arith.constant 74 : i32
    %add3A_758 = arith.addi %mul3A_2, %add3A_757 : i32
    %dma_start3A_759 = arith.constant 0 : i32
    %dma_start3A_760 = tpu.memref_slice %arg4[%add3A_758, %dma_start3A_759] : memref<8192x4096xf32, #tpu.memory_space<hbm>> -> memref<2x4096xf32, #tpu.memory_space<hbm>>
    %dma_start3A_761 = arith.constant 0 : i32
    %dma_start3A_762 = tpu.memref_slice %arg4[%add3A_758, %dma_start3A_761] : memref<8192x4096xf32, #tpu.memory_space<hbm>> -> memref<2x4096xf32, #tpu.memory_space<hbm>>
    tpu.enqueue_dma source(%arg11 : memref<2x4096xf32, #tpu.memory_space<vmem>>) target(%dma_start3A_762 : memref<2x4096xf32, #tpu.memory_space<hbm>>) target_semaphore(%arg19 : memref<!tpu.dma_semaphore, #tpu.memory_space<semaphore_mem>>)
    %add3A_763 = arith.constant 82 : i32
    %add3A_764 = arith.addi %mul3A_2, %add3A_763 : i32
    %dma_start3A_765 = arith.constant 0 : i32
    %dma_start3A_766 = tpu.memref_slice %arg3[%add3A_764, %dma_start3A_765] : memref<8192x8192xf32, #tpu.memory_space<hbm>> -> memref<2x8192xf32, #tpu.memory_space<hbm>>
    %dma_start3A_767 = arith.constant 0 : i32
    %dma_start3A_768 = tpu.memref_slice %arg3[%add3A_764, %dma_start3A_767] : memref<8192x8192xf32, #tpu.memory_space<hbm>> -> memref<2x8192xf32, #tpu.memory_space<hbm>>
    tpu.enqueue_dma source(%dma_start3A_768 : memref<2x8192xf32, #tpu.memory_space<hbm>>) target(%arg7 : memref<2x8192xf32, #tpu.memory_space<vmem>>) target_semaphore(%arg15 : memref<!tpu.dma_semaphore, #tpu.memory_space<semaphore_mem>>)
    %dma_wait3A_769 = arith.constant 0 : i32
    %dma_wait3A_770 = tpu.memref_slice %arg3[%add3A_704, %dma_wait3A_769] : memref<8192x8192xf32, #tpu.memory_space<hbm>> -> memref<2x8192xf32, #tpu.memory_space<hbm>>
    %dma_wait3A_771 = arith.constant 0 : i32
    %dma_wait3A_772 = tpu.memref_slice %arg3[%add3A_704, %dma_wait3A_771] : memref<8192x8192xf32, #tpu.memory_space<hbm>> -> memref<2x8192xf32, #tpu.memory_space<hbm>>
    tpu.wait_dma2 semaphore(%arg16 : memref<!tpu.dma_semaphore, #tpu.memory_space<semaphore_mem>>) src(%dma_wait3A_772 : memref<2x8192xf32, #tpu.memory_space<hbm>>) dst(%arg8 : memref<2x8192xf32, #tpu.memory_space<vmem>>)
    %dma_wait3A_773 = arith.constant 0 : i32
    %dma_wait3A_774 = tpu.memref_slice %arg4[%add3A_698, %dma_wait3A_773] : memref<8192x4096xf32, #tpu.memory_space<hbm>> -> memref<2x4096xf32, #tpu.memory_space<hbm>>
    %dma_wait3A_775 = arith.constant 0 : i32
    %dma_wait3A_776 = tpu.memref_slice %arg4[%add3A_698, %dma_wait3A_775] : memref<8192x4096xf32, #tpu.memory_space<hbm>> -> memref<2x4096xf32, #tpu.memory_space<hbm>>
    tpu.wait_dma2 semaphore(%arg20 : memref<!tpu.dma_semaphore, #tpu.memory_space<semaphore_mem>>) src(%arg12 : memref<2x4096xf32, #tpu.memory_space<vmem>>) dst(%dma_wait3A_776 : memref<2x4096xf32, #tpu.memory_space<hbm>>)
    %add3A_777 = arith.constant 76 : i32
    %add3A_778 = arith.addi %mul3A_2, %add3A_777 : i32
    %dma_start3A_779 = arith.constant 0 : i32
    %dma_start3A_780 = tpu.memref_slice %arg4[%add3A_778, %dma_start3A_779] : memref<8192x4096xf32, #tpu.memory_space<hbm>> -> memref<2x4096xf32, #tpu.memory_space<hbm>>
    %dma_start3A_781 = arith.constant 0 : i32
    %dma_start3A_782 = tpu.memref_slice %arg4[%add3A_778, %dma_start3A_781] : memref<8192x4096xf32, #tpu.memory_space<hbm>> -> memref<2x4096xf32, #tpu.memory_space<hbm>>
    tpu.enqueue_dma source(%arg12 : memref<2x4096xf32, #tpu.memory_space<vmem>>) target(%dma_start3A_782 : memref<2x4096xf32, #tpu.memory_space<hbm>>) target_semaphore(%arg20 : memref<!tpu.dma_semaphore, #tpu.memory_space<semaphore_mem>>)
    %add3A_783 = arith.constant 84 : i32
    %add3A_784 = arith.addi %mul3A_2, %add3A_783 : i32
    %dma_start3A_785 = arith.constant 0 : i32
    %dma_start3A_786 = tpu.memref_slice %arg3[%add3A_784, %dma_start3A_785] : memref<8192x8192xf32, #tpu.memory_space<hbm>> -> memref<2x8192xf32, #tpu.memory_space<hbm>>
    %dma_start3A_787 = arith.constant 0 : i32
    %dma_start3A_788 = tpu.memref_slice %arg3[%add3A_784, %dma_start3A_787] : memref<8192x8192xf32, #tpu.memory_space<hbm>> -> memref<2x8192xf32, #tpu.memory_space<hbm>>
    tpu.enqueue_dma source(%dma_start3A_788 : memref<2x8192xf32, #tpu.memory_space<hbm>>) target(%arg8 : memref<2x8192xf32, #tpu.memory_space<vmem>>) target_semaphore(%arg16 : memref<!tpu.dma_semaphore, #tpu.memory_space<semaphore_mem>>)
    %dma_wait3A_789 = arith.constant 0 : i32
    %dma_wait3A_790 = tpu.memref_slice %arg3[%add3A_724, %dma_wait3A_789] : memref<8192x8192xf32, #tpu.memory_space<hbm>> -> memref<2x8192xf32, #tpu.memory_space<hbm>>
    %dma_wait3A_791 = arith.constant 0 : i32
    %dma_wait3A_792 = tpu.memref_slice %arg3[%add3A_724, %dma_wait3A_791] : memref<8192x8192xf32, #tpu.memory_space<hbm>> -> memref<2x8192xf32, #tpu.memory_space<hbm>>
    tpu.wait_dma2 semaphore(%arg17 : memref<!tpu.dma_semaphore, #tpu.memory_space<semaphore_mem>>) src(%dma_wait3A_792 : memref<2x8192xf32, #tpu.memory_space<hbm>>) dst(%arg9 : memref<2x8192xf32, #tpu.memory_space<vmem>>)
    %dma_wait3A_793 = arith.constant 0 : i32
    %dma_wait3A_794 = tpu.memref_slice %arg4[%add3A_718, %dma_wait3A_793] : memref<8192x4096xf32, #tpu.memory_space<hbm>> -> memref<2x4096xf32, #tpu.memory_space<hbm>>
    %dma_wait3A_795 = arith.constant 0 : i32
    %dma_wait3A_796 = tpu.memref_slice %arg4[%add3A_718, %dma_wait3A_795] : memref<8192x4096xf32, #tpu.memory_space<hbm>> -> memref<2x4096xf32, #tpu.memory_space<hbm>>
    tpu.wait_dma2 semaphore(%arg21 : memref<!tpu.dma_semaphore, #tpu.memory_space<semaphore_mem>>) src(%arg13 : memref<2x4096xf32, #tpu.memory_space<vmem>>) dst(%dma_wait3A_796 : memref<2x4096xf32, #tpu.memory_space<hbm>>)
    %add3A_797 = arith.constant 78 : i32
    %add3A_798 = arith.addi %mul3A_2, %add3A_797 : i32
    %dma_start3A_799 = arith.constant 0 : i32
    %dma_start3A_800 = tpu.memref_slice %arg4[%add3A_798, %dma_start3A_799] : memref<8192x4096xf32, #tpu.memory_space<hbm>> -> memref<2x4096xf32, #tpu.memory_space<hbm>>
    %dma_start3A_801 = arith.constant 0 : i32
    %dma_start3A_802 = tpu.memref_slice %arg4[%add3A_798, %dma_start3A_801] : memref<8192x4096xf32, #tpu.memory_space<hbm>> -> memref<2x4096xf32, #tpu.memory_space<hbm>>
    tpu.enqueue_dma source(%arg13 : memref<2x4096xf32, #tpu.memory_space<vmem>>) target(%dma_start3A_802 : memref<2x4096xf32, #tpu.memory_space<hbm>>) target_semaphore(%arg21 : memref<!tpu.dma_semaphore, #tpu.memory_space<semaphore_mem>>)
    %add3A_803 = arith.constant 86 : i32
    %add3A_804 = arith.addi %mul3A_2, %add3A_803 : i32
    %dma_start3A_805 = arith.constant 0 : i32
    %dma_start3A_806 = tpu.memref_slice %arg3[%add3A_804, %dma_start3A_805] : memref<8192x8192xf32, #tpu.memory_space<hbm>> -> memref<2x8192xf32, #tpu.memory_space<hbm>>
    %dma_start3A_807 = arith.constant 0 : i32
    %dma_start3A_808 = tpu.memref_slice %arg3[%add3A_804, %dma_start3A_807] : memref<8192x8192xf32, #tpu.memory_space<hbm>> -> memref<2x8192xf32, #tpu.memory_space<hbm>>
    tpu.enqueue_dma source(%dma_start3A_808 : memref<2x8192xf32, #tpu.memory_space<hbm>>) target(%arg9 : memref<2x8192xf32, #tpu.memory_space<vmem>>) target_semaphore(%arg17 : memref<!tpu.dma_semaphore, #tpu.memory_space<semaphore_mem>>)
    %dma_wait3A_809 = arith.constant 0 : i32
    %dma_wait3A_810 = tpu.memref_slice %arg3[%add3A_744, %dma_wait3A_809] : memref<8192x8192xf32, #tpu.memory_space<hbm>> -> memref<2x8192xf32, #tpu.memory_space<hbm>>
    %dma_wait3A_811 = arith.constant 0 : i32
    %dma_wait3A_812 = tpu.memref_slice %arg3[%add3A_744, %dma_wait3A_811] : memref<8192x8192xf32, #tpu.memory_space<hbm>> -> memref<2x8192xf32, #tpu.memory_space<hbm>>
    tpu.wait_dma2 semaphore(%arg14 : memref<!tpu.dma_semaphore, #tpu.memory_space<semaphore_mem>>) src(%dma_wait3A_812 : memref<2x8192xf32, #tpu.memory_space<hbm>>) dst(%arg6 : memref<2x8192xf32, #tpu.memory_space<vmem>>)
    %dma_wait3A_813 = arith.constant 0 : i32
    %dma_wait3A_814 = tpu.memref_slice %arg4[%add3A_738, %dma_wait3A_813] : memref<8192x4096xf32, #tpu.memory_space<hbm>> -> memref<2x4096xf32, #tpu.memory_space<hbm>>
    %dma_wait3A_815 = arith.constant 0 : i32
    %dma_wait3A_816 = tpu.memref_slice %arg4[%add3A_738, %dma_wait3A_815] : memref<8192x4096xf32, #tpu.memory_space<hbm>> -> memref<2x4096xf32, #tpu.memory_space<hbm>>
    tpu.wait_dma2 semaphore(%arg18 : memref<!tpu.dma_semaphore, #tpu.memory_space<semaphore_mem>>) src(%arg10 : memref<2x4096xf32, #tpu.memory_space<vmem>>) dst(%dma_wait3A_816 : memref<2x4096xf32, #tpu.memory_space<hbm>>)
    %add3A_817 = arith.constant 80 : i32
    %add3A_818 = arith.addi %mul3A_2, %add3A_817 : i32
    %dma_start3A_819 = arith.constant 0 : i32
    %dma_start3A_820 = tpu.memref_slice %arg4[%add3A_818, %dma_start3A_819] : memref<8192x4096xf32, #tpu.memory_space<hbm>> -> memref<2x4096xf32, #tpu.memory_space<hbm>>
    %dma_start3A_821 = arith.constant 0 : i32
    %dma_start3A_822 = tpu.memref_slice %arg4[%add3A_818, %dma_start3A_821] : memref<8192x4096xf32, #tpu.memory_space<hbm>> -> memref<2x4096xf32, #tpu.memory_space<hbm>>
    tpu.enqueue_dma source(%arg10 : memref<2x4096xf32, #tpu.memory_space<vmem>>) target(%dma_start3A_822 : memref<2x4096xf32, #tpu.memory_space<hbm>>) target_semaphore(%arg18 : memref<!tpu.dma_semaphore, #tpu.memory_space<semaphore_mem>>)
    %add3A_823 = arith.constant 88 : i32
    %add3A_824 = arith.addi %mul3A_2, %add3A_823 : i32
    %dma_start3A_825 = arith.constant 0 : i32
    %dma_start3A_826 = tpu.memref_slice %arg3[%add3A_824, %dma_start3A_825] : memref<8192x8192xf32, #tpu.memory_space<hbm>> -> memref<2x8192xf32, #tpu.memory_space<hbm>>
    %dma_start3A_827 = arith.constant 0 : i32
    %dma_start3A_828 = tpu.memref_slice %arg3[%add3A_824, %dma_start3A_827] : memref<8192x8192xf32, #tpu.memory_space<hbm>> -> memref<2x8192xf32, #tpu.memory_space<hbm>>
    tpu.enqueue_dma source(%dma_start3A_828 : memref<2x8192xf32, #tpu.memory_space<hbm>>) target(%arg6 : memref<2x8192xf32, #tpu.memory_space<vmem>>) target_semaphore(%arg14 : memref<!tpu.dma_semaphore, #tpu.memory_space<semaphore_mem>>)
    %dma_wait3A_829 = arith.constant 0 : i32
    %dma_wait3A_830 = tpu.memref_slice %arg3[%add3A_764, %dma_wait3A_829] : memref<8192x8192xf32, #tpu.memory_space<hbm>> -> memref<2x8192xf32, #tpu.memory_space<hbm>>
    %dma_wait3A_831 = arith.constant 0 : i32
    %dma_wait3A_832 = tpu.memref_slice %arg3[%add3A_764, %dma_wait3A_831] : memref<8192x8192xf32, #tpu.memory_space<hbm>> -> memref<2x8192xf32, #tpu.memory_space<hbm>>
    tpu.wait_dma2 semaphore(%arg15 : memref<!tpu.dma_semaphore, #tpu.memory_space<semaphore_mem>>) src(%dma_wait3A_832 : memref<2x8192xf32, #tpu.memory_space<hbm>>) dst(%arg7 : memref<2x8192xf32, #tpu.memory_space<vmem>>)
    %dma_wait3A_833 = arith.constant 0 : i32
    %dma_wait3A_834 = tpu.memref_slice %arg4[%add3A_758, %dma_wait3A_833] : memref<8192x4096xf32, #tpu.memory_space<hbm>> -> memref<2x4096xf32, #tpu.memory_space<hbm>>
    %dma_wait3A_835 = arith.constant 0 : i32
    %dma_wait3A_836 = tpu.memref_slice %arg4[%add3A_758, %dma_wait3A_835] : memref<8192x4096xf32, #tpu.memory_space<hbm>> -> memref<2x4096xf32, #tpu.memory_space<hbm>>
    tpu.wait_dma2 semaphore(%arg19 : memref<!tpu.dma_semaphore, #tpu.memory_space<semaphore_mem>>) src(%arg11 : memref<2x4096xf32, #tpu.memory_space<vmem>>) dst(%dma_wait3A_836 : memref<2x4096xf32, #tpu.memory_space<hbm>>)
    %add3A_837 = arith.constant 82 : i32
    %add3A_838 = arith.addi %mul3A_2, %add3A_837 : i32
    %dma_start3A_839 = arith.constant 0 : i32
    %dma_start3A_840 = tpu.memref_slice %arg4[%add3A_838, %dma_start3A_839] : memref<8192x4096xf32, #tpu.memory_space<hbm>> -> memref<2x4096xf32, #tpu.memory_space<hbm>>
    %dma_start3A_841 = arith.constant 0 : i32
    %dma_start3A_842 = tpu.memref_slice %arg4[%add3A_838, %dma_start3A_841] : memref<8192x4096xf32, #tpu.memory_space<hbm>> -> memref<2x4096xf32, #tpu.memory_space<hbm>>
    tpu.enqueue_dma source(%arg11 : memref<2x4096xf32, #tpu.memory_space<vmem>>) target(%dma_start3A_842 : memref<2x4096xf32, #tpu.memory_space<hbm>>) target_semaphore(%arg19 : memref<!tpu.dma_semaphore, #tpu.memory_space<semaphore_mem>>)
    %add3A_843 = arith.constant 90 : i32
    %add3A_844 = arith.addi %mul3A_2, %add3A_843 : i32
    %dma_start3A_845 = arith.constant 0 : i32
    %dma_start3A_846 = tpu.memref_slice %arg3[%add3A_844, %dma_start3A_845] : memref<8192x8192xf32, #tpu.memory_space<hbm>> -> memref<2x8192xf32, #tpu.memory_space<hbm>>
    %dma_start3A_847 = arith.constant 0 : i32
    %dma_start3A_848 = tpu.memref_slice %arg3[%add3A_844, %dma_start3A_847] : memref<8192x8192xf32, #tpu.memory_space<hbm>> -> memref<2x8192xf32, #tpu.memory_space<hbm>>
    tpu.enqueue_dma source(%dma_start3A_848 : memref<2x8192xf32, #tpu.memory_space<hbm>>) target(%arg7 : memref<2x8192xf32, #tpu.memory_space<vmem>>) target_semaphore(%arg15 : memref<!tpu.dma_semaphore, #tpu.memory_space<semaphore_mem>>)
    %dma_wait3A_849 = arith.constant 0 : i32
    %dma_wait3A_850 = tpu.memref_slice %arg3[%add3A_784, %dma_wait3A_849] : memref<8192x8192xf32, #tpu.memory_space<hbm>> -> memref<2x8192xf32, #tpu.memory_space<hbm>>
    %dma_wait3A_851 = arith.constant 0 : i32
    %dma_wait3A_852 = tpu.memref_slice %arg3[%add3A_784, %dma_wait3A_851] : memref<8192x8192xf32, #tpu.memory_space<hbm>> -> memref<2x8192xf32, #tpu.memory_space<hbm>>
    tpu.wait_dma2 semaphore(%arg16 : memref<!tpu.dma_semaphore, #tpu.memory_space<semaphore_mem>>) src(%dma_wait3A_852 : memref<2x8192xf32, #tpu.memory_space<hbm>>) dst(%arg8 : memref<2x8192xf32, #tpu.memory_space<vmem>>)
    %dma_wait3A_853 = arith.constant 0 : i32
    %dma_wait3A_854 = tpu.memref_slice %arg4[%add3A_778, %dma_wait3A_853] : memref<8192x4096xf32, #tpu.memory_space<hbm>> -> memref<2x4096xf32, #tpu.memory_space<hbm>>
    %dma_wait3A_855 = arith.constant 0 : i32
    %dma_wait3A_856 = tpu.memref_slice %arg4[%add3A_778, %dma_wait3A_855] : memref<8192x4096xf32, #tpu.memory_space<hbm>> -> memref<2x4096xf32, #tpu.memory_space<hbm>>
    tpu.wait_dma2 semaphore(%arg20 : memref<!tpu.dma_semaphore, #tpu.memory_space<semaphore_mem>>) src(%arg12 : memref<2x4096xf32, #tpu.memory_space<vmem>>) dst(%dma_wait3A_856 : memref<2x4096xf32, #tpu.memory_space<hbm>>)
    %add3A_857 = arith.constant 84 : i32
    %add3A_858 = arith.addi %mul3A_2, %add3A_857 : i32
    %dma_start3A_859 = arith.constant 0 : i32
    %dma_start3A_860 = tpu.memref_slice %arg4[%add3A_858, %dma_start3A_859] : memref<8192x4096xf32, #tpu.memory_space<hbm>> -> memref<2x4096xf32, #tpu.memory_space<hbm>>
    %dma_start3A_861 = arith.constant 0 : i32
    %dma_start3A_862 = tpu.memref_slice %arg4[%add3A_858, %dma_start3A_861] : memref<8192x4096xf32, #tpu.memory_space<hbm>> -> memref<2x4096xf32, #tpu.memory_space<hbm>>
    tpu.enqueue_dma source(%arg12 : memref<2x4096xf32, #tpu.memory_space<vmem>>) target(%dma_start3A_862 : memref<2x4096xf32, #tpu.memory_space<hbm>>) target_semaphore(%arg20 : memref<!tpu.dma_semaphore, #tpu.memory_space<semaphore_mem>>)
    %add3A_863 = arith.constant 92 : i32
    %add3A_864 = arith.addi %mul3A_2, %add3A_863 : i32
    %dma_start3A_865 = arith.constant 0 : i32
    %dma_start3A_866 = tpu.memref_slice %arg3[%add3A_864, %dma_start3A_865] : memref<8192x8192xf32, #tpu.memory_space<hbm>> -> memref<2x8192xf32, #tpu.memory_space<hbm>>
    %dma_start3A_867 = arith.constant 0 : i32
    %dma_start3A_868 = tpu.memref_slice %arg3[%add3A_864, %dma_start3A_867] : memref<8192x8192xf32, #tpu.memory_space<hbm>> -> memref<2x8192xf32, #tpu.memory_space<hbm>>
    tpu.enqueue_dma source(%dma_start3A_868 : memref<2x8192xf32, #tpu.memory_space<hbm>>) target(%arg8 : memref<2x8192xf32, #tpu.memory_space<vmem>>) target_semaphore(%arg16 : memref<!tpu.dma_semaphore, #tpu.memory_space<semaphore_mem>>)
    %dma_wait3A_869 = arith.constant 0 : i32
    %dma_wait3A_870 = tpu.memref_slice %arg3[%add3A_804, %dma_wait3A_869] : memref<8192x8192xf32, #tpu.memory_space<hbm>> -> memref<2x8192xf32, #tpu.memory_space<hbm>>
    %dma_wait3A_871 = arith.constant 0 : i32
    %dma_wait3A_872 = tpu.memref_slice %arg3[%add3A_804, %dma_wait3A_871] : memref<8192x8192xf32, #tpu.memory_space<hbm>> -> memref<2x8192xf32, #tpu.memory_space<hbm>>
    tpu.wait_dma2 semaphore(%arg17 : memref<!tpu.dma_semaphore, #tpu.memory_space<semaphore_mem>>) src(%dma_wait3A_872 : memref<2x8192xf32, #tpu.memory_space<hbm>>) dst(%arg9 : memref<2x8192xf32, #tpu.memory_space<vmem>>)
    %dma_wait3A_873 = arith.constant 0 : i32
    %dma_wait3A_874 = tpu.memref_slice %arg4[%add3A_798, %dma_wait3A_873] : memref<8192x4096xf32, #tpu.memory_space<hbm>> -> memref<2x4096xf32, #tpu.memory_space<hbm>>
    %dma_wait3A_875 = arith.constant 0 : i32
    %dma_wait3A_876 = tpu.memref_slice %arg4[%add3A_798, %dma_wait3A_875] : memref<8192x4096xf32, #tpu.memory_space<hbm>> -> memref<2x4096xf32, #tpu.memory_space<hbm>>
    tpu.wait_dma2 semaphore(%arg21 : memref<!tpu.dma_semaphore, #tpu.memory_space<semaphore_mem>>) src(%arg13 : memref<2x4096xf32, #tpu.memory_space<vmem>>) dst(%dma_wait3A_876 : memref<2x4096xf32, #tpu.memory_space<hbm>>)
    %add3A_877 = arith.constant 86 : i32
    %add3A_878 = arith.addi %mul3A_2, %add3A_877 : i32
    %dma_start3A_879 = arith.constant 0 : i32
    %dma_start3A_880 = tpu.memref_slice %arg4[%add3A_878, %dma_start3A_879] : memref<8192x4096xf32, #tpu.memory_space<hbm>> -> memref<2x4096xf32, #tpu.memory_space<hbm>>
    %dma_start3A_881 = arith.constant 0 : i32
    %dma_start3A_882 = tpu.memref_slice %arg4[%add3A_878, %dma_start3A_881] : memref<8192x4096xf32, #tpu.memory_space<hbm>> -> memref<2x4096xf32, #tpu.memory_space<hbm>>
    tpu.enqueue_dma source(%arg13 : memref<2x4096xf32, #tpu.memory_space<vmem>>) target(%dma_start3A_882 : memref<2x4096xf32, #tpu.memory_space<hbm>>) target_semaphore(%arg21 : memref<!tpu.dma_semaphore, #tpu.memory_space<semaphore_mem>>)
    %add3A_883 = arith.constant 94 : i32
    %add3A_884 = arith.addi %mul3A_2, %add3A_883 : i32
    %dma_start3A_885 = arith.constant 0 : i32
    %dma_start3A_886 = tpu.memref_slice %arg3[%add3A_884, %dma_start3A_885] : memref<8192x8192xf32, #tpu.memory_space<hbm>> -> memref<2x8192xf32, #tpu.memory_space<hbm>>
    %dma_start3A_887 = arith.constant 0 : i32
    %dma_start3A_888 = tpu.memref_slice %arg3[%add3A_884, %dma_start3A_887] : memref<8192x8192xf32, #tpu.memory_space<hbm>> -> memref<2x8192xf32, #tpu.memory_space<hbm>>
    tpu.enqueue_dma source(%dma_start3A_888 : memref<2x8192xf32, #tpu.memory_space<hbm>>) target(%arg9 : memref<2x8192xf32, #tpu.memory_space<vmem>>) target_semaphore(%arg17 : memref<!tpu.dma_semaphore, #tpu.memory_space<semaphore_mem>>)
    %dma_wait3A_889 = arith.constant 0 : i32
    %dma_wait3A_890 = tpu.memref_slice %arg3[%add3A_824, %dma_wait3A_889] : memref<8192x8192xf32, #tpu.memory_space<hbm>> -> memref<2x8192xf32, #tpu.memory_space<hbm>>
    %dma_wait3A_891 = arith.constant 0 : i32
    %dma_wait3A_892 = tpu.memref_slice %arg3[%add3A_824, %dma_wait3A_891] : memref<8192x8192xf32, #tpu.memory_space<hbm>> -> memref<2x8192xf32, #tpu.memory_space<hbm>>
    tpu.wait_dma2 semaphore(%arg14 : memref<!tpu.dma_semaphore, #tpu.memory_space<semaphore_mem>>) src(%dma_wait3A_892 : memref<2x8192xf32, #tpu.memory_space<hbm>>) dst(%arg6 : memref<2x8192xf32, #tpu.memory_space<vmem>>)
    %dma_wait3A_893 = arith.constant 0 : i32
    %dma_wait3A_894 = tpu.memref_slice %arg4[%add3A_818, %dma_wait3A_893] : memref<8192x4096xf32, #tpu.memory_space<hbm>> -> memref<2x4096xf32, #tpu.memory_space<hbm>>
    %dma_wait3A_895 = arith.constant 0 : i32
    %dma_wait3A_896 = tpu.memref_slice %arg4[%add3A_818, %dma_wait3A_895] : memref<8192x4096xf32, #tpu.memory_space<hbm>> -> memref<2x4096xf32, #tpu.memory_space<hbm>>
    tpu.wait_dma2 semaphore(%arg18 : memref<!tpu.dma_semaphore, #tpu.memory_space<semaphore_mem>>) src(%arg10 : memref<2x4096xf32, #tpu.memory_space<vmem>>) dst(%dma_wait3A_896 : memref<2x4096xf32, #tpu.memory_space<hbm>>)
    %add3A_897 = arith.constant 88 : i32
    %add3A_898 = arith.addi %mul3A_2, %add3A_897 : i32
    %dma_start3A_899 = arith.constant 0 : i32
    %dma_start3A_900 = tpu.memref_slice %arg4[%add3A_898, %dma_start3A_899] : memref<8192x4096xf32, #tpu.memory_space<hbm>> -> memref<2x4096xf32, #tpu.memory_space<hbm>>
    %dma_start3A_901 = arith.constant 0 : i32
    %dma_start3A_902 = tpu.memref_slice %arg4[%add3A_898, %dma_start3A_901] : memref<8192x4096xf32, #tpu.memory_space<hbm>> -> memref<2x4096xf32, #tpu.memory_space<hbm>>
    tpu.enqueue_dma source(%arg10 : memref<2x4096xf32, #tpu.memory_space<vmem>>) target(%dma_start3A_902 : memref<2x4096xf32, #tpu.memory_space<hbm>>) target_semaphore(%arg18 : memref<!tpu.dma_semaphore, #tpu.memory_space<semaphore_mem>>)
    %add3A_903 = arith.constant 96 : i32
    %add3A_904 = arith.addi %mul3A_2, %add3A_903 : i32
    %dma_start3A_905 = arith.constant 0 : i32
    %dma_start3A_906 = tpu.memref_slice %arg3[%add3A_904, %dma_start3A_905] : memref<8192x8192xf32, #tpu.memory_space<hbm>> -> memref<2x8192xf32, #tpu.memory_space<hbm>>
    %dma_start3A_907 = arith.constant 0 : i32
    %dma_start3A_908 = tpu.memref_slice %arg3[%add3A_904, %dma_start3A_907] : memref<8192x8192xf32, #tpu.memory_space<hbm>> -> memref<2x8192xf32, #tpu.memory_space<hbm>>
    tpu.enqueue_dma source(%dma_start3A_908 : memref<2x8192xf32, #tpu.memory_space<hbm>>) target(%arg6 : memref<2x8192xf32, #tpu.memory_space<vmem>>) target_semaphore(%arg14 : memref<!tpu.dma_semaphore, #tpu.memory_space<semaphore_mem>>)
    %dma_wait3A_909 = arith.constant 0 : i32
    %dma_wait3A_910 = tpu.memref_slice %arg3[%add3A_844, %dma_wait3A_909] : memref<8192x8192xf32, #tpu.memory_space<hbm>> -> memref<2x8192xf32, #tpu.memory_space<hbm>>
    %dma_wait3A_911 = arith.constant 0 : i32
    %dma_wait3A_912 = tpu.memref_slice %arg3[%add3A_844, %dma_wait3A_911] : memref<8192x8192xf32, #tpu.memory_space<hbm>> -> memref<2x8192xf32, #tpu.memory_space<hbm>>
    tpu.wait_dma2 semaphore(%arg15 : memref<!tpu.dma_semaphore, #tpu.memory_space<semaphore_mem>>) src(%dma_wait3A_912 : memref<2x8192xf32, #tpu.memory_space<hbm>>) dst(%arg7 : memref<2x8192xf32, #tpu.memory_space<vmem>>)
    %dma_wait3A_913 = arith.constant 0 : i32
    %dma_wait3A_914 = tpu.memref_slice %arg4[%add3A_838, %dma_wait3A_913] : memref<8192x4096xf32, #tpu.memory_space<hbm>> -> memref<2x4096xf32, #tpu.memory_space<hbm>>
    %dma_wait3A_915 = arith.constant 0 : i32
    %dma_wait3A_916 = tpu.memref_slice %arg4[%add3A_838, %dma_wait3A_915] : memref<8192x4096xf32, #tpu.memory_space<hbm>> -> memref<2x4096xf32, #tpu.memory_space<hbm>>
    tpu.wait_dma2 semaphore(%arg19 : memref<!tpu.dma_semaphore, #tpu.memory_space<semaphore_mem>>) src(%arg11 : memref<2x4096xf32, #tpu.memory_space<vmem>>) dst(%dma_wait3A_916 : memref<2x4096xf32, #tpu.memory_space<hbm>>)
    %add3A_917 = arith.constant 90 : i32
    %add3A_918 = arith.addi %mul3A_2, %add3A_917 : i32
    %dma_start3A_919 = arith.constant 0 : i32
    %dma_start3A_920 = tpu.memref_slice %arg4[%add3A_918, %dma_start3A_919] : memref<8192x4096xf32, #tpu.memory_space<hbm>> -> memref<2x4096xf32, #tpu.memory_space<hbm>>
    %dma_start3A_921 = arith.constant 0 : i32
    %dma_start3A_922 = tpu.memref_slice %arg4[%add3A_918, %dma_start3A_921] : memref<8192x4096xf32, #tpu.memory_space<hbm>> -> memref<2x4096xf32, #tpu.memory_space<hbm>>
    tpu.enqueue_dma source(%arg11 : memref<2x4096xf32, #tpu.memory_space<vmem>>) target(%dma_start3A_922 : memref<2x4096xf32, #tpu.memory_space<hbm>>) target_semaphore(%arg19 : memref<!tpu.dma_semaphore, #tpu.memory_space<semaphore_mem>>)
    %add3A_923 = arith.constant 98 : i32
    %add3A_924 = arith.addi %mul3A_2, %add3A_923 : i32
    %dma_start3A_925 = arith.constant 0 : i32
    %dma_start3A_926 = tpu.memref_slice %arg3[%add3A_924, %dma_start3A_925] : memref<8192x8192xf32, #tpu.memory_space<hbm>> -> memref<2x8192xf32, #tpu.memory_space<hbm>>
    %dma_start3A_927 = arith.constant 0 : i32
    %dma_start3A_928 = tpu.memref_slice %arg3[%add3A_924, %dma_start3A_927] : memref<8192x8192xf32, #tpu.memory_space<hbm>> -> memref<2x8192xf32, #tpu.memory_space<hbm>>
    tpu.enqueue_dma source(%dma_start3A_928 : memref<2x8192xf32, #tpu.memory_space<hbm>>) target(%arg7 : memref<2x8192xf32, #tpu.memory_space<vmem>>) target_semaphore(%arg15 : memref<!tpu.dma_semaphore, #tpu.memory_space<semaphore_mem>>)
    %dma_wait3A_929 = arith.constant 0 : i32
    %dma_wait3A_930 = tpu.memref_slice %arg3[%add3A_864, %dma_wait3A_929] : memref<8192x8192xf32, #tpu.memory_space<hbm>> -> memref<2x8192xf32, #tpu.memory_space<hbm>>
    %dma_wait3A_931 = arith.constant 0 : i32
    %dma_wait3A_932 = tpu.memref_slice %arg3[%add3A_864, %dma_wait3A_931] : memref<8192x8192xf32, #tpu.memory_space<hbm>> -> memref<2x8192xf32, #tpu.memory_space<hbm>>
    tpu.wait_dma2 semaphore(%arg16 : memref<!tpu.dma_semaphore, #tpu.memory_space<semaphore_mem>>) src(%dma_wait3A_932 : memref<2x8192xf32, #tpu.memory_space<hbm>>) dst(%arg8 : memref<2x8192xf32, #tpu.memory_space<vmem>>)
    %dma_wait3A_933 = arith.constant 0 : i32
    %dma_wait3A_934 = tpu.memref_slice %arg4[%add3A_858, %dma_wait3A_933] : memref<8192x4096xf32, #tpu.memory_space<hbm>> -> memref<2x4096xf32, #tpu.memory_space<hbm>>
    %dma_wait3A_935 = arith.constant 0 : i32
    %dma_wait3A_936 = tpu.memref_slice %arg4[%add3A_858, %dma_wait3A_935] : memref<8192x4096xf32, #tpu.memory_space<hbm>> -> memref<2x4096xf32, #tpu.memory_space<hbm>>
    tpu.wait_dma2 semaphore(%arg20 : memref<!tpu.dma_semaphore, #tpu.memory_space<semaphore_mem>>) src(%arg12 : memref<2x4096xf32, #tpu.memory_space<vmem>>) dst(%dma_wait3A_936 : memref<2x4096xf32, #tpu.memory_space<hbm>>)
    %add3A_937 = arith.constant 92 : i32
    %add3A_938 = arith.addi %mul3A_2, %add3A_937 : i32
    %dma_start3A_939 = arith.constant 0 : i32
    %dma_start3A_940 = tpu.memref_slice %arg4[%add3A_938, %dma_start3A_939] : memref<8192x4096xf32, #tpu.memory_space<hbm>> -> memref<2x4096xf32, #tpu.memory_space<hbm>>
    %dma_start3A_941 = arith.constant 0 : i32
    %dma_start3A_942 = tpu.memref_slice %arg4[%add3A_938, %dma_start3A_941] : memref<8192x4096xf32, #tpu.memory_space<hbm>> -> memref<2x4096xf32, #tpu.memory_space<hbm>>
    tpu.enqueue_dma source(%arg12 : memref<2x4096xf32, #tpu.memory_space<vmem>>) target(%dma_start3A_942 : memref<2x4096xf32, #tpu.memory_space<hbm>>) target_semaphore(%arg20 : memref<!tpu.dma_semaphore, #tpu.memory_space<semaphore_mem>>)
    %add3A_943 = arith.constant 100 : i32
    %add3A_944 = arith.addi %mul3A_2, %add3A_943 : i32
    %dma_start3A_945 = arith.constant 0 : i32
    %dma_start3A_946 = tpu.memref_slice %arg3[%add3A_944, %dma_start3A_945] : memref<8192x8192xf32, #tpu.memory_space<hbm>> -> memref<2x8192xf32, #tpu.memory_space<hbm>>
    %dma_start3A_947 = arith.constant 0 : i32
    %dma_start3A_948 = tpu.memref_slice %arg3[%add3A_944, %dma_start3A_947] : memref<8192x8192xf32, #tpu.memory_space<hbm>> -> memref<2x8192xf32, #tpu.memory_space<hbm>>
    tpu.enqueue_dma source(%dma_start3A_948 : memref<2x8192xf32, #tpu.memory_space<hbm>>) target(%arg8 : memref<2x8192xf32, #tpu.memory_space<vmem>>) target_semaphore(%arg16 : memref<!tpu.dma_semaphore, #tpu.memory_space<semaphore_mem>>)
    %dma_wait3A_949 = arith.constant 0 : i32
    %dma_wait3A_950 = tpu.memref_slice %arg3[%add3A_884, %dma_wait3A_949] : memref<8192x8192xf32, #tpu.memory_space<hbm>> -> memref<2x8192xf32, #tpu.memory_space<hbm>>
    %dma_wait3A_951 = arith.constant 0 : i32
    %dma_wait3A_952 = tpu.memref_slice %arg3[%add3A_884, %dma_wait3A_951] : memref<8192x8192xf32, #tpu.memory_space<hbm>> -> memref<2x8192xf32, #tpu.memory_space<hbm>>
    tpu.wait_dma2 semaphore(%arg17 : memref<!tpu.dma_semaphore, #tpu.memory_space<semaphore_mem>>) src(%dma_wait3A_952 : memref<2x8192xf32, #tpu.memory_space<hbm>>) dst(%arg9 : memref<2x8192xf32, #tpu.memory_space<vmem>>)
    %dma_wait3A_953 = arith.constant 0 : i32
    %dma_wait3A_954 = tpu.memref_slice %arg4[%add3A_878, %dma_wait3A_953] : memref<8192x4096xf32, #tpu.memory_space<hbm>> -> memref<2x4096xf32, #tpu.memory_space<hbm>>
    %dma_wait3A_955 = arith.constant 0 : i32
    %dma_wait3A_956 = tpu.memref_slice %arg4[%add3A_878, %dma_wait3A_955] : memref<8192x4096xf32, #tpu.memory_space<hbm>> -> memref<2x4096xf32, #tpu.memory_space<hbm>>
    tpu.wait_dma2 semaphore(%arg21 : memref<!tpu.dma_semaphore, #tpu.memory_space<semaphore_mem>>) src(%arg13 : memref<2x4096xf32, #tpu.memory_space<vmem>>) dst(%dma_wait3A_956 : memref<2x4096xf32, #tpu.memory_space<hbm>>)
    %add3A_957 = arith.constant 94 : i32
    %add3A_958 = arith.addi %mul3A_2, %add3A_957 : i32
    %dma_start3A_959 = arith.constant 0 : i32
    %dma_start3A_960 = tpu.memref_slice %arg4[%add3A_958, %dma_start3A_959] : memref<8192x4096xf32, #tpu.memory_space<hbm>> -> memref<2x4096xf32, #tpu.memory_space<hbm>>
    %dma_start3A_961 = arith.constant 0 : i32
    %dma_start3A_962 = tpu.memref_slice %arg4[%add3A_958, %dma_start3A_961] : memref<8192x4096xf32, #tpu.memory_space<hbm>> -> memref<2x4096xf32, #tpu.memory_space<hbm>>
    tpu.enqueue_dma source(%arg13 : memref<2x4096xf32, #tpu.memory_space<vmem>>) target(%dma_start3A_962 : memref<2x4096xf32, #tpu.memory_space<hbm>>) target_semaphore(%arg21 : memref<!tpu.dma_semaphore, #tpu.memory_space<semaphore_mem>>)
    %add3A_963 = arith.constant 102 : i32
    %add3A_964 = arith.addi %mul3A_2, %add3A_963 : i32
    %dma_start3A_965 = arith.constant 0 : i32
    %dma_start3A_966 = tpu.memref_slice %arg3[%add3A_964, %dma_start3A_965] : memref<8192x8192xf32, #tpu.memory_space<hbm>> -> memref<2x8192xf32, #tpu.memory_space<hbm>>
    %dma_start3A_967 = arith.constant 0 : i32
    %dma_start3A_968 = tpu.memref_slice %arg3[%add3A_964, %dma_start3A_967] : memref<8192x8192xf32, #tpu.memory_space<hbm>> -> memref<2x8192xf32, #tpu.memory_space<hbm>>
    tpu.enqueue_dma source(%dma_start3A_968 : memref<2x8192xf32, #tpu.memory_space<hbm>>) target(%arg9 : memref<2x8192xf32, #tpu.memory_space<vmem>>) target_semaphore(%arg17 : memref<!tpu.dma_semaphore, #tpu.memory_space<semaphore_mem>>)
    %dma_wait3A_969 = arith.constant 0 : i32
    %dma_wait3A_970 = tpu.memref_slice %arg3[%add3A_904, %dma_wait3A_969] : memref<8192x8192xf32, #tpu.memory_space<hbm>> -> memref<2x8192xf32, #tpu.memory_space<hbm>>
    %dma_wait3A_971 = arith.constant 0 : i32
    %dma_wait3A_972 = tpu.memref_slice %arg3[%add3A_904, %dma_wait3A_971] : memref<8192x8192xf32, #tpu.memory_space<hbm>> -> memref<2x8192xf32, #tpu.memory_space<hbm>>
    tpu.wait_dma2 semaphore(%arg14 : memref<!tpu.dma_semaphore, #tpu.memory_space<semaphore_mem>>) src(%dma_wait3A_972 : memref<2x8192xf32, #tpu.memory_space<hbm>>) dst(%arg6 : memref<2x8192xf32, #tpu.memory_space<vmem>>)
    %dma_wait3A_973 = arith.constant 0 : i32
    %dma_wait3A_974 = tpu.memref_slice %arg4[%add3A_898, %dma_wait3A_973] : memref<8192x4096xf32, #tpu.memory_space<hbm>> -> memref<2x4096xf32, #tpu.memory_space<hbm>>
    %dma_wait3A_975 = arith.constant 0 : i32
    %dma_wait3A_976 = tpu.memref_slice %arg4[%add3A_898, %dma_wait3A_975] : memref<8192x4096xf32, #tpu.memory_space<hbm>> -> memref<2x4096xf32, #tpu.memory_space<hbm>>
    tpu.wait_dma2 semaphore(%arg18 : memref<!tpu.dma_semaphore, #tpu.memory_space<semaphore_mem>>) src(%arg10 : memref<2x4096xf32, #tpu.memory_space<vmem>>) dst(%dma_wait3A_976 : memref<2x4096xf32, #tpu.memory_space<hbm>>)
    %add3A_977 = arith.constant 96 : i32
    %add3A_978 = arith.addi %mul3A_2, %add3A_977 : i32
    %dma_start3A_979 = arith.constant 0 : i32
    %dma_start3A_980 = tpu.memref_slice %arg4[%add3A_978, %dma_start3A_979] : memref<8192x4096xf32, #tpu.memory_space<hbm>> -> memref<2x4096xf32, #tpu.memory_space<hbm>>
    %dma_start3A_981 = arith.constant 0 : i32
    %dma_start3A_982 = tpu.memref_slice %arg4[%add3A_978, %dma_start3A_981] : memref<8192x4096xf32, #tpu.memory_space<hbm>> -> memref<2x4096xf32, #tpu.memory_space<hbm>>
    tpu.enqueue_dma source(%arg10 : memref<2x4096xf32, #tpu.memory_space<vmem>>) target(%dma_start3A_982 : memref<2x4096xf32, #tpu.memory_space<hbm>>) target_semaphore(%arg18 : memref<!tpu.dma_semaphore, #tpu.memory_space<semaphore_mem>>)
    %add3A_983 = arith.constant 104 : i32
    %add3A_984 = arith.addi %mul3A_2, %add3A_983 : i32
    %dma_start3A_985 = arith.constant 0 : i32
    %dma_start3A_986 = tpu.memref_slice %arg3[%add3A_984, %dma_start3A_985] : memref<8192x8192xf32, #tpu.memory_space<hbm>> -> memref<2x8192xf32, #tpu.memory_space<hbm>>
    %dma_start3A_987 = arith.constant 0 : i32
    %dma_start3A_988 = tpu.memref_slice %arg3[%add3A_984, %dma_start3A_987] : memref<8192x8192xf32, #tpu.memory_space<hbm>> -> memref<2x8192xf32, #tpu.memory_space<hbm>>
    tpu.enqueue_dma source(%dma_start3A_988 : memref<2x8192xf32, #tpu.memory_space<hbm>>) target(%arg6 : memref<2x8192xf32, #tpu.memory_space<vmem>>) target_semaphore(%arg14 : memref<!tpu.dma_semaphore, #tpu.memory_space<semaphore_mem>>)
    %dma_wait3A_989 = arith.constant 0 : i32
    %dma_wait3A_990 = tpu.memref_slice %arg3[%add3A_924, %dma_wait3A_989] : memref<8192x8192xf32, #tpu.memory_space<hbm>> -> memref<2x8192xf32, #tpu.memory_space<hbm>>
    %dma_wait3A_991 = arith.constant 0 : i32
    %dma_wait3A_992 = tpu.memref_slice %arg3[%add3A_924, %dma_wait3A_991] : memref<8192x8192xf32, #tpu.memory_space<hbm>> -> memref<2x8192xf32, #tpu.memory_space<hbm>>
    tpu.wait_dma2 semaphore(%arg15 : memref<!tpu.dma_semaphore, #tpu.memory_space<semaphore_mem>>) src(%dma_wait3A_992 : memref<2x8192xf32, #tpu.memory_space<hbm>>) dst(%arg7 : memref<2x8192xf32, #tpu.memory_space<vmem>>)
    %dma_wait3A_993 = arith.constant 0 : i32
    %dma_wait3A_994 = tpu.memref_slice %arg4[%add3A_918, %dma_wait3A_993] : memref<8192x4096xf32, #tpu.memory_space<hbm>> -> memref<2x4096xf32, #tpu.memory_space<hbm>>
    %dma_wait3A_995 = arith.constant 0 : i32
    %dma_wait3A_996 = tpu.memref_slice %arg4[%add3A_918, %dma_wait3A_995] : memref<8192x4096xf32, #tpu.memory_space<hbm>> -> memref<2x4096xf32, #tpu.memory_space<hbm>>
    tpu.wait_dma2 semaphore(%arg19 : memref<!tpu.dma_semaphore, #tpu.memory_space<semaphore_mem>>) src(%arg11 : memref<2x4096xf32, #tpu.memory_space<vmem>>) dst(%dma_wait3A_996 : memref<2x4096xf32, #tpu.memory_space<hbm>>)
    %add3A_997 = arith.constant 98 : i32
    %add3A_998 = arith.addi %mul3A_2, %add3A_997 : i32
    %dma_start3A_999 = arith.constant 0 : i32
    %dma_start3A_1000 = tpu.memref_slice %arg4[%add3A_998, %dma_start3A_999] : memref<8192x4096xf32, #tpu.memory_space<hbm>> -> memref<2x4096xf32, #tpu.memory_space<hbm>>
    %dma_start3A_1001 = arith.constant 0 : i32
    %dma_start3A_1002 = tpu.memref_slice %arg4[%add3A_998, %dma_start3A_1001] : memref<8192x4096xf32, #tpu.memory_space<hbm>> -> memref<2x4096xf32, #tpu.memory_space<hbm>>
    tpu.enqueue_dma source(%arg11 : memref<2x4096xf32, #tpu.memory_space<vmem>>) target(%dma_start3A_1002 : memref<2x4096xf32, #tpu.memory_space<hbm>>) target_semaphore(%arg19 : memref<!tpu.dma_semaphore, #tpu.memory_space<semaphore_mem>>)
    %add3A_1003 = arith.constant 106 : i32
    %add3A_1004 = arith.addi %mul3A_2, %add3A_1003 : i32
    %dma_start3A_1005 = arith.constant 0 : i32
    %dma_start3A_1006 = tpu.memref_slice %arg3[%add3A_1004, %dma_start3A_1005] : memref<8192x8192xf32, #tpu.memory_space<hbm>> -> memref<2x8192xf32, #tpu.memory_space<hbm>>
    %dma_start3A_1007 = arith.constant 0 : i32
    %dma_start3A_1008 = tpu.memref_slice %arg3[%add3A_1004, %dma_start3A_1007] : memref<8192x8192xf32, #tpu.memory_space<hbm>> -> memref<2x8192xf32, #tpu.memory_space<hbm>>
    tpu.enqueue_dma source(%dma_start3A_1008 : memref<2x8192xf32, #tpu.memory_space<hbm>>) target(%arg7 : memref<2x8192xf32, #tpu.memory_space<vmem>>) target_semaphore(%arg15 : memref<!tpu.dma_semaphore, #tpu.memory_space<semaphore_mem>>)
    %dma_wait3A_1009 = arith.constant 0 : i32
    %dma_wait3A_1010 = tpu.memref_slice %arg3[%add3A_944, %dma_wait3A_1009] : memref<8192x8192xf32, #tpu.memory_space<hbm>> -> memref<2x8192xf32, #tpu.memory_space<hbm>>
    %dma_wait3A_1011 = arith.constant 0 : i32
    %dma_wait3A_1012 = tpu.memref_slice %arg3[%add3A_944, %dma_wait3A_1011] : memref<8192x8192xf32, #tpu.memory_space<hbm>> -> memref<2x8192xf32, #tpu.memory_space<hbm>>
    tpu.wait_dma2 semaphore(%arg16 : memref<!tpu.dma_semaphore, #tpu.memory_space<semaphore_mem>>) src(%dma_wait3A_1012 : memref<2x8192xf32, #tpu.memory_space<hbm>>) dst(%arg8 : memref<2x8192xf32, #tpu.memory_space<vmem>>)
    %dma_wait3A_1013 = arith.constant 0 : i32
    %dma_wait3A_1014 = tpu.memref_slice %arg4[%add3A_938, %dma_wait3A_1013] : memref<8192x4096xf32, #tpu.memory_space<hbm>> -> memref<2x4096xf32, #tpu.memory_space<hbm>>
    %dma_wait3A_1015 = arith.constant 0 : i32
    %dma_wait3A_1016 = tpu.memref_slice %arg4[%add3A_938, %dma_wait3A_1015] : memref<8192x4096xf32, #tpu.memory_space<hbm>> -> memref<2x4096xf32, #tpu.memory_space<hbm>>
    tpu.wait_dma2 semaphore(%arg20 : memref<!tpu.dma_semaphore, #tpu.memory_space<semaphore_mem>>) src(%arg12 : memref<2x4096xf32, #tpu.memory_space<vmem>>) dst(%dma_wait3A_1016 : memref<2x4096xf32, #tpu.memory_space<hbm>>)
    %add3A_1017 = arith.constant 100 : i32
    %add3A_1018 = arith.addi %mul3A_2, %add3A_1017 : i32
    %dma_start3A_1019 = arith.constant 0 : i32
    %dma_start3A_1020 = tpu.memref_slice %arg4[%add3A_1018, %dma_start3A_1019] : memref<8192x4096xf32, #tpu.memory_space<hbm>> -> memref<2x4096xf32, #tpu.memory_space<hbm>>
    %dma_start3A_1021 = arith.constant 0 : i32
    %dma_start3A_1022 = tpu.memref_slice %arg4[%add3A_1018, %dma_start3A_1021] : memref<8192x4096xf32, #tpu.memory_space<hbm>> -> memref<2x4096xf32, #tpu.memory_space<hbm>>
    tpu.enqueue_dma source(%arg12 : memref<2x4096xf32, #tpu.memory_space<vmem>>) target(%dma_start3A_1022 : memref<2x4096xf32, #tpu.memory_space<hbm>>) target_semaphore(%arg20 : memref<!tpu.dma_semaphore, #tpu.memory_space<semaphore_mem>>)
    %add3A_1023 = arith.constant 108 : i32
    %add3A_1024 = arith.addi %mul3A_2, %add3A_1023 : i32
    %dma_start3A_1025 = arith.constant 0 : i32
    %dma_start3A_1026 = tpu.memref_slice %arg3[%add3A_1024, %dma_start3A_1025] : memref<8192x8192xf32, #tpu.memory_space<hbm>> -> memref<2x8192xf32, #tpu.memory_space<hbm>>
    %dma_start3A_1027 = arith.constant 0 : i32
    %dma_start3A_1028 = tpu.memref_slice %arg3[%add3A_1024, %dma_start3A_1027] : memref<8192x8192xf32, #tpu.memory_space<hbm>> -> memref<2x8192xf32, #tpu.memory_space<hbm>>
    tpu.enqueue_dma source(%dma_start3A_1028 : memref<2x8192xf32, #tpu.memory_space<hbm>>) target(%arg8 : memref<2x8192xf32, #tpu.memory_space<vmem>>) target_semaphore(%arg16 : memref<!tpu.dma_semaphore, #tpu.memory_space<semaphore_mem>>)
    %dma_wait3A_1029 = arith.constant 0 : i32
    %dma_wait3A_1030 = tpu.memref_slice %arg3[%add3A_964, %dma_wait3A_1029] : memref<8192x8192xf32, #tpu.memory_space<hbm>> -> memref<2x8192xf32, #tpu.memory_space<hbm>>
    %dma_wait3A_1031 = arith.constant 0 : i32
    %dma_wait3A_1032 = tpu.memref_slice %arg3[%add3A_964, %dma_wait3A_1031] : memref<8192x8192xf32, #tpu.memory_space<hbm>> -> memref<2x8192xf32, #tpu.memory_space<hbm>>
    tpu.wait_dma2 semaphore(%arg17 : memref<!tpu.dma_semaphore, #tpu.memory_space<semaphore_mem>>) src(%dma_wait3A_1032 : memref<2x8192xf32, #tpu.memory_space<hbm>>) dst(%arg9 : memref<2x8192xf32, #tpu.memory_space<vmem>>)
    %dma_wait3A_1033 = arith.constant 0 : i32
    %dma_wait3A_1034 = tpu.memref_slice %arg4[%add3A_958, %dma_wait3A_1033] : memref<8192x4096xf32, #tpu.memory_space<hbm>> -> memref<2x4096xf32, #tpu.memory_space<hbm>>
    %dma_wait3A_1035 = arith.constant 0 : i32
    %dma_wait3A_1036 = tpu.memref_slice %arg4[%add3A_958, %dma_wait3A_1035] : memref<8192x4096xf32, #tpu.memory_space<hbm>> -> memref<2x4096xf32, #tpu.memory_space<hbm>>
    tpu.wait_dma2 semaphore(%arg21 : memref<!tpu.dma_semaphore, #tpu.memory_space<semaphore_mem>>) src(%arg13 : memref<2x4096xf32, #tpu.memory_space<vmem>>) dst(%dma_wait3A_1036 : memref<2x4096xf32, #tpu.memory_space<hbm>>)
    %add3A_1037 = arith.constant 102 : i32
    %add3A_1038 = arith.addi %mul3A_2, %add3A_1037 : i32
    %dma_start3A_1039 = arith.constant 0 : i32
    %dma_start3A_1040 = tpu.memref_slice %arg4[%add3A_1038, %dma_start3A_1039] : memref<8192x4096xf32, #tpu.memory_space<hbm>> -> memref<2x4096xf32, #tpu.memory_space<hbm>>
    %dma_start3A_1041 = arith.constant 0 : i32
    %dma_start3A_1042 = tpu.memref_slice %arg4[%add3A_1038, %dma_start3A_1041] : memref<8192x4096xf32, #tpu.memory_space<hbm>> -> memref<2x4096xf32, #tpu.memory_space<hbm>>
    tpu.enqueue_dma source(%arg13 : memref<2x4096xf32, #tpu.memory_space<vmem>>) target(%dma_start3A_1042 : memref<2x4096xf32, #tpu.memory_space<hbm>>) target_semaphore(%arg21 : memref<!tpu.dma_semaphore, #tpu.memory_space<semaphore_mem>>)
    %add3A_1043 = arith.constant 110 : i32
    %add3A_1044 = arith.addi %mul3A_2, %add3A_1043 : i32
    %dma_start3A_1045 = arith.constant 0 : i32
    %dma_start3A_1046 = tpu.memref_slice %arg3[%add3A_1044, %dma_start3A_1045] : memref<8192x8192xf32, #tpu.memory_space<hbm>> -> memref<2x8192xf32, #tpu.memory_space<hbm>>
    %dma_start3A_1047 = arith.constant 0 : i32
    %dma_start3A_1048 = tpu.memref_slice %arg3[%add3A_1044, %dma_start3A_1047] : memref<8192x8192xf32, #tpu.memory_space<hbm>> -> memref<2x8192xf32, #tpu.memory_space<hbm>>
    tpu.enqueue_dma source(%dma_start3A_1048 : memref<2x8192xf32, #tpu.memory_space<hbm>>) target(%arg9 : memref<2x8192xf32, #tpu.memory_space<vmem>>) target_semaphore(%arg17 : memref<!tpu.dma_semaphore, #tpu.memory_space<semaphore_mem>>)
    %dma_wait3A_1049 = arith.constant 0 : i32
    %dma_wait3A_1050 = tpu.memref_slice %arg3[%add3A_984, %dma_wait3A_1049] : memref<8192x8192xf32, #tpu.memory_space<hbm>> -> memref<2x8192xf32, #tpu.memory_space<hbm>>
    %dma_wait3A_1051 = arith.constant 0 : i32
    %dma_wait3A_1052 = tpu.memref_slice %arg3[%add3A_984, %dma_wait3A_1051] : memref<8192x8192xf32, #tpu.memory_space<hbm>> -> memref<2x8192xf32, #tpu.memory_space<hbm>>
    tpu.wait_dma2 semaphore(%arg14 : memref<!tpu.dma_semaphore, #tpu.memory_space<semaphore_mem>>) src(%dma_wait3A_1052 : memref<2x8192xf32, #tpu.memory_space<hbm>>) dst(%arg6 : memref<2x8192xf32, #tpu.memory_space<vmem>>)
    %dma_wait3A_1053 = arith.constant 0 : i32
    %dma_wait3A_1054 = tpu.memref_slice %arg4[%add3A_978, %dma_wait3A_1053] : memref<8192x4096xf32, #tpu.memory_space<hbm>> -> memref<2x4096xf32, #tpu.memory_space<hbm>>
    %dma_wait3A_1055 = arith.constant 0 : i32
    %dma_wait3A_1056 = tpu.memref_slice %arg4[%add3A_978, %dma_wait3A_1055] : memref<8192x4096xf32, #tpu.memory_space<hbm>> -> memref<2x4096xf32, #tpu.memory_space<hbm>>
    tpu.wait_dma2 semaphore(%arg18 : memref<!tpu.dma_semaphore, #tpu.memory_space<semaphore_mem>>) src(%arg10 : memref<2x4096xf32, #tpu.memory_space<vmem>>) dst(%dma_wait3A_1056 : memref<2x4096xf32, #tpu.memory_space<hbm>>)
    %add3A_1057 = arith.constant 104 : i32
    %add3A_1058 = arith.addi %mul3A_2, %add3A_1057 : i32
    %dma_start3A_1059 = arith.constant 0 : i32
    %dma_start3A_1060 = tpu.memref_slice %arg4[%add3A_1058, %dma_start3A_1059] : memref<8192x4096xf32, #tpu.memory_space<hbm>> -> memref<2x4096xf32, #tpu.memory_space<hbm>>
    %dma_start3A_1061 = arith.constant 0 : i32
    %dma_start3A_1062 = tpu.memref_slice %arg4[%add3A_1058, %dma_start3A_1061] : memref<8192x4096xf32, #tpu.memory_space<hbm>> -> memref<2x4096xf32, #tpu.memory_space<hbm>>
    tpu.enqueue_dma source(%arg10 : memref<2x4096xf32, #tpu.memory_space<vmem>>) target(%dma_start3A_1062 : memref<2x4096xf32, #tpu.memory_space<hbm>>) target_semaphore(%arg18 : memref<!tpu.dma_semaphore, #tpu.memory_space<semaphore_mem>>)
    %add3A_1063 = arith.constant 112 : i32
    %add3A_1064 = arith.addi %mul3A_2, %add3A_1063 : i32
    %dma_start3A_1065 = arith.constant 0 : i32
    %dma_start3A_1066 = tpu.memref_slice %arg3[%add3A_1064, %dma_start3A_1065] : memref<8192x8192xf32, #tpu.memory_space<hbm>> -> memref<2x8192xf32, #tpu.memory_space<hbm>>
    %dma_start3A_1067 = arith.constant 0 : i32
    %dma_start3A_1068 = tpu.memref_slice %arg3[%add3A_1064, %dma_start3A_1067] : memref<8192x8192xf32, #tpu.memory_space<hbm>> -> memref<2x8192xf32, #tpu.memory_space<hbm>>
    tpu.enqueue_dma source(%dma_start3A_1068 : memref<2x8192xf32, #tpu.memory_space<hbm>>) target(%arg6 : memref<2x8192xf32, #tpu.memory_space<vmem>>) target_semaphore(%arg14 : memref<!tpu.dma_semaphore, #tpu.memory_space<semaphore_mem>>)
    %dma_wait3A_1069 = arith.constant 0 : i32
    %dma_wait3A_1070 = tpu.memref_slice %arg3[%add3A_1004, %dma_wait3A_1069] : memref<8192x8192xf32, #tpu.memory_space<hbm>> -> memref<2x8192xf32, #tpu.memory_space<hbm>>
    %dma_wait3A_1071 = arith.constant 0 : i32
    %dma_wait3A_1072 = tpu.memref_slice %arg3[%add3A_1004, %dma_wait3A_1071] : memref<8192x8192xf32, #tpu.memory_space<hbm>> -> memref<2x8192xf32, #tpu.memory_space<hbm>>
    tpu.wait_dma2 semaphore(%arg15 : memref<!tpu.dma_semaphore, #tpu.memory_space<semaphore_mem>>) src(%dma_wait3A_1072 : memref<2x8192xf32, #tpu.memory_space<hbm>>) dst(%arg7 : memref<2x8192xf32, #tpu.memory_space<vmem>>)
    %dma_wait3A_1073 = arith.constant 0 : i32
    %dma_wait3A_1074 = tpu.memref_slice %arg4[%add3A_998, %dma_wait3A_1073] : memref<8192x4096xf32, #tpu.memory_space<hbm>> -> memref<2x4096xf32, #tpu.memory_space<hbm>>
    %dma_wait3A_1075 = arith.constant 0 : i32
    %dma_wait3A_1076 = tpu.memref_slice %arg4[%add3A_998, %dma_wait3A_1075] : memref<8192x4096xf32, #tpu.memory_space<hbm>> -> memref<2x4096xf32, #tpu.memory_space<hbm>>
    tpu.wait_dma2 semaphore(%arg19 : memref<!tpu.dma_semaphore, #tpu.memory_space<semaphore_mem>>) src(%arg11 : memref<2x4096xf32, #tpu.memory_space<vmem>>) dst(%dma_wait3A_1076 : memref<2x4096xf32, #tpu.memory_space<hbm>>)
    %add3A_1077 = arith.constant 106 : i32
    %add3A_1078 = arith.addi %mul3A_2, %add3A_1077 : i32
    %dma_start3A_1079 = arith.constant 0 : i32
    %dma_start3A_1080 = tpu.memref_slice %arg4[%add3A_1078, %dma_start3A_1079] : memref<8192x4096xf32, #tpu.memory_space<hbm>> -> memref<2x4096xf32, #tpu.memory_space<hbm>>
    %dma_start3A_1081 = arith.constant 0 : i32
    %dma_start3A_1082 = tpu.memref_slice %arg4[%add3A_1078, %dma_start3A_1081] : memref<8192x4096xf32, #tpu.memory_space<hbm>> -> memref<2x4096xf32, #tpu.memory_space<hbm>>
    tpu.enqueue_dma source(%arg11 : memref<2x4096xf32, #tpu.memory_space<vmem>>) target(%dma_start3A_1082 : memref<2x4096xf32, #tpu.memory_space<hbm>>) target_semaphore(%arg19 : memref<!tpu.dma_semaphore, #tpu.memory_space<semaphore_mem>>)
    %add3A_1083 = arith.constant 114 : i32
    %add3A_1084 = arith.addi %mul3A_2, %add3A_1083 : i32
    %dma_start3A_1085 = arith.constant 0 : i32
    %dma_start3A_1086 = tpu.memref_slice %arg3[%add3A_1084, %dma_start3A_1085] : memref<8192x8192xf32, #tpu.memory_space<hbm>> -> memref<2x8192xf32, #tpu.memory_space<hbm>>
    %dma_start3A_1087 = arith.constant 0 : i32
    %dma_start3A_1088 = tpu.memref_slice %arg3[%add3A_1084, %dma_start3A_1087] : memref<8192x8192xf32, #tpu.memory_space<hbm>> -> memref<2x8192xf32, #tpu.memory_space<hbm>>
    tpu.enqueue_dma source(%dma_start3A_1088 : memref<2x8192xf32, #tpu.memory_space<hbm>>) target(%arg7 : memref<2x8192xf32, #tpu.memory_space<vmem>>) target_semaphore(%arg15 : memref<!tpu.dma_semaphore, #tpu.memory_space<semaphore_mem>>)
    %dma_wait3A_1089 = arith.constant 0 : i32
    %dma_wait3A_1090 = tpu.memref_slice %arg3[%add3A_1024, %dma_wait3A_1089] : memref<8192x8192xf32, #tpu.memory_space<hbm>> -> memref<2x8192xf32, #tpu.memory_space<hbm>>
    %dma_wait3A_1091 = arith.constant 0 : i32
    %dma_wait3A_1092 = tpu.memref_slice %arg3[%add3A_1024, %dma_wait3A_1091] : memref<8192x8192xf32, #tpu.memory_space<hbm>> -> memref<2x8192xf32, #tpu.memory_space<hbm>>
    tpu.wait_dma2 semaphore(%arg16 : memref<!tpu.dma_semaphore, #tpu.memory_space<semaphore_mem>>) src(%dma_wait3A_1092 : memref<2x8192xf32, #tpu.memory_space<hbm>>) dst(%arg8 : memref<2x8192xf32, #tpu.memory_space<vmem>>)
    %dma_wait3A_1093 = arith.constant 0 : i32
    %dma_wait3A_1094 = tpu.memref_slice %arg4[%add3A_1018, %dma_wait3A_1093] : memref<8192x4096xf32, #tpu.memory_space<hbm>> -> memref<2x4096xf32, #tpu.memory_space<hbm>>
    %dma_wait3A_1095 = arith.constant 0 : i32
    %dma_wait3A_1096 = tpu.memref_slice %arg4[%add3A_1018, %dma_wait3A_1095] : memref<8192x4096xf32, #tpu.memory_space<hbm>> -> memref<2x4096xf32, #tpu.memory_space<hbm>>
    tpu.wait_dma2 semaphore(%arg20 : memref<!tpu.dma_semaphore, #tpu.memory_space<semaphore_mem>>) src(%arg12 : memref<2x4096xf32, #tpu.memory_space<vmem>>) dst(%dma_wait3A_1096 : memref<2x4096xf32, #tpu.memory_space<hbm>>)
    %add3A_1097 = arith.constant 108 : i32
    %add3A_1098 = arith.addi %mul3A_2, %add3A_1097 : i32
    %dma_start3A_1099 = arith.constant 0 : i32
    %dma_start3A_1100 = tpu.memref_slice %arg4[%add3A_1098, %dma_start3A_1099] : memref<8192x4096xf32, #tpu.memory_space<hbm>> -> memref<2x4096xf32, #tpu.memory_space<hbm>>
    %dma_start3A_1101 = arith.constant 0 : i32
    %dma_start3A_1102 = tpu.memref_slice %arg4[%add3A_1098, %dma_start3A_1101] : memref<8192x4096xf32, #tpu.memory_space<hbm>> -> memref<2x4096xf32, #tpu.memory_space<hbm>>
    tpu.enqueue_dma source(%arg12 : memref<2x4096xf32, #tpu.memory_space<vmem>>) target(%dma_start3A_1102 : memref<2x4096xf32, #tpu.memory_space<hbm>>) target_semaphore(%arg20 : memref<!tpu.dma_semaphore, #tpu.memory_space<semaphore_mem>>)
    %add3A_1103 = arith.constant 116 : i32
    %add3A_1104 = arith.addi %mul3A_2, %add3A_1103 : i32
    %dma_start3A_1105 = arith.constant 0 : i32
    %dma_start3A_1106 = tpu.memref_slice %arg3[%add3A_1104, %dma_start3A_1105] : memref<8192x8192xf32, #tpu.memory_space<hbm>> -> memref<2x8192xf32, #tpu.memory_space<hbm>>
    %dma_start3A_1107 = arith.constant 0 : i32
    %dma_start3A_1108 = tpu.memref_slice %arg3[%add3A_1104, %dma_start3A_1107] : memref<8192x8192xf32, #tpu.memory_space<hbm>> -> memref<2x8192xf32, #tpu.memory_space<hbm>>
    tpu.enqueue_dma source(%dma_start3A_1108 : memref<2x8192xf32, #tpu.memory_space<hbm>>) target(%arg8 : memref<2x8192xf32, #tpu.memory_space<vmem>>) target_semaphore(%arg16 : memref<!tpu.dma_semaphore, #tpu.memory_space<semaphore_mem>>)
    %dma_wait3A_1109 = arith.constant 0 : i32
    %dma_wait3A_1110 = tpu.memref_slice %arg3[%add3A_1044, %dma_wait3A_1109] : memref<8192x8192xf32, #tpu.memory_space<hbm>> -> memref<2x8192xf32, #tpu.memory_space<hbm>>
    %dma_wait3A_1111 = arith.constant 0 : i32
    %dma_wait3A_1112 = tpu.memref_slice %arg3[%add3A_1044, %dma_wait3A_1111] : memref<8192x8192xf32, #tpu.memory_space<hbm>> -> memref<2x8192xf32, #tpu.memory_space<hbm>>
    tpu.wait_dma2 semaphore(%arg17 : memref<!tpu.dma_semaphore, #tpu.memory_space<semaphore_mem>>) src(%dma_wait3A_1112 : memref<2x8192xf32, #tpu.memory_space<hbm>>) dst(%arg9 : memref<2x8192xf32, #tpu.memory_space<vmem>>)
    %dma_wait3A_1113 = arith.constant 0 : i32
    %dma_wait3A_1114 = tpu.memref_slice %arg4[%add3A_1038, %dma_wait3A_1113] : memref<8192x4096xf32, #tpu.memory_space<hbm>> -> memref<2x4096xf32, #tpu.memory_space<hbm>>
    %dma_wait3A_1115 = arith.constant 0 : i32
    %dma_wait3A_1116 = tpu.memref_slice %arg4[%add3A_1038, %dma_wait3A_1115] : memref<8192x4096xf32, #tpu.memory_space<hbm>> -> memref<2x4096xf32, #tpu.memory_space<hbm>>
    tpu.wait_dma2 semaphore(%arg21 : memref<!tpu.dma_semaphore, #tpu.memory_space<semaphore_mem>>) src(%arg13 : memref<2x4096xf32, #tpu.memory_space<vmem>>) dst(%dma_wait3A_1116 : memref<2x4096xf32, #tpu.memory_space<hbm>>)
    %add3A_1117 = arith.constant 110 : i32
    %add3A_1118 = arith.addi %mul3A_2, %add3A_1117 : i32
    %dma_start3A_1119 = arith.constant 0 : i32
    %dma_start3A_1120 = tpu.memref_slice %arg4[%add3A_1118, %dma_start3A_1119] : memref<8192x4096xf32, #tpu.memory_space<hbm>> -> memref<2x4096xf32, #tpu.memory_space<hbm>>
    %dma_start3A_1121 = arith.constant 0 : i32
    %dma_start3A_1122 = tpu.memref_slice %arg4[%add3A_1118, %dma_start3A_1121] : memref<8192x4096xf32, #tpu.memory_space<hbm>> -> memref<2x4096xf32, #tpu.memory_space<hbm>>
    tpu.enqueue_dma source(%arg13 : memref<2x4096xf32, #tpu.memory_space<vmem>>) target(%dma_start3A_1122 : memref<2x4096xf32, #tpu.memory_space<hbm>>) target_semaphore(%arg21 : memref<!tpu.dma_semaphore, #tpu.memory_space<semaphore_mem>>)
    %add3A_1123 = arith.constant 118 : i32
    %add3A_1124 = arith.addi %mul3A_2, %add3A_1123 : i32
    %dma_start3A_1125 = arith.constant 0 : i32
    %dma_start3A_1126 = tpu.memref_slice %arg3[%add3A_1124, %dma_start3A_1125] : memref<8192x8192xf32, #tpu.memory_space<hbm>> -> memref<2x8192xf32, #tpu.memory_space<hbm>>
    %dma_start3A_1127 = arith.constant 0 : i32
    %dma_start3A_1128 = tpu.memref_slice %arg3[%add3A_1124, %dma_start3A_1127] : memref<8192x8192xf32, #tpu.memory_space<hbm>> -> memref<2x8192xf32, #tpu.memory_space<hbm>>
    tpu.enqueue_dma source(%dma_start3A_1128 : memref<2x8192xf32, #tpu.memory_space<hbm>>) target(%arg9 : memref<2x8192xf32, #tpu.memory_space<vmem>>) target_semaphore(%arg17 : memref<!tpu.dma_semaphore, #tpu.memory_space<semaphore_mem>>)
    %dma_wait3A_1129 = arith.constant 0 : i32
    %dma_wait3A_1130 = tpu.memref_slice %arg3[%add3A_1064, %dma_wait3A_1129] : memref<8192x8192xf32, #tpu.memory_space<hbm>> -> memref<2x8192xf32, #tpu.memory_space<hbm>>
    %dma_wait3A_1131 = arith.constant 0 : i32
    %dma_wait3A_1132 = tpu.memref_slice %arg3[%add3A_1064, %dma_wait3A_1131] : memref<8192x8192xf32, #tpu.memory_space<hbm>> -> memref<2x8192xf32, #tpu.memory_space<hbm>>
    tpu.wait_dma2 semaphore(%arg14 : memref<!tpu.dma_semaphore, #tpu.memory_space<semaphore_mem>>) src(%dma_wait3A_1132 : memref<2x8192xf32, #tpu.memory_space<hbm>>) dst(%arg6 : memref<2x8192xf32, #tpu.memory_space<vmem>>)
    %dma_wait3A_1133 = arith.constant 0 : i32
    %dma_wait3A_1134 = tpu.memref_slice %arg4[%add3A_1058, %dma_wait3A_1133] : memref<8192x4096xf32, #tpu.memory_space<hbm>> -> memref<2x4096xf32, #tpu.memory_space<hbm>>
    %dma_wait3A_1135 = arith.constant 0 : i32
    %dma_wait3A_1136 = tpu.memref_slice %arg4[%add3A_1058, %dma_wait3A_1135] : memref<8192x4096xf32, #tpu.memory_space<hbm>> -> memref<2x4096xf32, #tpu.memory_space<hbm>>
    tpu.wait_dma2 semaphore(%arg18 : memref<!tpu.dma_semaphore, #tpu.memory_space<semaphore_mem>>) src(%arg10 : memref<2x4096xf32, #tpu.memory_space<vmem>>) dst(%dma_wait3A_1136 : memref<2x4096xf32, #tpu.memory_space<hbm>>)
    %add3A_1137 = arith.constant 112 : i32
    %add3A_1138 = arith.addi %mul3A_2, %add3A_1137 : i32
    %dma_start3A_1139 = arith.constant 0 : i32
    %dma_start3A_1140 = tpu.memref_slice %arg4[%add3A_1138, %dma_start3A_1139] : memref<8192x4096xf32, #tpu.memory_space<hbm>> -> memref<2x4096xf32, #tpu.memory_space<hbm>>
    %dma_start3A_1141 = arith.constant 0 : i32
    %dma_start3A_1142 = tpu.memref_slice %arg4[%add3A_1138, %dma_start3A_1141] : memref<8192x4096xf32, #tpu.memory_space<hbm>> -> memref<2x4096xf32, #tpu.memory_space<hbm>>
    tpu.enqueue_dma source(%arg10 : memref<2x4096xf32, #tpu.memory_space<vmem>>) target(%dma_start3A_1142 : memref<2x4096xf32, #tpu.memory_space<hbm>>) target_semaphore(%arg18 : memref<!tpu.dma_semaphore, #tpu.memory_space<semaphore_mem>>)
    %add3A_1143 = arith.constant 120 : i32
    %add3A_1144 = arith.addi %mul3A_2, %add3A_1143 : i32
    %dma_start3A_1145 = arith.constant 0 : i32
    %dma_start3A_1146 = tpu.memref_slice %arg3[%add3A_1144, %dma_start3A_1145] : memref<8192x8192xf32, #tpu.memory_space<hbm>> -> memref<2x8192xf32, #tpu.memory_space<hbm>>
    %dma_start3A_1147 = arith.constant 0 : i32
    %dma_start3A_1148 = tpu.memref_slice %arg3[%add3A_1144, %dma_start3A_1147] : memref<8192x8192xf32, #tpu.memory_space<hbm>> -> memref<2x8192xf32, #tpu.memory_space<hbm>>
    tpu.enqueue_dma source(%dma_start3A_1148 : memref<2x8192xf32, #tpu.memory_space<hbm>>) target(%arg6 : memref<2x8192xf32, #tpu.memory_space<vmem>>) target_semaphore(%arg14 : memref<!tpu.dma_semaphore, #tpu.memory_space<semaphore_mem>>)
    %dma_wait3A_1149 = arith.constant 0 : i32
    %dma_wait3A_1150 = tpu.memref_slice %arg3[%add3A_1084, %dma_wait3A_1149] : memref<8192x8192xf32, #tpu.memory_space<hbm>> -> memref<2x8192xf32, #tpu.memory_space<hbm>>
    %dma_wait3A_1151 = arith.constant 0 : i32
    %dma_wait3A_1152 = tpu.memref_slice %arg3[%add3A_1084, %dma_wait3A_1151] : memref<8192x8192xf32, #tpu.memory_space<hbm>> -> memref<2x8192xf32, #tpu.memory_space<hbm>>
    tpu.wait_dma2 semaphore(%arg15 : memref<!tpu.dma_semaphore, #tpu.memory_space<semaphore_mem>>) src(%dma_wait3A_1152 : memref<2x8192xf32, #tpu.memory_space<hbm>>) dst(%arg7 : memref<2x8192xf32, #tpu.memory_space<vmem>>)
    %dma_wait3A_1153 = arith.constant 0 : i32
    %dma_wait3A_1154 = tpu.memref_slice %arg4[%add3A_1078, %dma_wait3A_1153] : memref<8192x4096xf32, #tpu.memory_space<hbm>> -> memref<2x4096xf32, #tpu.memory_space<hbm>>
    %dma_wait3A_1155 = arith.constant 0 : i32
    %dma_wait3A_1156 = tpu.memref_slice %arg4[%add3A_1078, %dma_wait3A_1155] : memref<8192x4096xf32, #tpu.memory_space<hbm>> -> memref<2x4096xf32, #tpu.memory_space<hbm>>
    tpu.wait_dma2 semaphore(%arg19 : memref<!tpu.dma_semaphore, #tpu.memory_space<semaphore_mem>>) src(%arg11 : memref<2x4096xf32, #tpu.memory_space<vmem>>) dst(%dma_wait3A_1156 : memref<2x4096xf32, #tpu.memory_space<hbm>>)
    %add3A_1157 = arith.constant 114 : i32
    %add3A_1158 = arith.addi %mul3A_2, %add3A_1157 : i32
    %dma_start3A_1159 = arith.constant 0 : i32
    %dma_start3A_1160 = tpu.memref_slice %arg4[%add3A_1158, %dma_start3A_1159] : memref<8192x4096xf32, #tpu.memory_space<hbm>> -> memref<2x4096xf32, #tpu.memory_space<hbm>>
    %dma_start3A_1161 = arith.constant 0 : i32
    %dma_start3A_1162 = tpu.memref_slice %arg4[%add3A_1158, %dma_start3A_1161] : memref<8192x4096xf32, #tpu.memory_space<hbm>> -> memref<2x4096xf32, #tpu.memory_space<hbm>>
    tpu.enqueue_dma source(%arg11 : memref<2x4096xf32, #tpu.memory_space<vmem>>) target(%dma_start3A_1162 : memref<2x4096xf32, #tpu.memory_space<hbm>>) target_semaphore(%arg19 : memref<!tpu.dma_semaphore, #tpu.memory_space<semaphore_mem>>)
    %add3A_1163 = arith.constant 122 : i32
    %add3A_1164 = arith.addi %mul3A_2, %add3A_1163 : i32
    %dma_start3A_1165 = arith.constant 0 : i32
    %dma_start3A_1166 = tpu.memref_slice %arg3[%add3A_1164, %dma_start3A_1165] : memref<8192x8192xf32, #tpu.memory_space<hbm>> -> memref<2x8192xf32, #tpu.memory_space<hbm>>
    %dma_start3A_1167 = arith.constant 0 : i32
    %dma_start3A_1168 = tpu.memref_slice %arg3[%add3A_1164, %dma_start3A_1167] : memref<8192x8192xf32, #tpu.memory_space<hbm>> -> memref<2x8192xf32, #tpu.memory_space<hbm>>
    tpu.enqueue_dma source(%dma_start3A_1168 : memref<2x8192xf32, #tpu.memory_space<hbm>>) target(%arg7 : memref<2x8192xf32, #tpu.memory_space<vmem>>) target_semaphore(%arg15 : memref<!tpu.dma_semaphore, #tpu.memory_space<semaphore_mem>>)
    %dma_wait3A_1169 = arith.constant 0 : i32
    %dma_wait3A_1170 = tpu.memref_slice %arg3[%add3A_1104, %dma_wait3A_1169] : memref<8192x8192xf32, #tpu.memory_space<hbm>> -> memref<2x8192xf32, #tpu.memory_space<hbm>>
    %dma_wait3A_1171 = arith.constant 0 : i32
    %dma_wait3A_1172 = tpu.memref_slice %arg3[%add3A_1104, %dma_wait3A_1171] : memref<8192x8192xf32, #tpu.memory_space<hbm>> -> memref<2x8192xf32, #tpu.memory_space<hbm>>
    tpu.wait_dma2 semaphore(%arg16 : memref<!tpu.dma_semaphore, #tpu.memory_space<semaphore_mem>>) src(%dma_wait3A_1172 : memref<2x8192xf32, #tpu.memory_space<hbm>>) dst(%arg8 : memref<2x8192xf32, #tpu.memory_space<vmem>>)
    %dma_wait3A_1173 = arith.constant 0 : i32
    %dma_wait3A_1174 = tpu.memref_slice %arg4[%add3A_1098, %dma_wait3A_1173] : memref<8192x4096xf32, #tpu.memory_space<hbm>> -> memref<2x4096xf32, #tpu.memory_space<hbm>>
    %dma_wait3A_1175 = arith.constant 0 : i32
    %dma_wait3A_1176 = tpu.memref_slice %arg4[%add3A_1098, %dma_wait3A_1175] : memref<8192x4096xf32, #tpu.memory_space<hbm>> -> memref<2x4096xf32, #tpu.memory_space<hbm>>
    tpu.wait_dma2 semaphore(%arg20 : memref<!tpu.dma_semaphore, #tpu.memory_space<semaphore_mem>>) src(%arg12 : memref<2x4096xf32, #tpu.memory_space<vmem>>) dst(%dma_wait3A_1176 : memref<2x4096xf32, #tpu.memory_space<hbm>>)
    %add3A_1177 = arith.constant 116 : i32
    %add3A_1178 = arith.addi %mul3A_2, %add3A_1177 : i32
    %dma_start3A_1179 = arith.constant 0 : i32
    %dma_start3A_1180 = tpu.memref_slice %arg4[%add3A_1178, %dma_start3A_1179] : memref<8192x4096xf32, #tpu.memory_space<hbm>> -> memref<2x4096xf32, #tpu.memory_space<hbm>>
    %dma_start3A_1181 = arith.constant 0 : i32
    %dma_start3A_1182 = tpu.memref_slice %arg4[%add3A_1178, %dma_start3A_1181] : memref<8192x4096xf32, #tpu.memory_space<hbm>> -> memref<2x4096xf32, #tpu.memory_space<hbm>>
    tpu.enqueue_dma source(%arg12 : memref<2x4096xf32, #tpu.memory_space<vmem>>) target(%dma_start3A_1182 : memref<2x4096xf32, #tpu.memory_space<hbm>>) target_semaphore(%arg20 : memref<!tpu.dma_semaphore, #tpu.memory_space<semaphore_mem>>)
    %add3A_1183 = arith.constant 124 : i32
    %add3A_1184 = arith.addi %mul3A_2, %add3A_1183 : i32
    %dma_start3A_1185 = arith.constant 0 : i32
    %dma_start3A_1186 = tpu.memref_slice %arg3[%add3A_1184, %dma_start3A_1185] : memref<8192x8192xf32, #tpu.memory_space<hbm>> -> memref<2x8192xf32, #tpu.memory_space<hbm>>
    %dma_start3A_1187 = arith.constant 0 : i32
    %dma_start3A_1188 = tpu.memref_slice %arg3[%add3A_1184, %dma_start3A_1187] : memref<8192x8192xf32, #tpu.memory_space<hbm>> -> memref<2x8192xf32, #tpu.memory_space<hbm>>
    tpu.enqueue_dma source(%dma_start3A_1188 : memref<2x8192xf32, #tpu.memory_space<hbm>>) target(%arg8 : memref<2x8192xf32, #tpu.memory_space<vmem>>) target_semaphore(%arg16 : memref<!tpu.dma_semaphore, #tpu.memory_space<semaphore_mem>>)
    %dma_wait3A_1189 = arith.constant 0 : i32
    %dma_wait3A_1190 = tpu.memref_slice %arg3[%add3A_1124, %dma_wait3A_1189] : memref<8192x8192xf32, #tpu.memory_space<hbm>> -> memref<2x8192xf32, #tpu.memory_space<hbm>>
    %dma_wait3A_1191 = arith.constant 0 : i32
    %dma_wait3A_1192 = tpu.memref_slice %arg3[%add3A_1124, %dma_wait3A_1191] : memref<8192x8192xf32, #tpu.memory_space<hbm>> -> memref<2x8192xf32, #tpu.memory_space<hbm>>
    tpu.wait_dma2 semaphore(%arg17 : memref<!tpu.dma_semaphore, #tpu.memory_space<semaphore_mem>>) src(%dma_wait3A_1192 : memref<2x8192xf32, #tpu.memory_space<hbm>>) dst(%arg9 : memref<2x8192xf32, #tpu.memory_space<vmem>>)
    %dma_wait3A_1193 = arith.constant 0 : i32
    %dma_wait3A_1194 = tpu.memref_slice %arg4[%add3A_1118, %dma_wait3A_1193] : memref<8192x4096xf32, #tpu.memory_space<hbm>> -> memref<2x4096xf32, #tpu.memory_space<hbm>>
    %dma_wait3A_1195 = arith.constant 0 : i32
    %dma_wait3A_1196 = tpu.memref_slice %arg4[%add3A_1118, %dma_wait3A_1195] : memref<8192x4096xf32, #tpu.memory_space<hbm>> -> memref<2x4096xf32, #tpu.memory_space<hbm>>
    tpu.wait_dma2 semaphore(%arg21 : memref<!tpu.dma_semaphore, #tpu.memory_space<semaphore_mem>>) src(%arg13 : memref<2x4096xf32, #tpu.memory_space<vmem>>) dst(%dma_wait3A_1196 : memref<2x4096xf32, #tpu.memory_space<hbm>>)
    %add3A_1197 = arith.constant 118 : i32
    %add3A_1198 = arith.addi %mul3A_2, %add3A_1197 : i32
    %dma_start3A_1199 = arith.constant 0 : i32
    %dma_start3A_1200 = tpu.memref_slice %arg4[%add3A_1198, %dma_start3A_1199] : memref<8192x4096xf32, #tpu.memory_space<hbm>> -> memref<2x4096xf32, #tpu.memory_space<hbm>>
    %dma_start3A_1201 = arith.constant 0 : i32
    %dma_start3A_1202 = tpu.memref_slice %arg4[%add3A_1198, %dma_start3A_1201] : memref<8192x4096xf32, #tpu.memory_space<hbm>> -> memref<2x4096xf32, #tpu.memory_space<hbm>>
    tpu.enqueue_dma source(%arg13 : memref<2x4096xf32, #tpu.memory_space<vmem>>) target(%dma_start3A_1202 : memref<2x4096xf32, #tpu.memory_space<hbm>>) target_semaphore(%arg21 : memref<!tpu.dma_semaphore, #tpu.memory_space<semaphore_mem>>)
    %add3A_1203 = arith.constant 126 : i32
    %add3A_1204 = arith.addi %mul3A_2, %add3A_1203 : i32
    %dma_start3A_1205 = arith.constant 0 : i32
    %dma_start3A_1206 = tpu.memref_slice %arg3[%add3A_1204, %dma_start3A_1205] : memref<8192x8192xf32, #tpu.memory_space<hbm>> -> memref<2x8192xf32, #tpu.memory_space<hbm>>
    %dma_start3A_1207 = arith.constant 0 : i32
    %dma_start3A_1208 = tpu.memref_slice %arg3[%add3A_1204, %dma_start3A_1207] : memref<8192x8192xf32, #tpu.memory_space<hbm>> -> memref<2x8192xf32, #tpu.memory_space<hbm>>
    tpu.enqueue_dma source(%dma_start3A_1208 : memref<2x8192xf32, #tpu.memory_space<hbm>>) target(%arg9 : memref<2x8192xf32, #tpu.memory_space<vmem>>) target_semaphore(%arg17 : memref<!tpu.dma_semaphore, #tpu.memory_space<semaphore_mem>>)
    %dma_wait3A_1209 = arith.constant 0 : i32
    %dma_wait3A_1210 = tpu.memref_slice %arg3[%add3A_1144, %dma_wait3A_1209] : memref<8192x8192xf32, #tpu.memory_space<hbm>> -> memref<2x8192xf32, #tpu.memory_space<hbm>>
    %dma_wait3A_1211 = arith.constant 0 : i32
    %dma_wait3A_1212 = tpu.memref_slice %arg3[%add3A_1144, %dma_wait3A_1211] : memref<8192x8192xf32, #tpu.memory_space<hbm>> -> memref<2x8192xf32, #tpu.memory_space<hbm>>
    tpu.wait_dma2 semaphore(%arg14 : memref<!tpu.dma_semaphore, #tpu.memory_space<semaphore_mem>>) src(%dma_wait3A_1212 : memref<2x8192xf32, #tpu.memory_space<hbm>>) dst(%arg6 : memref<2x8192xf32, #tpu.memory_space<vmem>>)
    %dma_wait3A_1213 = arith.constant 0 : i32
    %dma_wait3A_1214 = tpu.memref_slice %arg4[%add3A_1138, %dma_wait3A_1213] : memref<8192x4096xf32, #tpu.memory_space<hbm>> -> memref<2x4096xf32, #tpu.memory_space<hbm>>
    %dma_wait3A_1215 = arith.constant 0 : i32
    %dma_wait3A_1216 = tpu.memref_slice %arg4[%add3A_1138, %dma_wait3A_1215] : memref<8192x4096xf32, #tpu.memory_space<hbm>> -> memref<2x4096xf32, #tpu.memory_space<hbm>>
    tpu.wait_dma2 semaphore(%arg18 : memref<!tpu.dma_semaphore, #tpu.memory_space<semaphore_mem>>) src(%arg10 : memref<2x4096xf32, #tpu.memory_space<vmem>>) dst(%dma_wait3A_1216 : memref<2x4096xf32, #tpu.memory_space<hbm>>)
    %add3A_1217 = arith.constant 120 : i32
    %add3A_1218 = arith.addi %mul3A_2, %add3A_1217 : i32
    %dma_start3A_1219 = arith.constant 0 : i32
    %dma_start3A_1220 = tpu.memref_slice %arg4[%add3A_1218, %dma_start3A_1219] : memref<8192x4096xf32, #tpu.memory_space<hbm>> -> memref<2x4096xf32, #tpu.memory_space<hbm>>
    %dma_start3A_1221 = arith.constant 0 : i32
    %dma_start3A_1222 = tpu.memref_slice %arg4[%add3A_1218, %dma_start3A_1221] : memref<8192x4096xf32, #tpu.memory_space<hbm>> -> memref<2x4096xf32, #tpu.memory_space<hbm>>
    tpu.enqueue_dma source(%arg10 : memref<2x4096xf32, #tpu.memory_space<vmem>>) target(%dma_start3A_1222 : memref<2x4096xf32, #tpu.memory_space<hbm>>) target_semaphore(%arg18 : memref<!tpu.dma_semaphore, #tpu.memory_space<semaphore_mem>>)
    %add3A_1223 = arith.constant 128 : i32
    %add3A_1224 = arith.addi %mul3A_2, %add3A_1223 : i32
    %dma_start3A_1225 = arith.constant 0 : i32
    %dma_start3A_1226 = tpu.memref_slice %arg3[%add3A_1224, %dma_start3A_1225] : memref<8192x8192xf32, #tpu.memory_space<hbm>> -> memref<2x8192xf32, #tpu.memory_space<hbm>>
    %dma_start3A_1227 = arith.constant 0 : i32
    %dma_start3A_1228 = tpu.memref_slice %arg3[%add3A_1224, %dma_start3A_1227] : memref<8192x8192xf32, #tpu.memory_space<hbm>> -> memref<2x8192xf32, #tpu.memory_space<hbm>>
    tpu.enqueue_dma source(%dma_start3A_1228 : memref<2x8192xf32, #tpu.memory_space<hbm>>) target(%arg6 : memref<2x8192xf32, #tpu.memory_space<vmem>>) target_semaphore(%arg14 : memref<!tpu.dma_semaphore, #tpu.memory_space<semaphore_mem>>)
    %dma_wait3A_1229 = arith.constant 0 : i32
    %dma_wait3A_1230 = tpu.memref_slice %arg3[%add3A_1164, %dma_wait3A_1229] : memref<8192x8192xf32, #tpu.memory_space<hbm>> -> memref<2x8192xf32, #tpu.memory_space<hbm>>
    %dma_wait3A_1231 = arith.constant 0 : i32
    %dma_wait3A_1232 = tpu.memref_slice %arg3[%add3A_1164, %dma_wait3A_1231] : memref<8192x8192xf32, #tpu.memory_space<hbm>> -> memref<2x8192xf32, #tpu.memory_space<hbm>>
    tpu.wait_dma2 semaphore(%arg15 : memref<!tpu.dma_semaphore, #tpu.memory_space<semaphore_mem>>) src(%dma_wait3A_1232 : memref<2x8192xf32, #tpu.memory_space<hbm>>) dst(%arg7 : memref<2x8192xf32, #tpu.memory_space<vmem>>)
    %dma_wait3A_1233 = arith.constant 0 : i32
    %dma_wait3A_1234 = tpu.memref_slice %arg4[%add3A_1158, %dma_wait3A_1233] : memref<8192x4096xf32, #tpu.memory_space<hbm>> -> memref<2x4096xf32, #tpu.memory_space<hbm>>
    %dma_wait3A_1235 = arith.constant 0 : i32
    %dma_wait3A_1236 = tpu.memref_slice %arg4[%add3A_1158, %dma_wait3A_1235] : memref<8192x4096xf32, #tpu.memory_space<hbm>> -> memref<2x4096xf32, #tpu.memory_space<hbm>>
    tpu.wait_dma2 semaphore(%arg19 : memref<!tpu.dma_semaphore, #tpu.memory_space<semaphore_mem>>) src(%arg11 : memref<2x4096xf32, #tpu.memory_space<vmem>>) dst(%dma_wait3A_1236 : memref<2x4096xf32, #tpu.memory_space<hbm>>)
    %add3A_1237 = arith.constant 122 : i32
    %add3A_1238 = arith.addi %mul3A_2, %add3A_1237 : i32
    %dma_start3A_1239 = arith.constant 0 : i32
    %dma_start3A_1240 = tpu.memref_slice %arg4[%add3A_1238, %dma_start3A_1239] : memref<8192x4096xf32, #tpu.memory_space<hbm>> -> memref<2x4096xf32, #tpu.memory_space<hbm>>
    %dma_start3A_1241 = arith.constant 0 : i32
    %dma_start3A_1242 = tpu.memref_slice %arg4[%add3A_1238, %dma_start3A_1241] : memref<8192x4096xf32, #tpu.memory_space<hbm>> -> memref<2x4096xf32, #tpu.memory_space<hbm>>
    tpu.enqueue_dma source(%arg11 : memref<2x4096xf32, #tpu.memory_space<vmem>>) target(%dma_start3A_1242 : memref<2x4096xf32, #tpu.memory_space<hbm>>) target_semaphore(%arg19 : memref<!tpu.dma_semaphore, #tpu.memory_space<semaphore_mem>>)
    %add3A_1243 = arith.constant 130 : i32
    %add3A_1244 = arith.addi %mul3A_2, %add3A_1243 : i32
    %dma_start3A_1245 = arith.constant 0 : i32
    %dma_start3A_1246 = tpu.memref_slice %arg3[%add3A_1244, %dma_start3A_1245] : memref<8192x8192xf32, #tpu.memory_space<hbm>> -> memref<2x8192xf32, #tpu.memory_space<hbm>>
    %dma_start3A_1247 = arith.constant 0 : i32
    %dma_start3A_1248 = tpu.memref_slice %arg3[%add3A_1244, %dma_start3A_1247] : memref<8192x8192xf32, #tpu.memory_space<hbm>> -> memref<2x8192xf32, #tpu.memory_space<hbm>>
    tpu.enqueue_dma source(%dma_start3A_1248 : memref<2x8192xf32, #tpu.memory_space<hbm>>) target(%arg7 : memref<2x8192xf32, #tpu.memory_space<vmem>>) target_semaphore(%arg15 : memref<!tpu.dma_semaphore, #tpu.memory_space<semaphore_mem>>)
    %dma_wait3A_1249 = arith.constant 0 : i32
    %dma_wait3A_1250 = tpu.memref_slice %arg3[%add3A_1184, %dma_wait3A_1249] : memref<8192x8192xf32, #tpu.memory_space<hbm>> -> memref<2x8192xf32, #tpu.memory_space<hbm>>
    %dma_wait3A_1251 = arith.constant 0 : i32
    %dma_wait3A_1252 = tpu.memref_slice %arg3[%add3A_1184, %dma_wait3A_1251] : memref<8192x8192xf32, #tpu.memory_space<hbm>> -> memref<2x8192xf32, #tpu.memory_space<hbm>>
    tpu.wait_dma2 semaphore(%arg16 : memref<!tpu.dma_semaphore, #tpu.memory_space<semaphore_mem>>) src(%dma_wait3A_1252 : memref<2x8192xf32, #tpu.memory_space<hbm>>) dst(%arg8 : memref<2x8192xf32, #tpu.memory_space<vmem>>)
    %dma_wait3A_1253 = arith.constant 0 : i32
    %dma_wait3A_1254 = tpu.memref_slice %arg4[%add3A_1178, %dma_wait3A_1253] : memref<8192x4096xf32, #tpu.memory_space<hbm>> -> memref<2x4096xf32, #tpu.memory_space<hbm>>
    %dma_wait3A_1255 = arith.constant 0 : i32
    %dma_wait3A_1256 = tpu.memref_slice %arg4[%add3A_1178, %dma_wait3A_1255] : memref<8192x4096xf32, #tpu.memory_space<hbm>> -> memref<2x4096xf32, #tpu.memory_space<hbm>>
    tpu.wait_dma2 semaphore(%arg20 : memref<!tpu.dma_semaphore, #tpu.memory_space<semaphore_mem>>) src(%arg12 : memref<2x4096xf32, #tpu.memory_space<vmem>>) dst(%dma_wait3A_1256 : memref<2x4096xf32, #tpu.memory_space<hbm>>)
    %add3A_1257 = arith.constant 124 : i32
    %add3A_1258 = arith.addi %mul3A_2, %add3A_1257 : i32
    %dma_start3A_1259 = arith.constant 0 : i32
    %dma_start3A_1260 = tpu.memref_slice %arg4[%add3A_1258, %dma_start3A_1259] : memref<8192x4096xf32, #tpu.memory_space<hbm>> -> memref<2x4096xf32, #tpu.memory_space<hbm>>
    %dma_start3A_1261 = arith.constant 0 : i32
    %dma_start3A_1262 = tpu.memref_slice %arg4[%add3A_1258, %dma_start3A_1261] : memref<8192x4096xf32, #tpu.memory_space<hbm>> -> memref<2x4096xf32, #tpu.memory_space<hbm>>
    tpu.enqueue_dma source(%arg12 : memref<2x4096xf32, #tpu.memory_space<vmem>>) target(%dma_start3A_1262 : memref<2x4096xf32, #tpu.memory_space<hbm>>) target_semaphore(%arg20 : memref<!tpu.dma_semaphore, #tpu.memory_space<semaphore_mem>>)
    %add3A_1263 = arith.constant 132 : i32
    %add3A_1264 = arith.addi %mul3A_2, %add3A_1263 : i32
    %dma_start3A_1265 = arith.constant 0 : i32
    %dma_start3A_1266 = tpu.memref_slice %arg3[%add3A_1264, %dma_start3A_1265] : memref<8192x8192xf32, #tpu.memory_space<hbm>> -> memref<2x8192xf32, #tpu.memory_space<hbm>>
    %dma_start3A_1267 = arith.constant 0 : i32
    %dma_start3A_1268 = tpu.memref_slice %arg3[%add3A_1264, %dma_start3A_1267] : memref<8192x8192xf32, #tpu.memory_space<hbm>> -> memref<2x8192xf32, #tpu.memory_space<hbm>>
    tpu.enqueue_dma source(%dma_start3A_1268 : memref<2x8192xf32, #tpu.memory_space<hbm>>) target(%arg8 : memref<2x8192xf32, #tpu.memory_space<vmem>>) target_semaphore(%arg16 : memref<!tpu.dma_semaphore, #tpu.memory_space<semaphore_mem>>)
    %dma_wait3A_1269 = arith.constant 0 : i32
    %dma_wait3A_1270 = tpu.memref_slice %arg3[%add3A_1204, %dma_wait3A_1269] : memref<8192x8192xf32, #tpu.memory_space<hbm>> -> memref<2x8192xf32, #tpu.memory_space<hbm>>
    %dma_wait3A_1271 = arith.constant 0 : i32
    %dma_wait3A_1272 = tpu.memref_slice %arg3[%add3A_1204, %dma_wait3A_1271] : memref<8192x8192xf32, #tpu.memory_space<hbm>> -> memref<2x8192xf32, #tpu.memory_space<hbm>>
    tpu.wait_dma2 semaphore(%arg17 : memref<!tpu.dma_semaphore, #tpu.memory_space<semaphore_mem>>) src(%dma_wait3A_1272 : memref<2x8192xf32, #tpu.memory_space<hbm>>) dst(%arg9 : memref<2x8192xf32, #tpu.memory_space<vmem>>)
    %dma_wait3A_1273 = arith.constant 0 : i32
    %dma_wait3A_1274 = tpu.memref_slice %arg4[%add3A_1198, %dma_wait3A_1273] : memref<8192x4096xf32, #tpu.memory_space<hbm>> -> memref<2x4096xf32, #tpu.memory_space<hbm>>
    %dma_wait3A_1275 = arith.constant 0 : i32
    %dma_wait3A_1276 = tpu.memref_slice %arg4[%add3A_1198, %dma_wait3A_1275] : memref<8192x4096xf32, #tpu.memory_space<hbm>> -> memref<2x4096xf32, #tpu.memory_space<hbm>>
    tpu.wait_dma2 semaphore(%arg21 : memref<!tpu.dma_semaphore, #tpu.memory_space<semaphore_mem>>) src(%arg13 : memref<2x4096xf32, #tpu.memory_space<vmem>>) dst(%dma_wait3A_1276 : memref<2x4096xf32, #tpu.memory_space<hbm>>)
    %add3A_1277 = arith.constant 126 : i32
    %add3A_1278 = arith.addi %mul3A_2, %add3A_1277 : i32
    %dma_start3A_1279 = arith.constant 0 : i32
    %dma_start3A_1280 = tpu.memref_slice %arg4[%add3A_1278, %dma_start3A_1279] : memref<8192x4096xf32, #tpu.memory_space<hbm>> -> memref<2x4096xf32, #tpu.memory_space<hbm>>
    %dma_start3A_1281 = arith.constant 0 : i32
    %dma_start3A_1282 = tpu.memref_slice %arg4[%add3A_1278, %dma_start3A_1281] : memref<8192x4096xf32, #tpu.memory_space<hbm>> -> memref<2x4096xf32, #tpu.memory_space<hbm>>
    tpu.enqueue_dma source(%arg13 : memref<2x4096xf32, #tpu.memory_space<vmem>>) target(%dma_start3A_1282 : memref<2x4096xf32, #tpu.memory_space<hbm>>) target_semaphore(%arg21 : memref<!tpu.dma_semaphore, #tpu.memory_space<semaphore_mem>>)
    %add3A_1283 = arith.constant 134 : i32
    %add3A_1284 = arith.addi %mul3A_2, %add3A_1283 : i32
    %dma_start3A_1285 = arith.constant 0 : i32
    %dma_start3A_1286 = tpu.memref_slice %arg3[%add3A_1284, %dma_start3A_1285] : memref<8192x8192xf32, #tpu.memory_space<hbm>> -> memref<2x8192xf32, #tpu.memory_space<hbm>>
    %dma_start3A_1287 = arith.constant 0 : i32
    %dma_start3A_1288 = tpu.memref_slice %arg3[%add3A_1284, %dma_start3A_1287] : memref<8192x8192xf32, #tpu.memory_space<hbm>> -> memref<2x8192xf32, #tpu.memory_space<hbm>>
    tpu.enqueue_dma source(%dma_start3A_1288 : memref<2x8192xf32, #tpu.memory_space<hbm>>) target(%arg9 : memref<2x8192xf32, #tpu.memory_space<vmem>>) target_semaphore(%arg17 : memref<!tpu.dma_semaphore, #tpu.memory_space<semaphore_mem>>)
    %dma_wait3A_1289 = arith.constant 0 : i32
    %dma_wait3A_1290 = tpu.memref_slice %arg3[%add3A_1224, %dma_wait3A_1289] : memref<8192x8192xf32, #tpu.memory_space<hbm>> -> memref<2x8192xf32, #tpu.memory_space<hbm>>
    %dma_wait3A_1291 = arith.constant 0 : i32
    %dma_wait3A_1292 = tpu.memref_slice %arg3[%add3A_1224, %dma_wait3A_1291] : memref<8192x8192xf32, #tpu.memory_space<hbm>> -> memref<2x8192xf32, #tpu.memory_space<hbm>>
    tpu.wait_dma2 semaphore(%arg14 : memref<!tpu.dma_semaphore, #tpu.memory_space<semaphore_mem>>) src(%dma_wait3A_1292 : memref<2x8192xf32, #tpu.memory_space<hbm>>) dst(%arg6 : memref<2x8192xf32, #tpu.memory_space<vmem>>)
    %dma_wait3A_1293 = arith.constant 0 : i32
    %dma_wait3A_1294 = tpu.memref_slice %arg4[%add3A_1218, %dma_wait3A_1293] : memref<8192x4096xf32, #tpu.memory_space<hbm>> -> memref<2x4096xf32, #tpu.memory_space<hbm>>
    %dma_wait3A_1295 = arith.constant 0 : i32
    %dma_wait3A_1296 = tpu.memref_slice %arg4[%add3A_1218, %dma_wait3A_1295] : memref<8192x4096xf32, #tpu.memory_space<hbm>> -> memref<2x4096xf32, #tpu.memory_space<hbm>>
    tpu.wait_dma2 semaphore(%arg18 : memref<!tpu.dma_semaphore, #tpu.memory_space<semaphore_mem>>) src(%arg10 : memref<2x4096xf32, #tpu.memory_space<vmem>>) dst(%dma_wait3A_1296 : memref<2x4096xf32, #tpu.memory_space<hbm>>)
    %add3A_1297 = arith.constant 128 : i32
    %add3A_1298 = arith.addi %mul3A_2, %add3A_1297 : i32
    %dma_start3A_1299 = arith.constant 0 : i32
    %dma_start3A_1300 = tpu.memref_slice %arg4[%add3A_1298, %dma_start3A_1299] : memref<8192x4096xf32, #tpu.memory_space<hbm>> -> memref<2x4096xf32, #tpu.memory_space<hbm>>
    %dma_start3A_1301 = arith.constant 0 : i32
    %dma_start3A_1302 = tpu.memref_slice %arg4[%add3A_1298, %dma_start3A_1301] : memref<8192x4096xf32, #tpu.memory_space<hbm>> -> memref<2x4096xf32, #tpu.memory_space<hbm>>
    tpu.enqueue_dma source(%arg10 : memref<2x4096xf32, #tpu.memory_space<vmem>>) target(%dma_start3A_1302 : memref<2x4096xf32, #tpu.memory_space<hbm>>) target_semaphore(%arg18 : memref<!tpu.dma_semaphore, #tpu.memory_space<semaphore_mem>>)
    %add3A_1303 = arith.constant 136 : i32
    %add3A_1304 = arith.addi %mul3A_2, %add3A_1303 : i32
    %dma_start3A_1305 = arith.constant 0 : i32
    %dma_start3A_1306 = tpu.memref_slice %arg3[%add3A_1304, %dma_start3A_1305] : memref<8192x8192xf32, #tpu.memory_space<hbm>> -> memref<2x8192xf32, #tpu.memory_space<hbm>>
    %dma_start3A_1307 = arith.constant 0 : i32
    %dma_start3A_1308 = tpu.memref_slice %arg3[%add3A_1304, %dma_start3A_1307] : memref<8192x8192xf32, #tpu.memory_space<hbm>> -> memref<2x8192xf32, #tpu.memory_space<hbm>>
    tpu.enqueue_dma source(%dma_start3A_1308 : memref<2x8192xf32, #tpu.memory_space<hbm>>) target(%arg6 : memref<2x8192xf32, #tpu.memory_space<vmem>>) target_semaphore(%arg14 : memref<!tpu.dma_semaphore, #tpu.memory_space<semaphore_mem>>)
    %dma_wait3A_1309 = arith.constant 0 : i32
    %dma_wait3A_1310 = tpu.memref_slice %arg3[%add3A_1244, %dma_wait3A_1309] : memref<8192x8192xf32, #tpu.memory_space<hbm>> -> memref<2x8192xf32, #tpu.memory_space<hbm>>
    %dma_wait3A_1311 = arith.constant 0 : i32
    %dma_wait3A_1312 = tpu.memref_slice %arg3[%add3A_1244, %dma_wait3A_1311] : memref<8192x8192xf32, #tpu.memory_space<hbm>> -> memref<2x8192xf32, #tpu.memory_space<hbm>>
    tpu.wait_dma2 semaphore(%arg15 : memref<!tpu.dma_semaphore, #tpu.memory_space<semaphore_mem>>) src(%dma_wait3A_1312 : memref<2x8192xf32, #tpu.memory_space<hbm>>) dst(%arg7 : memref<2x8192xf32, #tpu.memory_space<vmem>>)
    %dma_wait3A_1313 = arith.constant 0 : i32
    %dma_wait3A_1314 = tpu.memref_slice %arg4[%add3A_1238, %dma_wait3A_1313] : memref<8192x4096xf32, #tpu.memory_space<hbm>> -> memref<2x4096xf32, #tpu.memory_space<hbm>>
    %dma_wait3A_1315 = arith.constant 0 : i32
    %dma_wait3A_1316 = tpu.memref_slice %arg4[%add3A_1238, %dma_wait3A_1315] : memref<8192x4096xf32, #tpu.memory_space<hbm>> -> memref<2x4096xf32, #tpu.memory_space<hbm>>
    tpu.wait_dma2 semaphore(%arg19 : memref<!tpu.dma_semaphore, #tpu.memory_space<semaphore_mem>>) src(%arg11 : memref<2x4096xf32, #tpu.memory_space<vmem>>) dst(%dma_wait3A_1316 : memref<2x4096xf32, #tpu.memory_space<hbm>>)
    %add3A_1317 = arith.constant 130 : i32
    %add3A_1318 = arith.addi %mul3A_2, %add3A_1317 : i32
    %dma_start3A_1319 = arith.constant 0 : i32
    %dma_start3A_1320 = tpu.memref_slice %arg4[%add3A_1318, %dma_start3A_1319] : memref<8192x4096xf32, #tpu.memory_space<hbm>> -> memref<2x4096xf32, #tpu.memory_space<hbm>>
    %dma_start3A_1321 = arith.constant 0 : i32
    %dma_start3A_1322 = tpu.memref_slice %arg4[%add3A_1318, %dma_start3A_1321] : memref<8192x4096xf32, #tpu.memory_space<hbm>> -> memref<2x4096xf32, #tpu.memory_space<hbm>>
    tpu.enqueue_dma source(%arg11 : memref<2x4096xf32, #tpu.memory_space<vmem>>) target(%dma_start3A_1322 : memref<2x4096xf32, #tpu.memory_space<hbm>>) target_semaphore(%arg19 : memref<!tpu.dma_semaphore, #tpu.memory_space<semaphore_mem>>)
    %add3A_1323 = arith.constant 138 : i32
    %add3A_1324 = arith.addi %mul3A_2, %add3A_1323 : i32
    %dma_start3A_1325 = arith.constant 0 : i32
    %dma_start3A_1326 = tpu.memref_slice %arg3[%add3A_1324, %dma_start3A_1325] : memref<8192x8192xf32, #tpu.memory_space<hbm>> -> memref<2x8192xf32, #tpu.memory_space<hbm>>
    %dma_start3A_1327 = arith.constant 0 : i32
    %dma_start3A_1328 = tpu.memref_slice %arg3[%add3A_1324, %dma_start3A_1327] : memref<8192x8192xf32, #tpu.memory_space<hbm>> -> memref<2x8192xf32, #tpu.memory_space<hbm>>
    tpu.enqueue_dma source(%dma_start3A_1328 : memref<2x8192xf32, #tpu.memory_space<hbm>>) target(%arg7 : memref<2x8192xf32, #tpu.memory_space<vmem>>) target_semaphore(%arg15 : memref<!tpu.dma_semaphore, #tpu.memory_space<semaphore_mem>>)
    %dma_wait3A_1329 = arith.constant 0 : i32
    %dma_wait3A_1330 = tpu.memref_slice %arg3[%add3A_1264, %dma_wait3A_1329] : memref<8192x8192xf32, #tpu.memory_space<hbm>> -> memref<2x8192xf32, #tpu.memory_space<hbm>>
    %dma_wait3A_1331 = arith.constant 0 : i32
    %dma_wait3A_1332 = tpu.memref_slice %arg3[%add3A_1264, %dma_wait3A_1331] : memref<8192x8192xf32, #tpu.memory_space<hbm>> -> memref<2x8192xf32, #tpu.memory_space<hbm>>
    tpu.wait_dma2 semaphore(%arg16 : memref<!tpu.dma_semaphore, #tpu.memory_space<semaphore_mem>>) src(%dma_wait3A_1332 : memref<2x8192xf32, #tpu.memory_space<hbm>>) dst(%arg8 : memref<2x8192xf32, #tpu.memory_space<vmem>>)
    %dma_wait3A_1333 = arith.constant 0 : i32
    %dma_wait3A_1334 = tpu.memref_slice %arg4[%add3A_1258, %dma_wait3A_1333] : memref<8192x4096xf32, #tpu.memory_space<hbm>> -> memref<2x4096xf32, #tpu.memory_space<hbm>>
    %dma_wait3A_1335 = arith.constant 0 : i32
    %dma_wait3A_1336 = tpu.memref_slice %arg4[%add3A_1258, %dma_wait3A_1335] : memref<8192x4096xf32, #tpu.memory_space<hbm>> -> memref<2x4096xf32, #tpu.memory_space<hbm>>
    tpu.wait_dma2 semaphore(%arg20 : memref<!tpu.dma_semaphore, #tpu.memory_space<semaphore_mem>>) src(%arg12 : memref<2x4096xf32, #tpu.memory_space<vmem>>) dst(%dma_wait3A_1336 : memref<2x4096xf32, #tpu.memory_space<hbm>>)
    %add3A_1337 = arith.constant 132 : i32
    %add3A_1338 = arith.addi %mul3A_2, %add3A_1337 : i32
    %dma_start3A_1339 = arith.constant 0 : i32
    %dma_start3A_1340 = tpu.memref_slice %arg4[%add3A_1338, %dma_start3A_1339] : memref<8192x4096xf32, #tpu.memory_space<hbm>> -> memref<2x4096xf32, #tpu.memory_space<hbm>>
    %dma_start3A_1341 = arith.constant 0 : i32
    %dma_start3A_1342 = tpu.memref_slice %arg4[%add3A_1338, %dma_start3A_1341] : memref<8192x4096xf32, #tpu.memory_space<hbm>> -> memref<2x4096xf32, #tpu.memory_space<hbm>>
    tpu.enqueue_dma source(%arg12 : memref<2x4096xf32, #tpu.memory_space<vmem>>) target(%dma_start3A_1342 : memref<2x4096xf32, #tpu.memory_space<hbm>>) target_semaphore(%arg20 : memref<!tpu.dma_semaphore, #tpu.memory_space<semaphore_mem>>)
    %add3A_1343 = arith.constant 140 : i32
    %add3A_1344 = arith.addi %mul3A_2, %add3A_1343 : i32
    %dma_start3A_1345 = arith.constant 0 : i32
    %dma_start3A_1346 = tpu.memref_slice %arg3[%add3A_1344, %dma_start3A_1345] : memref<8192x8192xf32, #tpu.memory_space<hbm>> -> memref<2x8192xf32, #tpu.memory_space<hbm>>
    %dma_start3A_1347 = arith.constant 0 : i32
    %dma_start3A_1348 = tpu.memref_slice %arg3[%add3A_1344, %dma_start3A_1347] : memref<8192x8192xf32, #tpu.memory_space<hbm>> -> memref<2x8192xf32, #tpu.memory_space<hbm>>
    tpu.enqueue_dma source(%dma_start3A_1348 : memref<2x8192xf32, #tpu.memory_space<hbm>>) target(%arg8 : memref<2x8192xf32, #tpu.memory_space<vmem>>) target_semaphore(%arg16 : memref<!tpu.dma_semaphore, #tpu.memory_space<semaphore_mem>>)
    %dma_wait3A_1349 = arith.constant 0 : i32
    %dma_wait3A_1350 = tpu.memref_slice %arg3[%add3A_1284, %dma_wait3A_1349] : memref<8192x8192xf32, #tpu.memory_space<hbm>> -> memref<2x8192xf32, #tpu.memory_space<hbm>>
    %dma_wait3A_1351 = arith.constant 0 : i32
    %dma_wait3A_1352 = tpu.memref_slice %arg3[%add3A_1284, %dma_wait3A_1351] : memref<8192x8192xf32, #tpu.memory_space<hbm>> -> memref<2x8192xf32, #tpu.memory_space<hbm>>
    tpu.wait_dma2 semaphore(%arg17 : memref<!tpu.dma_semaphore, #tpu.memory_space<semaphore_mem>>) src(%dma_wait3A_1352 : memref<2x8192xf32, #tpu.memory_space<hbm>>) dst(%arg9 : memref<2x8192xf32, #tpu.memory_space<vmem>>)
    %dma_wait3A_1353 = arith.constant 0 : i32
    %dma_wait3A_1354 = tpu.memref_slice %arg4[%add3A_1278, %dma_wait3A_1353] : memref<8192x4096xf32, #tpu.memory_space<hbm>> -> memref<2x4096xf32, #tpu.memory_space<hbm>>
    %dma_wait3A_1355 = arith.constant 0 : i32
    %dma_wait3A_1356 = tpu.memref_slice %arg4[%add3A_1278, %dma_wait3A_1355] : memref<8192x4096xf32, #tpu.memory_space<hbm>> -> memref<2x4096xf32, #tpu.memory_space<hbm>>
    tpu.wait_dma2 semaphore(%arg21 : memref<!tpu.dma_semaphore, #tpu.memory_space<semaphore_mem>>) src(%arg13 : memref<2x4096xf32, #tpu.memory_space<vmem>>) dst(%dma_wait3A_1356 : memref<2x4096xf32, #tpu.memory_space<hbm>>)
    %add3A_1357 = arith.constant 134 : i32
    %add3A_1358 = arith.addi %mul3A_2, %add3A_1357 : i32
    %dma_start3A_1359 = arith.constant 0 : i32
    %dma_start3A_1360 = tpu.memref_slice %arg4[%add3A_1358, %dma_start3A_1359] : memref<8192x4096xf32, #tpu.memory_space<hbm>> -> memref<2x4096xf32, #tpu.memory_space<hbm>>
    %dma_start3A_1361 = arith.constant 0 : i32
    %dma_start3A_1362 = tpu.memref_slice %arg4[%add3A_1358, %dma_start3A_1361] : memref<8192x4096xf32, #tpu.memory_space<hbm>> -> memref<2x4096xf32, #tpu.memory_space<hbm>>
    tpu.enqueue_dma source(%arg13 : memref<2x4096xf32, #tpu.memory_space<vmem>>) target(%dma_start3A_1362 : memref<2x4096xf32, #tpu.memory_space<hbm>>) target_semaphore(%arg21 : memref<!tpu.dma_semaphore, #tpu.memory_space<semaphore_mem>>)
    %add3A_1363 = arith.constant 142 : i32
    %add3A_1364 = arith.addi %mul3A_2, %add3A_1363 : i32
    %dma_start3A_1365 = arith.constant 0 : i32
    %dma_start3A_1366 = tpu.memref_slice %arg3[%add3A_1364, %dma_start3A_1365] : memref<8192x8192xf32, #tpu.memory_space<hbm>> -> memref<2x8192xf32, #tpu.memory_space<hbm>>
    %dma_start3A_1367 = arith.constant 0 : i32
    %dma_start3A_1368 = tpu.memref_slice %arg3[%add3A_1364, %dma_start3A_1367] : memref<8192x8192xf32, #tpu.memory_space<hbm>> -> memref<2x8192xf32, #tpu.memory_space<hbm>>
    tpu.enqueue_dma source(%dma_start3A_1368 : memref<2x8192xf32, #tpu.memory_space<hbm>>) target(%arg9 : memref<2x8192xf32, #tpu.memory_space<vmem>>) target_semaphore(%arg17 : memref<!tpu.dma_semaphore, #tpu.memory_space<semaphore_mem>>)
    %dma_wait3A_1369 = arith.constant 0 : i32
    %dma_wait3A_1370 = tpu.memref_slice %arg3[%add3A_1304, %dma_wait3A_1369] : memref<8192x8192xf32, #tpu.memory_space<hbm>> -> memref<2x8192xf32, #tpu.memory_space<hbm>>
    %dma_wait3A_1371 = arith.constant 0 : i32
    %dma_wait3A_1372 = tpu.memref_slice %arg3[%add3A_1304, %dma_wait3A_1371] : memref<8192x8192xf32, #tpu.memory_space<hbm>> -> memref<2x8192xf32, #tpu.memory_space<hbm>>
    tpu.wait_dma2 semaphore(%arg14 : memref<!tpu.dma_semaphore, #tpu.memory_space<semaphore_mem>>) src(%dma_wait3A_1372 : memref<2x8192xf32, #tpu.memory_space<hbm>>) dst(%arg6 : memref<2x8192xf32, #tpu.memory_space<vmem>>)
    %dma_wait3A_1373 = arith.constant 0 : i32
    %dma_wait3A_1374 = tpu.memref_slice %arg4[%add3A_1298, %dma_wait3A_1373] : memref<8192x4096xf32, #tpu.memory_space<hbm>> -> memref<2x4096xf32, #tpu.memory_space<hbm>>
    %dma_wait3A_1375 = arith.constant 0 : i32
    %dma_wait3A_1376 = tpu.memref_slice %arg4[%add3A_1298, %dma_wait3A_1375] : memref<8192x4096xf32, #tpu.memory_space<hbm>> -> memref<2x4096xf32, #tpu.memory_space<hbm>>
    tpu.wait_dma2 semaphore(%arg18 : memref<!tpu.dma_semaphore, #tpu.memory_space<semaphore_mem>>) src(%arg10 : memref<2x4096xf32, #tpu.memory_space<vmem>>) dst(%dma_wait3A_1376 : memref<2x4096xf32, #tpu.memory_space<hbm>>)
    %add3A_1377 = arith.constant 136 : i32
    %add3A_1378 = arith.addi %mul3A_2, %add3A_1377 : i32
    %dma_start3A_1379 = arith.constant 0 : i32
    %dma_start3A_1380 = tpu.memref_slice %arg4[%add3A_1378, %dma_start3A_1379] : memref<8192x4096xf32, #tpu.memory_space<hbm>> -> memref<2x4096xf32, #tpu.memory_space<hbm>>
    %dma_start3A_1381 = arith.constant 0 : i32
    %dma_start3A_1382 = tpu.memref_slice %arg4[%add3A_1378, %dma_start3A_1381] : memref<8192x4096xf32, #tpu.memory_space<hbm>> -> memref<2x4096xf32, #tpu.memory_space<hbm>>
    tpu.enqueue_dma source(%arg10 : memref<2x4096xf32, #tpu.memory_space<vmem>>) target(%dma_start3A_1382 : memref<2x4096xf32, #tpu.memory_space<hbm>>) target_semaphore(%arg18 : memref<!tpu.dma_semaphore, #tpu.memory_space<semaphore_mem>>)
    %add3A_1383 = arith.constant 144 : i32
    %add3A_1384 = arith.addi %mul3A_2, %add3A_1383 : i32
    %dma_start3A_1385 = arith.constant 0 : i32
    %dma_start3A_1386 = tpu.memref_slice %arg3[%add3A_1384, %dma_start3A_1385] : memref<8192x8192xf32, #tpu.memory_space<hbm>> -> memref<2x8192xf32, #tpu.memory_space<hbm>>
    %dma_start3A_1387 = arith.constant 0 : i32
    %dma_start3A_1388 = tpu.memref_slice %arg3[%add3A_1384, %dma_start3A_1387] : memref<8192x8192xf32, #tpu.memory_space<hbm>> -> memref<2x8192xf32, #tpu.memory_space<hbm>>
    tpu.enqueue_dma source(%dma_start3A_1388 : memref<2x8192xf32, #tpu.memory_space<hbm>>) target(%arg6 : memref<2x8192xf32, #tpu.memory_space<vmem>>) target_semaphore(%arg14 : memref<!tpu.dma_semaphore, #tpu.memory_space<semaphore_mem>>)
    %dma_wait3A_1389 = arith.constant 0 : i32
    %dma_wait3A_1390 = tpu.memref_slice %arg3[%add3A_1324, %dma_wait3A_1389] : memref<8192x8192xf32, #tpu.memory_space<hbm>> -> memref<2x8192xf32, #tpu.memory_space<hbm>>
    %dma_wait3A_1391 = arith.constant 0 : i32
    %dma_wait3A_1392 = tpu.memref_slice %arg3[%add3A_1324, %dma_wait3A_1391] : memref<8192x8192xf32, #tpu.memory_space<hbm>> -> memref<2x8192xf32, #tpu.memory_space<hbm>>
    tpu.wait_dma2 semaphore(%arg15 : memref<!tpu.dma_semaphore, #tpu.memory_space<semaphore_mem>>) src(%dma_wait3A_1392 : memref<2x8192xf32, #tpu.memory_space<hbm>>) dst(%arg7 : memref<2x8192xf32, #tpu.memory_space<vmem>>)
    %dma_wait3A_1393 = arith.constant 0 : i32
    %dma_wait3A_1394 = tpu.memref_slice %arg4[%add3A_1318, %dma_wait3A_1393] : memref<8192x4096xf32, #tpu.memory_space<hbm>> -> memref<2x4096xf32, #tpu.memory_space<hbm>>
    %dma_wait3A_1395 = arith.constant 0 : i32
    %dma_wait3A_1396 = tpu.memref_slice %arg4[%add3A_1318, %dma_wait3A_1395] : memref<8192x4096xf32, #tpu.memory_space<hbm>> -> memref<2x4096xf32, #tpu.memory_space<hbm>>
    tpu.wait_dma2 semaphore(%arg19 : memref<!tpu.dma_semaphore, #tpu.memory_space<semaphore_mem>>) src(%arg11 : memref<2x4096xf32, #tpu.memory_space<vmem>>) dst(%dma_wait3A_1396 : memref<2x4096xf32, #tpu.memory_space<hbm>>)
    %add3A_1397 = arith.constant 138 : i32
    %add3A_1398 = arith.addi %mul3A_2, %add3A_1397 : i32
    %dma_start3A_1399 = arith.constant 0 : i32
    %dma_start3A_1400 = tpu.memref_slice %arg4[%add3A_1398, %dma_start3A_1399] : memref<8192x4096xf32, #tpu.memory_space<hbm>> -> memref<2x4096xf32, #tpu.memory_space<hbm>>
    %dma_start3A_1401 = arith.constant 0 : i32
    %dma_start3A_1402 = tpu.memref_slice %arg4[%add3A_1398, %dma_start3A_1401] : memref<8192x4096xf32, #tpu.memory_space<hbm>> -> memref<2x4096xf32, #tpu.memory_space<hbm>>
    tpu.enqueue_dma source(%arg11 : memref<2x4096xf32, #tpu.memory_space<vmem>>) target(%dma_start3A_1402 : memref<2x4096xf32, #tpu.memory_space<hbm>>) target_semaphore(%arg19 : memref<!tpu.dma_semaphore, #tpu.memory_space<semaphore_mem>>)
    %add3A_1403 = arith.constant 146 : i32
    %add3A_1404 = arith.addi %mul3A_2, %add3A_1403 : i32
    %dma_start3A_1405 = arith.constant 0 : i32
    %dma_start3A_1406 = tpu.memref_slice %arg3[%add3A_1404, %dma_start3A_1405] : memref<8192x8192xf32, #tpu.memory_space<hbm>> -> memref<2x8192xf32, #tpu.memory_space<hbm>>
    %dma_start3A_1407 = arith.constant 0 : i32
    %dma_start3A_1408 = tpu.memref_slice %arg3[%add3A_1404, %dma_start3A_1407] : memref<8192x8192xf32, #tpu.memory_space<hbm>> -> memref<2x8192xf32, #tpu.memory_space<hbm>>
    tpu.enqueue_dma source(%dma_start3A_1408 : memref<2x8192xf32, #tpu.memory_space<hbm>>) target(%arg7 : memref<2x8192xf32, #tpu.memory_space<vmem>>) target_semaphore(%arg15 : memref<!tpu.dma_semaphore, #tpu.memory_space<semaphore_mem>>)
    %dma_wait3A_1409 = arith.constant 0 : i32
    %dma_wait3A_1410 = tpu.memref_slice %arg3[%add3A_1344, %dma_wait3A_1409] : memref<8192x8192xf32, #tpu.memory_space<hbm>> -> memref<2x8192xf32, #tpu.memory_space<hbm>>
    %dma_wait3A_1411 = arith.constant 0 : i32
    %dma_wait3A_1412 = tpu.memref_slice %arg3[%add3A_1344, %dma_wait3A_1411] : memref<8192x8192xf32, #tpu.memory_space<hbm>> -> memref<2x8192xf32, #tpu.memory_space<hbm>>
    tpu.wait_dma2 semaphore(%arg16 : memref<!tpu.dma_semaphore, #tpu.memory_space<semaphore_mem>>) src(%dma_wait3A_1412 : memref<2x8192xf32, #tpu.memory_space<hbm>>) dst(%arg8 : memref<2x8192xf32, #tpu.memory_space<vmem>>)
    %dma_wait3A_1413 = arith.constant 0 : i32
    %dma_wait3A_1414 = tpu.memref_slice %arg4[%add3A_1338, %dma_wait3A_1413] : memref<8192x4096xf32, #tpu.memory_space<hbm>> -> memref<2x4096xf32, #tpu.memory_space<hbm>>
    %dma_wait3A_1415 = arith.constant 0 : i32
    %dma_wait3A_1416 = tpu.memref_slice %arg4[%add3A_1338, %dma_wait3A_1415] : memref<8192x4096xf32, #tpu.memory_space<hbm>> -> memref<2x4096xf32, #tpu.memory_space<hbm>>
    tpu.wait_dma2 semaphore(%arg20 : memref<!tpu.dma_semaphore, #tpu.memory_space<semaphore_mem>>) src(%arg12 : memref<2x4096xf32, #tpu.memory_space<vmem>>) dst(%dma_wait3A_1416 : memref<2x4096xf32, #tpu.memory_space<hbm>>)
    %add3A_1417 = arith.constant 140 : i32
    %add3A_1418 = arith.addi %mul3A_2, %add3A_1417 : i32
    %dma_start3A_1419 = arith.constant 0 : i32
    %dma_start3A_1420 = tpu.memref_slice %arg4[%add3A_1418, %dma_start3A_1419] : memref<8192x4096xf32, #tpu.memory_space<hbm>> -> memref<2x4096xf32, #tpu.memory_space<hbm>>
    %dma_start3A_1421 = arith.constant 0 : i32
    %dma_start3A_1422 = tpu.memref_slice %arg4[%add3A_1418, %dma_start3A_1421] : memref<8192x4096xf32, #tpu.memory_space<hbm>> -> memref<2x4096xf32, #tpu.memory_space<hbm>>
    tpu.enqueue_dma source(%arg12 : memref<2x4096xf32, #tpu.memory_space<vmem>>) target(%dma_start3A_1422 : memref<2x4096xf32, #tpu.memory_space<hbm>>) target_semaphore(%arg20 : memref<!tpu.dma_semaphore, #tpu.memory_space<semaphore_mem>>)
    %add3A_1423 = arith.constant 148 : i32
    %add3A_1424 = arith.addi %mul3A_2, %add3A_1423 : i32
    %dma_start3A_1425 = arith.constant 0 : i32
    %dma_start3A_1426 = tpu.memref_slice %arg3[%add3A_1424, %dma_start3A_1425] : memref<8192x8192xf32, #tpu.memory_space<hbm>> -> memref<2x8192xf32, #tpu.memory_space<hbm>>
    %dma_start3A_1427 = arith.constant 0 : i32
    %dma_start3A_1428 = tpu.memref_slice %arg3[%add3A_1424, %dma_start3A_1427] : memref<8192x8192xf32, #tpu.memory_space<hbm>> -> memref<2x8192xf32, #tpu.memory_space<hbm>>
    tpu.enqueue_dma source(%dma_start3A_1428 : memref<2x8192xf32, #tpu.memory_space<hbm>>) target(%arg8 : memref<2x8192xf32, #tpu.memory_space<vmem>>) target_semaphore(%arg16 : memref<!tpu.dma_semaphore, #tpu.memory_space<semaphore_mem>>)
    %dma_wait3A_1429 = arith.constant 0 : i32
    %dma_wait3A_1430 = tpu.memref_slice %arg3[%add3A_1364, %dma_wait3A_1429] : memref<8192x8192xf32, #tpu.memory_space<hbm>> -> memref<2x8192xf32, #tpu.memory_space<hbm>>
    %dma_wait3A_1431 = arith.constant 0 : i32
    %dma_wait3A_1432 = tpu.memref_slice %arg3[%add3A_1364, %dma_wait3A_1431] : memref<8192x8192xf32, #tpu.memory_space<hbm>> -> memref<2x8192xf32, #tpu.memory_space<hbm>>
    tpu.wait_dma2 semaphore(%arg17 : memref<!tpu.dma_semaphore, #tpu.memory_space<semaphore_mem>>) src(%dma_wait3A_1432 : memref<2x8192xf32, #tpu.memory_space<hbm>>) dst(%arg9 : memref<2x8192xf32, #tpu.memory_space<vmem>>)
    %dma_wait3A_1433 = arith.constant 0 : i32
    %dma_wait3A_1434 = tpu.memref_slice %arg4[%add3A_1358, %dma_wait3A_1433] : memref<8192x4096xf32, #tpu.memory_space<hbm>> -> memref<2x4096xf32, #tpu.memory_space<hbm>>
    %dma_wait3A_1435 = arith.constant 0 : i32
    %dma_wait3A_1436 = tpu.memref_slice %arg4[%add3A_1358, %dma_wait3A_1435] : memref<8192x4096xf32, #tpu.memory_space<hbm>> -> memref<2x4096xf32, #tpu.memory_space<hbm>>
    tpu.wait_dma2 semaphore(%arg21 : memref<!tpu.dma_semaphore, #tpu.memory_space<semaphore_mem>>) src(%arg13 : memref<2x4096xf32, #tpu.memory_space<vmem>>) dst(%dma_wait3A_1436 : memref<2x4096xf32, #tpu.memory_space<hbm>>)
    %add3A_1437 = arith.constant 142 : i32
    %add3A_1438 = arith.addi %mul3A_2, %add3A_1437 : i32
    %dma_start3A_1439 = arith.constant 0 : i32
    %dma_start3A_1440 = tpu.memref_slice %arg4[%add3A_1438, %dma_start3A_1439] : memref<8192x4096xf32, #tpu.memory_space<hbm>> -> memref<2x4096xf32, #tpu.memory_space<hbm>>
    %dma_start3A_1441 = arith.constant 0 : i32
    %dma_start3A_1442 = tpu.memref_slice %arg4[%add3A_1438, %dma_start3A_1441] : memref<8192x4096xf32, #tpu.memory_space<hbm>> -> memref<2x4096xf32, #tpu.memory_space<hbm>>
    tpu.enqueue_dma source(%arg13 : memref<2x4096xf32, #tpu.memory_space<vmem>>) target(%dma_start3A_1442 : memref<2x4096xf32, #tpu.memory_space<hbm>>) target_semaphore(%arg21 : memref<!tpu.dma_semaphore, #tpu.memory_space<semaphore_mem>>)
    %add3A_1443 = arith.constant 150 : i32
    %add3A_1444 = arith.addi %mul3A_2, %add3A_1443 : i32
    %dma_start3A_1445 = arith.constant 0 : i32
    %dma_start3A_1446 = tpu.memref_slice %arg3[%add3A_1444, %dma_start3A_1445] : memref<8192x8192xf32, #tpu.memory_space<hbm>> -> memref<2x8192xf32, #tpu.memory_space<hbm>>
    %dma_start3A_1447 = arith.constant 0 : i32
    %dma_start3A_1448 = tpu.memref_slice %arg3[%add3A_1444, %dma_start3A_1447] : memref<8192x8192xf32, #tpu.memory_space<hbm>> -> memref<2x8192xf32, #tpu.memory_space<hbm>>
    tpu.enqueue_dma source(%dma_start3A_1448 : memref<2x8192xf32, #tpu.memory_space<hbm>>) target(%arg9 : memref<2x8192xf32, #tpu.memory_space<vmem>>) target_semaphore(%arg17 : memref<!tpu.dma_semaphore, #tpu.memory_space<semaphore_mem>>)
    %dma_wait3A_1449 = arith.constant 0 : i32
    %dma_wait3A_1450 = tpu.memref_slice %arg3[%add3A_1384, %dma_wait3A_1449] : memref<8192x8192xf32, #tpu.memory_space<hbm>> -> memref<2x8192xf32, #tpu.memory_space<hbm>>
    %dma_wait3A_1451 = arith.constant 0 : i32
    %dma_wait3A_1452 = tpu.memref_slice %arg3[%add3A_1384, %dma_wait3A_1451] : memref<8192x8192xf32, #tpu.memory_space<hbm>> -> memref<2x8192xf32, #tpu.memory_space<hbm>>
    tpu.wait_dma2 semaphore(%arg14 : memref<!tpu.dma_semaphore, #tpu.memory_space<semaphore_mem>>) src(%dma_wait3A_1452 : memref<2x8192xf32, #tpu.memory_space<hbm>>) dst(%arg6 : memref<2x8192xf32, #tpu.memory_space<vmem>>)
    %dma_wait3A_1453 = arith.constant 0 : i32
    %dma_wait3A_1454 = tpu.memref_slice %arg4[%add3A_1378, %dma_wait3A_1453] : memref<8192x4096xf32, #tpu.memory_space<hbm>> -> memref<2x4096xf32, #tpu.memory_space<hbm>>
    %dma_wait3A_1455 = arith.constant 0 : i32
    %dma_wait3A_1456 = tpu.memref_slice %arg4[%add3A_1378, %dma_wait3A_1455] : memref<8192x4096xf32, #tpu.memory_space<hbm>> -> memref<2x4096xf32, #tpu.memory_space<hbm>>
    tpu.wait_dma2 semaphore(%arg18 : memref<!tpu.dma_semaphore, #tpu.memory_space<semaphore_mem>>) src(%arg10 : memref<2x4096xf32, #tpu.memory_space<vmem>>) dst(%dma_wait3A_1456 : memref<2x4096xf32, #tpu.memory_space<hbm>>)
    %add3A_1457 = arith.constant 144 : i32
    %add3A_1458 = arith.addi %mul3A_2, %add3A_1457 : i32
    %dma_start3A_1459 = arith.constant 0 : i32
    %dma_start3A_1460 = tpu.memref_slice %arg4[%add3A_1458, %dma_start3A_1459] : memref<8192x4096xf32, #tpu.memory_space<hbm>> -> memref<2x4096xf32, #tpu.memory_space<hbm>>
    %dma_start3A_1461 = arith.constant 0 : i32
    %dma_start3A_1462 = tpu.memref_slice %arg4[%add3A_1458, %dma_start3A_1461] : memref<8192x4096xf32, #tpu.memory_space<hbm>> -> memref<2x4096xf32, #tpu.memory_space<hbm>>
    tpu.enqueue_dma source(%arg10 : memref<2x4096xf32, #tpu.memory_space<vmem>>) target(%dma_start3A_1462 : memref<2x4096xf32, #tpu.memory_space<hbm>>) target_semaphore(%arg18 : memref<!tpu.dma_semaphore, #tpu.memory_space<semaphore_mem>>)
    %add3A_1463 = arith.constant 152 : i32
    %add3A_1464 = arith.addi %mul3A_2, %add3A_1463 : i32
    %dma_start3A_1465 = arith.constant 0 : i32
    %dma_start3A_1466 = tpu.memref_slice %arg3[%add3A_1464, %dma_start3A_1465] : memref<8192x8192xf32, #tpu.memory_space<hbm>> -> memref<2x8192xf32, #tpu.memory_space<hbm>>
    %dma_start3A_1467 = arith.constant 0 : i32
    %dma_start3A_1468 = tpu.memref_slice %arg3[%add3A_1464, %dma_start3A_1467] : memref<8192x8192xf32, #tpu.memory_space<hbm>> -> memref<2x8192xf32, #tpu.memory_space<hbm>>
    tpu.enqueue_dma source(%dma_start3A_1468 : memref<2x8192xf32, #tpu.memory_space<hbm>>) target(%arg6 : memref<2x8192xf32, #tpu.memory_space<vmem>>) target_semaphore(%arg14 : memref<!tpu.dma_semaphore, #tpu.memory_space<semaphore_mem>>)
    %dma_wait3A_1469 = arith.constant 0 : i32
    %dma_wait3A_1470 = tpu.memref_slice %arg3[%add3A_1404, %dma_wait3A_1469] : memref<8192x8192xf32, #tpu.memory_space<hbm>> -> memref<2x8192xf32, #tpu.memory_space<hbm>>
    %dma_wait3A_1471 = arith.constant 0 : i32
    %dma_wait3A_1472 = tpu.memref_slice %arg3[%add3A_1404, %dma_wait3A_1471] : memref<8192x8192xf32, #tpu.memory_space<hbm>> -> memref<2x8192xf32, #tpu.memory_space<hbm>>
    tpu.wait_dma2 semaphore(%arg15 : memref<!tpu.dma_semaphore, #tpu.memory_space<semaphore_mem>>) src(%dma_wait3A_1472 : memref<2x8192xf32, #tpu.memory_space<hbm>>) dst(%arg7 : memref<2x8192xf32, #tpu.memory_space<vmem>>)
    %dma_wait3A_1473 = arith.constant 0 : i32
    %dma_wait3A_1474 = tpu.memref_slice %arg4[%add3A_1398, %dma_wait3A_1473] : memref<8192x4096xf32, #tpu.memory_space<hbm>> -> memref<2x4096xf32, #tpu.memory_space<hbm>>
    %dma_wait3A_1475 = arith.constant 0 : i32
    %dma_wait3A_1476 = tpu.memref_slice %arg4[%add3A_1398, %dma_wait3A_1475] : memref<8192x4096xf32, #tpu.memory_space<hbm>> -> memref<2x4096xf32, #tpu.memory_space<hbm>>
    tpu.wait_dma2 semaphore(%arg19 : memref<!tpu.dma_semaphore, #tpu.memory_space<semaphore_mem>>) src(%arg11 : memref<2x4096xf32, #tpu.memory_space<vmem>>) dst(%dma_wait3A_1476 : memref<2x4096xf32, #tpu.memory_space<hbm>>)
    %add3A_1477 = arith.constant 146 : i32
    %add3A_1478 = arith.addi %mul3A_2, %add3A_1477 : i32
    %dma_start3A_1479 = arith.constant 0 : i32
    %dma_start3A_1480 = tpu.memref_slice %arg4[%add3A_1478, %dma_start3A_1479] : memref<8192x4096xf32, #tpu.memory_space<hbm>> -> memref<2x4096xf32, #tpu.memory_space<hbm>>
    %dma_start3A_1481 = arith.constant 0 : i32
    %dma_start3A_1482 = tpu.memref_slice %arg4[%add3A_1478, %dma_start3A_1481] : memref<8192x4096xf32, #tpu.memory_space<hbm>> -> memref<2x4096xf32, #tpu.memory_space<hbm>>
    tpu.enqueue_dma source(%arg11 : memref<2x4096xf32, #tpu.memory_space<vmem>>) target(%dma_start3A_1482 : memref<2x4096xf32, #tpu.memory_space<hbm>>) target_semaphore(%arg19 : memref<!tpu.dma_semaphore, #tpu.memory_space<semaphore_mem>>)
    %add3A_1483 = arith.constant 154 : i32
    %add3A_1484 = arith.addi %mul3A_2, %add3A_1483 : i32
    %dma_start3A_1485 = arith.constant 0 : i32
    %dma_start3A_1486 = tpu.memref_slice %arg3[%add3A_1484, %dma_start3A_1485] : memref<8192x8192xf32, #tpu.memory_space<hbm>> -> memref<2x8192xf32, #tpu.memory_space<hbm>>
    %dma_start3A_1487 = arith.constant 0 : i32
    %dma_start3A_1488 = tpu.memref_slice %arg3[%add3A_1484, %dma_start3A_1487] : memref<8192x8192xf32, #tpu.memory_space<hbm>> -> memref<2x8192xf32, #tpu.memory_space<hbm>>
    tpu.enqueue_dma source(%dma_start3A_1488 : memref<2x8192xf32, #tpu.memory_space<hbm>>) target(%arg7 : memref<2x8192xf32, #tpu.memory_space<vmem>>) target_semaphore(%arg15 : memref<!tpu.dma_semaphore, #tpu.memory_space<semaphore_mem>>)
    %dma_wait3A_1489 = arith.constant 0 : i32
    %dma_wait3A_1490 = tpu.memref_slice %arg3[%add3A_1424, %dma_wait3A_1489] : memref<8192x8192xf32, #tpu.memory_space<hbm>> -> memref<2x8192xf32, #tpu.memory_space<hbm>>
    %dma_wait3A_1491 = arith.constant 0 : i32
    %dma_wait3A_1492 = tpu.memref_slice %arg3[%add3A_1424, %dma_wait3A_1491] : memref<8192x8192xf32, #tpu.memory_space<hbm>> -> memref<2x8192xf32, #tpu.memory_space<hbm>>
    tpu.wait_dma2 semaphore(%arg16 : memref<!tpu.dma_semaphore, #tpu.memory_space<semaphore_mem>>) src(%dma_wait3A_1492 : memref<2x8192xf32, #tpu.memory_space<hbm>>) dst(%arg8 : memref<2x8192xf32, #tpu.memory_space<vmem>>)
    %dma_wait3A_1493 = arith.constant 0 : i32
    %dma_wait3A_1494 = tpu.memref_slice %arg4[%add3A_1418, %dma_wait3A_1493] : memref<8192x4096xf32, #tpu.memory_space<hbm>> -> memref<2x4096xf32, #tpu.memory_space<hbm>>
    %dma_wait3A_1495 = arith.constant 0 : i32
    %dma_wait3A_1496 = tpu.memref_slice %arg4[%add3A_1418, %dma_wait3A_1495] : memref<8192x4096xf32, #tpu.memory_space<hbm>> -> memref<2x4096xf32, #tpu.memory_space<hbm>>
    tpu.wait_dma2 semaphore(%arg20 : memref<!tpu.dma_semaphore, #tpu.memory_space<semaphore_mem>>) src(%arg12 : memref<2x4096xf32, #tpu.memory_space<vmem>>) dst(%dma_wait3A_1496 : memref<2x4096xf32, #tpu.memory_space<hbm>>)
    %add3A_1497 = arith.constant 148 : i32
    %add3A_1498 = arith.addi %mul3A_2, %add3A_1497 : i32
    %dma_start3A_1499 = arith.constant 0 : i32
    %dma_start3A_1500 = tpu.memref_slice %arg4[%add3A_1498, %dma_start3A_1499] : memref<8192x4096xf32, #tpu.memory_space<hbm>> -> memref<2x4096xf32, #tpu.memory_space<hbm>>
    %dma_start3A_1501 = arith.constant 0 : i32
    %dma_start3A_1502 = tpu.memref_slice %arg4[%add3A_1498, %dma_start3A_1501] : memref<8192x4096xf32, #tpu.memory_space<hbm>> -> memref<2x4096xf32, #tpu.memory_space<hbm>>
    tpu.enqueue_dma source(%arg12 : memref<2x4096xf32, #tpu.memory_space<vmem>>) target(%dma_start3A_1502 : memref<2x4096xf32, #tpu.memory_space<hbm>>) target_semaphore(%arg20 : memref<!tpu.dma_semaphore, #tpu.memory_space<semaphore_mem>>)
    %add3A_1503 = arith.constant 156 : i32
    %add3A_1504 = arith.addi %mul3A_2, %add3A_1503 : i32
    %dma_start3A_1505 = arith.constant 0 : i32
    %dma_start3A_1506 = tpu.memref_slice %arg3[%add3A_1504, %dma_start3A_1505] : memref<8192x8192xf32, #tpu.memory_space<hbm>> -> memref<2x8192xf32, #tpu.memory_space<hbm>>
    %dma_start3A_1507 = arith.constant 0 : i32
    %dma_start3A_1508 = tpu.memref_slice %arg3[%add3A_1504, %dma_start3A_1507] : memref<8192x8192xf32, #tpu.memory_space<hbm>> -> memref<2x8192xf32, #tpu.memory_space<hbm>>
    tpu.enqueue_dma source(%dma_start3A_1508 : memref<2x8192xf32, #tpu.memory_space<hbm>>) target(%arg8 : memref<2x8192xf32, #tpu.memory_space<vmem>>) target_semaphore(%arg16 : memref<!tpu.dma_semaphore, #tpu.memory_space<semaphore_mem>>)
    %dma_wait3A_1509 = arith.constant 0 : i32
    %dma_wait3A_1510 = tpu.memref_slice %arg3[%add3A_1444, %dma_wait3A_1509] : memref<8192x8192xf32, #tpu.memory_space<hbm>> -> memref<2x8192xf32, #tpu.memory_space<hbm>>
    %dma_wait3A_1511 = arith.constant 0 : i32
    %dma_wait3A_1512 = tpu.memref_slice %arg3[%add3A_1444, %dma_wait3A_1511] : memref<8192x8192xf32, #tpu.memory_space<hbm>> -> memref<2x8192xf32, #tpu.memory_space<hbm>>
    tpu.wait_dma2 semaphore(%arg17 : memref<!tpu.dma_semaphore, #tpu.memory_space<semaphore_mem>>) src(%dma_wait3A_1512 : memref<2x8192xf32, #tpu.memory_space<hbm>>) dst(%arg9 : memref<2x8192xf32, #tpu.memory_space<vmem>>)
    %dma_wait3A_1513 = arith.constant 0 : i32
    %dma_wait3A_1514 = tpu.memref_slice %arg4[%add3A_1438, %dma_wait3A_1513] : memref<8192x4096xf32, #tpu.memory_space<hbm>> -> memref<2x4096xf32, #tpu.memory_space<hbm>>
    %dma_wait3A_1515 = arith.constant 0 : i32
    %dma_wait3A_1516 = tpu.memref_slice %arg4[%add3A_1438, %dma_wait3A_1515] : memref<8192x4096xf32, #tpu.memory_space<hbm>> -> memref<2x4096xf32, #tpu.memory_space<hbm>>
    tpu.wait_dma2 semaphore(%arg21 : memref<!tpu.dma_semaphore, #tpu.memory_space<semaphore_mem>>) src(%arg13 : memref<2x4096xf32, #tpu.memory_space<vmem>>) dst(%dma_wait3A_1516 : memref<2x4096xf32, #tpu.memory_space<hbm>>)
    %add3A_1517 = arith.constant 150 : i32
    %add3A_1518 = arith.addi %mul3A_2, %add3A_1517 : i32
    %dma_start3A_1519 = arith.constant 0 : i32
    %dma_start3A_1520 = tpu.memref_slice %arg4[%add3A_1518, %dma_start3A_1519] : memref<8192x4096xf32, #tpu.memory_space<hbm>> -> memref<2x4096xf32, #tpu.memory_space<hbm>>
    %dma_start3A_1521 = arith.constant 0 : i32
    %dma_start3A_1522 = tpu.memref_slice %arg4[%add3A_1518, %dma_start3A_1521] : memref<8192x4096xf32, #tpu.memory_space<hbm>> -> memref<2x4096xf32, #tpu.memory_space<hbm>>
    tpu.enqueue_dma source(%arg13 : memref<2x4096xf32, #tpu.memory_space<vmem>>) target(%dma_start3A_1522 : memref<2x4096xf32, #tpu.memory_space<hbm>>) target_semaphore(%arg21 : memref<!tpu.dma_semaphore, #tpu.memory_space<semaphore_mem>>)
    %add3A_1523 = arith.constant 158 : i32
    %add3A_1524 = arith.addi %mul3A_2, %add3A_1523 : i32
    %dma_start3A_1525 = arith.constant 0 : i32
    %dma_start3A_1526 = tpu.memref_slice %arg3[%add3A_1524, %dma_start3A_1525] : memref<8192x8192xf32, #tpu.memory_space<hbm>> -> memref<2x8192xf32, #tpu.memory_space<hbm>>
    %dma_start3A_1527 = arith.constant 0 : i32
    %dma_start3A_1528 = tpu.memref_slice %arg3[%add3A_1524, %dma_start3A_1527] : memref<8192x8192xf32, #tpu.memory_space<hbm>> -> memref<2x8192xf32, #tpu.memory_space<hbm>>
    tpu.enqueue_dma source(%dma_start3A_1528 : memref<2x8192xf32, #tpu.memory_space<hbm>>) target(%arg9 : memref<2x8192xf32, #tpu.memory_space<vmem>>) target_semaphore(%arg17 : memref<!tpu.dma_semaphore, #tpu.memory_space<semaphore_mem>>)
    %dma_wait3A_1529 = arith.constant 0 : i32
    %dma_wait3A_1530 = tpu.memref_slice %arg3[%add3A_1464, %dma_wait3A_1529] : memref<8192x8192xf32, #tpu.memory_space<hbm>> -> memref<2x8192xf32, #tpu.memory_space<hbm>>
    %dma_wait3A_1531 = arith.constant 0 : i32
    %dma_wait3A_1532 = tpu.memref_slice %arg3[%add3A_1464, %dma_wait3A_1531] : memref<8192x8192xf32, #tpu.memory_space<hbm>> -> memref<2x8192xf32, #tpu.memory_space<hbm>>
    tpu.wait_dma2 semaphore(%arg14 : memref<!tpu.dma_semaphore, #tpu.memory_space<semaphore_mem>>) src(%dma_wait3A_1532 : memref<2x8192xf32, #tpu.memory_space<hbm>>) dst(%arg6 : memref<2x8192xf32, #tpu.memory_space<vmem>>)
    %dma_wait3A_1533 = arith.constant 0 : i32
    %dma_wait3A_1534 = tpu.memref_slice %arg4[%add3A_1458, %dma_wait3A_1533] : memref<8192x4096xf32, #tpu.memory_space<hbm>> -> memref<2x4096xf32, #tpu.memory_space<hbm>>
    %dma_wait3A_1535 = arith.constant 0 : i32
    %dma_wait3A_1536 = tpu.memref_slice %arg4[%add3A_1458, %dma_wait3A_1535] : memref<8192x4096xf32, #tpu.memory_space<hbm>> -> memref<2x4096xf32, #tpu.memory_space<hbm>>
    tpu.wait_dma2 semaphore(%arg18 : memref<!tpu.dma_semaphore, #tpu.memory_space<semaphore_mem>>) src(%arg10 : memref<2x4096xf32, #tpu.memory_space<vmem>>) dst(%dma_wait3A_1536 : memref<2x4096xf32, #tpu.memory_space<hbm>>)
    %add3A_1537 = arith.constant 152 : i32
    %add3A_1538 = arith.addi %mul3A_2, %add3A_1537 : i32
    %dma_start3A_1539 = arith.constant 0 : i32
    %dma_start3A_1540 = tpu.memref_slice %arg4[%add3A_1538, %dma_start3A_1539] : memref<8192x4096xf32, #tpu.memory_space<hbm>> -> memref<2x4096xf32, #tpu.memory_space<hbm>>
    %dma_start3A_1541 = arith.constant 0 : i32
    %dma_start3A_1542 = tpu.memref_slice %arg4[%add3A_1538, %dma_start3A_1541] : memref<8192x4096xf32, #tpu.memory_space<hbm>> -> memref<2x4096xf32, #tpu.memory_space<hbm>>
    tpu.enqueue_dma source(%arg10 : memref<2x4096xf32, #tpu.memory_space<vmem>>) target(%dma_start3A_1542 : memref<2x4096xf32, #tpu.memory_space<hbm>>) target_semaphore(%arg18 : memref<!tpu.dma_semaphore, #tpu.memory_space<semaphore_mem>>)
    %add3A_1543 = arith.constant 160 : i32
    %add3A_1544 = arith.addi %mul3A_2, %add3A_1543 : i32
    %dma_start3A_1545 = arith.constant 0 : i32
    %dma_start3A_1546 = tpu.memref_slice %arg3[%add3A_1544, %dma_start3A_1545] : memref<8192x8192xf32, #tpu.memory_space<hbm>> -> memref<2x8192xf32, #tpu.memory_space<hbm>>
    %dma_start3A_1547 = arith.constant 0 : i32
    %dma_start3A_1548 = tpu.memref_slice %arg3[%add3A_1544, %dma_start3A_1547] : memref<8192x8192xf32, #tpu.memory_space<hbm>> -> memref<2x8192xf32, #tpu.memory_space<hbm>>
    tpu.enqueue_dma source(%dma_start3A_1548 : memref<2x8192xf32, #tpu.memory_space<hbm>>) target(%arg6 : memref<2x8192xf32, #tpu.memory_space<vmem>>) target_semaphore(%arg14 : memref<!tpu.dma_semaphore, #tpu.memory_space<semaphore_mem>>)
    %dma_wait3A_1549 = arith.constant 0 : i32
    %dma_wait3A_1550 = tpu.memref_slice %arg3[%add3A_1484, %dma_wait3A_1549] : memref<8192x8192xf32, #tpu.memory_space<hbm>> -> memref<2x8192xf32, #tpu.memory_space<hbm>>
    %dma_wait3A_1551 = arith.constant 0 : i32
    %dma_wait3A_1552 = tpu.memref_slice %arg3[%add3A_1484, %dma_wait3A_1551] : memref<8192x8192xf32, #tpu.memory_space<hbm>> -> memref<2x8192xf32, #tpu.memory_space<hbm>>
    tpu.wait_dma2 semaphore(%arg15 : memref<!tpu.dma_semaphore, #tpu.memory_space<semaphore_mem>>) src(%dma_wait3A_1552 : memref<2x8192xf32, #tpu.memory_space<hbm>>) dst(%arg7 : memref<2x8192xf32, #tpu.memory_space<vmem>>)
    %dma_wait3A_1553 = arith.constant 0 : i32
    %dma_wait3A_1554 = tpu.memref_slice %arg4[%add3A_1478, %dma_wait3A_1553] : memref<8192x4096xf32, #tpu.memory_space<hbm>> -> memref<2x4096xf32, #tpu.memory_space<hbm>>
    %dma_wait3A_1555 = arith.constant 0 : i32
    %dma_wait3A_1556 = tpu.memref_slice %arg4[%add3A_1478, %dma_wait3A_1555] : memref<8192x4096xf32, #tpu.memory_space<hbm>> -> memref<2x4096xf32, #tpu.memory_space<hbm>>
    tpu.wait_dma2 semaphore(%arg19 : memref<!tpu.dma_semaphore, #tpu.memory_space<semaphore_mem>>) src(%arg11 : memref<2x4096xf32, #tpu.memory_space<vmem>>) dst(%dma_wait3A_1556 : memref<2x4096xf32, #tpu.memory_space<hbm>>)
    %add3A_1557 = arith.constant 154 : i32
    %add3A_1558 = arith.addi %mul3A_2, %add3A_1557 : i32
    %dma_start3A_1559 = arith.constant 0 : i32
    %dma_start3A_1560 = tpu.memref_slice %arg4[%add3A_1558, %dma_start3A_1559] : memref<8192x4096xf32, #tpu.memory_space<hbm>> -> memref<2x4096xf32, #tpu.memory_space<hbm>>
    %dma_start3A_1561 = arith.constant 0 : i32
    %dma_start3A_1562 = tpu.memref_slice %arg4[%add3A_1558, %dma_start3A_1561] : memref<8192x4096xf32, #tpu.memory_space<hbm>> -> memref<2x4096xf32, #tpu.memory_space<hbm>>
    tpu.enqueue_dma source(%arg11 : memref<2x4096xf32, #tpu.memory_space<vmem>>) target(%dma_start3A_1562 : memref<2x4096xf32, #tpu.memory_space<hbm>>) target_semaphore(%arg19 : memref<!tpu.dma_semaphore, #tpu.memory_space<semaphore_mem>>)
    %add3A_1563 = arith.constant 162 : i32
    %add3A_1564 = arith.addi %mul3A_2, %add3A_1563 : i32
    %dma_start3A_1565 = arith.constant 0 : i32
    %dma_start3A_1566 = tpu.memref_slice %arg3[%add3A_1564, %dma_start3A_1565] : memref<8192x8192xf32, #tpu.memory_space<hbm>> -> memref<2x8192xf32, #tpu.memory_space<hbm>>
    %dma_start3A_1567 = arith.constant 0 : i32
    %dma_start3A_1568 = tpu.memref_slice %arg3[%add3A_1564, %dma_start3A_1567] : memref<8192x8192xf32, #tpu.memory_space<hbm>> -> memref<2x8192xf32, #tpu.memory_space<hbm>>
    tpu.enqueue_dma source(%dma_start3A_1568 : memref<2x8192xf32, #tpu.memory_space<hbm>>) target(%arg7 : memref<2x8192xf32, #tpu.memory_space<vmem>>) target_semaphore(%arg15 : memref<!tpu.dma_semaphore, #tpu.memory_space<semaphore_mem>>)
    %dma_wait3A_1569 = arith.constant 0 : i32
    %dma_wait3A_1570 = tpu.memref_slice %arg3[%add3A_1504, %dma_wait3A_1569] : memref<8192x8192xf32, #tpu.memory_space<hbm>> -> memref<2x8192xf32, #tpu.memory_space<hbm>>
    %dma_wait3A_1571 = arith.constant 0 : i32
    %dma_wait3A_1572 = tpu.memref_slice %arg3[%add3A_1504, %dma_wait3A_1571] : memref<8192x8192xf32, #tpu.memory_space<hbm>> -> memref<2x8192xf32, #tpu.memory_space<hbm>>
    tpu.wait_dma2 semaphore(%arg16 : memref<!tpu.dma_semaphore, #tpu.memory_space<semaphore_mem>>) src(%dma_wait3A_1572 : memref<2x8192xf32, #tpu.memory_space<hbm>>) dst(%arg8 : memref<2x8192xf32, #tpu.memory_space<vmem>>)
    %dma_wait3A_1573 = arith.constant 0 : i32
    %dma_wait3A_1574 = tpu.memref_slice %arg4[%add3A_1498, %dma_wait3A_1573] : memref<8192x4096xf32, #tpu.memory_space<hbm>> -> memref<2x4096xf32, #tpu.memory_space<hbm>>
    %dma_wait3A_1575 = arith.constant 0 : i32
    %dma_wait3A_1576 = tpu.memref_slice %arg4[%add3A_1498, %dma_wait3A_1575] : memref<8192x4096xf32, #tpu.memory_space<hbm>> -> memref<2x4096xf32, #tpu.memory_space<hbm>>
    tpu.wait_dma2 semaphore(%arg20 : memref<!tpu.dma_semaphore, #tpu.memory_space<semaphore_mem>>) src(%arg12 : memref<2x4096xf32, #tpu.memory_space<vmem>>) dst(%dma_wait3A_1576 : memref<2x4096xf32, #tpu.memory_space<hbm>>)
    %add3A_1577 = arith.constant 156 : i32
    %add3A_1578 = arith.addi %mul3A_2, %add3A_1577 : i32
    %dma_start3A_1579 = arith.constant 0 : i32
    %dma_start3A_1580 = tpu.memref_slice %arg4[%add3A_1578, %dma_start3A_1579] : memref<8192x4096xf32, #tpu.memory_space<hbm>> -> memref<2x4096xf32, #tpu.memory_space<hbm>>
    %dma_start3A_1581 = arith.constant 0 : i32
    %dma_start3A_1582 = tpu.memref_slice %arg4[%add3A_1578, %dma_start3A_1581] : memref<8192x4096xf32, #tpu.memory_space<hbm>> -> memref<2x4096xf32, #tpu.memory_space<hbm>>
    tpu.enqueue_dma source(%arg12 : memref<2x4096xf32, #tpu.memory_space<vmem>>) target(%dma_start3A_1582 : memref<2x4096xf32, #tpu.memory_space<hbm>>) target_semaphore(%arg20 : memref<!tpu.dma_semaphore, #tpu.memory_space<semaphore_mem>>)
    %add3A_1583 = arith.constant 164 : i32
    %add3A_1584 = arith.addi %mul3A_2, %add3A_1583 : i32
    %dma_start3A_1585 = arith.constant 0 : i32
    %dma_start3A_1586 = tpu.memref_slice %arg3[%add3A_1584, %dma_start3A_1585] : memref<8192x8192xf32, #tpu.memory_space<hbm>> -> memref<2x8192xf32, #tpu.memory_space<hbm>>
    %dma_start3A_1587 = arith.constant 0 : i32
    %dma_start3A_1588 = tpu.memref_slice %arg3[%add3A_1584, %dma_start3A_1587] : memref<8192x8192xf32, #tpu.memory_space<hbm>> -> memref<2x8192xf32, #tpu.memory_space<hbm>>
    tpu.enqueue_dma source(%dma_start3A_1588 : memref<2x8192xf32, #tpu.memory_space<hbm>>) target(%arg8 : memref<2x8192xf32, #tpu.memory_space<vmem>>) target_semaphore(%arg16 : memref<!tpu.dma_semaphore, #tpu.memory_space<semaphore_mem>>)
    %dma_wait3A_1589 = arith.constant 0 : i32
    %dma_wait3A_1590 = tpu.memref_slice %arg3[%add3A_1524, %dma_wait3A_1589] : memref<8192x8192xf32, #tpu.memory_space<hbm>> -> memref<2x8192xf32, #tpu.memory_space<hbm>>
    %dma_wait3A_1591 = arith.constant 0 : i32
    %dma_wait3A_1592 = tpu.memref_slice %arg3[%add3A_1524, %dma_wait3A_1591] : memref<8192x8192xf32, #tpu.memory_space<hbm>> -> memref<2x8192xf32, #tpu.memory_space<hbm>>
    tpu.wait_dma2 semaphore(%arg17 : memref<!tpu.dma_semaphore, #tpu.memory_space<semaphore_mem>>) src(%dma_wait3A_1592 : memref<2x8192xf32, #tpu.memory_space<hbm>>) dst(%arg9 : memref<2x8192xf32, #tpu.memory_space<vmem>>)
    %dma_wait3A_1593 = arith.constant 0 : i32
    %dma_wait3A_1594 = tpu.memref_slice %arg4[%add3A_1518, %dma_wait3A_1593] : memref<8192x4096xf32, #tpu.memory_space<hbm>> -> memref<2x4096xf32, #tpu.memory_space<hbm>>
    %dma_wait3A_1595 = arith.constant 0 : i32
    %dma_wait3A_1596 = tpu.memref_slice %arg4[%add3A_1518, %dma_wait3A_1595] : memref<8192x4096xf32, #tpu.memory_space<hbm>> -> memref<2x4096xf32, #tpu.memory_space<hbm>>
    tpu.wait_dma2 semaphore(%arg21 : memref<!tpu.dma_semaphore, #tpu.memory_space<semaphore_mem>>) src(%arg13 : memref<2x4096xf32, #tpu.memory_space<vmem>>) dst(%dma_wait3A_1596 : memref<2x4096xf32, #tpu.memory_space<hbm>>)
    %add3A_1597 = arith.constant 158 : i32
    %add3A_1598 = arith.addi %mul3A_2, %add3A_1597 : i32
    %dma_start3A_1599 = arith.constant 0 : i32
    %dma_start3A_1600 = tpu.memref_slice %arg4[%add3A_1598, %dma_start3A_1599] : memref<8192x4096xf32, #tpu.memory_space<hbm>> -> memref<2x4096xf32, #tpu.memory_space<hbm>>
    %dma_start3A_1601 = arith.constant 0 : i32
    %dma_start3A_1602 = tpu.memref_slice %arg4[%add3A_1598, %dma_start3A_1601] : memref<8192x4096xf32, #tpu.memory_space<hbm>> -> memref<2x4096xf32, #tpu.memory_space<hbm>>
    tpu.enqueue_dma source(%arg13 : memref<2x4096xf32, #tpu.memory_space<vmem>>) target(%dma_start3A_1602 : memref<2x4096xf32, #tpu.memory_space<hbm>>) target_semaphore(%arg21 : memref<!tpu.dma_semaphore, #tpu.memory_space<semaphore_mem>>)
    %add3A_1603 = arith.constant 166 : i32
    %add3A_1604 = arith.addi %mul3A_2, %add3A_1603 : i32
    %dma_start3A_1605 = arith.constant 0 : i32
    %dma_start3A_1606 = tpu.memref_slice %arg3[%add3A_1604, %dma_start3A_1605] : memref<8192x8192xf32, #tpu.memory_space<hbm>> -> memref<2x8192xf32, #tpu.memory_space<hbm>>
    %dma_start3A_1607 = arith.constant 0 : i32
    %dma_start3A_1608 = tpu.memref_slice %arg3[%add3A_1604, %dma_start3A_1607] : memref<8192x8192xf32, #tpu.memory_space<hbm>> -> memref<2x8192xf32, #tpu.memory_space<hbm>>
    tpu.enqueue_dma source(%dma_start3A_1608 : memref<2x8192xf32, #tpu.memory_space<hbm>>) target(%arg9 : memref<2x8192xf32, #tpu.memory_space<vmem>>) target_semaphore(%arg17 : memref<!tpu.dma_semaphore, #tpu.memory_space<semaphore_mem>>)
    %dma_wait3A_1609 = arith.constant 0 : i32
    %dma_wait3A_1610 = tpu.memref_slice %arg3[%add3A_1544, %dma_wait3A_1609] : memref<8192x8192xf32, #tpu.memory_space<hbm>> -> memref<2x8192xf32, #tpu.memory_space<hbm>>
    %dma_wait3A_1611 = arith.constant 0 : i32
    %dma_wait3A_1612 = tpu.memref_slice %arg3[%add3A_1544, %dma_wait3A_1611] : memref<8192x8192xf32, #tpu.memory_space<hbm>> -> memref<2x8192xf32, #tpu.memory_space<hbm>>
    tpu.wait_dma2 semaphore(%arg14 : memref<!tpu.dma_semaphore, #tpu.memory_space<semaphore_mem>>) src(%dma_wait3A_1612 : memref<2x8192xf32, #tpu.memory_space<hbm>>) dst(%arg6 : memref<2x8192xf32, #tpu.memory_space<vmem>>)
    %dma_wait3A_1613 = arith.constant 0 : i32
    %dma_wait3A_1614 = tpu.memref_slice %arg4[%add3A_1538, %dma_wait3A_1613] : memref<8192x4096xf32, #tpu.memory_space<hbm>> -> memref<2x4096xf32, #tpu.memory_space<hbm>>
    %dma_wait3A_1615 = arith.constant 0 : i32
    %dma_wait3A_1616 = tpu.memref_slice %arg4[%add3A_1538, %dma_wait3A_1615] : memref<8192x4096xf32, #tpu.memory_space<hbm>> -> memref<2x4096xf32, #tpu.memory_space<hbm>>
    tpu.wait_dma2 semaphore(%arg18 : memref<!tpu.dma_semaphore, #tpu.memory_space<semaphore_mem>>) src(%arg10 : memref<2x4096xf32, #tpu.memory_space<vmem>>) dst(%dma_wait3A_1616 : memref<2x4096xf32, #tpu.memory_space<hbm>>)
    %add3A_1617 = arith.constant 160 : i32
    %add3A_1618 = arith.addi %mul3A_2, %add3A_1617 : i32
    %dma_start3A_1619 = arith.constant 0 : i32
    %dma_start3A_1620 = tpu.memref_slice %arg4[%add3A_1618, %dma_start3A_1619] : memref<8192x4096xf32, #tpu.memory_space<hbm>> -> memref<2x4096xf32, #tpu.memory_space<hbm>>
    %dma_start3A_1621 = arith.constant 0 : i32
    %dma_start3A_1622 = tpu.memref_slice %arg4[%add3A_1618, %dma_start3A_1621] : memref<8192x4096xf32, #tpu.memory_space<hbm>> -> memref<2x4096xf32, #tpu.memory_space<hbm>>
    tpu.enqueue_dma source(%arg10 : memref<2x4096xf32, #tpu.memory_space<vmem>>) target(%dma_start3A_1622 : memref<2x4096xf32, #tpu.memory_space<hbm>>) target_semaphore(%arg18 : memref<!tpu.dma_semaphore, #tpu.memory_space<semaphore_mem>>)
    %add3A_1623 = arith.constant 168 : i32
    %add3A_1624 = arith.addi %mul3A_2, %add3A_1623 : i32
    %dma_start3A_1625 = arith.constant 0 : i32
    %dma_start3A_1626 = tpu.memref_slice %arg3[%add3A_1624, %dma_start3A_1625] : memref<8192x8192xf32, #tpu.memory_space<hbm>> -> memref<2x8192xf32, #tpu.memory_space<hbm>>
    %dma_start3A_1627 = arith.constant 0 : i32
    %dma_start3A_1628 = tpu.memref_slice %arg3[%add3A_1624, %dma_start3A_1627] : memref<8192x8192xf32, #tpu.memory_space<hbm>> -> memref<2x8192xf32, #tpu.memory_space<hbm>>
    tpu.enqueue_dma source(%dma_start3A_1628 : memref<2x8192xf32, #tpu.memory_space<hbm>>) target(%arg6 : memref<2x8192xf32, #tpu.memory_space<vmem>>) target_semaphore(%arg14 : memref<!tpu.dma_semaphore, #tpu.memory_space<semaphore_mem>>)
    %dma_wait3A_1629 = arith.constant 0 : i32
    %dma_wait3A_1630 = tpu.memref_slice %arg3[%add3A_1564, %dma_wait3A_1629] : memref<8192x8192xf32, #tpu.memory_space<hbm>> -> memref<2x8192xf32, #tpu.memory_space<hbm>>
    %dma_wait3A_1631 = arith.constant 0 : i32
    %dma_wait3A_1632 = tpu.memref_slice %arg3[%add3A_1564, %dma_wait3A_1631] : memref<8192x8192xf32, #tpu.memory_space<hbm>> -> memref<2x8192xf32, #tpu.memory_space<hbm>>
    tpu.wait_dma2 semaphore(%arg15 : memref<!tpu.dma_semaphore, #tpu.memory_space<semaphore_mem>>) src(%dma_wait3A_1632 : memref<2x8192xf32, #tpu.memory_space<hbm>>) dst(%arg7 : memref<2x8192xf32, #tpu.memory_space<vmem>>)
    %dma_wait3A_1633 = arith.constant 0 : i32
    %dma_wait3A_1634 = tpu.memref_slice %arg4[%add3A_1558, %dma_wait3A_1633] : memref<8192x4096xf32, #tpu.memory_space<hbm>> -> memref<2x4096xf32, #tpu.memory_space<hbm>>
    %dma_wait3A_1635 = arith.constant 0 : i32
    %dma_wait3A_1636 = tpu.memref_slice %arg4[%add3A_1558, %dma_wait3A_1635] : memref<8192x4096xf32, #tpu.memory_space<hbm>> -> memref<2x4096xf32, #tpu.memory_space<hbm>>
    tpu.wait_dma2 semaphore(%arg19 : memref<!tpu.dma_semaphore, #tpu.memory_space<semaphore_mem>>) src(%arg11 : memref<2x4096xf32, #tpu.memory_space<vmem>>) dst(%dma_wait3A_1636 : memref<2x4096xf32, #tpu.memory_space<hbm>>)
    %add3A_1637 = arith.constant 162 : i32
    %add3A_1638 = arith.addi %mul3A_2, %add3A_1637 : i32
    %dma_start3A_1639 = arith.constant 0 : i32
    %dma_start3A_1640 = tpu.memref_slice %arg4[%add3A_1638, %dma_start3A_1639] : memref<8192x4096xf32, #tpu.memory_space<hbm>> -> memref<2x4096xf32, #tpu.memory_space<hbm>>
    %dma_start3A_1641 = arith.constant 0 : i32
    %dma_start3A_1642 = tpu.memref_slice %arg4[%add3A_1638, %dma_start3A_1641] : memref<8192x4096xf32, #tpu.memory_space<hbm>> -> memref<2x4096xf32, #tpu.memory_space<hbm>>
    tpu.enqueue_dma source(%arg11 : memref<2x4096xf32, #tpu.memory_space<vmem>>) target(%dma_start3A_1642 : memref<2x4096xf32, #tpu.memory_space<hbm>>) target_semaphore(%arg19 : memref<!tpu.dma_semaphore, #tpu.memory_space<semaphore_mem>>)
    %add3A_1643 = arith.constant 170 : i32
    %add3A_1644 = arith.addi %mul3A_2, %add3A_1643 : i32
    %dma_start3A_1645 = arith.constant 0 : i32
    %dma_start3A_1646 = tpu.memref_slice %arg3[%add3A_1644, %dma_start3A_1645] : memref<8192x8192xf32, #tpu.memory_space<hbm>> -> memref<2x8192xf32, #tpu.memory_space<hbm>>
    %dma_start3A_1647 = arith.constant 0 : i32
    %dma_start3A_1648 = tpu.memref_slice %arg3[%add3A_1644, %dma_start3A_1647] : memref<8192x8192xf32, #tpu.memory_space<hbm>> -> memref<2x8192xf32, #tpu.memory_space<hbm>>
    tpu.enqueue_dma source(%dma_start3A_1648 : memref<2x8192xf32, #tpu.memory_space<hbm>>) target(%arg7 : memref<2x8192xf32, #tpu.memory_space<vmem>>) target_semaphore(%arg15 : memref<!tpu.dma_semaphore, #tpu.memory_space<semaphore_mem>>)
    %dma_wait3A_1649 = arith.constant 0 : i32
    %dma_wait3A_1650 = tpu.memref_slice %arg3[%add3A_1584, %dma_wait3A_1649] : memref<8192x8192xf32, #tpu.memory_space<hbm>> -> memref<2x8192xf32, #tpu.memory_space<hbm>>
    %dma_wait3A_1651 = arith.constant 0 : i32
    %dma_wait3A_1652 = tpu.memref_slice %arg3[%add3A_1584, %dma_wait3A_1651] : memref<8192x8192xf32, #tpu.memory_space<hbm>> -> memref<2x8192xf32, #tpu.memory_space<hbm>>
    tpu.wait_dma2 semaphore(%arg16 : memref<!tpu.dma_semaphore, #tpu.memory_space<semaphore_mem>>) src(%dma_wait3A_1652 : memref<2x8192xf32, #tpu.memory_space<hbm>>) dst(%arg8 : memref<2x8192xf32, #tpu.memory_space<vmem>>)
    %dma_wait3A_1653 = arith.constant 0 : i32
    %dma_wait3A_1654 = tpu.memref_slice %arg4[%add3A_1578, %dma_wait3A_1653] : memref<8192x4096xf32, #tpu.memory_space<hbm>> -> memref<2x4096xf32, #tpu.memory_space<hbm>>
    %dma_wait3A_1655 = arith.constant 0 : i32
    %dma_wait3A_1656 = tpu.memref_slice %arg4[%add3A_1578, %dma_wait3A_1655] : memref<8192x4096xf32, #tpu.memory_space<hbm>> -> memref<2x4096xf32, #tpu.memory_space<hbm>>
    tpu.wait_dma2 semaphore(%arg20 : memref<!tpu.dma_semaphore, #tpu.memory_space<semaphore_mem>>) src(%arg12 : memref<2x4096xf32, #tpu.memory_space<vmem>>) dst(%dma_wait3A_1656 : memref<2x4096xf32, #tpu.memory_space<hbm>>)
    %add3A_1657 = arith.constant 164 : i32
    %add3A_1658 = arith.addi %mul3A_2, %add3A_1657 : i32
    %dma_start3A_1659 = arith.constant 0 : i32
    %dma_start3A_1660 = tpu.memref_slice %arg4[%add3A_1658, %dma_start3A_1659] : memref<8192x4096xf32, #tpu.memory_space<hbm>> -> memref<2x4096xf32, #tpu.memory_space<hbm>>
    %dma_start3A_1661 = arith.constant 0 : i32
    %dma_start3A_1662 = tpu.memref_slice %arg4[%add3A_1658, %dma_start3A_1661] : memref<8192x4096xf32, #tpu.memory_space<hbm>> -> memref<2x4096xf32, #tpu.memory_space<hbm>>
    tpu.enqueue_dma source(%arg12 : memref<2x4096xf32, #tpu.memory_space<vmem>>) target(%dma_start3A_1662 : memref<2x4096xf32, #tpu.memory_space<hbm>>) target_semaphore(%arg20 : memref<!tpu.dma_semaphore, #tpu.memory_space<semaphore_mem>>)
    %add3A_1663 = arith.constant 172 : i32
    %add3A_1664 = arith.addi %mul3A_2, %add3A_1663 : i32
    %dma_start3A_1665 = arith.constant 0 : i32
    %dma_start3A_1666 = tpu.memref_slice %arg3[%add3A_1664, %dma_start3A_1665] : memref<8192x8192xf32, #tpu.memory_space<hbm>> -> memref<2x8192xf32, #tpu.memory_space<hbm>>
    %dma_start3A_1667 = arith.constant 0 : i32
    %dma_start3A_1668 = tpu.memref_slice %arg3[%add3A_1664, %dma_start3A_1667] : memref<8192x8192xf32, #tpu.memory_space<hbm>> -> memref<2x8192xf32, #tpu.memory_space<hbm>>
    tpu.enqueue_dma source(%dma_start3A_1668 : memref<2x8192xf32, #tpu.memory_space<hbm>>) target(%arg8 : memref<2x8192xf32, #tpu.memory_space<vmem>>) target_semaphore(%arg16 : memref<!tpu.dma_semaphore, #tpu.memory_space<semaphore_mem>>)
    %dma_wait3A_1669 = arith.constant 0 : i32
    %dma_wait3A_1670 = tpu.memref_slice %arg3[%add3A_1604, %dma_wait3A_1669] : memref<8192x8192xf32, #tpu.memory_space<hbm>> -> memref<2x8192xf32, #tpu.memory_space<hbm>>
    %dma_wait3A_1671 = arith.constant 0 : i32
    %dma_wait3A_1672 = tpu.memref_slice %arg3[%add3A_1604, %dma_wait3A_1671] : memref<8192x8192xf32, #tpu.memory_space<hbm>> -> memref<2x8192xf32, #tpu.memory_space<hbm>>
    tpu.wait_dma2 semaphore(%arg17 : memref<!tpu.dma_semaphore, #tpu.memory_space<semaphore_mem>>) src(%dma_wait3A_1672 : memref<2x8192xf32, #tpu.memory_space<hbm>>) dst(%arg9 : memref<2x8192xf32, #tpu.memory_space<vmem>>)
    %dma_wait3A_1673 = arith.constant 0 : i32
    %dma_wait3A_1674 = tpu.memref_slice %arg4[%add3A_1598, %dma_wait3A_1673] : memref<8192x4096xf32, #tpu.memory_space<hbm>> -> memref<2x4096xf32, #tpu.memory_space<hbm>>
    %dma_wait3A_1675 = arith.constant 0 : i32
    %dma_wait3A_1676 = tpu.memref_slice %arg4[%add3A_1598, %dma_wait3A_1675] : memref<8192x4096xf32, #tpu.memory_space<hbm>> -> memref<2x4096xf32, #tpu.memory_space<hbm>>
    tpu.wait_dma2 semaphore(%arg21 : memref<!tpu.dma_semaphore, #tpu.memory_space<semaphore_mem>>) src(%arg13 : memref<2x4096xf32, #tpu.memory_space<vmem>>) dst(%dma_wait3A_1676 : memref<2x4096xf32, #tpu.memory_space<hbm>>)
    %add3A_1677 = arith.constant 166 : i32
    %add3A_1678 = arith.addi %mul3A_2, %add3A_1677 : i32
    %dma_start3A_1679 = arith.constant 0 : i32
    %dma_start3A_1680 = tpu.memref_slice %arg4[%add3A_1678, %dma_start3A_1679] : memref<8192x4096xf32, #tpu.memory_space<hbm>> -> memref<2x4096xf32, #tpu.memory_space<hbm>>
    %dma_start3A_1681 = arith.constant 0 : i32
    %dma_start3A_1682 = tpu.memref_slice %arg4[%add3A_1678, %dma_start3A_1681] : memref<8192x4096xf32, #tpu.memory_space<hbm>> -> memref<2x4096xf32, #tpu.memory_space<hbm>>
    tpu.enqueue_dma source(%arg13 : memref<2x4096xf32, #tpu.memory_space<vmem>>) target(%dma_start3A_1682 : memref<2x4096xf32, #tpu.memory_space<hbm>>) target_semaphore(%arg21 : memref<!tpu.dma_semaphore, #tpu.memory_space<semaphore_mem>>)
    %add3A_1683 = arith.constant 174 : i32
    %add3A_1684 = arith.addi %mul3A_2, %add3A_1683 : i32
    %dma_start3A_1685 = arith.constant 0 : i32
    %dma_start3A_1686 = tpu.memref_slice %arg3[%add3A_1684, %dma_start3A_1685] : memref<8192x8192xf32, #tpu.memory_space<hbm>> -> memref<2x8192xf32, #tpu.memory_space<hbm>>
    %dma_start3A_1687 = arith.constant 0 : i32
    %dma_start3A_1688 = tpu.memref_slice %arg3[%add3A_1684, %dma_start3A_1687] : memref<8192x8192xf32, #tpu.memory_space<hbm>> -> memref<2x8192xf32, #tpu.memory_space<hbm>>
    tpu.enqueue_dma source(%dma_start3A_1688 : memref<2x8192xf32, #tpu.memory_space<hbm>>) target(%arg9 : memref<2x8192xf32, #tpu.memory_space<vmem>>) target_semaphore(%arg17 : memref<!tpu.dma_semaphore, #tpu.memory_space<semaphore_mem>>)
    %dma_wait3A_1689 = arith.constant 0 : i32
    %dma_wait3A_1690 = tpu.memref_slice %arg3[%add3A_1624, %dma_wait3A_1689] : memref<8192x8192xf32, #tpu.memory_space<hbm>> -> memref<2x8192xf32, #tpu.memory_space<hbm>>
    %dma_wait3A_1691 = arith.constant 0 : i32
    %dma_wait3A_1692 = tpu.memref_slice %arg3[%add3A_1624, %dma_wait3A_1691] : memref<8192x8192xf32, #tpu.memory_space<hbm>> -> memref<2x8192xf32, #tpu.memory_space<hbm>>
    tpu.wait_dma2 semaphore(%arg14 : memref<!tpu.dma_semaphore, #tpu.memory_space<semaphore_mem>>) src(%dma_wait3A_1692 : memref<2x8192xf32, #tpu.memory_space<hbm>>) dst(%arg6 : memref<2x8192xf32, #tpu.memory_space<vmem>>)
    %dma_wait3A_1693 = arith.constant 0 : i32
    %dma_wait3A_1694 = tpu.memref_slice %arg4[%add3A_1618, %dma_wait3A_1693] : memref<8192x4096xf32, #tpu.memory_space<hbm>> -> memref<2x4096xf32, #tpu.memory_space<hbm>>
    %dma_wait3A_1695 = arith.constant 0 : i32
    %dma_wait3A_1696 = tpu.memref_slice %arg4[%add3A_1618, %dma_wait3A_1695] : memref<8192x4096xf32, #tpu.memory_space<hbm>> -> memref<2x4096xf32, #tpu.memory_space<hbm>>
    tpu.wait_dma2 semaphore(%arg18 : memref<!tpu.dma_semaphore, #tpu.memory_space<semaphore_mem>>) src(%arg10 : memref<2x4096xf32, #tpu.memory_space<vmem>>) dst(%dma_wait3A_1696 : memref<2x4096xf32, #tpu.memory_space<hbm>>)
    %add3A_1697 = arith.constant 168 : i32
    %add3A_1698 = arith.addi %mul3A_2, %add3A_1697 : i32
    %dma_start3A_1699 = arith.constant 0 : i32
    %dma_start3A_1700 = tpu.memref_slice %arg4[%add3A_1698, %dma_start3A_1699] : memref<8192x4096xf32, #tpu.memory_space<hbm>> -> memref<2x4096xf32, #tpu.memory_space<hbm>>
    %dma_start3A_1701 = arith.constant 0 : i32
    %dma_start3A_1702 = tpu.memref_slice %arg4[%add3A_1698, %dma_start3A_1701] : memref<8192x4096xf32, #tpu.memory_space<hbm>> -> memref<2x4096xf32, #tpu.memory_space<hbm>>
    tpu.enqueue_dma source(%arg10 : memref<2x4096xf32, #tpu.memory_space<vmem>>) target(%dma_start3A_1702 : memref<2x4096xf32, #tpu.memory_space<hbm>>) target_semaphore(%arg18 : memref<!tpu.dma_semaphore, #tpu.memory_space<semaphore_mem>>)
    %add3A_1703 = arith.constant 176 : i32
    %add3A_1704 = arith.addi %mul3A_2, %add3A_1703 : i32
    %dma_start3A_1705 = arith.constant 0 : i32
    %dma_start3A_1706 = tpu.memref_slice %arg3[%add3A_1704, %dma_start3A_1705] : memref<8192x8192xf32, #tpu.memory_space<hbm>> -> memref<2x8192xf32, #tpu.memory_space<hbm>>
    %dma_start3A_1707 = arith.constant 0 : i32
    %dma_start3A_1708 = tpu.memref_slice %arg3[%add3A_1704, %dma_start3A_1707] : memref<8192x8192xf32, #tpu.memory_space<hbm>> -> memref<2x8192xf32, #tpu.memory_space<hbm>>
    tpu.enqueue_dma source(%dma_start3A_1708 : memref<2x8192xf32, #tpu.memory_space<hbm>>) target(%arg6 : memref<2x8192xf32, #tpu.memory_space<vmem>>) target_semaphore(%arg14 : memref<!tpu.dma_semaphore, #tpu.memory_space<semaphore_mem>>)
    %dma_wait3A_1709 = arith.constant 0 : i32
    %dma_wait3A_1710 = tpu.memref_slice %arg3[%add3A_1644, %dma_wait3A_1709] : memref<8192x8192xf32, #tpu.memory_space<hbm>> -> memref<2x8192xf32, #tpu.memory_space<hbm>>
    %dma_wait3A_1711 = arith.constant 0 : i32
    %dma_wait3A_1712 = tpu.memref_slice %arg3[%add3A_1644, %dma_wait3A_1711] : memref<8192x8192xf32, #tpu.memory_space<hbm>> -> memref<2x8192xf32, #tpu.memory_space<hbm>>
    tpu.wait_dma2 semaphore(%arg15 : memref<!tpu.dma_semaphore, #tpu.memory_space<semaphore_mem>>) src(%dma_wait3A_1712 : memref<2x8192xf32, #tpu.memory_space<hbm>>) dst(%arg7 : memref<2x8192xf32, #tpu.memory_space<vmem>>)
    %dma_wait3A_1713 = arith.constant 0 : i32
    %dma_wait3A_1714 = tpu.memref_slice %arg4[%add3A_1638, %dma_wait3A_1713] : memref<8192x4096xf32, #tpu.memory_space<hbm>> -> memref<2x4096xf32, #tpu.memory_space<hbm>>
    %dma_wait3A_1715 = arith.constant 0 : i32
    %dma_wait3A_1716 = tpu.memref_slice %arg4[%add3A_1638, %dma_wait3A_1715] : memref<8192x4096xf32, #tpu.memory_space<hbm>> -> memref<2x4096xf32, #tpu.memory_space<hbm>>
    tpu.wait_dma2 semaphore(%arg19 : memref<!tpu.dma_semaphore, #tpu.memory_space<semaphore_mem>>) src(%arg11 : memref<2x4096xf32, #tpu.memory_space<vmem>>) dst(%dma_wait3A_1716 : memref<2x4096xf32, #tpu.memory_space<hbm>>)
    %add3A_1717 = arith.constant 170 : i32
    %add3A_1718 = arith.addi %mul3A_2, %add3A_1717 : i32
    %dma_start3A_1719 = arith.constant 0 : i32
    %dma_start3A_1720 = tpu.memref_slice %arg4[%add3A_1718, %dma_start3A_1719] : memref<8192x4096xf32, #tpu.memory_space<hbm>> -> memref<2x4096xf32, #tpu.memory_space<hbm>>
    %dma_start3A_1721 = arith.constant 0 : i32
    %dma_start3A_1722 = tpu.memref_slice %arg4[%add3A_1718, %dma_start3A_1721] : memref<8192x4096xf32, #tpu.memory_space<hbm>> -> memref<2x4096xf32, #tpu.memory_space<hbm>>
    tpu.enqueue_dma source(%arg11 : memref<2x4096xf32, #tpu.memory_space<vmem>>) target(%dma_start3A_1722 : memref<2x4096xf32, #tpu.memory_space<hbm>>) target_semaphore(%arg19 : memref<!tpu.dma_semaphore, #tpu.memory_space<semaphore_mem>>)
    %add3A_1723 = arith.constant 178 : i32
    %add3A_1724 = arith.addi %mul3A_2, %add3A_1723 : i32
    %dma_start3A_1725 = arith.constant 0 : i32
    %dma_start3A_1726 = tpu.memref_slice %arg3[%add3A_1724, %dma_start3A_1725] : memref<8192x8192xf32, #tpu.memory_space<hbm>> -> memref<2x8192xf32, #tpu.memory_space<hbm>>
    %dma_start3A_1727 = arith.constant 0 : i32
    %dma_start3A_1728 = tpu.memref_slice %arg3[%add3A_1724, %dma_start3A_1727] : memref<8192x8192xf32, #tpu.memory_space<hbm>> -> memref<2x8192xf32, #tpu.memory_space<hbm>>
    tpu.enqueue_dma source(%dma_start3A_1728 : memref<2x8192xf32, #tpu.memory_space<hbm>>) target(%arg7 : memref<2x8192xf32, #tpu.memory_space<vmem>>) target_semaphore(%arg15 : memref<!tpu.dma_semaphore, #tpu.memory_space<semaphore_mem>>)
    %dma_wait3A_1729 = arith.constant 0 : i32
    %dma_wait3A_1730 = tpu.memref_slice %arg3[%add3A_1664, %dma_wait3A_1729] : memref<8192x8192xf32, #tpu.memory_space<hbm>> -> memref<2x8192xf32, #tpu.memory_space<hbm>>
    %dma_wait3A_1731 = arith.constant 0 : i32
    %dma_wait3A_1732 = tpu.memref_slice %arg3[%add3A_1664, %dma_wait3A_1731] : memref<8192x8192xf32, #tpu.memory_space<hbm>> -> memref<2x8192xf32, #tpu.memory_space<hbm>>
    tpu.wait_dma2 semaphore(%arg16 : memref<!tpu.dma_semaphore, #tpu.memory_space<semaphore_mem>>) src(%dma_wait3A_1732 : memref<2x8192xf32, #tpu.memory_space<hbm>>) dst(%arg8 : memref<2x8192xf32, #tpu.memory_space<vmem>>)
    %dma_wait3A_1733 = arith.constant 0 : i32
    %dma_wait3A_1734 = tpu.memref_slice %arg4[%add3A_1658, %dma_wait3A_1733] : memref<8192x4096xf32, #tpu.memory_space<hbm>> -> memref<2x4096xf32, #tpu.memory_space<hbm>>
    %dma_wait3A_1735 = arith.constant 0 : i32
    %dma_wait3A_1736 = tpu.memref_slice %arg4[%add3A_1658, %dma_wait3A_1735] : memref<8192x4096xf32, #tpu.memory_space<hbm>> -> memref<2x4096xf32, #tpu.memory_space<hbm>>
    tpu.wait_dma2 semaphore(%arg20 : memref<!tpu.dma_semaphore, #tpu.memory_space<semaphore_mem>>) src(%arg12 : memref<2x4096xf32, #tpu.memory_space<vmem>>) dst(%dma_wait3A_1736 : memref<2x4096xf32, #tpu.memory_space<hbm>>)
    %add3A_1737 = arith.constant 172 : i32
    %add3A_1738 = arith.addi %mul3A_2, %add3A_1737 : i32
    %dma_start3A_1739 = arith.constant 0 : i32
    %dma_start3A_1740 = tpu.memref_slice %arg4[%add3A_1738, %dma_start3A_1739] : memref<8192x4096xf32, #tpu.memory_space<hbm>> -> memref<2x4096xf32, #tpu.memory_space<hbm>>
    %dma_start3A_1741 = arith.constant 0 : i32
    %dma_start3A_1742 = tpu.memref_slice %arg4[%add3A_1738, %dma_start3A_1741] : memref<8192x4096xf32, #tpu.memory_space<hbm>> -> memref<2x4096xf32, #tpu.memory_space<hbm>>
    tpu.enqueue_dma source(%arg12 : memref<2x4096xf32, #tpu.memory_space<vmem>>) target(%dma_start3A_1742 : memref<2x4096xf32, #tpu.memory_space<hbm>>) target_semaphore(%arg20 : memref<!tpu.dma_semaphore, #tpu.memory_space<semaphore_mem>>)
    %add3A_1743 = arith.constant 180 : i32
    %add3A_1744 = arith.addi %mul3A_2, %add3A_1743 : i32
    %dma_start3A_1745 = arith.constant 0 : i32
    %dma_start3A_1746 = tpu.memref_slice %arg3[%add3A_1744, %dma_start3A_1745] : memref<8192x8192xf32, #tpu.memory_space<hbm>> -> memref<2x8192xf32, #tpu.memory_space<hbm>>
    %dma_start3A_1747 = arith.constant 0 : i32
    %dma_start3A_1748 = tpu.memref_slice %arg3[%add3A_1744, %dma_start3A_1747] : memref<8192x8192xf32, #tpu.memory_space<hbm>> -> memref<2x8192xf32, #tpu.memory_space<hbm>>
    tpu.enqueue_dma source(%dma_start3A_1748 : memref<2x8192xf32, #tpu.memory_space<hbm>>) target(%arg8 : memref<2x8192xf32, #tpu.memory_space<vmem>>) target_semaphore(%arg16 : memref<!tpu.dma_semaphore, #tpu.memory_space<semaphore_mem>>)
    %dma_wait3A_1749 = arith.constant 0 : i32
    %dma_wait3A_1750 = tpu.memref_slice %arg3[%add3A_1684, %dma_wait3A_1749] : memref<8192x8192xf32, #tpu.memory_space<hbm>> -> memref<2x8192xf32, #tpu.memory_space<hbm>>
    %dma_wait3A_1751 = arith.constant 0 : i32
    %dma_wait3A_1752 = tpu.memref_slice %arg3[%add3A_1684, %dma_wait3A_1751] : memref<8192x8192xf32, #tpu.memory_space<hbm>> -> memref<2x8192xf32, #tpu.memory_space<hbm>>
    tpu.wait_dma2 semaphore(%arg17 : memref<!tpu.dma_semaphore, #tpu.memory_space<semaphore_mem>>) src(%dma_wait3A_1752 : memref<2x8192xf32, #tpu.memory_space<hbm>>) dst(%arg9 : memref<2x8192xf32, #tpu.memory_space<vmem>>)
    %dma_wait3A_1753 = arith.constant 0 : i32
    %dma_wait3A_1754 = tpu.memref_slice %arg4[%add3A_1678, %dma_wait3A_1753] : memref<8192x4096xf32, #tpu.memory_space<hbm>> -> memref<2x4096xf32, #tpu.memory_space<hbm>>
    %dma_wait3A_1755 = arith.constant 0 : i32
    %dma_wait3A_1756 = tpu.memref_slice %arg4[%add3A_1678, %dma_wait3A_1755] : memref<8192x4096xf32, #tpu.memory_space<hbm>> -> memref<2x4096xf32, #tpu.memory_space<hbm>>
    tpu.wait_dma2 semaphore(%arg21 : memref<!tpu.dma_semaphore, #tpu.memory_space<semaphore_mem>>) src(%arg13 : memref<2x4096xf32, #tpu.memory_space<vmem>>) dst(%dma_wait3A_1756 : memref<2x4096xf32, #tpu.memory_space<hbm>>)
    %add3A_1757 = arith.constant 174 : i32
    %add3A_1758 = arith.addi %mul3A_2, %add3A_1757 : i32
    %dma_start3A_1759 = arith.constant 0 : i32
    %dma_start3A_1760 = tpu.memref_slice %arg4[%add3A_1758, %dma_start3A_1759] : memref<8192x4096xf32, #tpu.memory_space<hbm>> -> memref<2x4096xf32, #tpu.memory_space<hbm>>
    %dma_start3A_1761 = arith.constant 0 : i32
    %dma_start3A_1762 = tpu.memref_slice %arg4[%add3A_1758, %dma_start3A_1761] : memref<8192x4096xf32, #tpu.memory_space<hbm>> -> memref<2x4096xf32, #tpu.memory_space<hbm>>
    tpu.enqueue_dma source(%arg13 : memref<2x4096xf32, #tpu.memory_space<vmem>>) target(%dma_start3A_1762 : memref<2x4096xf32, #tpu.memory_space<hbm>>) target_semaphore(%arg21 : memref<!tpu.dma_semaphore, #tpu.memory_space<semaphore_mem>>)
    %add3A_1763 = arith.constant 182 : i32
    %add3A_1764 = arith.addi %mul3A_2, %add3A_1763 : i32
    %dma_start3A_1765 = arith.constant 0 : i32
    %dma_start3A_1766 = tpu.memref_slice %arg3[%add3A_1764, %dma_start3A_1765] : memref<8192x8192xf32, #tpu.memory_space<hbm>> -> memref<2x8192xf32, #tpu.memory_space<hbm>>
    %dma_start3A_1767 = arith.constant 0 : i32
    %dma_start3A_1768 = tpu.memref_slice %arg3[%add3A_1764, %dma_start3A_1767] : memref<8192x8192xf32, #tpu.memory_space<hbm>> -> memref<2x8192xf32, #tpu.memory_space<hbm>>
    tpu.enqueue_dma source(%dma_start3A_1768 : memref<2x8192xf32, #tpu.memory_space<hbm>>) target(%arg9 : memref<2x8192xf32, #tpu.memory_space<vmem>>) target_semaphore(%arg17 : memref<!tpu.dma_semaphore, #tpu.memory_space<semaphore_mem>>)
    %dma_wait3A_1769 = arith.constant 0 : i32
    %dma_wait3A_1770 = tpu.memref_slice %arg3[%add3A_1704, %dma_wait3A_1769] : memref<8192x8192xf32, #tpu.memory_space<hbm>> -> memref<2x8192xf32, #tpu.memory_space<hbm>>
    %dma_wait3A_1771 = arith.constant 0 : i32
    %dma_wait3A_1772 = tpu.memref_slice %arg3[%add3A_1704, %dma_wait3A_1771] : memref<8192x8192xf32, #tpu.memory_space<hbm>> -> memref<2x8192xf32, #tpu.memory_space<hbm>>
    tpu.wait_dma2 semaphore(%arg14 : memref<!tpu.dma_semaphore, #tpu.memory_space<semaphore_mem>>) src(%dma_wait3A_1772 : memref<2x8192xf32, #tpu.memory_space<hbm>>) dst(%arg6 : memref<2x8192xf32, #tpu.memory_space<vmem>>)
    %dma_wait3A_1773 = arith.constant 0 : i32
    %dma_wait3A_1774 = tpu.memref_slice %arg4[%add3A_1698, %dma_wait3A_1773] : memref<8192x4096xf32, #tpu.memory_space<hbm>> -> memref<2x4096xf32, #tpu.memory_space<hbm>>
    %dma_wait3A_1775 = arith.constant 0 : i32
    %dma_wait3A_1776 = tpu.memref_slice %arg4[%add3A_1698, %dma_wait3A_1775] : memref<8192x4096xf32, #tpu.memory_space<hbm>> -> memref<2x4096xf32, #tpu.memory_space<hbm>>
    tpu.wait_dma2 semaphore(%arg18 : memref<!tpu.dma_semaphore, #tpu.memory_space<semaphore_mem>>) src(%arg10 : memref<2x4096xf32, #tpu.memory_space<vmem>>) dst(%dma_wait3A_1776 : memref<2x4096xf32, #tpu.memory_space<hbm>>)
    %add3A_1777 = arith.constant 176 : i32
    %add3A_1778 = arith.addi %mul3A_2, %add3A_1777 : i32
    %dma_start3A_1779 = arith.constant 0 : i32
    %dma_start3A_1780 = tpu.memref_slice %arg4[%add3A_1778, %dma_start3A_1779] : memref<8192x4096xf32, #tpu.memory_space<hbm>> -> memref<2x4096xf32, #tpu.memory_space<hbm>>
    %dma_start3A_1781 = arith.constant 0 : i32
    %dma_start3A_1782 = tpu.memref_slice %arg4[%add3A_1778, %dma_start3A_1781] : memref<8192x4096xf32, #tpu.memory_space<hbm>> -> memref<2x4096xf32, #tpu.memory_space<hbm>>
    tpu.enqueue_dma source(%arg10 : memref<2x4096xf32, #tpu.memory_space<vmem>>) target(%dma_start3A_1782 : memref<2x4096xf32, #tpu.memory_space<hbm>>) target_semaphore(%arg18 : memref<!tpu.dma_semaphore, #tpu.memory_space<semaphore_mem>>)
    %add3A_1783 = arith.constant 184 : i32
    %add3A_1784 = arith.addi %mul3A_2, %add3A_1783 : i32
    %dma_start3A_1785 = arith.constant 0 : i32
    %dma_start3A_1786 = tpu.memref_slice %arg3[%add3A_1784, %dma_start3A_1785] : memref<8192x8192xf32, #tpu.memory_space<hbm>> -> memref<2x8192xf32, #tpu.memory_space<hbm>>
    %dma_start3A_1787 = arith.constant 0 : i32
    %dma_start3A_1788 = tpu.memref_slice %arg3[%add3A_1784, %dma_start3A_1787] : memref<8192x8192xf32, #tpu.memory_space<hbm>> -> memref<2x8192xf32, #tpu.memory_space<hbm>>
    tpu.enqueue_dma source(%dma_start3A_1788 : memref<2x8192xf32, #tpu.memory_space<hbm>>) target(%arg6 : memref<2x8192xf32, #tpu.memory_space<vmem>>) target_semaphore(%arg14 : memref<!tpu.dma_semaphore, #tpu.memory_space<semaphore_mem>>)
    %dma_wait3A_1789 = arith.constant 0 : i32
    %dma_wait3A_1790 = tpu.memref_slice %arg3[%add3A_1724, %dma_wait3A_1789] : memref<8192x8192xf32, #tpu.memory_space<hbm>> -> memref<2x8192xf32, #tpu.memory_space<hbm>>
    %dma_wait3A_1791 = arith.constant 0 : i32
    %dma_wait3A_1792 = tpu.memref_slice %arg3[%add3A_1724, %dma_wait3A_1791] : memref<8192x8192xf32, #tpu.memory_space<hbm>> -> memref<2x8192xf32, #tpu.memory_space<hbm>>
    tpu.wait_dma2 semaphore(%arg15 : memref<!tpu.dma_semaphore, #tpu.memory_space<semaphore_mem>>) src(%dma_wait3A_1792 : memref<2x8192xf32, #tpu.memory_space<hbm>>) dst(%arg7 : memref<2x8192xf32, #tpu.memory_space<vmem>>)
    %dma_wait3A_1793 = arith.constant 0 : i32
    %dma_wait3A_1794 = tpu.memref_slice %arg4[%add3A_1718, %dma_wait3A_1793] : memref<8192x4096xf32, #tpu.memory_space<hbm>> -> memref<2x4096xf32, #tpu.memory_space<hbm>>
    %dma_wait3A_1795 = arith.constant 0 : i32
    %dma_wait3A_1796 = tpu.memref_slice %arg4[%add3A_1718, %dma_wait3A_1795] : memref<8192x4096xf32, #tpu.memory_space<hbm>> -> memref<2x4096xf32, #tpu.memory_space<hbm>>
    tpu.wait_dma2 semaphore(%arg19 : memref<!tpu.dma_semaphore, #tpu.memory_space<semaphore_mem>>) src(%arg11 : memref<2x4096xf32, #tpu.memory_space<vmem>>) dst(%dma_wait3A_1796 : memref<2x4096xf32, #tpu.memory_space<hbm>>)
    %add3A_1797 = arith.constant 178 : i32
    %add3A_1798 = arith.addi %mul3A_2, %add3A_1797 : i32
    %dma_start3A_1799 = arith.constant 0 : i32
    %dma_start3A_1800 = tpu.memref_slice %arg4[%add3A_1798, %dma_start3A_1799] : memref<8192x4096xf32, #tpu.memory_space<hbm>> -> memref<2x4096xf32, #tpu.memory_space<hbm>>
    %dma_start3A_1801 = arith.constant 0 : i32
    %dma_start3A_1802 = tpu.memref_slice %arg4[%add3A_1798, %dma_start3A_1801] : memref<8192x4096xf32, #tpu.memory_space<hbm>> -> memref<2x4096xf32, #tpu.memory_space<hbm>>
    tpu.enqueue_dma source(%arg11 : memref<2x4096xf32, #tpu.memory_space<vmem>>) target(%dma_start3A_1802 : memref<2x4096xf32, #tpu.memory_space<hbm>>) target_semaphore(%arg19 : memref<!tpu.dma_semaphore, #tpu.memory_space<semaphore_mem>>)
    %add3A_1803 = arith.constant 186 : i32
    %add3A_1804 = arith.addi %mul3A_2, %add3A_1803 : i32
    %dma_start3A_1805 = arith.constant 0 : i32
    %dma_start3A_1806 = tpu.memref_slice %arg3[%add3A_1804, %dma_start3A_1805] : memref<8192x8192xf32, #tpu.memory_space<hbm>> -> memref<2x8192xf32, #tpu.memory_space<hbm>>
    %dma_start3A_1807 = arith.constant 0 : i32
    %dma_start3A_1808 = tpu.memref_slice %arg3[%add3A_1804, %dma_start3A_1807] : memref<8192x8192xf32, #tpu.memory_space<hbm>> -> memref<2x8192xf32, #tpu.memory_space<hbm>>
    tpu.enqueue_dma source(%dma_start3A_1808 : memref<2x8192xf32, #tpu.memory_space<hbm>>) target(%arg7 : memref<2x8192xf32, #tpu.memory_space<vmem>>) target_semaphore(%arg15 : memref<!tpu.dma_semaphore, #tpu.memory_space<semaphore_mem>>)
    %dma_wait3A_1809 = arith.constant 0 : i32
    %dma_wait3A_1810 = tpu.memref_slice %arg3[%add3A_1744, %dma_wait3A_1809] : memref<8192x8192xf32, #tpu.memory_space<hbm>> -> memref<2x8192xf32, #tpu.memory_space<hbm>>
    %dma_wait3A_1811 = arith.constant 0 : i32
    %dma_wait3A_1812 = tpu.memref_slice %arg3[%add3A_1744, %dma_wait3A_1811] : memref<8192x8192xf32, #tpu.memory_space<hbm>> -> memref<2x8192xf32, #tpu.memory_space<hbm>>
    tpu.wait_dma2 semaphore(%arg16 : memref<!tpu.dma_semaphore, #tpu.memory_space<semaphore_mem>>) src(%dma_wait3A_1812 : memref<2x8192xf32, #tpu.memory_space<hbm>>) dst(%arg8 : memref<2x8192xf32, #tpu.memory_space<vmem>>)
    %dma_wait3A_1813 = arith.constant 0 : i32
    %dma_wait3A_1814 = tpu.memref_slice %arg4[%add3A_1738, %dma_wait3A_1813] : memref<8192x4096xf32, #tpu.memory_space<hbm>> -> memref<2x4096xf32, #tpu.memory_space<hbm>>
    %dma_wait3A_1815 = arith.constant 0 : i32
    %dma_wait3A_1816 = tpu.memref_slice %arg4[%add3A_1738, %dma_wait3A_1815] : memref<8192x4096xf32, #tpu.memory_space<hbm>> -> memref<2x4096xf32, #tpu.memory_space<hbm>>
    tpu.wait_dma2 semaphore(%arg20 : memref<!tpu.dma_semaphore, #tpu.memory_space<semaphore_mem>>) src(%arg12 : memref<2x4096xf32, #tpu.memory_space<vmem>>) dst(%dma_wait3A_1816 : memref<2x4096xf32, #tpu.memory_space<hbm>>)
    %add3A_1817 = arith.constant 180 : i32
    %add3A_1818 = arith.addi %mul3A_2, %add3A_1817 : i32
    %dma_start3A_1819 = arith.constant 0 : i32
    %dma_start3A_1820 = tpu.memref_slice %arg4[%add3A_1818, %dma_start3A_1819] : memref<8192x4096xf32, #tpu.memory_space<hbm>> -> memref<2x4096xf32, #tpu.memory_space<hbm>>
    %dma_start3A_1821 = arith.constant 0 : i32
    %dma_start3A_1822 = tpu.memref_slice %arg4[%add3A_1818, %dma_start3A_1821] : memref<8192x4096xf32, #tpu.memory_space<hbm>> -> memref<2x4096xf32, #tpu.memory_space<hbm>>
    tpu.enqueue_dma source(%arg12 : memref<2x4096xf32, #tpu.memory_space<vmem>>) target(%dma_start3A_1822 : memref<2x4096xf32, #tpu.memory_space<hbm>>) target_semaphore(%arg20 : memref<!tpu.dma_semaphore, #tpu.memory_space<semaphore_mem>>)
    %add3A_1823 = arith.constant 188 : i32
    %add3A_1824 = arith.addi %mul3A_2, %add3A_1823 : i32
    %dma_start3A_1825 = arith.constant 0 : i32
    %dma_start3A_1826 = tpu.memref_slice %arg3[%add3A_1824, %dma_start3A_1825] : memref<8192x8192xf32, #tpu.memory_space<hbm>> -> memref<2x8192xf32, #tpu.memory_space<hbm>>
    %dma_start3A_1827 = arith.constant 0 : i32
    %dma_start3A_1828 = tpu.memref_slice %arg3[%add3A_1824, %dma_start3A_1827] : memref<8192x8192xf32, #tpu.memory_space<hbm>> -> memref<2x8192xf32, #tpu.memory_space<hbm>>
    tpu.enqueue_dma source(%dma_start3A_1828 : memref<2x8192xf32, #tpu.memory_space<hbm>>) target(%arg8 : memref<2x8192xf32, #tpu.memory_space<vmem>>) target_semaphore(%arg16 : memref<!tpu.dma_semaphore, #tpu.memory_space<semaphore_mem>>)
    %dma_wait3A_1829 = arith.constant 0 : i32
    %dma_wait3A_1830 = tpu.memref_slice %arg3[%add3A_1764, %dma_wait3A_1829] : memref<8192x8192xf32, #tpu.memory_space<hbm>> -> memref<2x8192xf32, #tpu.memory_space<hbm>>
    %dma_wait3A_1831 = arith.constant 0 : i32
    %dma_wait3A_1832 = tpu.memref_slice %arg3[%add3A_1764, %dma_wait3A_1831] : memref<8192x8192xf32, #tpu.memory_space<hbm>> -> memref<2x8192xf32, #tpu.memory_space<hbm>>
    tpu.wait_dma2 semaphore(%arg17 : memref<!tpu.dma_semaphore, #tpu.memory_space<semaphore_mem>>) src(%dma_wait3A_1832 : memref<2x8192xf32, #tpu.memory_space<hbm>>) dst(%arg9 : memref<2x8192xf32, #tpu.memory_space<vmem>>)
    %dma_wait3A_1833 = arith.constant 0 : i32
    %dma_wait3A_1834 = tpu.memref_slice %arg4[%add3A_1758, %dma_wait3A_1833] : memref<8192x4096xf32, #tpu.memory_space<hbm>> -> memref<2x4096xf32, #tpu.memory_space<hbm>>
    %dma_wait3A_1835 = arith.constant 0 : i32
    %dma_wait3A_1836 = tpu.memref_slice %arg4[%add3A_1758, %dma_wait3A_1835] : memref<8192x4096xf32, #tpu.memory_space<hbm>> -> memref<2x4096xf32, #tpu.memory_space<hbm>>
    tpu.wait_dma2 semaphore(%arg21 : memref<!tpu.dma_semaphore, #tpu.memory_space<semaphore_mem>>) src(%arg13 : memref<2x4096xf32, #tpu.memory_space<vmem>>) dst(%dma_wait3A_1836 : memref<2x4096xf32, #tpu.memory_space<hbm>>)
    %add3A_1837 = arith.constant 182 : i32
    %add3A_1838 = arith.addi %mul3A_2, %add3A_1837 : i32
    %dma_start3A_1839 = arith.constant 0 : i32
    %dma_start3A_1840 = tpu.memref_slice %arg4[%add3A_1838, %dma_start3A_1839] : memref<8192x4096xf32, #tpu.memory_space<hbm>> -> memref<2x4096xf32, #tpu.memory_space<hbm>>
    %dma_start3A_1841 = arith.constant 0 : i32
    %dma_start3A_1842 = tpu.memref_slice %arg4[%add3A_1838, %dma_start3A_1841] : memref<8192x4096xf32, #tpu.memory_space<hbm>> -> memref<2x4096xf32, #tpu.memory_space<hbm>>
    tpu.enqueue_dma source(%arg13 : memref<2x4096xf32, #tpu.memory_space<vmem>>) target(%dma_start3A_1842 : memref<2x4096xf32, #tpu.memory_space<hbm>>) target_semaphore(%arg21 : memref<!tpu.dma_semaphore, #tpu.memory_space<semaphore_mem>>)
    %add3A_1843 = arith.constant 190 : i32
    %add3A_1844 = arith.addi %mul3A_2, %add3A_1843 : i32
    %dma_start3A_1845 = arith.constant 0 : i32
    %dma_start3A_1846 = tpu.memref_slice %arg3[%add3A_1844, %dma_start3A_1845] : memref<8192x8192xf32, #tpu.memory_space<hbm>> -> memref<2x8192xf32, #tpu.memory_space<hbm>>
    %dma_start3A_1847 = arith.constant 0 : i32
    %dma_start3A_1848 = tpu.memref_slice %arg3[%add3A_1844, %dma_start3A_1847] : memref<8192x8192xf32, #tpu.memory_space<hbm>> -> memref<2x8192xf32, #tpu.memory_space<hbm>>
    tpu.enqueue_dma source(%dma_start3A_1848 : memref<2x8192xf32, #tpu.memory_space<hbm>>) target(%arg9 : memref<2x8192xf32, #tpu.memory_space<vmem>>) target_semaphore(%arg17 : memref<!tpu.dma_semaphore, #tpu.memory_space<semaphore_mem>>)
    %dma_wait3A_1849 = arith.constant 0 : i32
    %dma_wait3A_1850 = tpu.memref_slice %arg3[%add3A_1784, %dma_wait3A_1849] : memref<8192x8192xf32, #tpu.memory_space<hbm>> -> memref<2x8192xf32, #tpu.memory_space<hbm>>
    %dma_wait3A_1851 = arith.constant 0 : i32
    %dma_wait3A_1852 = tpu.memref_slice %arg3[%add3A_1784, %dma_wait3A_1851] : memref<8192x8192xf32, #tpu.memory_space<hbm>> -> memref<2x8192xf32, #tpu.memory_space<hbm>>
    tpu.wait_dma2 semaphore(%arg14 : memref<!tpu.dma_semaphore, #tpu.memory_space<semaphore_mem>>) src(%dma_wait3A_1852 : memref<2x8192xf32, #tpu.memory_space<hbm>>) dst(%arg6 : memref<2x8192xf32, #tpu.memory_space<vmem>>)
    %dma_wait3A_1853 = arith.constant 0 : i32
    %dma_wait3A_1854 = tpu.memref_slice %arg4[%add3A_1778, %dma_wait3A_1853] : memref<8192x4096xf32, #tpu.memory_space<hbm>> -> memref<2x4096xf32, #tpu.memory_space<hbm>>
    %dma_wait3A_1855 = arith.constant 0 : i32
    %dma_wait3A_1856 = tpu.memref_slice %arg4[%add3A_1778, %dma_wait3A_1855] : memref<8192x4096xf32, #tpu.memory_space<hbm>> -> memref<2x4096xf32, #tpu.memory_space<hbm>>
    tpu.wait_dma2 semaphore(%arg18 : memref<!tpu.dma_semaphore, #tpu.memory_space<semaphore_mem>>) src(%arg10 : memref<2x4096xf32, #tpu.memory_space<vmem>>) dst(%dma_wait3A_1856 : memref<2x4096xf32, #tpu.memory_space<hbm>>)
    %add3A_1857 = arith.constant 184 : i32
    %add3A_1858 = arith.addi %mul3A_2, %add3A_1857 : i32
    %dma_start3A_1859 = arith.constant 0 : i32
    %dma_start3A_1860 = tpu.memref_slice %arg4[%add3A_1858, %dma_start3A_1859] : memref<8192x4096xf32, #tpu.memory_space<hbm>> -> memref<2x4096xf32, #tpu.memory_space<hbm>>
    %dma_start3A_1861 = arith.constant 0 : i32
    %dma_start3A_1862 = tpu.memref_slice %arg4[%add3A_1858, %dma_start3A_1861] : memref<8192x4096xf32, #tpu.memory_space<hbm>> -> memref<2x4096xf32, #tpu.memory_space<hbm>>
    tpu.enqueue_dma source(%arg10 : memref<2x4096xf32, #tpu.memory_space<vmem>>) target(%dma_start3A_1862 : memref<2x4096xf32, #tpu.memory_space<hbm>>) target_semaphore(%arg18 : memref<!tpu.dma_semaphore, #tpu.memory_space<semaphore_mem>>)
    %add3A_1863 = arith.constant 192 : i32
    %add3A_1864 = arith.addi %mul3A_2, %add3A_1863 : i32
    %dma_start3A_1865 = arith.constant 0 : i32
    %dma_start3A_1866 = tpu.memref_slice %arg3[%add3A_1864, %dma_start3A_1865] : memref<8192x8192xf32, #tpu.memory_space<hbm>> -> memref<2x8192xf32, #tpu.memory_space<hbm>>
    %dma_start3A_1867 = arith.constant 0 : i32
    %dma_start3A_1868 = tpu.memref_slice %arg3[%add3A_1864, %dma_start3A_1867] : memref<8192x8192xf32, #tpu.memory_space<hbm>> -> memref<2x8192xf32, #tpu.memory_space<hbm>>
    tpu.enqueue_dma source(%dma_start3A_1868 : memref<2x8192xf32, #tpu.memory_space<hbm>>) target(%arg6 : memref<2x8192xf32, #tpu.memory_space<vmem>>) target_semaphore(%arg14 : memref<!tpu.dma_semaphore, #tpu.memory_space<semaphore_mem>>)
    %dma_wait3A_1869 = arith.constant 0 : i32
    %dma_wait3A_1870 = tpu.memref_slice %arg3[%add3A_1804, %dma_wait3A_1869] : memref<8192x8192xf32, #tpu.memory_space<hbm>> -> memref<2x8192xf32, #tpu.memory_space<hbm>>
    %dma_wait3A_1871 = arith.constant 0 : i32
    %dma_wait3A_1872 = tpu.memref_slice %arg3[%add3A_1804, %dma_wait3A_1871] : memref<8192x8192xf32, #tpu.memory_space<hbm>> -> memref<2x8192xf32, #tpu.memory_space<hbm>>
    tpu.wait_dma2 semaphore(%arg15 : memref<!tpu.dma_semaphore, #tpu.memory_space<semaphore_mem>>) src(%dma_wait3A_1872 : memref<2x8192xf32, #tpu.memory_space<hbm>>) dst(%arg7 : memref<2x8192xf32, #tpu.memory_space<vmem>>)
    %dma_wait3A_1873 = arith.constant 0 : i32
    %dma_wait3A_1874 = tpu.memref_slice %arg4[%add3A_1798, %dma_wait3A_1873] : memref<8192x4096xf32, #tpu.memory_space<hbm>> -> memref<2x4096xf32, #tpu.memory_space<hbm>>
    %dma_wait3A_1875 = arith.constant 0 : i32
    %dma_wait3A_1876 = tpu.memref_slice %arg4[%add3A_1798, %dma_wait3A_1875] : memref<8192x4096xf32, #tpu.memory_space<hbm>> -> memref<2x4096xf32, #tpu.memory_space<hbm>>
    tpu.wait_dma2 semaphore(%arg19 : memref<!tpu.dma_semaphore, #tpu.memory_space<semaphore_mem>>) src(%arg11 : memref<2x4096xf32, #tpu.memory_space<vmem>>) dst(%dma_wait3A_1876 : memref<2x4096xf32, #tpu.memory_space<hbm>>)
    %add3A_1877 = arith.constant 186 : i32
    %add3A_1878 = arith.addi %mul3A_2, %add3A_1877 : i32
    %dma_start3A_1879 = arith.constant 0 : i32
    %dma_start3A_1880 = tpu.memref_slice %arg4[%add3A_1878, %dma_start3A_1879] : memref<8192x4096xf32, #tpu.memory_space<hbm>> -> memref<2x4096xf32, #tpu.memory_space<hbm>>
    %dma_start3A_1881 = arith.constant 0 : i32
    %dma_start3A_1882 = tpu.memref_slice %arg4[%add3A_1878, %dma_start3A_1881] : memref<8192x4096xf32, #tpu.memory_space<hbm>> -> memref<2x4096xf32, #tpu.memory_space<hbm>>
    tpu.enqueue_dma source(%arg11 : memref<2x4096xf32, #tpu.memory_space<vmem>>) target(%dma_start3A_1882 : memref<2x4096xf32, #tpu.memory_space<hbm>>) target_semaphore(%arg19 : memref<!tpu.dma_semaphore, #tpu.memory_space<semaphore_mem>>)
    %add3A_1883 = arith.constant 194 : i32
    %add3A_1884 = arith.addi %mul3A_2, %add3A_1883 : i32
    %dma_start3A_1885 = arith.constant 0 : i32
    %dma_start3A_1886 = tpu.memref_slice %arg3[%add3A_1884, %dma_start3A_1885] : memref<8192x8192xf32, #tpu.memory_space<hbm>> -> memref<2x8192xf32, #tpu.memory_space<hbm>>
    %dma_start3A_1887 = arith.constant 0 : i32
    %dma_start3A_1888 = tpu.memref_slice %arg3[%add3A_1884, %dma_start3A_1887] : memref<8192x8192xf32, #tpu.memory_space<hbm>> -> memref<2x8192xf32, #tpu.memory_space<hbm>>
    tpu.enqueue_dma source(%dma_start3A_1888 : memref<2x8192xf32, #tpu.memory_space<hbm>>) target(%arg7 : memref<2x8192xf32, #tpu.memory_space<vmem>>) target_semaphore(%arg15 : memref<!tpu.dma_semaphore, #tpu.memory_space<semaphore_mem>>)
    %dma_wait3A_1889 = arith.constant 0 : i32
    %dma_wait3A_1890 = tpu.memref_slice %arg3[%add3A_1824, %dma_wait3A_1889] : memref<8192x8192xf32, #tpu.memory_space<hbm>> -> memref<2x8192xf32, #tpu.memory_space<hbm>>
    %dma_wait3A_1891 = arith.constant 0 : i32
    %dma_wait3A_1892 = tpu.memref_slice %arg3[%add3A_1824, %dma_wait3A_1891] : memref<8192x8192xf32, #tpu.memory_space<hbm>> -> memref<2x8192xf32, #tpu.memory_space<hbm>>
    tpu.wait_dma2 semaphore(%arg16 : memref<!tpu.dma_semaphore, #tpu.memory_space<semaphore_mem>>) src(%dma_wait3A_1892 : memref<2x8192xf32, #tpu.memory_space<hbm>>) dst(%arg8 : memref<2x8192xf32, #tpu.memory_space<vmem>>)
    %dma_wait3A_1893 = arith.constant 0 : i32
    %dma_wait3A_1894 = tpu.memref_slice %arg4[%add3A_1818, %dma_wait3A_1893] : memref<8192x4096xf32, #tpu.memory_space<hbm>> -> memref<2x4096xf32, #tpu.memory_space<hbm>>
    %dma_wait3A_1895 = arith.constant 0 : i32
    %dma_wait3A_1896 = tpu.memref_slice %arg4[%add3A_1818, %dma_wait3A_1895] : memref<8192x4096xf32, #tpu.memory_space<hbm>> -> memref<2x4096xf32, #tpu.memory_space<hbm>>
    tpu.wait_dma2 semaphore(%arg20 : memref<!tpu.dma_semaphore, #tpu.memory_space<semaphore_mem>>) src(%arg12 : memref<2x4096xf32, #tpu.memory_space<vmem>>) dst(%dma_wait3A_1896 : memref<2x4096xf32, #tpu.memory_space<hbm>>)
    %add3A_1897 = arith.constant 188 : i32
    %add3A_1898 = arith.addi %mul3A_2, %add3A_1897 : i32
    %dma_start3A_1899 = arith.constant 0 : i32
    %dma_start3A_1900 = tpu.memref_slice %arg4[%add3A_1898, %dma_start3A_1899] : memref<8192x4096xf32, #tpu.memory_space<hbm>> -> memref<2x4096xf32, #tpu.memory_space<hbm>>
    %dma_start3A_1901 = arith.constant 0 : i32
    %dma_start3A_1902 = tpu.memref_slice %arg4[%add3A_1898, %dma_start3A_1901] : memref<8192x4096xf32, #tpu.memory_space<hbm>> -> memref<2x4096xf32, #tpu.memory_space<hbm>>
    tpu.enqueue_dma source(%arg12 : memref<2x4096xf32, #tpu.memory_space<vmem>>) target(%dma_start3A_1902 : memref<2x4096xf32, #tpu.memory_space<hbm>>) target_semaphore(%arg20 : memref<!tpu.dma_semaphore, #tpu.memory_space<semaphore_mem>>)
    %add3A_1903 = arith.constant 196 : i32
    %add3A_1904 = arith.addi %mul3A_2, %add3A_1903 : i32
    %dma_start3A_1905 = arith.constant 0 : i32
    %dma_start3A_1906 = tpu.memref_slice %arg3[%add3A_1904, %dma_start3A_1905] : memref<8192x8192xf32, #tpu.memory_space<hbm>> -> memref<2x8192xf32, #tpu.memory_space<hbm>>
    %dma_start3A_1907 = arith.constant 0 : i32
    %dma_start3A_1908 = tpu.memref_slice %arg3[%add3A_1904, %dma_start3A_1907] : memref<8192x8192xf32, #tpu.memory_space<hbm>> -> memref<2x8192xf32, #tpu.memory_space<hbm>>
    tpu.enqueue_dma source(%dma_start3A_1908 : memref<2x8192xf32, #tpu.memory_space<hbm>>) target(%arg8 : memref<2x8192xf32, #tpu.memory_space<vmem>>) target_semaphore(%arg16 : memref<!tpu.dma_semaphore, #tpu.memory_space<semaphore_mem>>)
    %dma_wait3A_1909 = arith.constant 0 : i32
    %dma_wait3A_1910 = tpu.memref_slice %arg3[%add3A_1844, %dma_wait3A_1909] : memref<8192x8192xf32, #tpu.memory_space<hbm>> -> memref<2x8192xf32, #tpu.memory_space<hbm>>
    %dma_wait3A_1911 = arith.constant 0 : i32
    %dma_wait3A_1912 = tpu.memref_slice %arg3[%add3A_1844, %dma_wait3A_1911] : memref<8192x8192xf32, #tpu.memory_space<hbm>> -> memref<2x8192xf32, #tpu.memory_space<hbm>>
    tpu.wait_dma2 semaphore(%arg17 : memref<!tpu.dma_semaphore, #tpu.memory_space<semaphore_mem>>) src(%dma_wait3A_1912 : memref<2x8192xf32, #tpu.memory_space<hbm>>) dst(%arg9 : memref<2x8192xf32, #tpu.memory_space<vmem>>)
    %dma_wait3A_1913 = arith.constant 0 : i32
    %dma_wait3A_1914 = tpu.memref_slice %arg4[%add3A_1838, %dma_wait3A_1913] : memref<8192x4096xf32, #tpu.memory_space<hbm>> -> memref<2x4096xf32, #tpu.memory_space<hbm>>
    %dma_wait3A_1915 = arith.constant 0 : i32
    %dma_wait3A_1916 = tpu.memref_slice %arg4[%add3A_1838, %dma_wait3A_1915] : memref<8192x4096xf32, #tpu.memory_space<hbm>> -> memref<2x4096xf32, #tpu.memory_space<hbm>>
    tpu.wait_dma2 semaphore(%arg21 : memref<!tpu.dma_semaphore, #tpu.memory_space<semaphore_mem>>) src(%arg13 : memref<2x4096xf32, #tpu.memory_space<vmem>>) dst(%dma_wait3A_1916 : memref<2x4096xf32, #tpu.memory_space<hbm>>)
    %add3A_1917 = arith.constant 190 : i32
    %add3A_1918 = arith.addi %mul3A_2, %add3A_1917 : i32
    %dma_start3A_1919 = arith.constant 0 : i32
    %dma_start3A_1920 = tpu.memref_slice %arg4[%add3A_1918, %dma_start3A_1919] : memref<8192x4096xf32, #tpu.memory_space<hbm>> -> memref<2x4096xf32, #tpu.memory_space<hbm>>
    %dma_start3A_1921 = arith.constant 0 : i32
    %dma_start3A_1922 = tpu.memref_slice %arg4[%add3A_1918, %dma_start3A_1921] : memref<8192x4096xf32, #tpu.memory_space<hbm>> -> memref<2x4096xf32, #tpu.memory_space<hbm>>
    tpu.enqueue_dma source(%arg13 : memref<2x4096xf32, #tpu.memory_space<vmem>>) target(%dma_start3A_1922 : memref<2x4096xf32, #tpu.memory_space<hbm>>) target_semaphore(%arg21 : memref<!tpu.dma_semaphore, #tpu.memory_space<semaphore_mem>>)
    %add3A_1923 = arith.constant 198 : i32
    %add3A_1924 = arith.addi %mul3A_2, %add3A_1923 : i32
    %dma_start3A_1925 = arith.constant 0 : i32
    %dma_start3A_1926 = tpu.memref_slice %arg3[%add3A_1924, %dma_start3A_1925] : memref<8192x8192xf32, #tpu.memory_space<hbm>> -> memref<2x8192xf32, #tpu.memory_space<hbm>>
    %dma_start3A_1927 = arith.constant 0 : i32
    %dma_start3A_1928 = tpu.memref_slice %arg3[%add3A_1924, %dma_start3A_1927] : memref<8192x8192xf32, #tpu.memory_space<hbm>> -> memref<2x8192xf32, #tpu.memory_space<hbm>>
    tpu.enqueue_dma source(%dma_start3A_1928 : memref<2x8192xf32, #tpu.memory_space<hbm>>) target(%arg9 : memref<2x8192xf32, #tpu.memory_space<vmem>>) target_semaphore(%arg17 : memref<!tpu.dma_semaphore, #tpu.memory_space<semaphore_mem>>)
    %dma_wait3A_1929 = arith.constant 0 : i32
    %dma_wait3A_1930 = tpu.memref_slice %arg3[%add3A_1864, %dma_wait3A_1929] : memref<8192x8192xf32, #tpu.memory_space<hbm>> -> memref<2x8192xf32, #tpu.memory_space<hbm>>
    %dma_wait3A_1931 = arith.constant 0 : i32
    %dma_wait3A_1932 = tpu.memref_slice %arg3[%add3A_1864, %dma_wait3A_1931] : memref<8192x8192xf32, #tpu.memory_space<hbm>> -> memref<2x8192xf32, #tpu.memory_space<hbm>>
    tpu.wait_dma2 semaphore(%arg14 : memref<!tpu.dma_semaphore, #tpu.memory_space<semaphore_mem>>) src(%dma_wait3A_1932 : memref<2x8192xf32, #tpu.memory_space<hbm>>) dst(%arg6 : memref<2x8192xf32, #tpu.memory_space<vmem>>)
    %dma_wait3A_1933 = arith.constant 0 : i32
    %dma_wait3A_1934 = tpu.memref_slice %arg4[%add3A_1858, %dma_wait3A_1933] : memref<8192x4096xf32, #tpu.memory_space<hbm>> -> memref<2x4096xf32, #tpu.memory_space<hbm>>
    %dma_wait3A_1935 = arith.constant 0 : i32
    %dma_wait3A_1936 = tpu.memref_slice %arg4[%add3A_1858, %dma_wait3A_1935] : memref<8192x4096xf32, #tpu.memory_space<hbm>> -> memref<2x4096xf32, #tpu.memory_space<hbm>>
    tpu.wait_dma2 semaphore(%arg18 : memref<!tpu.dma_semaphore, #tpu.memory_space<semaphore_mem>>) src(%arg10 : memref<2x4096xf32, #tpu.memory_space<vmem>>) dst(%dma_wait3A_1936 : memref<2x4096xf32, #tpu.memory_space<hbm>>)
    %add3A_1937 = arith.constant 192 : i32
    %add3A_1938 = arith.addi %mul3A_2, %add3A_1937 : i32
    %dma_start3A_1939 = arith.constant 0 : i32
    %dma_start3A_1940 = tpu.memref_slice %arg4[%add3A_1938, %dma_start3A_1939] : memref<8192x4096xf32, #tpu.memory_space<hbm>> -> memref<2x4096xf32, #tpu.memory_space<hbm>>
    %dma_start3A_1941 = arith.constant 0 : i32
    %dma_start3A_1942 = tpu.memref_slice %arg4[%add3A_1938, %dma_start3A_1941] : memref<8192x4096xf32, #tpu.memory_space<hbm>> -> memref<2x4096xf32, #tpu.memory_space<hbm>>
    tpu.enqueue_dma source(%arg10 : memref<2x4096xf32, #tpu.memory_space<vmem>>) target(%dma_start3A_1942 : memref<2x4096xf32, #tpu.memory_space<hbm>>) target_semaphore(%arg18 : memref<!tpu.dma_semaphore, #tpu.memory_space<semaphore_mem>>)
    %add3A_1943 = arith.constant 200 : i32
    %add3A_1944 = arith.addi %mul3A_2, %add3A_1943 : i32
    %dma_start3A_1945 = arith.constant 0 : i32
    %dma_start3A_1946 = tpu.memref_slice %arg3[%add3A_1944, %dma_start3A_1945] : memref<8192x8192xf32, #tpu.memory_space<hbm>> -> memref<2x8192xf32, #tpu.memory_space<hbm>>
    %dma_start3A_1947 = arith.constant 0 : i32
    %dma_start3A_1948 = tpu.memref_slice %arg3[%add3A_1944, %dma_start3A_1947] : memref<8192x8192xf32, #tpu.memory_space<hbm>> -> memref<2x8192xf32, #tpu.memory_space<hbm>>
    tpu.enqueue_dma source(%dma_start3A_1948 : memref<2x8192xf32, #tpu.memory_space<hbm>>) target(%arg6 : memref<2x8192xf32, #tpu.memory_space<vmem>>) target_semaphore(%arg14 : memref<!tpu.dma_semaphore, #tpu.memory_space<semaphore_mem>>)
    %dma_wait3A_1949 = arith.constant 0 : i32
    %dma_wait3A_1950 = tpu.memref_slice %arg3[%add3A_1884, %dma_wait3A_1949] : memref<8192x8192xf32, #tpu.memory_space<hbm>> -> memref<2x8192xf32, #tpu.memory_space<hbm>>
    %dma_wait3A_1951 = arith.constant 0 : i32
    %dma_wait3A_1952 = tpu.memref_slice %arg3[%add3A_1884, %dma_wait3A_1951] : memref<8192x8192xf32, #tpu.memory_space<hbm>> -> memref<2x8192xf32, #tpu.memory_space<hbm>>
    tpu.wait_dma2 semaphore(%arg15 : memref<!tpu.dma_semaphore, #tpu.memory_space<semaphore_mem>>) src(%dma_wait3A_1952 : memref<2x8192xf32, #tpu.memory_space<hbm>>) dst(%arg7 : memref<2x8192xf32, #tpu.memory_space<vmem>>)
    %dma_wait3A_1953 = arith.constant 0 : i32
    %dma_wait3A_1954 = tpu.memref_slice %arg4[%add3A_1878, %dma_wait3A_1953] : memref<8192x4096xf32, #tpu.memory_space<hbm>> -> memref<2x4096xf32, #tpu.memory_space<hbm>>
    %dma_wait3A_1955 = arith.constant 0 : i32
    %dma_wait3A_1956 = tpu.memref_slice %arg4[%add3A_1878, %dma_wait3A_1955] : memref<8192x4096xf32, #tpu.memory_space<hbm>> -> memref<2x4096xf32, #tpu.memory_space<hbm>>
    tpu.wait_dma2 semaphore(%arg19 : memref<!tpu.dma_semaphore, #tpu.memory_space<semaphore_mem>>) src(%arg11 : memref<2x4096xf32, #tpu.memory_space<vmem>>) dst(%dma_wait3A_1956 : memref<2x4096xf32, #tpu.memory_space<hbm>>)
    %add3A_1957 = arith.constant 194 : i32
    %add3A_1958 = arith.addi %mul3A_2, %add3A_1957 : i32
    %dma_start3A_1959 = arith.constant 0 : i32
    %dma_start3A_1960 = tpu.memref_slice %arg4[%add3A_1958, %dma_start3A_1959] : memref<8192x4096xf32, #tpu.memory_space<hbm>> -> memref<2x4096xf32, #tpu.memory_space<hbm>>
    %dma_start3A_1961 = arith.constant 0 : i32
    %dma_start3A_1962 = tpu.memref_slice %arg4[%add3A_1958, %dma_start3A_1961] : memref<8192x4096xf32, #tpu.memory_space<hbm>> -> memref<2x4096xf32, #tpu.memory_space<hbm>>
    tpu.enqueue_dma source(%arg11 : memref<2x4096xf32, #tpu.memory_space<vmem>>) target(%dma_start3A_1962 : memref<2x4096xf32, #tpu.memory_space<hbm>>) target_semaphore(%arg19 : memref<!tpu.dma_semaphore, #tpu.memory_space<semaphore_mem>>)
    %add3A_1963 = arith.constant 202 : i32
    %add3A_1964 = arith.addi %mul3A_2, %add3A_1963 : i32
    %dma_start3A_1965 = arith.constant 0 : i32
    %dma_start3A_1966 = tpu.memref_slice %arg3[%add3A_1964, %dma_start3A_1965] : memref<8192x8192xf32, #tpu.memory_space<hbm>> -> memref<2x8192xf32, #tpu.memory_space<hbm>>
    %dma_start3A_1967 = arith.constant 0 : i32
    %dma_start3A_1968 = tpu.memref_slice %arg3[%add3A_1964, %dma_start3A_1967] : memref<8192x8192xf32, #tpu.memory_space<hbm>> -> memref<2x8192xf32, #tpu.memory_space<hbm>>
    tpu.enqueue_dma source(%dma_start3A_1968 : memref<2x8192xf32, #tpu.memory_space<hbm>>) target(%arg7 : memref<2x8192xf32, #tpu.memory_space<vmem>>) target_semaphore(%arg15 : memref<!tpu.dma_semaphore, #tpu.memory_space<semaphore_mem>>)
    %dma_wait3A_1969 = arith.constant 0 : i32
    %dma_wait3A_1970 = tpu.memref_slice %arg3[%add3A_1904, %dma_wait3A_1969] : memref<8192x8192xf32, #tpu.memory_space<hbm>> -> memref<2x8192xf32, #tpu.memory_space<hbm>>
    %dma_wait3A_1971 = arith.constant 0 : i32
    %dma_wait3A_1972 = tpu.memref_slice %arg3[%add3A_1904, %dma_wait3A_1971] : memref<8192x8192xf32, #tpu.memory_space<hbm>> -> memref<2x8192xf32, #tpu.memory_space<hbm>>
    tpu.wait_dma2 semaphore(%arg16 : memref<!tpu.dma_semaphore, #tpu.memory_space<semaphore_mem>>) src(%dma_wait3A_1972 : memref<2x8192xf32, #tpu.memory_space<hbm>>) dst(%arg8 : memref<2x8192xf32, #tpu.memory_space<vmem>>)
    %dma_wait3A_1973 = arith.constant 0 : i32
    %dma_wait3A_1974 = tpu.memref_slice %arg4[%add3A_1898, %dma_wait3A_1973] : memref<8192x4096xf32, #tpu.memory_space<hbm>> -> memref<2x4096xf32, #tpu.memory_space<hbm>>
    %dma_wait3A_1975 = arith.constant 0 : i32
    %dma_wait3A_1976 = tpu.memref_slice %arg4[%add3A_1898, %dma_wait3A_1975] : memref<8192x4096xf32, #tpu.memory_space<hbm>> -> memref<2x4096xf32, #tpu.memory_space<hbm>>
    tpu.wait_dma2 semaphore(%arg20 : memref<!tpu.dma_semaphore, #tpu.memory_space<semaphore_mem>>) src(%arg12 : memref<2x4096xf32, #tpu.memory_space<vmem>>) dst(%dma_wait3A_1976 : memref<2x4096xf32, #tpu.memory_space<hbm>>)
    %add3A_1977 = arith.constant 196 : i32
    %add3A_1978 = arith.addi %mul3A_2, %add3A_1977 : i32
    %dma_start3A_1979 = arith.constant 0 : i32
    %dma_start3A_1980 = tpu.memref_slice %arg4[%add3A_1978, %dma_start3A_1979] : memref<8192x4096xf32, #tpu.memory_space<hbm>> -> memref<2x4096xf32, #tpu.memory_space<hbm>>
    %dma_start3A_1981 = arith.constant 0 : i32
    %dma_start3A_1982 = tpu.memref_slice %arg4[%add3A_1978, %dma_start3A_1981] : memref<8192x4096xf32, #tpu.memory_space<hbm>> -> memref<2x4096xf32, #tpu.memory_space<hbm>>
    tpu.enqueue_dma source(%arg12 : memref<2x4096xf32, #tpu.memory_space<vmem>>) target(%dma_start3A_1982 : memref<2x4096xf32, #tpu.memory_space<hbm>>) target_semaphore(%arg20 : memref<!tpu.dma_semaphore, #tpu.memory_space<semaphore_mem>>)
    %add3A_1983 = arith.constant 204 : i32
    %add3A_1984 = arith.addi %mul3A_2, %add3A_1983 : i32
    %dma_start3A_1985 = arith.constant 0 : i32
    %dma_start3A_1986 = tpu.memref_slice %arg3[%add3A_1984, %dma_start3A_1985] : memref<8192x8192xf32, #tpu.memory_space<hbm>> -> memref<2x8192xf32, #tpu.memory_space<hbm>>
    %dma_start3A_1987 = arith.constant 0 : i32
    %dma_start3A_1988 = tpu.memref_slice %arg3[%add3A_1984, %dma_start3A_1987] : memref<8192x8192xf32, #tpu.memory_space<hbm>> -> memref<2x8192xf32, #tpu.memory_space<hbm>>
    tpu.enqueue_dma source(%dma_start3A_1988 : memref<2x8192xf32, #tpu.memory_space<hbm>>) target(%arg8 : memref<2x8192xf32, #tpu.memory_space<vmem>>) target_semaphore(%arg16 : memref<!tpu.dma_semaphore, #tpu.memory_space<semaphore_mem>>)
    %dma_wait3A_1989 = arith.constant 0 : i32
    %dma_wait3A_1990 = tpu.memref_slice %arg3[%add3A_1924, %dma_wait3A_1989] : memref<8192x8192xf32, #tpu.memory_space<hbm>> -> memref<2x8192xf32, #tpu.memory_space<hbm>>
    %dma_wait3A_1991 = arith.constant 0 : i32
    %dma_wait3A_1992 = tpu.memref_slice %arg3[%add3A_1924, %dma_wait3A_1991] : memref<8192x8192xf32, #tpu.memory_space<hbm>> -> memref<2x8192xf32, #tpu.memory_space<hbm>>
    tpu.wait_dma2 semaphore(%arg17 : memref<!tpu.dma_semaphore, #tpu.memory_space<semaphore_mem>>) src(%dma_wait3A_1992 : memref<2x8192xf32, #tpu.memory_space<hbm>>) dst(%arg9 : memref<2x8192xf32, #tpu.memory_space<vmem>>)
    %dma_wait3A_1993 = arith.constant 0 : i32
    %dma_wait3A_1994 = tpu.memref_slice %arg4[%add3A_1918, %dma_wait3A_1993] : memref<8192x4096xf32, #tpu.memory_space<hbm>> -> memref<2x4096xf32, #tpu.memory_space<hbm>>
    %dma_wait3A_1995 = arith.constant 0 : i32
    %dma_wait3A_1996 = tpu.memref_slice %arg4[%add3A_1918, %dma_wait3A_1995] : memref<8192x4096xf32, #tpu.memory_space<hbm>> -> memref<2x4096xf32, #tpu.memory_space<hbm>>
    tpu.wait_dma2 semaphore(%arg21 : memref<!tpu.dma_semaphore, #tpu.memory_space<semaphore_mem>>) src(%arg13 : memref<2x4096xf32, #tpu.memory_space<vmem>>) dst(%dma_wait3A_1996 : memref<2x4096xf32, #tpu.memory_space<hbm>>)
    %add3A_1997 = arith.constant 198 : i32
    %add3A_1998 = arith.addi %mul3A_2, %add3A_1997 : i32
    %dma_start3A_1999 = arith.constant 0 : i32
    %dma_start3A_2000 = tpu.memref_slice %arg4[%add3A_1998, %dma_start3A_1999] : memref<8192x4096xf32, #tpu.memory_space<hbm>> -> memref<2x4096xf32, #tpu.memory_space<hbm>>
    %dma_start3A_2001 = arith.constant 0 : i32
    %dma_start3A_2002 = tpu.memref_slice %arg4[%add3A_1998, %dma_start3A_2001] : memref<8192x4096xf32, #tpu.memory_space<hbm>> -> memref<2x4096xf32, #tpu.memory_space<hbm>>
    tpu.enqueue_dma source(%arg13 : memref<2x4096xf32, #tpu.memory_space<vmem>>) target(%dma_start3A_2002 : memref<2x4096xf32, #tpu.memory_space<hbm>>) target_semaphore(%arg21 : memref<!tpu.dma_semaphore, #tpu.memory_space<semaphore_mem>>)
    %add3A_2003 = arith.constant 206 : i32
    %add3A_2004 = arith.addi %mul3A_2, %add3A_2003 : i32
    %dma_start3A_2005 = arith.constant 0 : i32
    %dma_start3A_2006 = tpu.memref_slice %arg3[%add3A_2004, %dma_start3A_2005] : memref<8192x8192xf32, #tpu.memory_space<hbm>> -> memref<2x8192xf32, #tpu.memory_space<hbm>>
    %dma_start3A_2007 = arith.constant 0 : i32
    %dma_start3A_2008 = tpu.memref_slice %arg3[%add3A_2004, %dma_start3A_2007] : memref<8192x8192xf32, #tpu.memory_space<hbm>> -> memref<2x8192xf32, #tpu.memory_space<hbm>>
    tpu.enqueue_dma source(%dma_start3A_2008 : memref<2x8192xf32, #tpu.memory_space<hbm>>) target(%arg9 : memref<2x8192xf32, #tpu.memory_space<vmem>>) target_semaphore(%arg17 : memref<!tpu.dma_semaphore, #tpu.memory_space<semaphore_mem>>)
    %dma_wait3A_2009 = arith.constant 0 : i32
    %dma_wait3A_2010 = tpu.memref_slice %arg3[%add3A_1944, %dma_wait3A_2009] : memref<8192x8192xf32, #tpu.memory_space<hbm>> -> memref<2x8192xf32, #tpu.memory_space<hbm>>
    %dma_wait3A_2011 = arith.constant 0 : i32
    %dma_wait3A_2012 = tpu.memref_slice %arg3[%add3A_1944, %dma_wait3A_2011] : memref<8192x8192xf32, #tpu.memory_space<hbm>> -> memref<2x8192xf32, #tpu.memory_space<hbm>>
    tpu.wait_dma2 semaphore(%arg14 : memref<!tpu.dma_semaphore, #tpu.memory_space<semaphore_mem>>) src(%dma_wait3A_2012 : memref<2x8192xf32, #tpu.memory_space<hbm>>) dst(%arg6 : memref<2x8192xf32, #tpu.memory_space<vmem>>)
    %dma_wait3A_2013 = arith.constant 0 : i32
    %dma_wait3A_2014 = tpu.memref_slice %arg4[%add3A_1938, %dma_wait3A_2013] : memref<8192x4096xf32, #tpu.memory_space<hbm>> -> memref<2x4096xf32, #tpu.memory_space<hbm>>
    %dma_wait3A_2015 = arith.constant 0 : i32
    %dma_wait3A_2016 = tpu.memref_slice %arg4[%add3A_1938, %dma_wait3A_2015] : memref<8192x4096xf32, #tpu.memory_space<hbm>> -> memref<2x4096xf32, #tpu.memory_space<hbm>>
    tpu.wait_dma2 semaphore(%arg18 : memref<!tpu.dma_semaphore, #tpu.memory_space<semaphore_mem>>) src(%arg10 : memref<2x4096xf32, #tpu.memory_space<vmem>>) dst(%dma_wait3A_2016 : memref<2x4096xf32, #tpu.memory_space<hbm>>)
    %add3A_2017 = arith.constant 200 : i32
    %add3A_2018 = arith.addi %mul3A_2, %add3A_2017 : i32
    %dma_start3A_2019 = arith.constant 0 : i32
    %dma_start3A_2020 = tpu.memref_slice %arg4[%add3A_2018, %dma_start3A_2019] : memref<8192x4096xf32, #tpu.memory_space<hbm>> -> memref<2x4096xf32, #tpu.memory_space<hbm>>
    %dma_start3A_2021 = arith.constant 0 : i32
    %dma_start3A_2022 = tpu.memref_slice %arg4[%add3A_2018, %dma_start3A_2021] : memref<8192x4096xf32, #tpu.memory_space<hbm>> -> memref<2x4096xf32, #tpu.memory_space<hbm>>
    tpu.enqueue_dma source(%arg10 : memref<2x4096xf32, #tpu.memory_space<vmem>>) target(%dma_start3A_2022 : memref<2x4096xf32, #tpu.memory_space<hbm>>) target_semaphore(%arg18 : memref<!tpu.dma_semaphore, #tpu.memory_space<semaphore_mem>>)
    %add3A_2023 = arith.constant 208 : i32
    %add3A_2024 = arith.addi %mul3A_2, %add3A_2023 : i32
    %dma_start3A_2025 = arith.constant 0 : i32
    %dma_start3A_2026 = tpu.memref_slice %arg3[%add3A_2024, %dma_start3A_2025] : memref<8192x8192xf32, #tpu.memory_space<hbm>> -> memref<2x8192xf32, #tpu.memory_space<hbm>>
    %dma_start3A_2027 = arith.constant 0 : i32
    %dma_start3A_2028 = tpu.memref_slice %arg3[%add3A_2024, %dma_start3A_2027] : memref<8192x8192xf32, #tpu.memory_space<hbm>> -> memref<2x8192xf32, #tpu.memory_space<hbm>>
    tpu.enqueue_dma source(%dma_start3A_2028 : memref<2x8192xf32, #tpu.memory_space<hbm>>) target(%arg6 : memref<2x8192xf32, #tpu.memory_space<vmem>>) target_semaphore(%arg14 : memref<!tpu.dma_semaphore, #tpu.memory_space<semaphore_mem>>)
    %dma_wait3A_2029 = arith.constant 0 : i32
    %dma_wait3A_2030 = tpu.memref_slice %arg3[%add3A_1964, %dma_wait3A_2029] : memref<8192x8192xf32, #tpu.memory_space<hbm>> -> memref<2x8192xf32, #tpu.memory_space<hbm>>
    %dma_wait3A_2031 = arith.constant 0 : i32
    %dma_wait3A_2032 = tpu.memref_slice %arg3[%add3A_1964, %dma_wait3A_2031] : memref<8192x8192xf32, #tpu.memory_space<hbm>> -> memref<2x8192xf32, #tpu.memory_space<hbm>>
    tpu.wait_dma2 semaphore(%arg15 : memref<!tpu.dma_semaphore, #tpu.memory_space<semaphore_mem>>) src(%dma_wait3A_2032 : memref<2x8192xf32, #tpu.memory_space<hbm>>) dst(%arg7 : memref<2x8192xf32, #tpu.memory_space<vmem>>)
    %dma_wait3A_2033 = arith.constant 0 : i32
    %dma_wait3A_2034 = tpu.memref_slice %arg4[%add3A_1958, %dma_wait3A_2033] : memref<8192x4096xf32, #tpu.memory_space<hbm>> -> memref<2x4096xf32, #tpu.memory_space<hbm>>
    %dma_wait3A_2035 = arith.constant 0 : i32
    %dma_wait3A_2036 = tpu.memref_slice %arg4[%add3A_1958, %dma_wait3A_2035] : memref<8192x4096xf32, #tpu.memory_space<hbm>> -> memref<2x4096xf32, #tpu.memory_space<hbm>>
    tpu.wait_dma2 semaphore(%arg19 : memref<!tpu.dma_semaphore, #tpu.memory_space<semaphore_mem>>) src(%arg11 : memref<2x4096xf32, #tpu.memory_space<vmem>>) dst(%dma_wait3A_2036 : memref<2x4096xf32, #tpu.memory_space<hbm>>)
    %add3A_2037 = arith.constant 202 : i32
    %add3A_2038 = arith.addi %mul3A_2, %add3A_2037 : i32
    %dma_start3A_2039 = arith.constant 0 : i32
    %dma_start3A_2040 = tpu.memref_slice %arg4[%add3A_2038, %dma_start3A_2039] : memref<8192x4096xf32, #tpu.memory_space<hbm>> -> memref<2x4096xf32, #tpu.memory_space<hbm>>
    %dma_start3A_2041 = arith.constant 0 : i32
    %dma_start3A_2042 = tpu.memref_slice %arg4[%add3A_2038, %dma_start3A_2041] : memref<8192x4096xf32, #tpu.memory_space<hbm>> -> memref<2x4096xf32, #tpu.memory_space<hbm>>
    tpu.enqueue_dma source(%arg11 : memref<2x4096xf32, #tpu.memory_space<vmem>>) target(%dma_start3A_2042 : memref<2x4096xf32, #tpu.memory_space<hbm>>) target_semaphore(%arg19 : memref<!tpu.dma_semaphore, #tpu.memory_space<semaphore_mem>>)
    %add3A_2043 = arith.constant 210 : i32
    %add3A_2044 = arith.addi %mul3A_2, %add3A_2043 : i32
    %dma_start3A_2045 = arith.constant 0 : i32
    %dma_start3A_2046 = tpu.memref_slice %arg3[%add3A_2044, %dma_start3A_2045] : memref<8192x8192xf32, #tpu.memory_space<hbm>> -> memref<2x8192xf32, #tpu.memory_space<hbm>>
    %dma_start3A_2047 = arith.constant 0 : i32
    %dma_start3A_2048 = tpu.memref_slice %arg3[%add3A_2044, %dma_start3A_2047] : memref<8192x8192xf32, #tpu.memory_space<hbm>> -> memref<2x8192xf32, #tpu.memory_space<hbm>>
    tpu.enqueue_dma source(%dma_start3A_2048 : memref<2x8192xf32, #tpu.memory_space<hbm>>) target(%arg7 : memref<2x8192xf32, #tpu.memory_space<vmem>>) target_semaphore(%arg15 : memref<!tpu.dma_semaphore, #tpu.memory_space<semaphore_mem>>)
    %dma_wait3A_2049 = arith.constant 0 : i32
    %dma_wait3A_2050 = tpu.memref_slice %arg3[%add3A_1984, %dma_wait3A_2049] : memref<8192x8192xf32, #tpu.memory_space<hbm>> -> memref<2x8192xf32, #tpu.memory_space<hbm>>
    %dma_wait3A_2051 = arith.constant 0 : i32
    %dma_wait3A_2052 = tpu.memref_slice %arg3[%add3A_1984, %dma_wait3A_2051] : memref<8192x8192xf32, #tpu.memory_space<hbm>> -> memref<2x8192xf32, #tpu.memory_space<hbm>>
    tpu.wait_dma2 semaphore(%arg16 : memref<!tpu.dma_semaphore, #tpu.memory_space<semaphore_mem>>) src(%dma_wait3A_2052 : memref<2x8192xf32, #tpu.memory_space<hbm>>) dst(%arg8 : memref<2x8192xf32, #tpu.memory_space<vmem>>)
    %dma_wait3A_2053 = arith.constant 0 : i32
    %dma_wait3A_2054 = tpu.memref_slice %arg4[%add3A_1978, %dma_wait3A_2053] : memref<8192x4096xf32, #tpu.memory_space<hbm>> -> memref<2x4096xf32, #tpu.memory_space<hbm>>
    %dma_wait3A_2055 = arith.constant 0 : i32
    %dma_wait3A_2056 = tpu.memref_slice %arg4[%add3A_1978, %dma_wait3A_2055] : memref<8192x4096xf32, #tpu.memory_space<hbm>> -> memref<2x4096xf32, #tpu.memory_space<hbm>>
    tpu.wait_dma2 semaphore(%arg20 : memref<!tpu.dma_semaphore, #tpu.memory_space<semaphore_mem>>) src(%arg12 : memref<2x4096xf32, #tpu.memory_space<vmem>>) dst(%dma_wait3A_2056 : memref<2x4096xf32, #tpu.memory_space<hbm>>)
    %add3A_2057 = arith.constant 204 : i32
    %add3A_2058 = arith.addi %mul3A_2, %add3A_2057 : i32
    %dma_start3A_2059 = arith.constant 0 : i32
    %dma_start3A_2060 = tpu.memref_slice %arg4[%add3A_2058, %dma_start3A_2059] : memref<8192x4096xf32, #tpu.memory_space<hbm>> -> memref<2x4096xf32, #tpu.memory_space<hbm>>
    %dma_start3A_2061 = arith.constant 0 : i32
    %dma_start3A_2062 = tpu.memref_slice %arg4[%add3A_2058, %dma_start3A_2061] : memref<8192x4096xf32, #tpu.memory_space<hbm>> -> memref<2x4096xf32, #tpu.memory_space<hbm>>
    tpu.enqueue_dma source(%arg12 : memref<2x4096xf32, #tpu.memory_space<vmem>>) target(%dma_start3A_2062 : memref<2x4096xf32, #tpu.memory_space<hbm>>) target_semaphore(%arg20 : memref<!tpu.dma_semaphore, #tpu.memory_space<semaphore_mem>>)
    %add3A_2063 = arith.constant 212 : i32
    %add3A_2064 = arith.addi %mul3A_2, %add3A_2063 : i32
    %dma_start3A_2065 = arith.constant 0 : i32
    %dma_start3A_2066 = tpu.memref_slice %arg3[%add3A_2064, %dma_start3A_2065] : memref<8192x8192xf32, #tpu.memory_space<hbm>> -> memref<2x8192xf32, #tpu.memory_space<hbm>>
    %dma_start3A_2067 = arith.constant 0 : i32
    %dma_start3A_2068 = tpu.memref_slice %arg3[%add3A_2064, %dma_start3A_2067] : memref<8192x8192xf32, #tpu.memory_space<hbm>> -> memref<2x8192xf32, #tpu.memory_space<hbm>>
    tpu.enqueue_dma source(%dma_start3A_2068 : memref<2x8192xf32, #tpu.memory_space<hbm>>) target(%arg8 : memref<2x8192xf32, #tpu.memory_space<vmem>>) target_semaphore(%arg16 : memref<!tpu.dma_semaphore, #tpu.memory_space<semaphore_mem>>)
    %dma_wait3A_2069 = arith.constant 0 : i32
    %dma_wait3A_2070 = tpu.memref_slice %arg3[%add3A_2004, %dma_wait3A_2069] : memref<8192x8192xf32, #tpu.memory_space<hbm>> -> memref<2x8192xf32, #tpu.memory_space<hbm>>
    %dma_wait3A_2071 = arith.constant 0 : i32
    %dma_wait3A_2072 = tpu.memref_slice %arg3[%add3A_2004, %dma_wait3A_2071] : memref<8192x8192xf32, #tpu.memory_space<hbm>> -> memref<2x8192xf32, #tpu.memory_space<hbm>>
    tpu.wait_dma2 semaphore(%arg17 : memref<!tpu.dma_semaphore, #tpu.memory_space<semaphore_mem>>) src(%dma_wait3A_2072 : memref<2x8192xf32, #tpu.memory_space<hbm>>) dst(%arg9 : memref<2x8192xf32, #tpu.memory_space<vmem>>)
    %dma_wait3A_2073 = arith.constant 0 : i32
    %dma_wait3A_2074 = tpu.memref_slice %arg4[%add3A_1998, %dma_wait3A_2073] : memref<8192x4096xf32, #tpu.memory_space<hbm>> -> memref<2x4096xf32, #tpu.memory_space<hbm>>
    %dma_wait3A_2075 = arith.constant 0 : i32
    %dma_wait3A_2076 = tpu.memref_slice %arg4[%add3A_1998, %dma_wait3A_2075] : memref<8192x4096xf32, #tpu.memory_space<hbm>> -> memref<2x4096xf32, #tpu.memory_space<hbm>>
    tpu.wait_dma2 semaphore(%arg21 : memref<!tpu.dma_semaphore, #tpu.memory_space<semaphore_mem>>) src(%arg13 : memref<2x4096xf32, #tpu.memory_space<vmem>>) dst(%dma_wait3A_2076 : memref<2x4096xf32, #tpu.memory_space<hbm>>)
    %add3A_2077 = arith.constant 206 : i32
    %add3A_2078 = arith.addi %mul3A_2, %add3A_2077 : i32
    %dma_start3A_2079 = arith.constant 0 : i32
    %dma_start3A_2080 = tpu.memref_slice %arg4[%add3A_2078, %dma_start3A_2079] : memref<8192x4096xf32, #tpu.memory_space<hbm>> -> memref<2x4096xf32, #tpu.memory_space<hbm>>
    %dma_start3A_2081 = arith.constant 0 : i32
    %dma_start3A_2082 = tpu.memref_slice %arg4[%add3A_2078, %dma_start3A_2081] : memref<8192x4096xf32, #tpu.memory_space<hbm>> -> memref<2x4096xf32, #tpu.memory_space<hbm>>
    tpu.enqueue_dma source(%arg13 : memref<2x4096xf32, #tpu.memory_space<vmem>>) target(%dma_start3A_2082 : memref<2x4096xf32, #tpu.memory_space<hbm>>) target_semaphore(%arg21 : memref<!tpu.dma_semaphore, #tpu.memory_space<semaphore_mem>>)
    %add3A_2083 = arith.constant 214 : i32
    %add3A_2084 = arith.addi %mul3A_2, %add3A_2083 : i32
    %dma_start3A_2085 = arith.constant 0 : i32
    %dma_start3A_2086 = tpu.memref_slice %arg3[%add3A_2084, %dma_start3A_2085] : memref<8192x8192xf32, #tpu.memory_space<hbm>> -> memref<2x8192xf32, #tpu.memory_space<hbm>>
    %dma_start3A_2087 = arith.constant 0 : i32
    %dma_start3A_2088 = tpu.memref_slice %arg3[%add3A_2084, %dma_start3A_2087] : memref<8192x8192xf32, #tpu.memory_space<hbm>> -> memref<2x8192xf32, #tpu.memory_space<hbm>>
    tpu.enqueue_dma source(%dma_start3A_2088 : memref<2x8192xf32, #tpu.memory_space<hbm>>) target(%arg9 : memref<2x8192xf32, #tpu.memory_space<vmem>>) target_semaphore(%arg17 : memref<!tpu.dma_semaphore, #tpu.memory_space<semaphore_mem>>)
    %dma_wait3A_2089 = arith.constant 0 : i32
    %dma_wait3A_2090 = tpu.memref_slice %arg3[%add3A_2024, %dma_wait3A_2089] : memref<8192x8192xf32, #tpu.memory_space<hbm>> -> memref<2x8192xf32, #tpu.memory_space<hbm>>
    %dma_wait3A_2091 = arith.constant 0 : i32
    %dma_wait3A_2092 = tpu.memref_slice %arg3[%add3A_2024, %dma_wait3A_2091] : memref<8192x8192xf32, #tpu.memory_space<hbm>> -> memref<2x8192xf32, #tpu.memory_space<hbm>>
    tpu.wait_dma2 semaphore(%arg14 : memref<!tpu.dma_semaphore, #tpu.memory_space<semaphore_mem>>) src(%dma_wait3A_2092 : memref<2x8192xf32, #tpu.memory_space<hbm>>) dst(%arg6 : memref<2x8192xf32, #tpu.memory_space<vmem>>)
    %dma_wait3A_2093 = arith.constant 0 : i32
    %dma_wait3A_2094 = tpu.memref_slice %arg4[%add3A_2018, %dma_wait3A_2093] : memref<8192x4096xf32, #tpu.memory_space<hbm>> -> memref<2x4096xf32, #tpu.memory_space<hbm>>
    %dma_wait3A_2095 = arith.constant 0 : i32
    %dma_wait3A_2096 = tpu.memref_slice %arg4[%add3A_2018, %dma_wait3A_2095] : memref<8192x4096xf32, #tpu.memory_space<hbm>> -> memref<2x4096xf32, #tpu.memory_space<hbm>>
    tpu.wait_dma2 semaphore(%arg18 : memref<!tpu.dma_semaphore, #tpu.memory_space<semaphore_mem>>) src(%arg10 : memref<2x4096xf32, #tpu.memory_space<vmem>>) dst(%dma_wait3A_2096 : memref<2x4096xf32, #tpu.memory_space<hbm>>)
    %add3A_2097 = arith.constant 208 : i32
    %add3A_2098 = arith.addi %mul3A_2, %add3A_2097 : i32
    %dma_start3A_2099 = arith.constant 0 : i32
    %dma_start3A_2100 = tpu.memref_slice %arg4[%add3A_2098, %dma_start3A_2099] : memref<8192x4096xf32, #tpu.memory_space<hbm>> -> memref<2x4096xf32, #tpu.memory_space<hbm>>
    %dma_start3A_2101 = arith.constant 0 : i32
    %dma_start3A_2102 = tpu.memref_slice %arg4[%add3A_2098, %dma_start3A_2101] : memref<8192x4096xf32, #tpu.memory_space<hbm>> -> memref<2x4096xf32, #tpu.memory_space<hbm>>
    tpu.enqueue_dma source(%arg10 : memref<2x4096xf32, #tpu.memory_space<vmem>>) target(%dma_start3A_2102 : memref<2x4096xf32, #tpu.memory_space<hbm>>) target_semaphore(%arg18 : memref<!tpu.dma_semaphore, #tpu.memory_space<semaphore_mem>>)
    %add3A_2103 = arith.constant 216 : i32
    %add3A_2104 = arith.addi %mul3A_2, %add3A_2103 : i32
    %dma_start3A_2105 = arith.constant 0 : i32
    %dma_start3A_2106 = tpu.memref_slice %arg3[%add3A_2104, %dma_start3A_2105] : memref<8192x8192xf32, #tpu.memory_space<hbm>> -> memref<2x8192xf32, #tpu.memory_space<hbm>>
    %dma_start3A_2107 = arith.constant 0 : i32
    %dma_start3A_2108 = tpu.memref_slice %arg3[%add3A_2104, %dma_start3A_2107] : memref<8192x8192xf32, #tpu.memory_space<hbm>> -> memref<2x8192xf32, #tpu.memory_space<hbm>>
    tpu.enqueue_dma source(%dma_start3A_2108 : memref<2x8192xf32, #tpu.memory_space<hbm>>) target(%arg6 : memref<2x8192xf32, #tpu.memory_space<vmem>>) target_semaphore(%arg14 : memref<!tpu.dma_semaphore, #tpu.memory_space<semaphore_mem>>)
    %dma_wait3A_2109 = arith.constant 0 : i32
    %dma_wait3A_2110 = tpu.memref_slice %arg3[%add3A_2044, %dma_wait3A_2109] : memref<8192x8192xf32, #tpu.memory_space<hbm>> -> memref<2x8192xf32, #tpu.memory_space<hbm>>
    %dma_wait3A_2111 = arith.constant 0 : i32
    %dma_wait3A_2112 = tpu.memref_slice %arg3[%add3A_2044, %dma_wait3A_2111] : memref<8192x8192xf32, #tpu.memory_space<hbm>> -> memref<2x8192xf32, #tpu.memory_space<hbm>>
    tpu.wait_dma2 semaphore(%arg15 : memref<!tpu.dma_semaphore, #tpu.memory_space<semaphore_mem>>) src(%dma_wait3A_2112 : memref<2x8192xf32, #tpu.memory_space<hbm>>) dst(%arg7 : memref<2x8192xf32, #tpu.memory_space<vmem>>)
    %dma_wait3A_2113 = arith.constant 0 : i32
    %dma_wait3A_2114 = tpu.memref_slice %arg4[%add3A_2038, %dma_wait3A_2113] : memref<8192x4096xf32, #tpu.memory_space<hbm>> -> memref<2x4096xf32, #tpu.memory_space<hbm>>
    %dma_wait3A_2115 = arith.constant 0 : i32
    %dma_wait3A_2116 = tpu.memref_slice %arg4[%add3A_2038, %dma_wait3A_2115] : memref<8192x4096xf32, #tpu.memory_space<hbm>> -> memref<2x4096xf32, #tpu.memory_space<hbm>>
    tpu.wait_dma2 semaphore(%arg19 : memref<!tpu.dma_semaphore, #tpu.memory_space<semaphore_mem>>) src(%arg11 : memref<2x4096xf32, #tpu.memory_space<vmem>>) dst(%dma_wait3A_2116 : memref<2x4096xf32, #tpu.memory_space<hbm>>)
    %add3A_2117 = arith.constant 210 : i32
    %add3A_2118 = arith.addi %mul3A_2, %add3A_2117 : i32
    %dma_start3A_2119 = arith.constant 0 : i32
    %dma_start3A_2120 = tpu.memref_slice %arg4[%add3A_2118, %dma_start3A_2119] : memref<8192x4096xf32, #tpu.memory_space<hbm>> -> memref<2x4096xf32, #tpu.memory_space<hbm>>
    %dma_start3A_2121 = arith.constant 0 : i32
    %dma_start3A_2122 = tpu.memref_slice %arg4[%add3A_2118, %dma_start3A_2121] : memref<8192x4096xf32, #tpu.memory_space<hbm>> -> memref<2x4096xf32, #tpu.memory_space<hbm>>
    tpu.enqueue_dma source(%arg11 : memref<2x4096xf32, #tpu.memory_space<vmem>>) target(%dma_start3A_2122 : memref<2x4096xf32, #tpu.memory_space<hbm>>) target_semaphore(%arg19 : memref<!tpu.dma_semaphore, #tpu.memory_space<semaphore_mem>>)
    %add3A_2123 = arith.constant 218 : i32
    %add3A_2124 = arith.addi %mul3A_2, %add3A_2123 : i32
    %dma_start3A_2125 = arith.constant 0 : i32
    %dma_start3A_2126 = tpu.memref_slice %arg3[%add3A_2124, %dma_start3A_2125] : memref<8192x8192xf32, #tpu.memory_space<hbm>> -> memref<2x8192xf32, #tpu.memory_space<hbm>>
    %dma_start3A_2127 = arith.constant 0 : i32
    %dma_start3A_2128 = tpu.memref_slice %arg3[%add3A_2124, %dma_start3A_2127] : memref<8192x8192xf32, #tpu.memory_space<hbm>> -> memref<2x8192xf32, #tpu.memory_space<hbm>>
    tpu.enqueue_dma source(%dma_start3A_2128 : memref<2x8192xf32, #tpu.memory_space<hbm>>) target(%arg7 : memref<2x8192xf32, #tpu.memory_space<vmem>>) target_semaphore(%arg15 : memref<!tpu.dma_semaphore, #tpu.memory_space<semaphore_mem>>)
    %dma_wait3A_2129 = arith.constant 0 : i32
    %dma_wait3A_2130 = tpu.memref_slice %arg3[%add3A_2064, %dma_wait3A_2129] : memref<8192x8192xf32, #tpu.memory_space<hbm>> -> memref<2x8192xf32, #tpu.memory_space<hbm>>
    %dma_wait3A_2131 = arith.constant 0 : i32
    %dma_wait3A_2132 = tpu.memref_slice %arg3[%add3A_2064, %dma_wait3A_2131] : memref<8192x8192xf32, #tpu.memory_space<hbm>> -> memref<2x8192xf32, #tpu.memory_space<hbm>>
    tpu.wait_dma2 semaphore(%arg16 : memref<!tpu.dma_semaphore, #tpu.memory_space<semaphore_mem>>) src(%dma_wait3A_2132 : memref<2x8192xf32, #tpu.memory_space<hbm>>) dst(%arg8 : memref<2x8192xf32, #tpu.memory_space<vmem>>)
    %dma_wait3A_2133 = arith.constant 0 : i32
    %dma_wait3A_2134 = tpu.memref_slice %arg4[%add3A_2058, %dma_wait3A_2133] : memref<8192x4096xf32, #tpu.memory_space<hbm>> -> memref<2x4096xf32, #tpu.memory_space<hbm>>
    %dma_wait3A_2135 = arith.constant 0 : i32
    %dma_wait3A_2136 = tpu.memref_slice %arg4[%add3A_2058, %dma_wait3A_2135] : memref<8192x4096xf32, #tpu.memory_space<hbm>> -> memref<2x4096xf32, #tpu.memory_space<hbm>>
    tpu.wait_dma2 semaphore(%arg20 : memref<!tpu.dma_semaphore, #tpu.memory_space<semaphore_mem>>) src(%arg12 : memref<2x4096xf32, #tpu.memory_space<vmem>>) dst(%dma_wait3A_2136 : memref<2x4096xf32, #tpu.memory_space<hbm>>)
    %add3A_2137 = arith.constant 212 : i32
    %add3A_2138 = arith.addi %mul3A_2, %add3A_2137 : i32
    %dma_start3A_2139 = arith.constant 0 : i32
    %dma_start3A_2140 = tpu.memref_slice %arg4[%add3A_2138, %dma_start3A_2139] : memref<8192x4096xf32, #tpu.memory_space<hbm>> -> memref<2x4096xf32, #tpu.memory_space<hbm>>
    %dma_start3A_2141 = arith.constant 0 : i32
    %dma_start3A_2142 = tpu.memref_slice %arg4[%add3A_2138, %dma_start3A_2141] : memref<8192x4096xf32, #tpu.memory_space<hbm>> -> memref<2x4096xf32, #tpu.memory_space<hbm>>
    tpu.enqueue_dma source(%arg12 : memref<2x4096xf32, #tpu.memory_space<vmem>>) target(%dma_start3A_2142 : memref<2x4096xf32, #tpu.memory_space<hbm>>) target_semaphore(%arg20 : memref<!tpu.dma_semaphore, #tpu.memory_space<semaphore_mem>>)
    %add3A_2143 = arith.constant 220 : i32
    %add3A_2144 = arith.addi %mul3A_2, %add3A_2143 : i32
    %dma_start3A_2145 = arith.constant 0 : i32
    %dma_start3A_2146 = tpu.memref_slice %arg3[%add3A_2144, %dma_start3A_2145] : memref<8192x8192xf32, #tpu.memory_space<hbm>> -> memref<2x8192xf32, #tpu.memory_space<hbm>>
    %dma_start3A_2147 = arith.constant 0 : i32
    %dma_start3A_2148 = tpu.memref_slice %arg3[%add3A_2144, %dma_start3A_2147] : memref<8192x8192xf32, #tpu.memory_space<hbm>> -> memref<2x8192xf32, #tpu.memory_space<hbm>>
    tpu.enqueue_dma source(%dma_start3A_2148 : memref<2x8192xf32, #tpu.memory_space<hbm>>) target(%arg8 : memref<2x8192xf32, #tpu.memory_space<vmem>>) target_semaphore(%arg16 : memref<!tpu.dma_semaphore, #tpu.memory_space<semaphore_mem>>)
    %dma_wait3A_2149 = arith.constant 0 : i32
    %dma_wait3A_2150 = tpu.memref_slice %arg3[%add3A_2084, %dma_wait3A_2149] : memref<8192x8192xf32, #tpu.memory_space<hbm>> -> memref<2x8192xf32, #tpu.memory_space<hbm>>
    %dma_wait3A_2151 = arith.constant 0 : i32
    %dma_wait3A_2152 = tpu.memref_slice %arg3[%add3A_2084, %dma_wait3A_2151] : memref<8192x8192xf32, #tpu.memory_space<hbm>> -> memref<2x8192xf32, #tpu.memory_space<hbm>>
    tpu.wait_dma2 semaphore(%arg17 : memref<!tpu.dma_semaphore, #tpu.memory_space<semaphore_mem>>) src(%dma_wait3A_2152 : memref<2x8192xf32, #tpu.memory_space<hbm>>) dst(%arg9 : memref<2x8192xf32, #tpu.memory_space<vmem>>)
    %dma_wait3A_2153 = arith.constant 0 : i32
    %dma_wait3A_2154 = tpu.memref_slice %arg4[%add3A_2078, %dma_wait3A_2153] : memref<8192x4096xf32, #tpu.memory_space<hbm>> -> memref<2x4096xf32, #tpu.memory_space<hbm>>
    %dma_wait3A_2155 = arith.constant 0 : i32
    %dma_wait3A_2156 = tpu.memref_slice %arg4[%add3A_2078, %dma_wait3A_2155] : memref<8192x4096xf32, #tpu.memory_space<hbm>> -> memref<2x4096xf32, #tpu.memory_space<hbm>>
    tpu.wait_dma2 semaphore(%arg21 : memref<!tpu.dma_semaphore, #tpu.memory_space<semaphore_mem>>) src(%arg13 : memref<2x4096xf32, #tpu.memory_space<vmem>>) dst(%dma_wait3A_2156 : memref<2x4096xf32, #tpu.memory_space<hbm>>)
    %add3A_2157 = arith.constant 214 : i32
    %add3A_2158 = arith.addi %mul3A_2, %add3A_2157 : i32
    %dma_start3A_2159 = arith.constant 0 : i32
    %dma_start3A_2160 = tpu.memref_slice %arg4[%add3A_2158, %dma_start3A_2159] : memref<8192x4096xf32, #tpu.memory_space<hbm>> -> memref<2x4096xf32, #tpu.memory_space<hbm>>
    %dma_start3A_2161 = arith.constant 0 : i32
    %dma_start3A_2162 = tpu.memref_slice %arg4[%add3A_2158, %dma_start3A_2161] : memref<8192x4096xf32, #tpu.memory_space<hbm>> -> memref<2x4096xf32, #tpu.memory_space<hbm>>
    tpu.enqueue_dma source(%arg13 : memref<2x4096xf32, #tpu.memory_space<vmem>>) target(%dma_start3A_2162 : memref<2x4096xf32, #tpu.memory_space<hbm>>) target_semaphore(%arg21 : memref<!tpu.dma_semaphore, #tpu.memory_space<semaphore_mem>>)
    %add3A_2163 = arith.constant 222 : i32
    %add3A_2164 = arith.addi %mul3A_2, %add3A_2163 : i32
    %dma_start3A_2165 = arith.constant 0 : i32
    %dma_start3A_2166 = tpu.memref_slice %arg3[%add3A_2164, %dma_start3A_2165] : memref<8192x8192xf32, #tpu.memory_space<hbm>> -> memref<2x8192xf32, #tpu.memory_space<hbm>>
    %dma_start3A_2167 = arith.constant 0 : i32
    %dma_start3A_2168 = tpu.memref_slice %arg3[%add3A_2164, %dma_start3A_2167] : memref<8192x8192xf32, #tpu.memory_space<hbm>> -> memref<2x8192xf32, #tpu.memory_space<hbm>>
    tpu.enqueue_dma source(%dma_start3A_2168 : memref<2x8192xf32, #tpu.memory_space<hbm>>) target(%arg9 : memref<2x8192xf32, #tpu.memory_space<vmem>>) target_semaphore(%arg17 : memref<!tpu.dma_semaphore, #tpu.memory_space<semaphore_mem>>)
    %dma_wait3A_2169 = arith.constant 0 : i32
    %dma_wait3A_2170 = tpu.memref_slice %arg3[%add3A_2104, %dma_wait3A_2169] : memref<8192x8192xf32, #tpu.memory_space<hbm>> -> memref<2x8192xf32, #tpu.memory_space<hbm>>
    %dma_wait3A_2171 = arith.constant 0 : i32
    %dma_wait3A_2172 = tpu.memref_slice %arg3[%add3A_2104, %dma_wait3A_2171] : memref<8192x8192xf32, #tpu.memory_space<hbm>> -> memref<2x8192xf32, #tpu.memory_space<hbm>>
    tpu.wait_dma2 semaphore(%arg14 : memref<!tpu.dma_semaphore, #tpu.memory_space<semaphore_mem>>) src(%dma_wait3A_2172 : memref<2x8192xf32, #tpu.memory_space<hbm>>) dst(%arg6 : memref<2x8192xf32, #tpu.memory_space<vmem>>)
    %dma_wait3A_2173 = arith.constant 0 : i32
    %dma_wait3A_2174 = tpu.memref_slice %arg4[%add3A_2098, %dma_wait3A_2173] : memref<8192x4096xf32, #tpu.memory_space<hbm>> -> memref<2x4096xf32, #tpu.memory_space<hbm>>
    %dma_wait3A_2175 = arith.constant 0 : i32
    %dma_wait3A_2176 = tpu.memref_slice %arg4[%add3A_2098, %dma_wait3A_2175] : memref<8192x4096xf32, #tpu.memory_space<hbm>> -> memref<2x4096xf32, #tpu.memory_space<hbm>>
    tpu.wait_dma2 semaphore(%arg18 : memref<!tpu.dma_semaphore, #tpu.memory_space<semaphore_mem>>) src(%arg10 : memref<2x4096xf32, #tpu.memory_space<vmem>>) dst(%dma_wait3A_2176 : memref<2x4096xf32, #tpu.memory_space<hbm>>)
    %add3A_2177 = arith.constant 216 : i32
    %add3A_2178 = arith.addi %mul3A_2, %add3A_2177 : i32
    %dma_start3A_2179 = arith.constant 0 : i32
    %dma_start3A_2180 = tpu.memref_slice %arg4[%add3A_2178, %dma_start3A_2179] : memref<8192x4096xf32, #tpu.memory_space<hbm>> -> memref<2x4096xf32, #tpu.memory_space<hbm>>
    %dma_start3A_2181 = arith.constant 0 : i32
    %dma_start3A_2182 = tpu.memref_slice %arg4[%add3A_2178, %dma_start3A_2181] : memref<8192x4096xf32, #tpu.memory_space<hbm>> -> memref<2x4096xf32, #tpu.memory_space<hbm>>
    tpu.enqueue_dma source(%arg10 : memref<2x4096xf32, #tpu.memory_space<vmem>>) target(%dma_start3A_2182 : memref<2x4096xf32, #tpu.memory_space<hbm>>) target_semaphore(%arg18 : memref<!tpu.dma_semaphore, #tpu.memory_space<semaphore_mem>>)
    %add3A_2183 = arith.constant 224 : i32
    %add3A_2184 = arith.addi %mul3A_2, %add3A_2183 : i32
    %dma_start3A_2185 = arith.constant 0 : i32
    %dma_start3A_2186 = tpu.memref_slice %arg3[%add3A_2184, %dma_start3A_2185] : memref<8192x8192xf32, #tpu.memory_space<hbm>> -> memref<2x8192xf32, #tpu.memory_space<hbm>>
    %dma_start3A_2187 = arith.constant 0 : i32
    %dma_start3A_2188 = tpu.memref_slice %arg3[%add3A_2184, %dma_start3A_2187] : memref<8192x8192xf32, #tpu.memory_space<hbm>> -> memref<2x8192xf32, #tpu.memory_space<hbm>>
    tpu.enqueue_dma source(%dma_start3A_2188 : memref<2x8192xf32, #tpu.memory_space<hbm>>) target(%arg6 : memref<2x8192xf32, #tpu.memory_space<vmem>>) target_semaphore(%arg14 : memref<!tpu.dma_semaphore, #tpu.memory_space<semaphore_mem>>)
    %dma_wait3A_2189 = arith.constant 0 : i32
    %dma_wait3A_2190 = tpu.memref_slice %arg3[%add3A_2124, %dma_wait3A_2189] : memref<8192x8192xf32, #tpu.memory_space<hbm>> -> memref<2x8192xf32, #tpu.memory_space<hbm>>
    %dma_wait3A_2191 = arith.constant 0 : i32
    %dma_wait3A_2192 = tpu.memref_slice %arg3[%add3A_2124, %dma_wait3A_2191] : memref<8192x8192xf32, #tpu.memory_space<hbm>> -> memref<2x8192xf32, #tpu.memory_space<hbm>>
    tpu.wait_dma2 semaphore(%arg15 : memref<!tpu.dma_semaphore, #tpu.memory_space<semaphore_mem>>) src(%dma_wait3A_2192 : memref<2x8192xf32, #tpu.memory_space<hbm>>) dst(%arg7 : memref<2x8192xf32, #tpu.memory_space<vmem>>)
    %dma_wait3A_2193 = arith.constant 0 : i32
    %dma_wait3A_2194 = tpu.memref_slice %arg4[%add3A_2118, %dma_wait3A_2193] : memref<8192x4096xf32, #tpu.memory_space<hbm>> -> memref<2x4096xf32, #tpu.memory_space<hbm>>
    %dma_wait3A_2195 = arith.constant 0 : i32
    %dma_wait3A_2196 = tpu.memref_slice %arg4[%add3A_2118, %dma_wait3A_2195] : memref<8192x4096xf32, #tpu.memory_space<hbm>> -> memref<2x4096xf32, #tpu.memory_space<hbm>>
    tpu.wait_dma2 semaphore(%arg19 : memref<!tpu.dma_semaphore, #tpu.memory_space<semaphore_mem>>) src(%arg11 : memref<2x4096xf32, #tpu.memory_space<vmem>>) dst(%dma_wait3A_2196 : memref<2x4096xf32, #tpu.memory_space<hbm>>)
    %add3A_2197 = arith.constant 218 : i32
    %add3A_2198 = arith.addi %mul3A_2, %add3A_2197 : i32
    %dma_start3A_2199 = arith.constant 0 : i32
    %dma_start3A_2200 = tpu.memref_slice %arg4[%add3A_2198, %dma_start3A_2199] : memref<8192x4096xf32, #tpu.memory_space<hbm>> -> memref<2x4096xf32, #tpu.memory_space<hbm>>
    %dma_start3A_2201 = arith.constant 0 : i32
    %dma_start3A_2202 = tpu.memref_slice %arg4[%add3A_2198, %dma_start3A_2201] : memref<8192x4096xf32, #tpu.memory_space<hbm>> -> memref<2x4096xf32, #tpu.memory_space<hbm>>
    tpu.enqueue_dma source(%arg11 : memref<2x4096xf32, #tpu.memory_space<vmem>>) target(%dma_start3A_2202 : memref<2x4096xf32, #tpu.memory_space<hbm>>) target_semaphore(%arg19 : memref<!tpu.dma_semaphore, #tpu.memory_space<semaphore_mem>>)
    %add3A_2203 = arith.constant 226 : i32
    %add3A_2204 = arith.addi %mul3A_2, %add3A_2203 : i32
    %dma_start3A_2205 = arith.constant 0 : i32
    %dma_start3A_2206 = tpu.memref_slice %arg3[%add3A_2204, %dma_start3A_2205] : memref<8192x8192xf32, #tpu.memory_space<hbm>> -> memref<2x8192xf32, #tpu.memory_space<hbm>>
    %dma_start3A_2207 = arith.constant 0 : i32
    %dma_start3A_2208 = tpu.memref_slice %arg3[%add3A_2204, %dma_start3A_2207] : memref<8192x8192xf32, #tpu.memory_space<hbm>> -> memref<2x8192xf32, #tpu.memory_space<hbm>>
    tpu.enqueue_dma source(%dma_start3A_2208 : memref<2x8192xf32, #tpu.memory_space<hbm>>) target(%arg7 : memref<2x8192xf32, #tpu.memory_space<vmem>>) target_semaphore(%arg15 : memref<!tpu.dma_semaphore, #tpu.memory_space<semaphore_mem>>)
    %dma_wait3A_2209 = arith.constant 0 : i32
    %dma_wait3A_2210 = tpu.memref_slice %arg3[%add3A_2144, %dma_wait3A_2209] : memref<8192x8192xf32, #tpu.memory_space<hbm>> -> memref<2x8192xf32, #tpu.memory_space<hbm>>
    %dma_wait3A_2211 = arith.constant 0 : i32
    %dma_wait3A_2212 = tpu.memref_slice %arg3[%add3A_2144, %dma_wait3A_2211] : memref<8192x8192xf32, #tpu.memory_space<hbm>> -> memref<2x8192xf32, #tpu.memory_space<hbm>>
    tpu.wait_dma2 semaphore(%arg16 : memref<!tpu.dma_semaphore, #tpu.memory_space<semaphore_mem>>) src(%dma_wait3A_2212 : memref<2x8192xf32, #tpu.memory_space<hbm>>) dst(%arg8 : memref<2x8192xf32, #tpu.memory_space<vmem>>)
    %dma_wait3A_2213 = arith.constant 0 : i32
    %dma_wait3A_2214 = tpu.memref_slice %arg4[%add3A_2138, %dma_wait3A_2213] : memref<8192x4096xf32, #tpu.memory_space<hbm>> -> memref<2x4096xf32, #tpu.memory_space<hbm>>
    %dma_wait3A_2215 = arith.constant 0 : i32
    %dma_wait3A_2216 = tpu.memref_slice %arg4[%add3A_2138, %dma_wait3A_2215] : memref<8192x4096xf32, #tpu.memory_space<hbm>> -> memref<2x4096xf32, #tpu.memory_space<hbm>>
    tpu.wait_dma2 semaphore(%arg20 : memref<!tpu.dma_semaphore, #tpu.memory_space<semaphore_mem>>) src(%arg12 : memref<2x4096xf32, #tpu.memory_space<vmem>>) dst(%dma_wait3A_2216 : memref<2x4096xf32, #tpu.memory_space<hbm>>)
    %add3A_2217 = arith.constant 220 : i32
    %add3A_2218 = arith.addi %mul3A_2, %add3A_2217 : i32
    %dma_start3A_2219 = arith.constant 0 : i32
    %dma_start3A_2220 = tpu.memref_slice %arg4[%add3A_2218, %dma_start3A_2219] : memref<8192x4096xf32, #tpu.memory_space<hbm>> -> memref<2x4096xf32, #tpu.memory_space<hbm>>
    %dma_start3A_2221 = arith.constant 0 : i32
    %dma_start3A_2222 = tpu.memref_slice %arg4[%add3A_2218, %dma_start3A_2221] : memref<8192x4096xf32, #tpu.memory_space<hbm>> -> memref<2x4096xf32, #tpu.memory_space<hbm>>
    tpu.enqueue_dma source(%arg12 : memref<2x4096xf32, #tpu.memory_space<vmem>>) target(%dma_start3A_2222 : memref<2x4096xf32, #tpu.memory_space<hbm>>) target_semaphore(%arg20 : memref<!tpu.dma_semaphore, #tpu.memory_space<semaphore_mem>>)
    %add3A_2223 = arith.constant 228 : i32
    %add3A_2224 = arith.addi %mul3A_2, %add3A_2223 : i32
    %dma_start3A_2225 = arith.constant 0 : i32
    %dma_start3A_2226 = tpu.memref_slice %arg3[%add3A_2224, %dma_start3A_2225] : memref<8192x8192xf32, #tpu.memory_space<hbm>> -> memref<2x8192xf32, #tpu.memory_space<hbm>>
    %dma_start3A_2227 = arith.constant 0 : i32
    %dma_start3A_2228 = tpu.memref_slice %arg3[%add3A_2224, %dma_start3A_2227] : memref<8192x8192xf32, #tpu.memory_space<hbm>> -> memref<2x8192xf32, #tpu.memory_space<hbm>>
    tpu.enqueue_dma source(%dma_start3A_2228 : memref<2x8192xf32, #tpu.memory_space<hbm>>) target(%arg8 : memref<2x8192xf32, #tpu.memory_space<vmem>>) target_semaphore(%arg16 : memref<!tpu.dma_semaphore, #tpu.memory_space<semaphore_mem>>)
    %dma_wait3A_2229 = arith.constant 0 : i32
    %dma_wait3A_2230 = tpu.memref_slice %arg3[%add3A_2164, %dma_wait3A_2229] : memref<8192x8192xf32, #tpu.memory_space<hbm>> -> memref<2x8192xf32, #tpu.memory_space<hbm>>
    %dma_wait3A_2231 = arith.constant 0 : i32
    %dma_wait3A_2232 = tpu.memref_slice %arg3[%add3A_2164, %dma_wait3A_2231] : memref<8192x8192xf32, #tpu.memory_space<hbm>> -> memref<2x8192xf32, #tpu.memory_space<hbm>>
    tpu.wait_dma2 semaphore(%arg17 : memref<!tpu.dma_semaphore, #tpu.memory_space<semaphore_mem>>) src(%dma_wait3A_2232 : memref<2x8192xf32, #tpu.memory_space<hbm>>) dst(%arg9 : memref<2x8192xf32, #tpu.memory_space<vmem>>)
    %dma_wait3A_2233 = arith.constant 0 : i32
    %dma_wait3A_2234 = tpu.memref_slice %arg4[%add3A_2158, %dma_wait3A_2233] : memref<8192x4096xf32, #tpu.memory_space<hbm>> -> memref<2x4096xf32, #tpu.memory_space<hbm>>
    %dma_wait3A_2235 = arith.constant 0 : i32
    %dma_wait3A_2236 = tpu.memref_slice %arg4[%add3A_2158, %dma_wait3A_2235] : memref<8192x4096xf32, #tpu.memory_space<hbm>> -> memref<2x4096xf32, #tpu.memory_space<hbm>>
    tpu.wait_dma2 semaphore(%arg21 : memref<!tpu.dma_semaphore, #tpu.memory_space<semaphore_mem>>) src(%arg13 : memref<2x4096xf32, #tpu.memory_space<vmem>>) dst(%dma_wait3A_2236 : memref<2x4096xf32, #tpu.memory_space<hbm>>)
    %add3A_2237 = arith.constant 222 : i32
    %add3A_2238 = arith.addi %mul3A_2, %add3A_2237 : i32
    %dma_start3A_2239 = arith.constant 0 : i32
    %dma_start3A_2240 = tpu.memref_slice %arg4[%add3A_2238, %dma_start3A_2239] : memref<8192x4096xf32, #tpu.memory_space<hbm>> -> memref<2x4096xf32, #tpu.memory_space<hbm>>
    %dma_start3A_2241 = arith.constant 0 : i32
    %dma_start3A_2242 = tpu.memref_slice %arg4[%add3A_2238, %dma_start3A_2241] : memref<8192x4096xf32, #tpu.memory_space<hbm>> -> memref<2x4096xf32, #tpu.memory_space<hbm>>
    tpu.enqueue_dma source(%arg13 : memref<2x4096xf32, #tpu.memory_space<vmem>>) target(%dma_start3A_2242 : memref<2x4096xf32, #tpu.memory_space<hbm>>) target_semaphore(%arg21 : memref<!tpu.dma_semaphore, #tpu.memory_space<semaphore_mem>>)
    %add3A_2243 = arith.constant 230 : i32
    %add3A_2244 = arith.addi %mul3A_2, %add3A_2243 : i32
    %dma_start3A_2245 = arith.constant 0 : i32
    %dma_start3A_2246 = tpu.memref_slice %arg3[%add3A_2244, %dma_start3A_2245] : memref<8192x8192xf32, #tpu.memory_space<hbm>> -> memref<2x8192xf32, #tpu.memory_space<hbm>>
    %dma_start3A_2247 = arith.constant 0 : i32
    %dma_start3A_2248 = tpu.memref_slice %arg3[%add3A_2244, %dma_start3A_2247] : memref<8192x8192xf32, #tpu.memory_space<hbm>> -> memref<2x8192xf32, #tpu.memory_space<hbm>>
    tpu.enqueue_dma source(%dma_start3A_2248 : memref<2x8192xf32, #tpu.memory_space<hbm>>) target(%arg9 : memref<2x8192xf32, #tpu.memory_space<vmem>>) target_semaphore(%arg17 : memref<!tpu.dma_semaphore, #tpu.memory_space<semaphore_mem>>)
    %dma_wait3A_2249 = arith.constant 0 : i32
    %dma_wait3A_2250 = tpu.memref_slice %arg3[%add3A_2184, %dma_wait3A_2249] : memref<8192x8192xf32, #tpu.memory_space<hbm>> -> memref<2x8192xf32, #tpu.memory_space<hbm>>
    %dma_wait3A_2251 = arith.constant 0 : i32
    %dma_wait3A_2252 = tpu.memref_slice %arg3[%add3A_2184, %dma_wait3A_2251] : memref<8192x8192xf32, #tpu.memory_space<hbm>> -> memref<2x8192xf32, #tpu.memory_space<hbm>>
    tpu.wait_dma2 semaphore(%arg14 : memref<!tpu.dma_semaphore, #tpu.memory_space<semaphore_mem>>) src(%dma_wait3A_2252 : memref<2x8192xf32, #tpu.memory_space<hbm>>) dst(%arg6 : memref<2x8192xf32, #tpu.memory_space<vmem>>)
    %dma_wait3A_2253 = arith.constant 0 : i32
    %dma_wait3A_2254 = tpu.memref_slice %arg4[%add3A_2178, %dma_wait3A_2253] : memref<8192x4096xf32, #tpu.memory_space<hbm>> -> memref<2x4096xf32, #tpu.memory_space<hbm>>
    %dma_wait3A_2255 = arith.constant 0 : i32
    %dma_wait3A_2256 = tpu.memref_slice %arg4[%add3A_2178, %dma_wait3A_2255] : memref<8192x4096xf32, #tpu.memory_space<hbm>> -> memref<2x4096xf32, #tpu.memory_space<hbm>>
    tpu.wait_dma2 semaphore(%arg18 : memref<!tpu.dma_semaphore, #tpu.memory_space<semaphore_mem>>) src(%arg10 : memref<2x4096xf32, #tpu.memory_space<vmem>>) dst(%dma_wait3A_2256 : memref<2x4096xf32, #tpu.memory_space<hbm>>)
    %add3A_2257 = arith.constant 224 : i32
    %add3A_2258 = arith.addi %mul3A_2, %add3A_2257 : i32
    %dma_start3A_2259 = arith.constant 0 : i32
    %dma_start3A_2260 = tpu.memref_slice %arg4[%add3A_2258, %dma_start3A_2259] : memref<8192x4096xf32, #tpu.memory_space<hbm>> -> memref<2x4096xf32, #tpu.memory_space<hbm>>
    %dma_start3A_2261 = arith.constant 0 : i32
    %dma_start3A_2262 = tpu.memref_slice %arg4[%add3A_2258, %dma_start3A_2261] : memref<8192x4096xf32, #tpu.memory_space<hbm>> -> memref<2x4096xf32, #tpu.memory_space<hbm>>
    tpu.enqueue_dma source(%arg10 : memref<2x4096xf32, #tpu.memory_space<vmem>>) target(%dma_start3A_2262 : memref<2x4096xf32, #tpu.memory_space<hbm>>) target_semaphore(%arg18 : memref<!tpu.dma_semaphore, #tpu.memory_space<semaphore_mem>>)
    %add3A_2263 = arith.constant 232 : i32
    %add3A_2264 = arith.addi %mul3A_2, %add3A_2263 : i32
    %dma_start3A_2265 = arith.constant 0 : i32
    %dma_start3A_2266 = tpu.memref_slice %arg3[%add3A_2264, %dma_start3A_2265] : memref<8192x8192xf32, #tpu.memory_space<hbm>> -> memref<2x8192xf32, #tpu.memory_space<hbm>>
    %dma_start3A_2267 = arith.constant 0 : i32
    %dma_start3A_2268 = tpu.memref_slice %arg3[%add3A_2264, %dma_start3A_2267] : memref<8192x8192xf32, #tpu.memory_space<hbm>> -> memref<2x8192xf32, #tpu.memory_space<hbm>>
    tpu.enqueue_dma source(%dma_start3A_2268 : memref<2x8192xf32, #tpu.memory_space<hbm>>) target(%arg6 : memref<2x8192xf32, #tpu.memory_space<vmem>>) target_semaphore(%arg14 : memref<!tpu.dma_semaphore, #tpu.memory_space<semaphore_mem>>)
    %dma_wait3A_2269 = arith.constant 0 : i32
    %dma_wait3A_2270 = tpu.memref_slice %arg3[%add3A_2204, %dma_wait3A_2269] : memref<8192x8192xf32, #tpu.memory_space<hbm>> -> memref<2x8192xf32, #tpu.memory_space<hbm>>
    %dma_wait3A_2271 = arith.constant 0 : i32
    %dma_wait3A_2272 = tpu.memref_slice %arg3[%add3A_2204, %dma_wait3A_2271] : memref<8192x8192xf32, #tpu.memory_space<hbm>> -> memref<2x8192xf32, #tpu.memory_space<hbm>>
    tpu.wait_dma2 semaphore(%arg15 : memref<!tpu.dma_semaphore, #tpu.memory_space<semaphore_mem>>) src(%dma_wait3A_2272 : memref<2x8192xf32, #tpu.memory_space<hbm>>) dst(%arg7 : memref<2x8192xf32, #tpu.memory_space<vmem>>)
    %dma_wait3A_2273 = arith.constant 0 : i32
    %dma_wait3A_2274 = tpu.memref_slice %arg4[%add3A_2198, %dma_wait3A_2273] : memref<8192x4096xf32, #tpu.memory_space<hbm>> -> memref<2x4096xf32, #tpu.memory_space<hbm>>
    %dma_wait3A_2275 = arith.constant 0 : i32
    %dma_wait3A_2276 = tpu.memref_slice %arg4[%add3A_2198, %dma_wait3A_2275] : memref<8192x4096xf32, #tpu.memory_space<hbm>> -> memref<2x4096xf32, #tpu.memory_space<hbm>>
    tpu.wait_dma2 semaphore(%arg19 : memref<!tpu.dma_semaphore, #tpu.memory_space<semaphore_mem>>) src(%arg11 : memref<2x4096xf32, #tpu.memory_space<vmem>>) dst(%dma_wait3A_2276 : memref<2x4096xf32, #tpu.memory_space<hbm>>)
    %add3A_2277 = arith.constant 226 : i32
    %add3A_2278 = arith.addi %mul3A_2, %add3A_2277 : i32
    %dma_start3A_2279 = arith.constant 0 : i32
    %dma_start3A_2280 = tpu.memref_slice %arg4[%add3A_2278, %dma_start3A_2279] : memref<8192x4096xf32, #tpu.memory_space<hbm>> -> memref<2x4096xf32, #tpu.memory_space<hbm>>
    %dma_start3A_2281 = arith.constant 0 : i32
    %dma_start3A_2282 = tpu.memref_slice %arg4[%add3A_2278, %dma_start3A_2281] : memref<8192x4096xf32, #tpu.memory_space<hbm>> -> memref<2x4096xf32, #tpu.memory_space<hbm>>
    tpu.enqueue_dma source(%arg11 : memref<2x4096xf32, #tpu.memory_space<vmem>>) target(%dma_start3A_2282 : memref<2x4096xf32, #tpu.memory_space<hbm>>) target_semaphore(%arg19 : memref<!tpu.dma_semaphore, #tpu.memory_space<semaphore_mem>>)
    %add3A_2283 = arith.constant 234 : i32
    %add3A_2284 = arith.addi %mul3A_2, %add3A_2283 : i32
    %dma_start3A_2285 = arith.constant 0 : i32
    %dma_start3A_2286 = tpu.memref_slice %arg3[%add3A_2284, %dma_start3A_2285] : memref<8192x8192xf32, #tpu.memory_space<hbm>> -> memref<2x8192xf32, #tpu.memory_space<hbm>>
    %dma_start3A_2287 = arith.constant 0 : i32
    %dma_start3A_2288 = tpu.memref_slice %arg3[%add3A_2284, %dma_start3A_2287] : memref<8192x8192xf32, #tpu.memory_space<hbm>> -> memref<2x8192xf32, #tpu.memory_space<hbm>>
    tpu.enqueue_dma source(%dma_start3A_2288 : memref<2x8192xf32, #tpu.memory_space<hbm>>) target(%arg7 : memref<2x8192xf32, #tpu.memory_space<vmem>>) target_semaphore(%arg15 : memref<!tpu.dma_semaphore, #tpu.memory_space<semaphore_mem>>)
    %dma_wait3A_2289 = arith.constant 0 : i32
    %dma_wait3A_2290 = tpu.memref_slice %arg3[%add3A_2224, %dma_wait3A_2289] : memref<8192x8192xf32, #tpu.memory_space<hbm>> -> memref<2x8192xf32, #tpu.memory_space<hbm>>
    %dma_wait3A_2291 = arith.constant 0 : i32
    %dma_wait3A_2292 = tpu.memref_slice %arg3[%add3A_2224, %dma_wait3A_2291] : memref<8192x8192xf32, #tpu.memory_space<hbm>> -> memref<2x8192xf32, #tpu.memory_space<hbm>>
    tpu.wait_dma2 semaphore(%arg16 : memref<!tpu.dma_semaphore, #tpu.memory_space<semaphore_mem>>) src(%dma_wait3A_2292 : memref<2x8192xf32, #tpu.memory_space<hbm>>) dst(%arg8 : memref<2x8192xf32, #tpu.memory_space<vmem>>)
    %dma_wait3A_2293 = arith.constant 0 : i32
    %dma_wait3A_2294 = tpu.memref_slice %arg4[%add3A_2218, %dma_wait3A_2293] : memref<8192x4096xf32, #tpu.memory_space<hbm>> -> memref<2x4096xf32, #tpu.memory_space<hbm>>
    %dma_wait3A_2295 = arith.constant 0 : i32
    %dma_wait3A_2296 = tpu.memref_slice %arg4[%add3A_2218, %dma_wait3A_2295] : memref<8192x4096xf32, #tpu.memory_space<hbm>> -> memref<2x4096xf32, #tpu.memory_space<hbm>>
    tpu.wait_dma2 semaphore(%arg20 : memref<!tpu.dma_semaphore, #tpu.memory_space<semaphore_mem>>) src(%arg12 : memref<2x4096xf32, #tpu.memory_space<vmem>>) dst(%dma_wait3A_2296 : memref<2x4096xf32, #tpu.memory_space<hbm>>)
    %add3A_2297 = arith.constant 228 : i32
    %add3A_2298 = arith.addi %mul3A_2, %add3A_2297 : i32
    %dma_start3A_2299 = arith.constant 0 : i32
    %dma_start3A_2300 = tpu.memref_slice %arg4[%add3A_2298, %dma_start3A_2299] : memref<8192x4096xf32, #tpu.memory_space<hbm>> -> memref<2x4096xf32, #tpu.memory_space<hbm>>
    %dma_start3A_2301 = arith.constant 0 : i32
    %dma_start3A_2302 = tpu.memref_slice %arg4[%add3A_2298, %dma_start3A_2301] : memref<8192x4096xf32, #tpu.memory_space<hbm>> -> memref<2x4096xf32, #tpu.memory_space<hbm>>
    tpu.enqueue_dma source(%arg12 : memref<2x4096xf32, #tpu.memory_space<vmem>>) target(%dma_start3A_2302 : memref<2x4096xf32, #tpu.memory_space<hbm>>) target_semaphore(%arg20 : memref<!tpu.dma_semaphore, #tpu.memory_space<semaphore_mem>>)
    %add3A_2303 = arith.constant 236 : i32
    %add3A_2304 = arith.addi %mul3A_2, %add3A_2303 : i32
    %dma_start3A_2305 = arith.constant 0 : i32
    %dma_start3A_2306 = tpu.memref_slice %arg3[%add3A_2304, %dma_start3A_2305] : memref<8192x8192xf32, #tpu.memory_space<hbm>> -> memref<2x8192xf32, #tpu.memory_space<hbm>>
    %dma_start3A_2307 = arith.constant 0 : i32
    %dma_start3A_2308 = tpu.memref_slice %arg3[%add3A_2304, %dma_start3A_2307] : memref<8192x8192xf32, #tpu.memory_space<hbm>> -> memref<2x8192xf32, #tpu.memory_space<hbm>>
    tpu.enqueue_dma source(%dma_start3A_2308 : memref<2x8192xf32, #tpu.memory_space<hbm>>) target(%arg8 : memref<2x8192xf32, #tpu.memory_space<vmem>>) target_semaphore(%arg16 : memref<!tpu.dma_semaphore, #tpu.memory_space<semaphore_mem>>)
    %dma_wait3A_2309 = arith.constant 0 : i32
    %dma_wait3A_2310 = tpu.memref_slice %arg3[%add3A_2244, %dma_wait3A_2309] : memref<8192x8192xf32, #tpu.memory_space<hbm>> -> memref<2x8192xf32, #tpu.memory_space<hbm>>
    %dma_wait3A_2311 = arith.constant 0 : i32
    %dma_wait3A_2312 = tpu.memref_slice %arg3[%add3A_2244, %dma_wait3A_2311] : memref<8192x8192xf32, #tpu.memory_space<hbm>> -> memref<2x8192xf32, #tpu.memory_space<hbm>>
    tpu.wait_dma2 semaphore(%arg17 : memref<!tpu.dma_semaphore, #tpu.memory_space<semaphore_mem>>) src(%dma_wait3A_2312 : memref<2x8192xf32, #tpu.memory_space<hbm>>) dst(%arg9 : memref<2x8192xf32, #tpu.memory_space<vmem>>)
    %dma_wait3A_2313 = arith.constant 0 : i32
    %dma_wait3A_2314 = tpu.memref_slice %arg4[%add3A_2238, %dma_wait3A_2313] : memref<8192x4096xf32, #tpu.memory_space<hbm>> -> memref<2x4096xf32, #tpu.memory_space<hbm>>
    %dma_wait3A_2315 = arith.constant 0 : i32
    %dma_wait3A_2316 = tpu.memref_slice %arg4[%add3A_2238, %dma_wait3A_2315] : memref<8192x4096xf32, #tpu.memory_space<hbm>> -> memref<2x4096xf32, #tpu.memory_space<hbm>>
    tpu.wait_dma2 semaphore(%arg21 : memref<!tpu.dma_semaphore, #tpu.memory_space<semaphore_mem>>) src(%arg13 : memref<2x4096xf32, #tpu.memory_space<vmem>>) dst(%dma_wait3A_2316 : memref<2x4096xf32, #tpu.memory_space<hbm>>)
    %add3A_2317 = arith.constant 230 : i32
    %add3A_2318 = arith.addi %mul3A_2, %add3A_2317 : i32
    %dma_start3A_2319 = arith.constant 0 : i32
    %dma_start3A_2320 = tpu.memref_slice %arg4[%add3A_2318, %dma_start3A_2319] : memref<8192x4096xf32, #tpu.memory_space<hbm>> -> memref<2x4096xf32, #tpu.memory_space<hbm>>
    %dma_start3A_2321 = arith.constant 0 : i32
    %dma_start3A_2322 = tpu.memref_slice %arg4[%add3A_2318, %dma_start3A_2321] : memref<8192x4096xf32, #tpu.memory_space<hbm>> -> memref<2x4096xf32, #tpu.memory_space<hbm>>
    tpu.enqueue_dma source(%arg13 : memref<2x4096xf32, #tpu.memory_space<vmem>>) target(%dma_start3A_2322 : memref<2x4096xf32, #tpu.memory_space<hbm>>) target_semaphore(%arg21 : memref<!tpu.dma_semaphore, #tpu.memory_space<semaphore_mem>>)
    %add3A_2323 = arith.constant 238 : i32
    %add3A_2324 = arith.addi %mul3A_2, %add3A_2323 : i32
    %dma_start3A_2325 = arith.constant 0 : i32
    %dma_start3A_2326 = tpu.memref_slice %arg3[%add3A_2324, %dma_start3A_2325] : memref<8192x8192xf32, #tpu.memory_space<hbm>> -> memref<2x8192xf32, #tpu.memory_space<hbm>>
    %dma_start3A_2327 = arith.constant 0 : i32
    %dma_start3A_2328 = tpu.memref_slice %arg3[%add3A_2324, %dma_start3A_2327] : memref<8192x8192xf32, #tpu.memory_space<hbm>> -> memref<2x8192xf32, #tpu.memory_space<hbm>>
    tpu.enqueue_dma source(%dma_start3A_2328 : memref<2x8192xf32, #tpu.memory_space<hbm>>) target(%arg9 : memref<2x8192xf32, #tpu.memory_space<vmem>>) target_semaphore(%arg17 : memref<!tpu.dma_semaphore, #tpu.memory_space<semaphore_mem>>)
    %dma_wait3A_2329 = arith.constant 0 : i32
    %dma_wait3A_2330 = tpu.memref_slice %arg3[%add3A_2264, %dma_wait3A_2329] : memref<8192x8192xf32, #tpu.memory_space<hbm>> -> memref<2x8192xf32, #tpu.memory_space<hbm>>
    %dma_wait3A_2331 = arith.constant 0 : i32
    %dma_wait3A_2332 = tpu.memref_slice %arg3[%add3A_2264, %dma_wait3A_2331] : memref<8192x8192xf32, #tpu.memory_space<hbm>> -> memref<2x8192xf32, #tpu.memory_space<hbm>>
    tpu.wait_dma2 semaphore(%arg14 : memref<!tpu.dma_semaphore, #tpu.memory_space<semaphore_mem>>) src(%dma_wait3A_2332 : memref<2x8192xf32, #tpu.memory_space<hbm>>) dst(%arg6 : memref<2x8192xf32, #tpu.memory_space<vmem>>)
    %dma_wait3A_2333 = arith.constant 0 : i32
    %dma_wait3A_2334 = tpu.memref_slice %arg4[%add3A_2258, %dma_wait3A_2333] : memref<8192x4096xf32, #tpu.memory_space<hbm>> -> memref<2x4096xf32, #tpu.memory_space<hbm>>
    %dma_wait3A_2335 = arith.constant 0 : i32
    %dma_wait3A_2336 = tpu.memref_slice %arg4[%add3A_2258, %dma_wait3A_2335] : memref<8192x4096xf32, #tpu.memory_space<hbm>> -> memref<2x4096xf32, #tpu.memory_space<hbm>>
    tpu.wait_dma2 semaphore(%arg18 : memref<!tpu.dma_semaphore, #tpu.memory_space<semaphore_mem>>) src(%arg10 : memref<2x4096xf32, #tpu.memory_space<vmem>>) dst(%dma_wait3A_2336 : memref<2x4096xf32, #tpu.memory_space<hbm>>)
    %add3A_2337 = arith.constant 232 : i32
    %add3A_2338 = arith.addi %mul3A_2, %add3A_2337 : i32
    %dma_start3A_2339 = arith.constant 0 : i32
    %dma_start3A_2340 = tpu.memref_slice %arg4[%add3A_2338, %dma_start3A_2339] : memref<8192x4096xf32, #tpu.memory_space<hbm>> -> memref<2x4096xf32, #tpu.memory_space<hbm>>
    %dma_start3A_2341 = arith.constant 0 : i32
    %dma_start3A_2342 = tpu.memref_slice %arg4[%add3A_2338, %dma_start3A_2341] : memref<8192x4096xf32, #tpu.memory_space<hbm>> -> memref<2x4096xf32, #tpu.memory_space<hbm>>
    tpu.enqueue_dma source(%arg10 : memref<2x4096xf32, #tpu.memory_space<vmem>>) target(%dma_start3A_2342 : memref<2x4096xf32, #tpu.memory_space<hbm>>) target_semaphore(%arg18 : memref<!tpu.dma_semaphore, #tpu.memory_space<semaphore_mem>>)
    %add3A_2343 = arith.constant 240 : i32
    %add3A_2344 = arith.addi %mul3A_2, %add3A_2343 : i32
    %dma_start3A_2345 = arith.constant 0 : i32
    %dma_start3A_2346 = tpu.memref_slice %arg3[%add3A_2344, %dma_start3A_2345] : memref<8192x8192xf32, #tpu.memory_space<hbm>> -> memref<2x8192xf32, #tpu.memory_space<hbm>>
    %dma_start3A_2347 = arith.constant 0 : i32
    %dma_start3A_2348 = tpu.memref_slice %arg3[%add3A_2344, %dma_start3A_2347] : memref<8192x8192xf32, #tpu.memory_space<hbm>> -> memref<2x8192xf32, #tpu.memory_space<hbm>>
    tpu.enqueue_dma source(%dma_start3A_2348 : memref<2x8192xf32, #tpu.memory_space<hbm>>) target(%arg6 : memref<2x8192xf32, #tpu.memory_space<vmem>>) target_semaphore(%arg14 : memref<!tpu.dma_semaphore, #tpu.memory_space<semaphore_mem>>)
    %dma_wait3A_2349 = arith.constant 0 : i32
    %dma_wait3A_2350 = tpu.memref_slice %arg3[%add3A_2284, %dma_wait3A_2349] : memref<8192x8192xf32, #tpu.memory_space<hbm>> -> memref<2x8192xf32, #tpu.memory_space<hbm>>
    %dma_wait3A_2351 = arith.constant 0 : i32
    %dma_wait3A_2352 = tpu.memref_slice %arg3[%add3A_2284, %dma_wait3A_2351] : memref<8192x8192xf32, #tpu.memory_space<hbm>> -> memref<2x8192xf32, #tpu.memory_space<hbm>>
    tpu.wait_dma2 semaphore(%arg15 : memref<!tpu.dma_semaphore, #tpu.memory_space<semaphore_mem>>) src(%dma_wait3A_2352 : memref<2x8192xf32, #tpu.memory_space<hbm>>) dst(%arg7 : memref<2x8192xf32, #tpu.memory_space<vmem>>)
    %dma_wait3A_2353 = arith.constant 0 : i32
    %dma_wait3A_2354 = tpu.memref_slice %arg4[%add3A_2278, %dma_wait3A_2353] : memref<8192x4096xf32, #tpu.memory_space<hbm>> -> memref<2x4096xf32, #tpu.memory_space<hbm>>
    %dma_wait3A_2355 = arith.constant 0 : i32
    %dma_wait3A_2356 = tpu.memref_slice %arg4[%add3A_2278, %dma_wait3A_2355] : memref<8192x4096xf32, #tpu.memory_space<hbm>> -> memref<2x4096xf32, #tpu.memory_space<hbm>>
    tpu.wait_dma2 semaphore(%arg19 : memref<!tpu.dma_semaphore, #tpu.memory_space<semaphore_mem>>) src(%arg11 : memref<2x4096xf32, #tpu.memory_space<vmem>>) dst(%dma_wait3A_2356 : memref<2x4096xf32, #tpu.memory_space<hbm>>)
    %add3A_2357 = arith.constant 234 : i32
    %add3A_2358 = arith.addi %mul3A_2, %add3A_2357 : i32
    %dma_start3A_2359 = arith.constant 0 : i32
    %dma_start3A_2360 = tpu.memref_slice %arg4[%add3A_2358, %dma_start3A_2359] : memref<8192x4096xf32, #tpu.memory_space<hbm>> -> memref<2x4096xf32, #tpu.memory_space<hbm>>
    %dma_start3A_2361 = arith.constant 0 : i32
    %dma_start3A_2362 = tpu.memref_slice %arg4[%add3A_2358, %dma_start3A_2361] : memref<8192x4096xf32, #tpu.memory_space<hbm>> -> memref<2x4096xf32, #tpu.memory_space<hbm>>
    tpu.enqueue_dma source(%arg11 : memref<2x4096xf32, #tpu.memory_space<vmem>>) target(%dma_start3A_2362 : memref<2x4096xf32, #tpu.memory_space<hbm>>) target_semaphore(%arg19 : memref<!tpu.dma_semaphore, #tpu.memory_space<semaphore_mem>>)
    %add3A_2363 = arith.constant 242 : i32
    %add3A_2364 = arith.addi %mul3A_2, %add3A_2363 : i32
    %dma_start3A_2365 = arith.constant 0 : i32
    %dma_start3A_2366 = tpu.memref_slice %arg3[%add3A_2364, %dma_start3A_2365] : memref<8192x8192xf32, #tpu.memory_space<hbm>> -> memref<2x8192xf32, #tpu.memory_space<hbm>>
    %dma_start3A_2367 = arith.constant 0 : i32
    %dma_start3A_2368 = tpu.memref_slice %arg3[%add3A_2364, %dma_start3A_2367] : memref<8192x8192xf32, #tpu.memory_space<hbm>> -> memref<2x8192xf32, #tpu.memory_space<hbm>>
    tpu.enqueue_dma source(%dma_start3A_2368 : memref<2x8192xf32, #tpu.memory_space<hbm>>) target(%arg7 : memref<2x8192xf32, #tpu.memory_space<vmem>>) target_semaphore(%arg15 : memref<!tpu.dma_semaphore, #tpu.memory_space<semaphore_mem>>)
    %dma_wait3A_2369 = arith.constant 0 : i32
    %dma_wait3A_2370 = tpu.memref_slice %arg3[%add3A_2304, %dma_wait3A_2369] : memref<8192x8192xf32, #tpu.memory_space<hbm>> -> memref<2x8192xf32, #tpu.memory_space<hbm>>
    %dma_wait3A_2371 = arith.constant 0 : i32
    %dma_wait3A_2372 = tpu.memref_slice %arg3[%add3A_2304, %dma_wait3A_2371] : memref<8192x8192xf32, #tpu.memory_space<hbm>> -> memref<2x8192xf32, #tpu.memory_space<hbm>>
    tpu.wait_dma2 semaphore(%arg16 : memref<!tpu.dma_semaphore, #tpu.memory_space<semaphore_mem>>) src(%dma_wait3A_2372 : memref<2x8192xf32, #tpu.memory_space<hbm>>) dst(%arg8 : memref<2x8192xf32, #tpu.memory_space<vmem>>)
    %dma_wait3A_2373 = arith.constant 0 : i32
    %dma_wait3A_2374 = tpu.memref_slice %arg4[%add3A_2298, %dma_wait3A_2373] : memref<8192x4096xf32, #tpu.memory_space<hbm>> -> memref<2x4096xf32, #tpu.memory_space<hbm>>
    %dma_wait3A_2375 = arith.constant 0 : i32
    %dma_wait3A_2376 = tpu.memref_slice %arg4[%add3A_2298, %dma_wait3A_2375] : memref<8192x4096xf32, #tpu.memory_space<hbm>> -> memref<2x4096xf32, #tpu.memory_space<hbm>>
    tpu.wait_dma2 semaphore(%arg20 : memref<!tpu.dma_semaphore, #tpu.memory_space<semaphore_mem>>) src(%arg12 : memref<2x4096xf32, #tpu.memory_space<vmem>>) dst(%dma_wait3A_2376 : memref<2x4096xf32, #tpu.memory_space<hbm>>)
    %add3A_2377 = arith.constant 236 : i32
    %add3A_2378 = arith.addi %mul3A_2, %add3A_2377 : i32
    %dma_start3A_2379 = arith.constant 0 : i32
    %dma_start3A_2380 = tpu.memref_slice %arg4[%add3A_2378, %dma_start3A_2379] : memref<8192x4096xf32, #tpu.memory_space<hbm>> -> memref<2x4096xf32, #tpu.memory_space<hbm>>
    %dma_start3A_2381 = arith.constant 0 : i32
    %dma_start3A_2382 = tpu.memref_slice %arg4[%add3A_2378, %dma_start3A_2381] : memref<8192x4096xf32, #tpu.memory_space<hbm>> -> memref<2x4096xf32, #tpu.memory_space<hbm>>
    tpu.enqueue_dma source(%arg12 : memref<2x4096xf32, #tpu.memory_space<vmem>>) target(%dma_start3A_2382 : memref<2x4096xf32, #tpu.memory_space<hbm>>) target_semaphore(%arg20 : memref<!tpu.dma_semaphore, #tpu.memory_space<semaphore_mem>>)
    %add3A_2383 = arith.constant 244 : i32
    %add3A_2384 = arith.addi %mul3A_2, %add3A_2383 : i32
    %dma_start3A_2385 = arith.constant 0 : i32
    %dma_start3A_2386 = tpu.memref_slice %arg3[%add3A_2384, %dma_start3A_2385] : memref<8192x8192xf32, #tpu.memory_space<hbm>> -> memref<2x8192xf32, #tpu.memory_space<hbm>>
    %dma_start3A_2387 = arith.constant 0 : i32
    %dma_start3A_2388 = tpu.memref_slice %arg3[%add3A_2384, %dma_start3A_2387] : memref<8192x8192xf32, #tpu.memory_space<hbm>> -> memref<2x8192xf32, #tpu.memory_space<hbm>>
    tpu.enqueue_dma source(%dma_start3A_2388 : memref<2x8192xf32, #tpu.memory_space<hbm>>) target(%arg8 : memref<2x8192xf32, #tpu.memory_space<vmem>>) target_semaphore(%arg16 : memref<!tpu.dma_semaphore, #tpu.memory_space<semaphore_mem>>)
    %dma_wait3A_2389 = arith.constant 0 : i32
    %dma_wait3A_2390 = tpu.memref_slice %arg3[%add3A_2324, %dma_wait3A_2389] : memref<8192x8192xf32, #tpu.memory_space<hbm>> -> memref<2x8192xf32, #tpu.memory_space<hbm>>
    %dma_wait3A_2391 = arith.constant 0 : i32
    %dma_wait3A_2392 = tpu.memref_slice %arg3[%add3A_2324, %dma_wait3A_2391] : memref<8192x8192xf32, #tpu.memory_space<hbm>> -> memref<2x8192xf32, #tpu.memory_space<hbm>>
    tpu.wait_dma2 semaphore(%arg17 : memref<!tpu.dma_semaphore, #tpu.memory_space<semaphore_mem>>) src(%dma_wait3A_2392 : memref<2x8192xf32, #tpu.memory_space<hbm>>) dst(%arg9 : memref<2x8192xf32, #tpu.memory_space<vmem>>)
    %dma_wait3A_2393 = arith.constant 0 : i32
    %dma_wait3A_2394 = tpu.memref_slice %arg4[%add3A_2318, %dma_wait3A_2393] : memref<8192x4096xf32, #tpu.memory_space<hbm>> -> memref<2x4096xf32, #tpu.memory_space<hbm>>
    %dma_wait3A_2395 = arith.constant 0 : i32
    %dma_wait3A_2396 = tpu.memref_slice %arg4[%add3A_2318, %dma_wait3A_2395] : memref<8192x4096xf32, #tpu.memory_space<hbm>> -> memref<2x4096xf32, #tpu.memory_space<hbm>>
    tpu.wait_dma2 semaphore(%arg21 : memref<!tpu.dma_semaphore, #tpu.memory_space<semaphore_mem>>) src(%arg13 : memref<2x4096xf32, #tpu.memory_space<vmem>>) dst(%dma_wait3A_2396 : memref<2x4096xf32, #tpu.memory_space<hbm>>)
    %add3A_2397 = arith.constant 238 : i32
    %add3A_2398 = arith.addi %mul3A_2, %add3A_2397 : i32
    %dma_start3A_2399 = arith.constant 0 : i32
    %dma_start3A_2400 = tpu.memref_slice %arg4[%add3A_2398, %dma_start3A_2399] : memref<8192x4096xf32, #tpu.memory_space<hbm>> -> memref<2x4096xf32, #tpu.memory_space<hbm>>
    %dma_start3A_2401 = arith.constant 0 : i32
    %dma_start3A_2402 = tpu.memref_slice %arg4[%add3A_2398, %dma_start3A_2401] : memref<8192x4096xf32, #tpu.memory_space<hbm>> -> memref<2x4096xf32, #tpu.memory_space<hbm>>
    tpu.enqueue_dma source(%arg13 : memref<2x4096xf32, #tpu.memory_space<vmem>>) target(%dma_start3A_2402 : memref<2x4096xf32, #tpu.memory_space<hbm>>) target_semaphore(%arg21 : memref<!tpu.dma_semaphore, #tpu.memory_space<semaphore_mem>>)
    %add3A_2403 = arith.constant 246 : i32
    %add3A_2404 = arith.addi %mul3A_2, %add3A_2403 : i32
    %dma_start3A_2405 = arith.constant 0 : i32
    %dma_start3A_2406 = tpu.memref_slice %arg3[%add3A_2404, %dma_start3A_2405] : memref<8192x8192xf32, #tpu.memory_space<hbm>> -> memref<2x8192xf32, #tpu.memory_space<hbm>>
    %dma_start3A_2407 = arith.constant 0 : i32
    %dma_start3A_2408 = tpu.memref_slice %arg3[%add3A_2404, %dma_start3A_2407] : memref<8192x8192xf32, #tpu.memory_space<hbm>> -> memref<2x8192xf32, #tpu.memory_space<hbm>>
    tpu.enqueue_dma source(%dma_start3A_2408 : memref<2x8192xf32, #tpu.memory_space<hbm>>) target(%arg9 : memref<2x8192xf32, #tpu.memory_space<vmem>>) target_semaphore(%arg17 : memref<!tpu.dma_semaphore, #tpu.memory_space<semaphore_mem>>)
    %dma_wait3A_2409 = arith.constant 0 : i32
    %dma_wait3A_2410 = tpu.memref_slice %arg3[%add3A_2344, %dma_wait3A_2409] : memref<8192x8192xf32, #tpu.memory_space<hbm>> -> memref<2x8192xf32, #tpu.memory_space<hbm>>
    %dma_wait3A_2411 = arith.constant 0 : i32
    %dma_wait3A_2412 = tpu.memref_slice %arg3[%add3A_2344, %dma_wait3A_2411] : memref<8192x8192xf32, #tpu.memory_space<hbm>> -> memref<2x8192xf32, #tpu.memory_space<hbm>>
    tpu.wait_dma2 semaphore(%arg14 : memref<!tpu.dma_semaphore, #tpu.memory_space<semaphore_mem>>) src(%dma_wait3A_2412 : memref<2x8192xf32, #tpu.memory_space<hbm>>) dst(%arg6 : memref<2x8192xf32, #tpu.memory_space<vmem>>)
    %dma_wait3A_2413 = arith.constant 0 : i32
    %dma_wait3A_2414 = tpu.memref_slice %arg4[%add3A_2338, %dma_wait3A_2413] : memref<8192x4096xf32, #tpu.memory_space<hbm>> -> memref<2x4096xf32, #tpu.memory_space<hbm>>
    %dma_wait3A_2415 = arith.constant 0 : i32
    %dma_wait3A_2416 = tpu.memref_slice %arg4[%add3A_2338, %dma_wait3A_2415] : memref<8192x4096xf32, #tpu.memory_space<hbm>> -> memref<2x4096xf32, #tpu.memory_space<hbm>>
    tpu.wait_dma2 semaphore(%arg18 : memref<!tpu.dma_semaphore, #tpu.memory_space<semaphore_mem>>) src(%arg10 : memref<2x4096xf32, #tpu.memory_space<vmem>>) dst(%dma_wait3A_2416 : memref<2x4096xf32, #tpu.memory_space<hbm>>)
    %add3A_2417 = arith.constant 240 : i32
    %add3A_2418 = arith.addi %mul3A_2, %add3A_2417 : i32
    %dma_start3A_2419 = arith.constant 0 : i32
    %dma_start3A_2420 = tpu.memref_slice %arg4[%add3A_2418, %dma_start3A_2419] : memref<8192x4096xf32, #tpu.memory_space<hbm>> -> memref<2x4096xf32, #tpu.memory_space<hbm>>
    %dma_start3A_2421 = arith.constant 0 : i32
    %dma_start3A_2422 = tpu.memref_slice %arg4[%add3A_2418, %dma_start3A_2421] : memref<8192x4096xf32, #tpu.memory_space<hbm>> -> memref<2x4096xf32, #tpu.memory_space<hbm>>
    tpu.enqueue_dma source(%arg10 : memref<2x4096xf32, #tpu.memory_space<vmem>>) target(%dma_start3A_2422 : memref<2x4096xf32, #tpu.memory_space<hbm>>) target_semaphore(%arg18 : memref<!tpu.dma_semaphore, #tpu.memory_space<semaphore_mem>>)
    %add3A_2423 = arith.constant 248 : i32
    %add3A_2424 = arith.addi %mul3A_2, %add3A_2423 : i32
    %dma_start3A_2425 = arith.constant 0 : i32
    %dma_start3A_2426 = tpu.memref_slice %arg3[%add3A_2424, %dma_start3A_2425] : memref<8192x8192xf32, #tpu.memory_space<hbm>> -> memref<2x8192xf32, #tpu.memory_space<hbm>>
    %dma_start3A_2427 = arith.constant 0 : i32
    %dma_start3A_2428 = tpu.memref_slice %arg3[%add3A_2424, %dma_start3A_2427] : memref<8192x8192xf32, #tpu.memory_space<hbm>> -> memref<2x8192xf32, #tpu.memory_space<hbm>>
    tpu.enqueue_dma source(%dma_start3A_2428 : memref<2x8192xf32, #tpu.memory_space<hbm>>) target(%arg6 : memref<2x8192xf32, #tpu.memory_space<vmem>>) target_semaphore(%arg14 : memref<!tpu.dma_semaphore, #tpu.memory_space<semaphore_mem>>)
    %dma_wait3A_2429 = arith.constant 0 : i32
    %dma_wait3A_2430 = tpu.memref_slice %arg3[%add3A_2364, %dma_wait3A_2429] : memref<8192x8192xf32, #tpu.memory_space<hbm>> -> memref<2x8192xf32, #tpu.memory_space<hbm>>
    %dma_wait3A_2431 = arith.constant 0 : i32
    %dma_wait3A_2432 = tpu.memref_slice %arg3[%add3A_2364, %dma_wait3A_2431] : memref<8192x8192xf32, #tpu.memory_space<hbm>> -> memref<2x8192xf32, #tpu.memory_space<hbm>>
    tpu.wait_dma2 semaphore(%arg15 : memref<!tpu.dma_semaphore, #tpu.memory_space<semaphore_mem>>) src(%dma_wait3A_2432 : memref<2x8192xf32, #tpu.memory_space<hbm>>) dst(%arg7 : memref<2x8192xf32, #tpu.memory_space<vmem>>)
    %dma_wait3A_2433 = arith.constant 0 : i32
    %dma_wait3A_2434 = tpu.memref_slice %arg4[%add3A_2358, %dma_wait3A_2433] : memref<8192x4096xf32, #tpu.memory_space<hbm>> -> memref<2x4096xf32, #tpu.memory_space<hbm>>
    %dma_wait3A_2435 = arith.constant 0 : i32
    %dma_wait3A_2436 = tpu.memref_slice %arg4[%add3A_2358, %dma_wait3A_2435] : memref<8192x4096xf32, #tpu.memory_space<hbm>> -> memref<2x4096xf32, #tpu.memory_space<hbm>>
    tpu.wait_dma2 semaphore(%arg19 : memref<!tpu.dma_semaphore, #tpu.memory_space<semaphore_mem>>) src(%arg11 : memref<2x4096xf32, #tpu.memory_space<vmem>>) dst(%dma_wait3A_2436 : memref<2x4096xf32, #tpu.memory_space<hbm>>)
    %add3A_2437 = arith.constant 242 : i32
    %add3A_2438 = arith.addi %mul3A_2, %add3A_2437 : i32
    %dma_start3A_2439 = arith.constant 0 : i32
    %dma_start3A_2440 = tpu.memref_slice %arg4[%add3A_2438, %dma_start3A_2439] : memref<8192x4096xf32, #tpu.memory_space<hbm>> -> memref<2x4096xf32, #tpu.memory_space<hbm>>
    %dma_start3A_2441 = arith.constant 0 : i32
    %dma_start3A_2442 = tpu.memref_slice %arg4[%add3A_2438, %dma_start3A_2441] : memref<8192x4096xf32, #tpu.memory_space<hbm>> -> memref<2x4096xf32, #tpu.memory_space<hbm>>
    tpu.enqueue_dma source(%arg11 : memref<2x4096xf32, #tpu.memory_space<vmem>>) target(%dma_start3A_2442 : memref<2x4096xf32, #tpu.memory_space<hbm>>) target_semaphore(%arg19 : memref<!tpu.dma_semaphore, #tpu.memory_space<semaphore_mem>>)
    %add3A_2443 = arith.constant 250 : i32
    %add3A_2444 = arith.addi %mul3A_2, %add3A_2443 : i32
    %dma_start3A_2445 = arith.constant 0 : i32
    %dma_start3A_2446 = tpu.memref_slice %arg3[%add3A_2444, %dma_start3A_2445] : memref<8192x8192xf32, #tpu.memory_space<hbm>> -> memref<2x8192xf32, #tpu.memory_space<hbm>>
    %dma_start3A_2447 = arith.constant 0 : i32
    %dma_start3A_2448 = tpu.memref_slice %arg3[%add3A_2444, %dma_start3A_2447] : memref<8192x8192xf32, #tpu.memory_space<hbm>> -> memref<2x8192xf32, #tpu.memory_space<hbm>>
    tpu.enqueue_dma source(%dma_start3A_2448 : memref<2x8192xf32, #tpu.memory_space<hbm>>) target(%arg7 : memref<2x8192xf32, #tpu.memory_space<vmem>>) target_semaphore(%arg15 : memref<!tpu.dma_semaphore, #tpu.memory_space<semaphore_mem>>)
    %dma_wait3A_2449 = arith.constant 0 : i32
    %dma_wait3A_2450 = tpu.memref_slice %arg3[%add3A_2384, %dma_wait3A_2449] : memref<8192x8192xf32, #tpu.memory_space<hbm>> -> memref<2x8192xf32, #tpu.memory_space<hbm>>
    %dma_wait3A_2451 = arith.constant 0 : i32
    %dma_wait3A_2452 = tpu.memref_slice %arg3[%add3A_2384, %dma_wait3A_2451] : memref<8192x8192xf32, #tpu.memory_space<hbm>> -> memref<2x8192xf32, #tpu.memory_space<hbm>>
    tpu.wait_dma2 semaphore(%arg16 : memref<!tpu.dma_semaphore, #tpu.memory_space<semaphore_mem>>) src(%dma_wait3A_2452 : memref<2x8192xf32, #tpu.memory_space<hbm>>) dst(%arg8 : memref<2x8192xf32, #tpu.memory_space<vmem>>)
    %dma_wait3A_2453 = arith.constant 0 : i32
    %dma_wait3A_2454 = tpu.memref_slice %arg4[%add3A_2378, %dma_wait3A_2453] : memref<8192x4096xf32, #tpu.memory_space<hbm>> -> memref<2x4096xf32, #tpu.memory_space<hbm>>
    %dma_wait3A_2455 = arith.constant 0 : i32
    %dma_wait3A_2456 = tpu.memref_slice %arg4[%add3A_2378, %dma_wait3A_2455] : memref<8192x4096xf32, #tpu.memory_space<hbm>> -> memref<2x4096xf32, #tpu.memory_space<hbm>>
    tpu.wait_dma2 semaphore(%arg20 : memref<!tpu.dma_semaphore, #tpu.memory_space<semaphore_mem>>) src(%arg12 : memref<2x4096xf32, #tpu.memory_space<vmem>>) dst(%dma_wait3A_2456 : memref<2x4096xf32, #tpu.memory_space<hbm>>)
    %add3A_2457 = arith.constant 244 : i32
    %add3A_2458 = arith.addi %mul3A_2, %add3A_2457 : i32
    %dma_start3A_2459 = arith.constant 0 : i32
    %dma_start3A_2460 = tpu.memref_slice %arg4[%add3A_2458, %dma_start3A_2459] : memref<8192x4096xf32, #tpu.memory_space<hbm>> -> memref<2x4096xf32, #tpu.memory_space<hbm>>
    %dma_start3A_2461 = arith.constant 0 : i32
    %dma_start3A_2462 = tpu.memref_slice %arg4[%add3A_2458, %dma_start3A_2461] : memref<8192x4096xf32, #tpu.memory_space<hbm>> -> memref<2x4096xf32, #tpu.memory_space<hbm>>
    tpu.enqueue_dma source(%arg12 : memref<2x4096xf32, #tpu.memory_space<vmem>>) target(%dma_start3A_2462 : memref<2x4096xf32, #tpu.memory_space<hbm>>) target_semaphore(%arg20 : memref<!tpu.dma_semaphore, #tpu.memory_space<semaphore_mem>>)
    %add3A_2463 = arith.constant 252 : i32
    %add3A_2464 = arith.addi %mul3A_2, %add3A_2463 : i32
    %dma_start3A_2465 = arith.constant 0 : i32
    %dma_start3A_2466 = tpu.memref_slice %arg3[%add3A_2464, %dma_start3A_2465] : memref<8192x8192xf32, #tpu.memory_space<hbm>> -> memref<2x8192xf32, #tpu.memory_space<hbm>>
    %dma_start3A_2467 = arith.constant 0 : i32
    %dma_start3A_2468 = tpu.memref_slice %arg3[%add3A_2464, %dma_start3A_2467] : memref<8192x8192xf32, #tpu.memory_space<hbm>> -> memref<2x8192xf32, #tpu.memory_space<hbm>>
    tpu.enqueue_dma source(%dma_start3A_2468 : memref<2x8192xf32, #tpu.memory_space<hbm>>) target(%arg8 : memref<2x8192xf32, #tpu.memory_space<vmem>>) target_semaphore(%arg16 : memref<!tpu.dma_semaphore, #tpu.memory_space<semaphore_mem>>)
    %dma_wait3A_2469 = arith.constant 0 : i32
    %dma_wait3A_2470 = tpu.memref_slice %arg3[%add3A_2404, %dma_wait3A_2469] : memref<8192x8192xf32, #tpu.memory_space<hbm>> -> memref<2x8192xf32, #tpu.memory_space<hbm>>
    %dma_wait3A_2471 = arith.constant 0 : i32
    %dma_wait3A_2472 = tpu.memref_slice %arg3[%add3A_2404, %dma_wait3A_2471] : memref<8192x8192xf32, #tpu.memory_space<hbm>> -> memref<2x8192xf32, #tpu.memory_space<hbm>>
    tpu.wait_dma2 semaphore(%arg17 : memref<!tpu.dma_semaphore, #tpu.memory_space<semaphore_mem>>) src(%dma_wait3A_2472 : memref<2x8192xf32, #tpu.memory_space<hbm>>) dst(%arg9 : memref<2x8192xf32, #tpu.memory_space<vmem>>)
    %dma_wait3A_2473 = arith.constant 0 : i32
    %dma_wait3A_2474 = tpu.memref_slice %arg4[%add3A_2398, %dma_wait3A_2473] : memref<8192x4096xf32, #tpu.memory_space<hbm>> -> memref<2x4096xf32, #tpu.memory_space<hbm>>
    %dma_wait3A_2475 = arith.constant 0 : i32
    %dma_wait3A_2476 = tpu.memref_slice %arg4[%add3A_2398, %dma_wait3A_2475] : memref<8192x4096xf32, #tpu.memory_space<hbm>> -> memref<2x4096xf32, #tpu.memory_space<hbm>>
    tpu.wait_dma2 semaphore(%arg21 : memref<!tpu.dma_semaphore, #tpu.memory_space<semaphore_mem>>) src(%arg13 : memref<2x4096xf32, #tpu.memory_space<vmem>>) dst(%dma_wait3A_2476 : memref<2x4096xf32, #tpu.memory_space<hbm>>)
    %add3A_2477 = arith.constant 246 : i32
    %add3A_2478 = arith.addi %mul3A_2, %add3A_2477 : i32
    %dma_start3A_2479 = arith.constant 0 : i32
    %dma_start3A_2480 = tpu.memref_slice %arg4[%add3A_2478, %dma_start3A_2479] : memref<8192x4096xf32, #tpu.memory_space<hbm>> -> memref<2x4096xf32, #tpu.memory_space<hbm>>
    %dma_start3A_2481 = arith.constant 0 : i32
    %dma_start3A_2482 = tpu.memref_slice %arg4[%add3A_2478, %dma_start3A_2481] : memref<8192x4096xf32, #tpu.memory_space<hbm>> -> memref<2x4096xf32, #tpu.memory_space<hbm>>
    tpu.enqueue_dma source(%arg13 : memref<2x4096xf32, #tpu.memory_space<vmem>>) target(%dma_start3A_2482 : memref<2x4096xf32, #tpu.memory_space<hbm>>) target_semaphore(%arg21 : memref<!tpu.dma_semaphore, #tpu.memory_space<semaphore_mem>>)
    %add3A_2483 = arith.constant 254 : i32
    %add3A_2484 = arith.addi %mul3A_2, %add3A_2483 : i32
    %dma_start3A_2485 = arith.constant 0 : i32
    %dma_start3A_2486 = tpu.memref_slice %arg3[%add3A_2484, %dma_start3A_2485] : memref<8192x8192xf32, #tpu.memory_space<hbm>> -> memref<2x8192xf32, #tpu.memory_space<hbm>>
    %dma_start3A_2487 = arith.constant 0 : i32
    %dma_start3A_2488 = tpu.memref_slice %arg3[%add3A_2484, %dma_start3A_2487] : memref<8192x8192xf32, #tpu.memory_space<hbm>> -> memref<2x8192xf32, #tpu.memory_space<hbm>>
    tpu.enqueue_dma source(%dma_start3A_2488 : memref<2x8192xf32, #tpu.memory_space<hbm>>) target(%arg9 : memref<2x8192xf32, #tpu.memory_space<vmem>>) target_semaphore(%arg17 : memref<!tpu.dma_semaphore, #tpu.memory_space<semaphore_mem>>)
    %dma_wait3A_2489 = arith.constant 0 : i32
    %dma_wait3A_2490 = tpu.memref_slice %arg3[%add3A_2424, %dma_wait3A_2489] : memref<8192x8192xf32, #tpu.memory_space<hbm>> -> memref<2x8192xf32, #tpu.memory_space<hbm>>
    %dma_wait3A_2491 = arith.constant 0 : i32
    %dma_wait3A_2492 = tpu.memref_slice %arg3[%add3A_2424, %dma_wait3A_2491] : memref<8192x8192xf32, #tpu.memory_space<hbm>> -> memref<2x8192xf32, #tpu.memory_space<hbm>>
    tpu.wait_dma2 semaphore(%arg14 : memref<!tpu.dma_semaphore, #tpu.memory_space<semaphore_mem>>) src(%dma_wait3A_2492 : memref<2x8192xf32, #tpu.memory_space<hbm>>) dst(%arg6 : memref<2x8192xf32, #tpu.memory_space<vmem>>)
    %dma_wait3A_2493 = arith.constant 0 : i32
    %dma_wait3A_2494 = tpu.memref_slice %arg4[%add3A_2418, %dma_wait3A_2493] : memref<8192x4096xf32, #tpu.memory_space<hbm>> -> memref<2x4096xf32, #tpu.memory_space<hbm>>
    %dma_wait3A_2495 = arith.constant 0 : i32
    %dma_wait3A_2496 = tpu.memref_slice %arg4[%add3A_2418, %dma_wait3A_2495] : memref<8192x4096xf32, #tpu.memory_space<hbm>> -> memref<2x4096xf32, #tpu.memory_space<hbm>>
    tpu.wait_dma2 semaphore(%arg18 : memref<!tpu.dma_semaphore, #tpu.memory_space<semaphore_mem>>) src(%arg10 : memref<2x4096xf32, #tpu.memory_space<vmem>>) dst(%dma_wait3A_2496 : memref<2x4096xf32, #tpu.memory_space<hbm>>)
    %add3A_2497 = arith.constant 248 : i32
    %add3A_2498 = arith.addi %mul3A_2, %add3A_2497 : i32
    %dma_start3A_2499 = arith.constant 0 : i32
    %dma_start3A_2500 = tpu.memref_slice %arg4[%add3A_2498, %dma_start3A_2499] : memref<8192x4096xf32, #tpu.memory_space<hbm>> -> memref<2x4096xf32, #tpu.memory_space<hbm>>
    %dma_start3A_2501 = arith.constant 0 : i32
    %dma_start3A_2502 = tpu.memref_slice %arg4[%add3A_2498, %dma_start3A_2501] : memref<8192x4096xf32, #tpu.memory_space<hbm>> -> memref<2x4096xf32, #tpu.memory_space<hbm>>
    tpu.enqueue_dma source(%arg10 : memref<2x4096xf32, #tpu.memory_space<vmem>>) target(%dma_start3A_2502 : memref<2x4096xf32, #tpu.memory_space<hbm>>) target_semaphore(%arg18 : memref<!tpu.dma_semaphore, #tpu.memory_space<semaphore_mem>>)
    %dma_wait3A_2503 = arith.constant 0 : i32
    %dma_wait3A_2504 = tpu.memref_slice %arg3[%add3A_2444, %dma_wait3A_2503] : memref<8192x8192xf32, #tpu.memory_space<hbm>> -> memref<2x8192xf32, #tpu.memory_space<hbm>>
    %dma_wait3A_2505 = arith.constant 0 : i32
    %dma_wait3A_2506 = tpu.memref_slice %arg3[%add3A_2444, %dma_wait3A_2505] : memref<8192x8192xf32, #tpu.memory_space<hbm>> -> memref<2x8192xf32, #tpu.memory_space<hbm>>
    tpu.wait_dma2 semaphore(%arg15 : memref<!tpu.dma_semaphore, #tpu.memory_space<semaphore_mem>>) src(%dma_wait3A_2506 : memref<2x8192xf32, #tpu.memory_space<hbm>>) dst(%arg7 : memref<2x8192xf32, #tpu.memory_space<vmem>>)
    %dma_wait3A_2507 = arith.constant 0 : i32
    %dma_wait3A_2508 = tpu.memref_slice %arg4[%add3A_2438, %dma_wait3A_2507] : memref<8192x4096xf32, #tpu.memory_space<hbm>> -> memref<2x4096xf32, #tpu.memory_space<hbm>>
    %dma_wait3A_2509 = arith.constant 0 : i32
    %dma_wait3A_2510 = tpu.memref_slice %arg4[%add3A_2438, %dma_wait3A_2509] : memref<8192x4096xf32, #tpu.memory_space<hbm>> -> memref<2x4096xf32, #tpu.memory_space<hbm>>
    tpu.wait_dma2 semaphore(%arg19 : memref<!tpu.dma_semaphore, #tpu.memory_space<semaphore_mem>>) src(%arg11 : memref<2x4096xf32, #tpu.memory_space<vmem>>) dst(%dma_wait3A_2510 : memref<2x4096xf32, #tpu.memory_space<hbm>>)
    %add3A_2511 = arith.constant 250 : i32
    %add3A_2512 = arith.addi %mul3A_2, %add3A_2511 : i32
    %dma_start3A_2513 = arith.constant 0 : i32
    %dma_start3A_2514 = tpu.memref_slice %arg4[%add3A_2512, %dma_start3A_2513] : memref<8192x4096xf32, #tpu.memory_space<hbm>> -> memref<2x4096xf32, #tpu.memory_space<hbm>>
    %dma_start3A_2515 = arith.constant 0 : i32
    %dma_start3A_2516 = tpu.memref_slice %arg4[%add3A_2512, %dma_start3A_2515] : memref<8192x4096xf32, #tpu.memory_space<hbm>> -> memref<2x4096xf32, #tpu.memory_space<hbm>>
    tpu.enqueue_dma source(%arg11 : memref<2x4096xf32, #tpu.memory_space<vmem>>) target(%dma_start3A_2516 : memref<2x4096xf32, #tpu.memory_space<hbm>>) target_semaphore(%arg19 : memref<!tpu.dma_semaphore, #tpu.memory_space<semaphore_mem>>)
    %dma_wait3A_2517 = arith.constant 0 : i32
    %dma_wait3A_2518 = tpu.memref_slice %arg3[%add3A_2464, %dma_wait3A_2517] : memref<8192x8192xf32, #tpu.memory_space<hbm>> -> memref<2x8192xf32, #tpu.memory_space<hbm>>
    %dma_wait3A_2519 = arith.constant 0 : i32
    %dma_wait3A_2520 = tpu.memref_slice %arg3[%add3A_2464, %dma_wait3A_2519] : memref<8192x8192xf32, #tpu.memory_space<hbm>> -> memref<2x8192xf32, #tpu.memory_space<hbm>>
    tpu.wait_dma2 semaphore(%arg16 : memref<!tpu.dma_semaphore, #tpu.memory_space<semaphore_mem>>) src(%dma_wait3A_2520 : memref<2x8192xf32, #tpu.memory_space<hbm>>) dst(%arg8 : memref<2x8192xf32, #tpu.memory_space<vmem>>)
    %dma_wait3A_2521 = arith.constant 0 : i32
    %dma_wait3A_2522 = tpu.memref_slice %arg4[%add3A_2458, %dma_wait3A_2521] : memref<8192x4096xf32, #tpu.memory_space<hbm>> -> memref<2x4096xf32, #tpu.memory_space<hbm>>
    %dma_wait3A_2523 = arith.constant 0 : i32
    %dma_wait3A_2524 = tpu.memref_slice %arg4[%add3A_2458, %dma_wait3A_2523] : memref<8192x4096xf32, #tpu.memory_space<hbm>> -> memref<2x4096xf32, #tpu.memory_space<hbm>>
    tpu.wait_dma2 semaphore(%arg20 : memref<!tpu.dma_semaphore, #tpu.memory_space<semaphore_mem>>) src(%arg12 : memref<2x4096xf32, #tpu.memory_space<vmem>>) dst(%dma_wait3A_2524 : memref<2x4096xf32, #tpu.memory_space<hbm>>)
    %add3A_2525 = arith.constant 252 : i32
    %add3A_2526 = arith.addi %mul3A_2, %add3A_2525 : i32
    %dma_start3A_2527 = arith.constant 0 : i32
    %dma_start3A_2528 = tpu.memref_slice %arg4[%add3A_2526, %dma_start3A_2527] : memref<8192x4096xf32, #tpu.memory_space<hbm>> -> memref<2x4096xf32, #tpu.memory_space<hbm>>
    %dma_start3A_2529 = arith.constant 0 : i32
    %dma_start3A_2530 = tpu.memref_slice %arg4[%add3A_2526, %dma_start3A_2529] : memref<8192x4096xf32, #tpu.memory_space<hbm>> -> memref<2x4096xf32, #tpu.memory_space<hbm>>
    tpu.enqueue_dma source(%arg12 : memref<2x4096xf32, #tpu.memory_space<vmem>>) target(%dma_start3A_2530 : memref<2x4096xf32, #tpu.memory_space<hbm>>) target_semaphore(%arg20 : memref<!tpu.dma_semaphore, #tpu.memory_space<semaphore_mem>>)
    %dma_wait3A_2531 = arith.constant 0 : i32
    %dma_wait3A_2532 = tpu.memref_slice %arg3[%add3A_2484, %dma_wait3A_2531] : memref<8192x8192xf32, #tpu.memory_space<hbm>> -> memref<2x8192xf32, #tpu.memory_space<hbm>>
    %dma_wait3A_2533 = arith.constant 0 : i32
    %dma_wait3A_2534 = tpu.memref_slice %arg3[%add3A_2484, %dma_wait3A_2533] : memref<8192x8192xf32, #tpu.memory_space<hbm>> -> memref<2x8192xf32, #tpu.memory_space<hbm>>
    tpu.wait_dma2 semaphore(%arg17 : memref<!tpu.dma_semaphore, #tpu.memory_space<semaphore_mem>>) src(%dma_wait3A_2534 : memref<2x8192xf32, #tpu.memory_space<hbm>>) dst(%arg9 : memref<2x8192xf32, #tpu.memory_space<vmem>>)
    %dma_wait3A_2535 = arith.constant 0 : i32
    %dma_wait3A_2536 = tpu.memref_slice %arg4[%add3A_2478, %dma_wait3A_2535] : memref<8192x4096xf32, #tpu.memory_space<hbm>> -> memref<2x4096xf32, #tpu.memory_space<hbm>>
    %dma_wait3A_2537 = arith.constant 0 : i32
    %dma_wait3A_2538 = tpu.memref_slice %arg4[%add3A_2478, %dma_wait3A_2537] : memref<8192x4096xf32, #tpu.memory_space<hbm>> -> memref<2x4096xf32, #tpu.memory_space<hbm>>
    tpu.wait_dma2 semaphore(%arg21 : memref<!tpu.dma_semaphore, #tpu.memory_space<semaphore_mem>>) src(%arg13 : memref<2x4096xf32, #tpu.memory_space<vmem>>) dst(%dma_wait3A_2538 : memref<2x4096xf32, #tpu.memory_space<hbm>>)
    %add3A_2539 = arith.constant 254 : i32
    %add3A_2540 = arith.addi %mul3A_2, %add3A_2539 : i32
    %dma_start3A_2541 = arith.constant 0 : i32
    %dma_start3A_2542 = tpu.memref_slice %arg4[%add3A_2540, %dma_start3A_2541] : memref<8192x4096xf32, #tpu.memory_space<hbm>> -> memref<2x4096xf32, #tpu.memory_space<hbm>>
    %dma_start3A_2543 = arith.constant 0 : i32
    %dma_start3A_2544 = tpu.memref_slice %arg4[%add3A_2540, %dma_start3A_2543] : memref<8192x4096xf32, #tpu.memory_space<hbm>> -> memref<2x4096xf32, #tpu.memory_space<hbm>>
    tpu.enqueue_dma source(%arg13 : memref<2x4096xf32, #tpu.memory_space<vmem>>) target(%dma_start3A_2544 : memref<2x4096xf32, #tpu.memory_space<hbm>>) target_semaphore(%arg21 : memref<!tpu.dma_semaphore, #tpu.memory_space<semaphore_mem>>)
    %dma_wait3A_2545 = arith.constant 0 : i32
    %dma_wait3A_2546 = tpu.memref_slice %arg4[%add3A_2498, %dma_wait3A_2545] : memref<8192x4096xf32, #tpu.memory_space<hbm>> -> memref<2x4096xf32, #tpu.memory_space<hbm>>
    %dma_wait3A_2547 = arith.constant 0 : i32
    %dma_wait3A_2548 = tpu.memref_slice %arg4[%add3A_2498, %dma_wait3A_2547] : memref<8192x4096xf32, #tpu.memory_space<hbm>> -> memref<2x4096xf32, #tpu.memory_space<hbm>>
    tpu.wait_dma2 semaphore(%arg18 : memref<!tpu.dma_semaphore, #tpu.memory_space<semaphore_mem>>) src(%arg10 : memref<2x4096xf32, #tpu.memory_space<vmem>>) dst(%dma_wait3A_2548 : memref<2x4096xf32, #tpu.memory_space<hbm>>)
    %dma_wait3A_2549 = arith.constant 0 : i32
    %dma_wait3A_2550 = tpu.memref_slice %arg4[%add3A_2512, %dma_wait3A_2549] : memref<8192x4096xf32, #tpu.memory_space<hbm>> -> memref<2x4096xf32, #tpu.memory_space<hbm>>
    %dma_wait3A_2551 = arith.constant 0 : i32
    %dma_wait3A_2552 = tpu.memref_slice %arg4[%add3A_2512, %dma_wait3A_2551] : memref<8192x4096xf32, #tpu.memory_space<hbm>> -> memref<2x4096xf32, #tpu.memory_space<hbm>>
    tpu.wait_dma2 semaphore(%arg19 : memref<!tpu.dma_semaphore, #tpu.memory_space<semaphore_mem>>) src(%arg11 : memref<2x4096xf32, #tpu.memory_space<vmem>>) dst(%dma_wait3A_2552 : memref<2x4096xf32, #tpu.memory_space<hbm>>)
    %dma_wait3A_2553 = arith.constant 0 : i32
    %dma_wait3A_2554 = tpu.memref_slice %arg4[%add3A_2526, %dma_wait3A_2553] : memref<8192x4096xf32, #tpu.memory_space<hbm>> -> memref<2x4096xf32, #tpu.memory_space<hbm>>
    %dma_wait3A_2555 = arith.constant 0 : i32
    %dma_wait3A_2556 = tpu.memref_slice %arg4[%add3A_2526, %dma_wait3A_2555] : memref<8192x4096xf32, #tpu.memory_space<hbm>> -> memref<2x4096xf32, #tpu.memory_space<hbm>>
    tpu.wait_dma2 semaphore(%arg20 : memref<!tpu.dma_semaphore, #tpu.memory_space<semaphore_mem>>) src(%arg12 : memref<2x4096xf32, #tpu.memory_space<vmem>>) dst(%dma_wait3A_2556 : memref<2x4096xf32, #tpu.memory_space<hbm>>)
    %dma_wait3A_2557 = arith.constant 0 : i32
    %dma_wait3A_2558 = tpu.memref_slice %arg4[%add3A_2540, %dma_wait3A_2557] : memref<8192x4096xf32, #tpu.memory_space<hbm>> -> memref<2x4096xf32, #tpu.memory_space<hbm>>
    %dma_wait3A_2559 = arith.constant 0 : i32
    %dma_wait3A_2560 = tpu.memref_slice %arg4[%add3A_2540, %dma_wait3A_2559] : memref<8192x4096xf32, #tpu.memory_space<hbm>> -> memref<2x4096xf32, #tpu.memory_space<hbm>>
    tpu.wait_dma2 semaphore(%arg21 : memref<!tpu.dma_semaphore, #tpu.memory_space<semaphore_mem>>) src(%arg13 : memref<2x4096xf32, #tpu.memory_space<vmem>>) dst(%dma_wait3A_2560 : memref<2x4096xf32, #tpu.memory_space<hbm>>)
    return
  }
}

module attributes {stable_mosaic.version = 14 : i64} {
  func.func @_tc_sample_body(%arg0: i32, %arg1: i32, %arg2: memref<512x512xf32, #tpu.memory_space<vmem>>, %arg3: memref<512x512xf32, #tpu.memory_space<vmem>>, %arg4: memref<512x512xf32, #tpu.memory_space<vmem>>, %arg5: memref<512x1xi32, #tpu.memory_space<vmem>>, %arg6: memref<512x1xf32, #tpu.memory_space<vmem>>, %arg7: memref<512x1xi32, #tpu.memory_space<vmem>>) attributes {dimension_semantics = [#tpu.dimension_semantics<arbitrary>, #tpu.dimension_semantics<arbitrary>], iteration_bounds = array<i64: 8, 16>, scalar_prefetch = 0 : i64, scratch_operands = 2 : i64, tpu.core_type = #tpu.core_type<tc>, window_params = [{transform_indices = @transform_0, window_bounds = array<i64: 512, 512>}, {transform_indices = @transform_1, window_bounds = array<i64: 512, 512>}, {transform_indices = @transform_2, window_bounds = array<i64: 512, 512>}, {transform_indices = @transform_3, window_bounds = array<i64: 512, 1>}]} {
    %get3A = arith.constant 0 : index
    %get3A_0 = arith.constant 0 : index
    %get3A_1 = vector.load %arg2[%get3A, %get3A_0] : memref<512x512xf32, #tpu.memory_space<vmem>>, vector<512x512xf32>
    %transpose3A = tpu.transpose %get3A_1, [1, 0] : vector<512x512xf32> -> vector<512x512xf32>
    %swap3A = arith.constant 0 : index
    %swap3A_2 = arith.constant 0 : index
    %swap3A_3 = vector.load %arg4[%swap3A, %swap3A_2] : memref<512x512xf32, #tpu.memory_space<vmem>>, vector<512x512xf32>
    tpu.vector_store %arg4[%swap3A, %swap3A_2], %transpose3A {strides = array<i32>} : memref<512x512xf32, #tpu.memory_space<vmem>>, vector<512x512xf32>,
    %add3A = arith.constant 9.99999971E-10 : f32
    %add3A_4 = vector.broadcast %add3A : f32 to vector<512x512xf32>
    %add3A_5 = arith.addf %transpose3A, %add3A_4 : vector<512x512xf32>
    %log3A = math.log %add3A_5 : vector<512x512xf32>
    %get3A_6 = arith.constant 0 : index
    %get3A_7 = arith.constant 0 : index
    %get3A_8 = vector.load %arg3[%get3A_6, %get3A_7] : memref<512x512xf32, #tpu.memory_space<vmem>>, vector<512x512xf32>
    %add3A_9 = arith.addf %log3A, %get3A_8 : vector<512x512xf32>
    %reduce_max3A = arith.constant dense<0xFF800000> : vector<512xf32>
    %reduce_max3A_10 = vector.multi_reduction <maximumf>, %add3A_9, %reduce_max3A [1] : vector<512x512xf32> to vector<512xf32>
    %broadcast_in_dim3A = vector.shape_cast %reduce_max3A_10 : vector<512xf32> to vector<512x1xf32>
    %iota3A = tpu.iota {dimensions = array<i32: 1>} : vector<512x512xi32>
    %mul3A = arith.constant 512 : i32
    %mul3A_11 = arith.muli %arg1, %mul3A : i32
    %add3A_12 = vector.broadcast %mul3A_11 : i32 to vector<512x512xi32>
    %add3A_13 = arith.addi %iota3A, %add3A_12 : vector<512x512xi32>
    %eq3A = vector.broadcast %broadcast_in_dim3A : vector<512x1xf32> to vector<512x512xf32>
    %eq3A_14 = arith.cmpf oeq, %add3A_9, %eq3A : vector<512x512xf32>
    %jit3A = arith.constant 1073741824 : i32
    %broadcast_in_dim3A_15 = vector.broadcast %jit3A : i32 to vector<512x512xi32>
    %select_n3A = arith.select %eq3A_14, %add3A_13, %broadcast_in_dim3A_15 : vector<512x512xi1>, vector<512x512xi32>
    %reduce_min3A = arith.constant dense<2147483647> : vector<512xi32>
    %reduce_min3A_16 = vector.multi_reduction <minsi>, %select_n3A, %reduce_min3A [1] : vector<512x512xi32> to vector<512xi32>
    %broadcast_in_dim3A_17 = vector.shape_cast %reduce_min3A_16 : vector<512xi32> to vector<512x1xi32>
    %eq3A_18 = arith.constant 0 : i32
    %eq3A_19 = arith.cmpi eq, %arg1, %eq3A_18 : i32
    %convert_element_type3A = arith.extui %eq3A_19 : i1 to i32
    %cond3A = arith.constant 0 : i32
    %cond3A_20 = arith.cmpi ne, %convert_element_type3A, %cond3A : i32
    scf.if %cond3A_20 {
      %swap3A_30 = arith.constant 0 : index
      %swap3A_31 = arith.constant 0 : index
      %swap3A_32 = vector.load %arg6[%swap3A_30, %swap3A_31] : memref<512x1xf32, #tpu.memory_space<vmem>>, vector<512x1xf32>
      tpu.vector_store %arg6[%swap3A_30, %swap3A_31], %broadcast_in_dim3A {strides = array<i32>} : memref<512x1xf32, #tpu.memory_space<vmem>>, vector<512x1xf32>,
      %swap3A_33 = arith.constant 0 : index
      %swap3A_34 = arith.constant 0 : index
      %swap3A_35 = vector.load %arg7[%swap3A_33, %swap3A_34] : memref<512x1xi32, #tpu.memory_space<vmem>>, vector<512x1xi32>
      tpu.vector_store %arg7[%swap3A_33, %swap3A_34], %broadcast_in_dim3A_17 {strides = array<i32>} : memref<512x1xi32, #tpu.memory_space<vmem>>, vector<512x1xi32>,
    } else {
    }
    %gt3A = arith.constant 0 : i32
    %gt3A_21 = arith.cmpi sgt, %arg1, %gt3A : i32
    %convert_element_type3A_22 = arith.extui %gt3A_21 : i1 to i32
    %cond3A_23 = arith.constant 0 : i32
    %cond3A_24 = arith.cmpi ne, %convert_element_type3A_22, %cond3A_23 : i32
    scf.if %cond3A_24 {
      %get3A_30 = arith.constant 0 : index
      %get3A_31 = arith.constant 0 : index
      %get3A_32 = vector.load %arg6[%get3A_30, %get3A_31] : memref<512x1xf32, #tpu.memory_space<vmem>>, vector<512x1xf32>
      %gt3A_33 = arith.cmpf ogt, %broadcast_in_dim3A, %get3A_32 : vector<512x1xf32>
      %get3A_34 = arith.constant 0 : index
      %get3A_35 = arith.constant 0 : index
      %get3A_36 = vector.load %arg7[%get3A_34, %get3A_35] : memref<512x1xi32, #tpu.memory_space<vmem>>, vector<512x1xi32>
      %select_n3A_37 = arith.select %gt3A_33, %broadcast_in_dim3A_17, %get3A_36 : vector<512x1xi1>, vector<512x1xi32>
      %swap3A_38 = arith.constant 0 : index
      %swap3A_39 = arith.constant 0 : index
      %swap3A_40 = vector.load %arg7[%swap3A_38, %swap3A_39] : memref<512x1xi32, #tpu.memory_space<vmem>>, vector<512x1xi32>
      tpu.vector_store %arg7[%swap3A_38, %swap3A_39], %select_n3A_37 {strides = array<i32>} : memref<512x1xi32, #tpu.memory_space<vmem>>, vector<512x1xi32>,
      %get3A_41 = arith.constant 0 : index
      %get3A_42 = arith.constant 0 : index
      %get3A_43 = vector.load %arg6[%get3A_41, %get3A_42] : memref<512x1xf32, #tpu.memory_space<vmem>>, vector<512x1xf32>
      %select_n3A_44 = arith.select %gt3A_33, %broadcast_in_dim3A, %get3A_43 : vector<512x1xi1>, vector<512x1xf32>
      %swap3A_45 = arith.constant 0 : index
      %swap3A_46 = arith.constant 0 : index
      %swap3A_47 = vector.load %arg6[%swap3A_45, %swap3A_46] : memref<512x1xf32, #tpu.memory_space<vmem>>, vector<512x1xf32>
      tpu.vector_store %arg6[%swap3A_45, %swap3A_46], %select_n3A_44 {strides = array<i32>} : memref<512x1xf32, #tpu.memory_space<vmem>>, vector<512x1xf32>,
    } else {
    }
    %eq3A_25 = arith.constant 15 : i32
    %eq3A_26 = arith.cmpi eq, %arg1, %eq3A_25 : i32
    %convert_element_type3A_27 = arith.extui %eq3A_26 : i1 to i32
    %cond3A_28 = arith.constant 0 : i32
    %cond3A_29 = arith.cmpi ne, %convert_element_type3A_27, %cond3A_28 : i32
    scf.if %cond3A_29 {
      %get3A_30 = arith.constant 0 : index
      %get3A_31 = arith.constant 0 : index
      %get3A_32 = vector.load %arg7[%get3A_30, %get3A_31] : memref<512x1xi32, #tpu.memory_space<vmem>>, vector<512x1xi32>
      %swap3A_33 = arith.constant 0 : index
      %swap3A_34 = arith.constant 0 : index
      %swap3A_35 = vector.load %arg5[%swap3A_33, %swap3A_34] : memref<512x1xi32, #tpu.memory_space<vmem>>, vector<512x1xi32>
      tpu.vector_store %arg5[%swap3A_33, %swap3A_34], %get3A_32 {strides = array<i32>} : memref<512x1xi32, #tpu.memory_space<vmem>>, vector<512x1xi32>,
    } else {
    }
    return
  }
  func.func @transform_0(%arg0: i32, %arg1: i32) -> (i32, i32) {
    %c0_i32 = arith.constant 0 : i32
    return %arg1, %arg0 : i32, i32
  }
  func.func @transform_1(%arg0: i32, %arg1: i32) -> (i32, i32) {
    %c0_i32 = arith.constant 0 : i32
    return %arg0, %arg1 : i32, i32
  }
  func.func @transform_2(%arg0: i32, %arg1: i32) -> (i32, i32) {
    %c0_i32 = arith.constant 0 : i32
    return %arg0, %arg1 : i32, i32
  }
  func.func @transform_3(%arg0: i32, %arg1: i32) -> (i32, i32) {
    %c0_i32 = arith.constant 0 : i32
    %c0_i32_0 = arith.constant 0 : i32
    return %arg0, %c0_i32 : i32, i32
  }
}

</mosaic_0001>

<sc_bundles>
// kernel: kernel.4.cloned.1.call-start
scs
__scs_entry_jumppad:
0x0: {  	(pc) =	sbr.rel $0x88, $3  }
0x1: {  	(tag) =	ssettag $0x0;
	lr =	simm.s32 $0x1  }
0x2: {  	[smem:$0x3F9F] =	sst lr;
	_ =	strace $0xD0000000  }
0x3: {  	_ = 	snop  }
0x4: {  	_ = 	snop  }
0x5: {  	_ = 	snop  }
0x6: {  	_ = 	snop  }
0x7: {  	_ = 	snop  }
__scs_overlays_trampoline_lowered:
0x8: {  	[smem:$0x3FAE] =	sst s0  }
0x9: {  	[smem:$0x3FAF] =	sst s1  }
0xa: {  	[smem:$0x3FB0] =	sst s2  }
0xb: {  	[smem:$0x3FB1] =	sst s3  }
0xc: {  	[smem:$0x3FB2] =	sst s4  }
0xd: {  	[smem:$0x3FB3] =	sst s5  }
0xe: {  	[smem:$0x3FB4] =	sst s6  }
0xf: {  	[smem:$0x3FB5] =	sst s7  }
0x10: {  	[smem:$0x3FB6] =	sst s8  }
0x11: {  	[smem:$0x3FB7] =	sst s9;
	s0 =	simm.s32 @!p0 $0x0  }
0x12: {  	s1 =	sld [smem:$0x3F9D];
	s0 =	simm.s32 @p0 $0x1  }
0x13: {  	[smem:$0x3FB8] =	sst s0;
	s0 =	simm.s32 @!p1 $0x0  }
0x14: {  	s2 =	sld [smem:$0x3F9C];
	s0 =	simm.s32 @p1 $0x1  }
0x15: {  	[smem:$0x3FB9] =	sst s0;
	s0 =	simm.s32 @!p2 $0x0  }
0x16: {  	s3 =	sld [smem:$0x3FDB];
	s0 =	simm.s32 @p2 $0x1  }
0x17: {  	s4 =	simm.s32 $0x1BF5;
	[smem:$0x3FBB] =	sst s0  }
0x18: {  	s0 =	sld [smem:$0x3F9E];
	_ =	swait.ge [sflag:s4], $0x0  }
0x19: {  	s7 =	sld [smem:$0x3F9F]  }
0x1a: {  	s8 =	sadd.s32 $0xFFFFE003, lr  }
0x1b: {  	s9 =	sadd.s32 $0xFFFFFEF7, lr;
	s5 =	simm.s32 $0xFFFFFFFF;
	p2 =	slt.u32 s8, $0xFFFFF086  }
0x1c: {  	p1 =	slt.u32 s9, $0xF7A;
	s5 =	simm.s32 @!p2 $0x0  }
0x1d: {  	s5 =	simm.s32 @p1 $0x1;
	p0 =	seq.s32 s7, s2  }
0x1e: {  	s7 =	smul.u32 @!p0 $0xF7A, s2;
	p2 =	seq.s32 @!p0 s5, $0x0  }
0x1f: {  	s9 =	smul.u32 $0xF7A, s1;
	s8 =	simm.s32 @!p0 $0x1BF5;
	p2 =	por !p2, p0  }
0x20: {  	[sflag:s8] =	ssyncset.s32 @!p0 $0xFFFFF086;
	s6 =	sadd.s32 @!p0 s3, s7;
	s7 =	simm.s32 @!p0 $0x108  }
0x21: {  	s3 =	sadd.s32 s3, s9;
	s6 =	sadd.s32 @!p0 $0x88, s6;
	s7 =	simm.s32 @p2 $0x1082  }
0x22: {  	[simem:s7], [sflag:s8] =	dma.local @!p0 [hbm:s6], $0xF7A  }
0x23: {  	s9 =	sor.u32 $0xD0000000, s2;
	s6 =	simm.s32 $0x108;
	_ =	swait.ge @!p0 [sflag:s8], $0x0  }
0x24: {  	s3 =	sadd.s32 $0x88, s3;
	s6 =	simm.s32 @!p1 $0x1082;
	[sflag:s4] =	ssyncset.s32 $0xFFFFF086  }
0x25: {  	[simem:s6], [sflag:s4] =	dma.local [hbm:s3], $0xF7A  }
0x26: {  	[smem:$0x3F9F] =	sst s1;
	(tag) =	ssettag s2;
	_ =	strace s9  }
0x27: {  	s1 =	sld [smem:$0x3FAF]  }
0x28: {  	s2 =	sld [smem:$0x3FB0]  }
0x29: {  	s4 =	sld [smem:$0x3FB2]  }
0x2a: {  	p0 =	seq.s32 s5, $0x0;
	s5 =	sld [smem:$0x3FB3]  }
0x2b: {  	s6 =	sld [smem:$0x3FB4]  }
0x2c: {  	s7 =	sld [smem:$0x3FB5]  }
0x2d: {  	s3 =	simm.s32 $0x108;
	s8 =	sld [smem:$0x3FB6]  }
0x2e: {  	s3 =	simm.s32 @!p0 $0x1082;
	s9 =	sld [smem:$0x3FB7]  }
0x2f: {  	lr =	sadd.s32 s0, s3;
	s0 =	sld [smem:$0x3FAE]  }
0x30: {  	s3 =	sld [smem:$0x3FB1]  }
0x31: {  	[smem:$0x3FBA] =	sst s10  }
0x32: {  	s10 =	sld [smem:$0x3FB8];
	_ =	sdelay $0x3  }
0x33: {  	p0 =	seq.s32 s10, $0x1;
	s10 =	sld [smem:$0x3FBA];
	_ =	sdelay $0x3  }
0x34: {  	[smem:$0x3FBA] =	sst s10  }
0x35: {  	s10 =	sld [smem:$0x3FB9];
	_ =	sdelay $0x3  }
0x36: {  	p1 =	seq.s32 s10, $0x1;
	s10 =	sld [smem:$0x3FBA];
	_ =	sdelay $0x3  }
0x37: {  	[smem:$0x3FBA] =	sst s10  }
0x38: {  	s10 =	sld [smem:$0x3FBB]  }
0x39: {  	_ = 	snop;
	(pc) =	sbr.ind lr, $3  }
0x3a: {  	_ = 	snop  }
0x3b: {  	_ = 	snop  }
0x3c: {  	p2 =	seq.s32 s10, $0x1;
	s10 =	sld [smem:$0x3FBA]  }
0x3d: {  	_ =	shalt  }
0x3e: {  	_ =	shalt  }
0x3f: {  	_ =	shalt  }
0x40: {  	_ =	shalt  }
0x41: {  	_ =	shalt  }
0x42: {  	_ =	shalt  }
0x43: {  	_ =	shalt  }
0x44: {  	_ =	shalt  }
0x45: {  	_ =	shalt  }
0x46: {  	_ =	shalt  }
0x47: {  	_ =	shalt  }
0x48: {  	_ =	shalt  }
0x49: {  	_ =	shalt  }
0x4a: {  	_ =	shalt  }
0x4b: {  	_ =	shalt  }
0x4c: {  	_ =	shalt  }
0x4d: {  	_ =	shalt  }
0x4e: {  	_ =	shalt  }
0x4f: {  	_ =	shalt  }
0x50: {  	_ =	shalt  }
0x51: {  	_ =	shalt  }
0x52: {  	_ =	shalt  }
0x53: {  	_ =	shalt  }
0x54: {  	_ =	shalt  }
0x55: {  	_ =	shalt  }
0x56: {  	_ =	shalt  }
0x57: {  	_ =	shalt  }
0x58: {  	_ =	shalt  }
0x59: {  	_ =	shalt  }
0x5a: {  	_ =	shalt  }
0x5b: {  	_ =	shalt  }
0x5c: {  	_ =	shalt  }
0x5d: {  	_ =	shalt  }
0x5e: {  	_ =	shalt  }
0x5f: {  	_ =	shalt  }
0x60: {  	_ =	shalt  }
0x61: {  	_ =	shalt  }
0x62: {  	_ =	shalt  }
0x63: {  	_ =	shalt  }
0x64: {  	_ =	shalt  }
0x65: {  	_ =	shalt  }
0x66: {  	_ =	shalt  }
0x67: {  	_ =	shalt  }
0x68: {  	_ =	shalt  }
0x69: {  	_ =	shalt  }
0x6a: {  	_ =	shalt  }
0x6b: {  	_ =	shalt  }
0x6c: {  	_ =	shalt  }
0x6d: {  	_ =	shalt  }
0x6e: {  	_ =	shalt  }
0x6f: {  	_ =	shalt  }
0x70: {  	_ =	shalt  }
0x71: {  	_ =	shalt  }
0x72: {  	_ =	shalt  }
0x73: {  	_ =	shalt  }
0x74: {  	_ =	shalt  }
0x75: {  	_ =	shalt  }
0x76: {  	_ =	shalt  }
0x77: {  	_ =	shalt  }
0x78: {  	_ =	shalt  }
0x79: {  	_ =	shalt  }
0x7a: {  	_ =	shalt  }
0x7b: {  	_ =	shalt  }
0x7c: {  	_ =	shalt  }
0x7d: {  	_ =	shalt  }
0x7e: {  	_ =	shalt  }
0x7f: {  	_ =	shalt  }
0x80: {  	_ =	shalt  }
0x81: {  	_ =	shalt  }
0x82: {  	_ =	shalt  }
0x83: {  	_ =	shalt  }
0x84: {  	_ =	shalt  }
0x85: {  	_ =	shalt  }
0x86: {  	_ =	shalt  }
0x87: {  	_ =	shalt  }
.Lfunc_end0:
.L_simem_size_0:
called_computation_lowered:
.L_overlay_start_0:
0x88: {  	s2 =	sld [smem:$0x3FD9]  }
0x89: {  	s3 =	sld [smem:$0x3FFE];
	_ =	sdelay $0x1  }
0x8a: {  	s1 =	srdreg.scid  }
0x8b: {  	s0 =	sand.u32 $0x1, s1  }
0x8c: {  	s17 =	sshll.u32 s0, $0xA;
	s2 =	sadd.s32 s3, s2  }
0x8d: {  	s2 =	sadd.s32 s2, s17  }
0x8e: {  	[smem:$0x3FC6] =	sst s2  }
0x8f: {  	_ = 	snop  }
0x90: {  	s2 =	sld [smem:$0x3FC9]  }
0x91: {  	s18 =	sld [smem:$0x3FC8];
	(tm) =	ssettm $0x1  }
0x92: {  	s4 =	sld [smem:$0x3FFB];
	_ =	sdelay $0x3  }
0x93: {  	_ =	strace s4  }
0x94: {  	s4 =	sld [smem:$0x3FFC];
	_ =	sdelay $0x3  }
0x95: {  	_ =	strace s4  }
0x96: {  	s4 =	sld [smem:$0x3FFD];
	_ =	sdelay $0x3  }
0x97: {  	_ =	strace s4  }
0x98: {  	_ =	strace $0x8FFFFFFF  }
0x99: {  	s19 =	sld [smem:$0x3FDB];
	_ =	sdelay $0x1  }
0x9a: {  	s5 =	simm.s32 $_scs_section_size  }
0x9b: {  	s6 =	simm.s32 $_size__tile_overlayer_lowered;
	s7 =	simm.s32 $_tile_overlayer_lowered  }
0x9c: {  	s22 =	simm.s32 $0x1BFF;
	s21 =	sshll.u32 s7, $0x1;
	s4 =	sadd.s32 s5, s19  }
0x9d: {  	s8 =	simm.s32 $0x0;
	s20 =	sshll.u32 s6, $0x1;
	s6 =	sadd.s32 s21, s4  }
0x9e: {  	[timem:s8], [sflag:s22] =	dma.local [hbm:s6], s20  }
0x9f: {  	_ =	swait.ge [sflag:s22], s20  }
0xa0: {  	s5 =	ssub.s32 $0x0, s20;
	[sflag:s22] =	ssyncset.done $0x0  }
0xa1: {  	[sflag:s22] =	ssyncadd.s32 s5;
	_ =	sdelay $0x1  }
0xa2: {  	s23 =	simm.s32 $0x1B8B  }
0xa3: {  	_ =	swait.ge [sflag:s23], $0x1  }
0xa4: {  	[sflag:s23] =	ssyncset.done $0x0  }
0xa5: {  	s25 =	simm.s32 $0x1B8E;
	s24 =	sld [smem:$0x3FFE];
	[sflag:s23] =	ssyncadd.s32 $0xFFFFFFFF  }
0xa6: {  	s26 =	simm.s32 $execute0_lowered;
	[smem:$0x3FD2] =	sst s25  }
0xa7: {  	s6 =	sshll.u32 s26, $0x1;
	_ =	strace $0x80000046;
	[dreg:$0x1] =	wrdreg $0xFFFFFFFF  }
0xa8: {  	s28 =	simm.s32 $_size_execute0_lowered;
	s4 =	sadd.s32 s4, s6;
	[dreg:$0x0] =	wrdreg $0x0  }
0xa9: {  	s6 =	sshll.u32 s28, $0x1;
	[dreg:$0x2] =	wrdreg s4  }
0xaa: {  	[dreg:$0x3] =	wrdreg s6  }
0xab: {  	[dreg:$0x4] =	wrdreg $0xC0  }
0xac: {  	_ =	task [dreg:s8], $0x5FFFF  }
0xad: {  	[dreg:$0x1] =	wrdreg $0xFFFFFFFF  }
0xae: {  	[dreg:$0x0] =	wrdreg $0x60  }
0xaf: {  	[dreg:$0x2] =	wrdreg s2  }
0xb0: {  	[dreg:$0x3] =	wrdreg s18  }
0xb1: {  	[dreg:$0x4] =	wrdreg s24  }
0xb2: {  	[dreg:$0x5] =	wrdreg $0x9  }
0xb3: {  	_ =	task.clear_ibuf [dreg:s8], $0x6FFFF;
	_ =	strace $0x90000046  }
0xb4: {  	s29 =	simm.s32 $0x9;
	_ =	strace $0x80000048  }
0xb5: {  	_ =	swait.ge [sflag:s29], $0x1  }
0xb6: {  	[sflag:s29] =	ssyncadd.s32 $0xFFFFFFFF  }
0xb7: {  	_ =	strace $0x90000048  }
0xb8: {  	_ =	sfence  }
0xb9: {  	s30 =	sld [smem:$0x0];
	_ =	sdelay $0x2  }
0xba: {  	s31 =	sshll.u32 s1, $0xD;
	s1 =	sshrl.u32 s1, $0x2  }
0xbb: {  	s3 =	sand.u32 $0x4000, s31;
	s1 =	sadd.s32 s1, s30  }
0xbc: {  	s0 =	sor.u32 s3, s0;
	s1 =	sshll.u32 s1, $0x11  }
0xbd: {  	s0 =	sor.u32 s1, s0  }
0xbe: {  	s0 =	sadd.s32 $0x8F2B, s0  }
0xbf: {  	[sflag:s0] =	ssyncadd.remote.s32 $0x1  }
0xc0: {  	_ =	sfence.sel $0xFFFF  }
0xc1: {  	[dreg:$0x0] =	wrdreg $0xFFFFFFFF;
	(pc) =	sbr.abs _section_cstart, $3  }
0xc2: {  	[dreg:$0x1] =	wrdreg $0xFFFFFFFF  }
0xc3: {  	_ =	task.clear_ibuf [dreg:s8], $0x2FFFF;
	_ =	strace $0x9FFFFFFF  }
0xc4: {  	(tm) =	ssettm $0x7FFFFFFF  }
0xc5: {  	_ =	shalt  }
tec
execute0_lowered:
.L_overlay_start_1:
0x0: {  	(tag) =	ssettag $0x1  }
0x1: {  	s0 =	rddreg [dreg:$0x0];
	s2 =	srdreg.scid  }
0x2: {  	s1 =	rddreg [dreg:$0x1];
	s19 =	stileid.u32;
	s3 =	sand.u32 $0x1, s2  }
0x3: {  	s11 =	rddreg [dreg:$0x2];
	s4 =	sshll.u32 s19, $0x9;
	s5 =	sshll.u32 s3, $0x8  }
0x4: {  	s20 =	simm.s32 $0x0;
	[dreg:$0x4] =	wrdreg s0;
	s9 =	sor.u32 s5, s4  }
0x5: {  	[smem:$0x7FF] =	sst s20;
	s10 =	sshll.u32 s9, $0xA  }
0x6: {  	_ =	strace $0x80000047;
	s4 =	sadd.s32 $0x20, s1;
	s21 =	sadd.s32 s1, s10  }
0x7: {  	s5 =	sadd.s32 $0x40, s1;
	s6 =	sadd.s32 s10, s4;
	[dreg:$0x5] =	wrdreg s21  }
0x8: {  	s7 =	sadd.s32 $0x60, s1;
	s22 =	sadd.s32 s10, s5;
	[dreg:$0x6] =	wrdreg s6  }
0x9: {  	s8 =	sadd.s32 $0x400, s11;
	s10 =	sadd.s32 s10, s7;
	[dreg:$0x7] =	wrdreg s22  }
0xa: {  	s12 =	sshll.u32 s9, $0x9;
	s6 =	sshrl.u32 s9, $0x3;
	[dreg:$0x8] =	wrdreg s10  }
0xb: {  	s9 =	sadd.s32 s8, s12;
	s10 =	sadd.s32 $0x440, s11;
	s13 =	sor.u32 $0x1, s6  }
0xc: {  	[dreg:$0x9] =	wrdreg s9;
	s9 =	sadd.s32 $0x420, s11;
	s25 =	sadd.s32 s12, s10  }
0xd: {  	s11 =	sadd.s32 $0x460, s11;
	s24 =	sadd.s32 s12, s9;
	[dreg:$0xd] =	wrdreg s25  }
0xe: {  	s14 =	sshll.u32 s13, $0xD;
	s12 =	sadd.s32 s12, s11;
	[dreg:$0xb] =	wrdreg s24  }
0xf: {  	s23 =	sadd.s32 s1, s14;
	[dreg:$0xf] =	wrdreg s12  }
0x10: {  	s15 =	sadd.s32 s14, s4;
	[dreg:$0xa] =	wrdreg s23  }
0x11: {  	s2 =	sor.u32 $0x2, s6;
	s26 =	sadd.s32 s14, s5;
	[dreg:$0xc] =	wrdreg s15  }
0x12: {  	s16 =	sshll.u32 s2, $0xD;
	s0 =	sadd.s32 s14, s7;
	[dreg:$0xe] =	wrdreg s26  }
0x13: {  	s13 =	sshll.u32 s13, $0xC;
	s17 =	sadd.s32 s1, s16;
	[dreg:$0x10] =	wrdreg s0  }
0x14: {  	s18 =	sadd.s32 s13, s9;
	[dreg:$0x12] =	wrdreg s17  }
0x15: {  	s19 =	sadd.s32 s16, s4;
	[dreg:$0x13] =	wrdreg s18  }
0x16: {  	s20 =	sadd.s32 s13, s10;
	[dreg:$0x14] =	wrdreg s19  }
0x17: {  	s21 =	sadd.s32 s16, s5;
	[dreg:$0x15] =	wrdreg s20  }
0x18: {  	s22 =	sadd.s32 s13, s11;
	[dreg:$0x16] =	wrdreg s21  }
0x19: {  	s15 =	sadd.s32 s8, s13;
	[dreg:$0x17] =	wrdreg s22  }
0x1a: {  	s24 =	sshll.u32 s2, $0xC;
	s23 =	sadd.s32 s16, s7;
	[dreg:$0x11] =	wrdreg s15  }
0x1b: {  	s26 =	sadd.s32 s8, s24;
	[dreg:$0x18] =	wrdreg s23  }
0x1c: {  	s16 =	sadd.s32 s24, s9;
	[dreg:$0x19] =	wrdreg s26  }
0x1d: {  	s25 =	sor.u32 $0x3, s6;
	s18 =	sadd.s32 s24, s10;
	[dreg:$0x1b] =	wrdreg s16  }
0x1e: {  	s0 =	sshll.u32 s25, $0xD;
	s20 =	sadd.s32 s24, s11;
	[dreg:$0x1d] =	wrdreg s18  }
0x1f: {  	s2 =	sadd.s32 s1, s0;
	[dreg:$0x1f] =	wrdreg s20  }
0x20: {  	s17 =	sadd.s32 s0, s4;
	[dreg:$0x1a] =	wrdreg s2  }
0x21: {  	s19 =	sadd.s32 s0, s5;
	[dreg:$0x1c] =	wrdreg s17  }
0x22: {  	s22 =	sshll.u32 s25, $0xC;
	s21 =	sadd.s32 s0, s7;
	[dreg:$0x1e] =	wrdreg s19  }
0x23: {  	s24 =	sadd.s32 s8, s22;
	[smem:$0x722] =	sst s21  }
0x24: {  	s0 =	sadd.s32 s22, s9;
	[smem:$0x723] =	sst s24  }
0x25: {  	s23 =	sor.u32 $0x4, s6;
	s16 =	sadd.s32 s22, s10;
	[smem:$0x725] =	sst s0  }
0x26: {  	s18 =	sadd.s32 s22, s11;
	s25 =	sshll.u32 s23, $0xD;
	[smem:$0x727] =	sst s16  }
0x27: {  	[smem:$0x729] =	sst s18;
	s26 =	sadd.s32 s1, s25  }
0x28: {  	s2 =	sadd.s32 s25, s4;
	[smem:$0x724] =	sst s26  }
0x29: {  	s17 =	sadd.s32 s25, s5;
	[smem:$0x726] =	sst s2  }
0x2a: {  	s20 =	sshll.u32 s23, $0xC;
	s19 =	sadd.s32 s25, s7;
	[smem:$0x728] =	sst s17  }
0x2b: {  	s22 =	sadd.s32 s8, s20;
	[smem:$0x72A] =	sst s19  }
0x2c: {  	s25 =	sadd.s32 s20, s9;
	[smem:$0x72B] =	sst s22  }
0x2d: {  	s21 =	sor.u32 $0x5, s6;
	s0 =	sadd.s32 s20, s10;
	[smem:$0x72D] =	sst s25  }
0x2e: {  	s23 =	sshll.u32 s21, $0xD;
	s13 =	sadd.s32 s20, s11;
	[smem:$0x72F] =	sst s0  }
0x2f: {  	s24 =	sadd.s32 s1, s23;
	[smem:$0x731] =	sst s13  }
0x30: {  	s26 =	sadd.s32 s23, s4;
	[smem:$0x72C] =	sst s24  }
0x31: {  	s2 =	sadd.s32 s23, s5;
	[smem:$0x72E] =	sst s26  }
0x32: {  	s16 =	sshll.u32 s21, $0xC;
	s15 =	sadd.s32 s23, s7;
	[smem:$0x730] =	sst s2  }
0x33: {  	s18 =	sadd.s32 s8, s16;
	[smem:$0x732] =	sst s15  }
0x34: {  	s21 =	sadd.s32 s16, s9;
	[smem:$0x733] =	sst s18  }
0x35: {  	s17 =	sor.u32 $0x6, s6;
	s23 =	sadd.s32 s16, s10;
	[smem:$0x735] =	sst s21  }
0x36: {  	s25 =	sadd.s32 s16, s11;
	s19 =	sshll.u32 s17, $0xD;
	[smem:$0x737] =	sst s23  }
0x37: {  	[smem:$0x739] =	sst s25;
	s20 =	sadd.s32 s1, s19  }
0x38: {  	s22 =	sadd.s32 s19, s4;
	[smem:$0x734] =	sst s20  }
0x39: {  	s24 =	sadd.s32 s19, s5;
	[smem:$0x736] =	sst s22  }
0x3a: {  	s0 =	sshll.u32 s17, $0xC;
	s26 =	sadd.s32 s19, s7;
	[smem:$0x738] =	sst s24  }
0x3b: {  	s2 =	sor.u32 $0x7, s6;
	s15 =	sadd.s32 s8, s0;
	[smem:$0x73A] =	sst s26  }
0x3c: {  	s16 =	sshll.u32 s2, $0xD;
	s18 =	sadd.s32 s0, s9;
	[smem:$0x73B] =	sst s15  }
0x3d: {  	s17 =	sadd.s32 s1, s16;
	[smem:$0x73D] =	sst s18  }
0x3e: {  	s19 =	sadd.s32 s16, s4;
	[smem:$0x73C] =	sst s17  }
0x3f: {  	s20 =	sadd.s32 s0, s10;
	[smem:$0x73E] =	sst s19  }
0x40: {  	s21 =	sadd.s32 s16, s5;
	[smem:$0x73F] =	sst s20  }
0x41: {  	s25 =	sor.u32 $0x8, s6;
	s22 =	sadd.s32 s0, s11;
	[smem:$0x740] =	sst s21  }
0x42: {  	s23 =	sadd.s32 s16, s7;
	s24 =	sshll.u32 s2, $0xC;
	[smem:$0x741] =	sst s22  }
0x43: {  	s0 =	sshll.u32 s25, $0xD;
	[smem:$0x742] =	sst s23;
	s26 =	sadd.s32 s8, s24  }
0x44: {  	s2 =	sadd.s32 s1, s0;
	[smem:$0x743] =	sst s26  }
0x45: {  	s16 =	sadd.s32 s24, s9;
	[smem:$0x744] =	sst s2  }
0x46: {  	s17 =	sadd.s32 s0, s4;
	[smem:$0x745] =	sst s16  }
0x47: {  	s18 =	sadd.s32 s24, s10;
	[smem:$0x746] =	sst s17  }
0x48: {  	s19 =	sadd.s32 s0, s5;
	[smem:$0x747] =	sst s18  }
0x49: {  	s20 =	sadd.s32 s24, s11;
	[smem:$0x748] =	sst s19  }
0x4a: {  	s21 =	sadd.s32 s0, s7;
	s22 =	sshll.u32 s25, $0xC;
	[smem:$0x749] =	sst s20  }
0x4b: {  	[smem:$0x74A] =	sst s21;
	s24 =	sadd.s32 s8, s22  }
0x4c: {  	s0 =	sadd.s32 s22, s9;
	[smem:$0x74B] =	sst s24  }
0x4d: {  	s23 =	sor.u32 $0x9, s6;
	s16 =	sadd.s32 s22, s10;
	[smem:$0x74D] =	sst s0  }
0x4e: {  	s25 =	sshll.u32 s23, $0xD;
	s18 =	sadd.s32 s22, s11;
	[smem:$0x74F] =	sst s16  }
0x4f: {  	s26 =	sadd.s32 s1, s25;
	[smem:$0x751] =	sst s18  }
0x50: {  	s2 =	sadd.s32 s25, s4;
	[smem:$0x74C] =	sst s26  }
0x51: {  	s17 =	sadd.s32 s25, s5;
	[smem:$0x74E] =	sst s2  }
0x52: {  	s20 =	sshll.u32 s23, $0xC;
	s19 =	sadd.s32 s25, s7;
	[smem:$0x750] =	sst s17  }
0x53: {  	s22 =	sadd.s32 s8, s20;
	[smem:$0x752] =	sst s19  }
0x54: {  	s25 =	sadd.s32 s20, s9;
	[smem:$0x753] =	sst s22  }
0x55: {  	s21 =	sor.u32 $0xA, s6;
	s0 =	sadd.s32 s20, s10;
	[smem:$0x755] =	sst s25  }
0x56: {  	s23 =	sshll.u32 s21, $0xD;
	s13 =	sadd.s32 s20, s11;
	[smem:$0x757] =	sst s0  }
0x57: {  	s24 =	sadd.s32 s1, s23;
	[smem:$0x759] =	sst s13  }
0x58: {  	s26 =	sadd.s32 s23, s4;
	[smem:$0x754] =	sst s24  }
0x59: {  	s2 =	sadd.s32 s23, s5;
	[smem:$0x756] =	sst s26  }
0x5a: {  	s16 =	sshll.u32 s21, $0xC;
	s15 =	sadd.s32 s23, s7;
	[smem:$0x758] =	sst s2  }
0x5b: {  	s18 =	sadd.s32 s8, s16;
	[smem:$0x75A] =	sst s15  }
0x5c: {  	s21 =	sadd.s32 s16, s9;
	[smem:$0x75B] =	sst s18  }
0x5d: {  	s17 =	sor.u32 $0xB, s6;
	s23 =	sadd.s32 s16, s10;
	[smem:$0x75D] =	sst s21  }
0x5e: {  	s25 =	sadd.s32 s16, s11;
	s19 =	sshll.u32 s17, $0xD;
	[smem:$0x75F] =	sst s23  }
0x5f: {  	[smem:$0x761] =	sst s25;
	s20 =	sadd.s32 s1, s19  }
0x60: {  	s22 =	sadd.s32 s19, s4;
	[smem:$0x75C] =	sst s20  }
0x61: {  	s24 =	sadd.s32 s19, s5;
	[smem:$0x75E] =	sst s22  }
0x62: {  	s0 =	sshll.u32 s17, $0xC;
	s26 =	sadd.s32 s19, s7;
	[smem:$0x760] =	sst s24  }
0x63: {  	s2 =	sor.u32 $0xC, s6;
	s15 =	sadd.s32 s8, s0;
	[smem:$0x762] =	sst s26  }
0x64: {  	s16 =	sshll.u32 s2, $0xD;
	s18 =	sadd.s32 s0, s9;
	[smem:$0x763] =	sst s15  }
0x65: {  	s17 =	sadd.s32 s1, s16;
	[smem:$0x765] =	sst s18  }
0x66: {  	s19 =	sadd.s32 s16, s4;
	[smem:$0x764] =	sst s17  }
0x67: {  	s20 =	sadd.s32 s0, s10;
	[smem:$0x766] =	sst s19  }
0x68: {  	s21 =	sadd.s32 s16, s5;
	[smem:$0x767] =	sst s20  }
0x69: {  	s25 =	sor.u32 $0xD, s6;
	s22 =	sadd.s32 s0, s11;
	[smem:$0x768] =	sst s21  }
0x6a: {  	s23 =	sadd.s32 s16, s7;
	s24 =	sshll.u32 s2, $0xC;
	[smem:$0x769] =	sst s22  }
0x6b: {  	s0 =	sshll.u32 s25, $0xD;
	[smem:$0x76A] =	sst s23;
	s26 =	sadd.s32 s8, s24  }
0x6c: {  	s2 =	sadd.s32 s1, s0;
	[smem:$0x76B] =	sst s26  }
0x6d: {  	s16 =	sadd.s32 s24, s9;
	[smem:$0x76C] =	sst s2  }
0x6e: {  	s17 =	sadd.s32 s0, s4;
	[smem:$0x76D] =	sst s16  }
0x6f: {  	s18 =	sadd.s32 s24, s10;
	[smem:$0x76E] =	sst s17  }
0x70: {  	s19 =	sadd.s32 s0, s5;
	[smem:$0x76F] =	sst s18  }
0x71: {  	s20 =	sadd.s32 s24, s11;
	[smem:$0x770] =	sst s19  }
0x72: {  	s21 =	sadd.s32 s0, s7;
	s22 =	sshll.u32 s25, $0xC;
	[smem:$0x771] =	sst s20  }
0x73: {  	[smem:$0x772] =	sst s21;
	s24 =	sadd.s32 s8, s22  }
0x74: {  	s0 =	sadd.s32 s22, s9;
	[smem:$0x773] =	sst s24  }
0x75: {  	s23 =	sor.u32 $0xE, s6;
	s16 =	sadd.s32 s22, s10;
	[smem:$0x775] =	sst s0  }
0x76: {  	s25 =	sshll.u32 s23, $0xD;
	s18 =	sadd.s32 s22, s11;
	[smem:$0x777] =	sst s16  }
0x77: {  	s26 =	sadd.s32 s1, s25;
	[smem:$0x779] =	sst s18  }
0x78: {  	s2 =	sadd.s32 s25, s4;
	[smem:$0x774] =	sst s26  }
0x79: {  	s17 =	sadd.s32 s25, s5;
	[smem:$0x776] =	sst s2  }
0x7a: {  	s20 =	sshll.u32 s23, $0xC;
	s19 =	sadd.s32 s25, s7;
	[smem:$0x778] =	sst s17  }
0x7b: {  	s22 =	sadd.s32 s8, s20;
	[smem:$0x77A] =	sst s19  }
0x7c: {  	s25 =	sadd.s32 s20, s9;
	[smem:$0x77B] =	sst s22  }
0x7d: {  	s21 =	sor.u32 $0xF, s6;
	s0 =	sadd.s32 s20, s10;
	[smem:$0x77D] =	sst s25  }
0x7e: {  	s23 =	sshll.u32 s21, $0xD;
	s13 =	sadd.s32 s20, s11;
	[smem:$0x77F] =	sst s0  }
0x7f: {  	s24 =	sadd.s32 s1, s23;
	[smem:$0x781] =	sst s13  }
0x80: {  	s26 =	sadd.s32 s23, s4;
	[smem:$0x77C] =	sst s24  }
0x81: {  	s2 =	sadd.s32 s23, s5;
	[smem:$0x77E] =	sst s26  }
0x82: {  	s16 =	sshll.u32 s21, $0xC;
	s15 =	sadd.s32 s23, s7;
	[smem:$0x780] =	sst s2  }
0x83: {  	s18 =	sadd.s32 s8, s16;
	[smem:$0x782] =	sst s15  }
0x84: {  	s21 =	sadd.s32 s16, s9;
	[smem:$0x783] =	sst s18  }
0x85: {  	s17 =	sor.u32 $0x10, s6;
	s23 =	sadd.s32 s16, s10;
	[smem:$0x785] =	sst s21  }
0x86: {  	s25 =	sadd.s32 s16, s11;
	s19 =	sshll.u32 s17, $0xD;
	[smem:$0x787] =	sst s23  }
0x87: {  	[smem:$0x789] =	sst s25;
	s20 =	sadd.s32 s1, s19  }
0x88: {  	s22 =	sadd.s32 s19, s4;
	[smem:$0x784] =	sst s20  }
0x89: {  	s24 =	sadd.s32 s19, s5;
	[smem:$0x786] =	sst s22  }
0x8a: {  	s0 =	sshll.u32 s17, $0xC;
	s26 =	sadd.s32 s19, s7;
	[smem:$0x788] =	sst s24  }
0x8b: {  	s2 =	sor.u32 $0x11, s6;
	s15 =	sadd.s32 s8, s0;
	[smem:$0x78A] =	sst s26  }
0x8c: {  	s16 =	sshll.u32 s2, $0xD;
	s18 =	sadd.s32 s0, s9;
	[smem:$0x78B] =	sst s15  }
0x8d: {  	s17 =	sadd.s32 s1, s16;
	[smem:$0x78D] =	sst s18  }
0x8e: {  	s19 =	sadd.s32 s16, s4;
	[smem:$0x78C] =	sst s17  }
0x8f: {  	s20 =	sadd.s32 s0, s10;
	[smem:$0x78E] =	sst s19  }
0x90: {  	s21 =	sadd.s32 s16, s5;
	[smem:$0x78F] =	sst s20  }
0x91: {  	s25 =	sor.u32 $0x12, s6;
	s22 =	sadd.s32 s0, s11;
	[smem:$0x790] =	sst s21  }
0x92: {  	s23 =	sadd.s32 s16, s7;
	s24 =	sshll.u32 s2, $0xC;
	[smem:$0x791] =	sst s22  }
0x93: {  	s0 =	sshll.u32 s25, $0xD;
	[smem:$0x792] =	sst s23;
	s26 =	sadd.s32 s8, s24  }
0x94: {  	s2 =	sadd.s32 s1, s0;
	[smem:$0x793] =	sst s26  }
0x95: {  	s16 =	sadd.s32 s24, s9;
	[smem:$0x794] =	sst s2  }
0x96: {  	s17 =	sadd.s32 s0, s4;
	[smem:$0x795] =	sst s16  }
0x97: {  	s18 =	sadd.s32 s24, s10;
	[smem:$0x796] =	sst s17  }
0x98: {  	s19 =	sadd.s32 s0, s5;
	[smem:$0x797] =	sst s18  }
0x99: {  	s20 =	sadd.s32 s24, s11;
	[smem:$0x798] =	sst s19  }
0x9a: {  	s21 =	sadd.s32 s0, s7;
	s22 =	sshll.u32 s25, $0xC;
	[smem:$0x799] =	sst s20  }
0x9b: {  	[smem:$0x79A] =	sst s21;
	s24 =	sadd.s32 s8, s22  }
0x9c: {  	s0 =	sadd.s32 s22, s9;
	[smem:$0x79B] =	sst s24  }
0x9d: {  	s23 =	sor.u32 $0x13, s6;
	s16 =	sadd.s32 s22, s10;
	[smem:$0x79D] =	sst s0  }
0x9e: {  	s25 =	sshll.u32 s23, $0xD;
	s18 =	sadd.s32 s22, s11;
	[smem:$0x79F] =	sst s16  }
0x9f: {  	s26 =	sadd.s32 s1, s25;
	[smem:$0x7A1] =	sst s18  }
0xa0: {  	s2 =	sadd.s32 s25, s4;
	[smem:$0x79C] =	sst s26  }
0xa1: {  	s17 =	sadd.s32 s25, s5;
	[smem:$0x79E] =	sst s2  }
0xa2: {  	s20 =	sshll.u32 s23, $0xC;
	s19 =	sadd.s32 s25, s7;
	[smem:$0x7A0] =	sst s17  }
0xa3: {  	s22 =	sadd.s32 s8, s20;
	[smem:$0x7A2] =	sst s19  }
0xa4: {  	s25 =	sadd.s32 s20, s9;
	[smem:$0x7A3] =	sst s22  }
0xa5: {  	s21 =	sor.u32 $0x14, s6;
	s0 =	sadd.s32 s20, s10;
	[smem:$0x7A5] =	sst s25  }
0xa6: {  	s23 =	sshll.u32 s21, $0xD;
	s13 =	sadd.s32 s20, s11;
	[smem:$0x7A7] =	sst s0  }
0xa7: {  	s24 =	sadd.s32 s1, s23;
	[smem:$0x7A9] =	sst s13  }
0xa8: {  	s26 =	sadd.s32 s23, s4;
	[smem:$0x7A4] =	sst s24  }
0xa9: {  	s2 =	sadd.s32 s23, s5;
	[smem:$0x7A6] =	sst s26  }
0xaa: {  	s16 =	sshll.u32 s21, $0xC;
	s15 =	sadd.s32 s23, s7;
	[smem:$0x7A8] =	sst s2  }
0xab: {  	s18 =	sadd.s32 s8, s16;
	[smem:$0x7AA] =	sst s15  }
0xac: {  	s21 =	sadd.s32 s16, s9;
	[smem:$0x7AB] =	sst s18  }
0xad: {  	s17 =	sor.u32 $0x15, s6;
	s23 =	sadd.s32 s16, s10;
	[smem:$0x7AD] =	sst s21  }
0xae: {  	s25 =	sadd.s32 s16, s11;
	s19 =	sshll.u32 s17, $0xD;
	[smem:$0x7AF] =	sst s23  }
0xaf: {  	[smem:$0x7B1] =	sst s25;
	s20 =	sadd.s32 s1, s19  }
0xb0: {  	s22 =	sadd.s32 s19, s4;
	[smem:$0x7AC] =	sst s20  }
0xb1: {  	s24 =	sadd.s32 s19, s5;
	[smem:$0x7AE] =	sst s22  }
0xb2: {  	s0 =	sshll.u32 s17, $0xC;
	s26 =	sadd.s32 s19, s7;
	[smem:$0x7B0] =	sst s24  }
0xb3: {  	s2 =	sor.u32 $0x16, s6;
	s15 =	sadd.s32 s8, s0;
	[smem:$0x7B2] =	sst s26  }
0xb4: {  	s16 =	sshll.u32 s2, $0xD;
	s18 =	sadd.s32 s0, s9;
	[smem:$0x7B3] =	sst s15  }
0xb5: {  	s17 =	sadd.s32 s1, s16;
	[smem:$0x7B5] =	sst s18  }
0xb6: {  	s19 =	sadd.s32 s16, s4;
	[smem:$0x7B4] =	sst s17  }
0xb7: {  	s20 =	sadd.s32 s0, s10;
	[smem:$0x7B6] =	sst s19  }
0xb8: {  	s21 =	sadd.s32 s16, s5;
	[smem:$0x7B7] =	sst s20  }
0xb9: {  	s25 =	sor.u32 $0x17, s6;
	s22 =	sadd.s32 s0, s11;
	[smem:$0x7B8] =	sst s21  }
0xba: {  	s23 =	sadd.s32 s16, s7;
	s24 =	sshll.u32 s2, $0xC;
	[smem:$0x7B9] =	sst s22  }
0xbb: {  	s0 =	sshll.u32 s25, $0xD;
	[smem:$0x7BA] =	sst s23;
	s26 =	sadd.s32 s8, s24  }
0xbc: {  	s2 =	sadd.s32 s1, s0;
	[smem:$0x7BB] =	sst s26  }
0xbd: {  	s16 =	sadd.s32 s24, s9;
	[smem:$0x7BC] =	sst s2  }
0xbe: {  	s17 =	sadd.s32 s0, s4;
	[smem:$0x7BD] =	sst s16  }
0xbf: {  	s18 =	sadd.s32 s24, s10;
	[smem:$0x7BE] =	sst s17  }
0xc0: {  	s19 =	sadd.s32 s0, s5;
	[smem:$0x7BF] =	sst s18  }
0xc1: {  	s20 =	sadd.s32 s24, s11;
	[smem:$0x7C0] =	sst s19  }
0xc2: {  	s21 =	sadd.s32 s0, s7;
	s22 =	sshll.u32 s25, $0xC;
	[smem:$0x7C1] =	sst s20  }
0xc3: {  	[smem:$0x7C2] =	sst s21;
	s24 =	sadd.s32 s8, s22  }
0xc4: {  	s0 =	sadd.s32 s22, s9;
	[smem:$0x7C3] =	sst s24  }
0xc5: {  	s23 =	sor.u32 $0x18, s6;
	s16 =	sadd.s32 s22, s10;
	[smem:$0x7C5] =	sst s0  }
0xc6: {  	s25 =	sshll.u32 s23, $0xD;
	s18 =	sadd.s32 s22, s11;
	[smem:$0x7C7] =	sst s16  }
0xc7: {  	s26 =	sadd.s32 s1, s25;
	[smem:$0x7C9] =	sst s18  }
0xc8: {  	s2 =	sadd.s32 s25, s4;
	[smem:$0x7C4] =	sst s26  }
0xc9: {  	s17 =	sadd.s32 s25, s5;
	[smem:$0x7C6] =	sst s2  }
0xca: {  	s20 =	sshll.u32 s23, $0xC;
	s19 =	sadd.s32 s25, s7;
	[smem:$0x7C8] =	sst s17  }
0xcb: {  	s22 =	sadd.s32 s8, s20;
	[smem:$0x7CA] =	sst s19  }
0xcc: {  	s25 =	sadd.s32 s20, s9;
	[smem:$0x7CB] =	sst s22  }
0xcd: {  	s21 =	sor.u32 $0x19, s6;
	s0 =	sadd.s32 s20, s10;
	[smem:$0x7CD] =	sst s25  }
0xce: {  	s23 =	sshll.u32 s21, $0xD;
	s13 =	sadd.s32 s20, s11;
	[smem:$0x7CF] =	sst s0  }
0xcf: {  	s24 =	sadd.s32 s1, s23;
	[smem:$0x7D1] =	sst s13  }
0xd0: {  	s26 =	sadd.s32 s23, s4;
	[smem:$0x7CC] =	sst s24  }
0xd1: {  	s2 =	sadd.s32 s23, s5;
	[smem:$0x7CE] =	sst s26  }
0xd2: {  	s16 =	sshll.u32 s21, $0xC;
	s15 =	sadd.s32 s23, s7;
	[smem:$0x7D0] =	sst s2  }
0xd3: {  	s18 =	sadd.s32 s8, s16;
	[smem:$0x7D2] =	sst s15  }
0xd4: {  	s21 =	sadd.s32 s16, s9;
	[smem:$0x7D3] =	sst s18  }
0xd5: {  	s17 =	sor.u32 $0x1A, s6;
	s23 =	sadd.s32 s16, s10;
	[smem:$0x7D5] =	sst s21  }
0xd6: {  	s25 =	sadd.s32 s16, s11;
	s19 =	sshll.u32 s17, $0xD;
	[smem:$0x7D7] =	sst s23  }
0xd7: {  	[smem:$0x7D9] =	sst s25;
	s20 =	sadd.s32 s1, s19  }
0xd8: {  	s22 =	sadd.s32 s19, s4;
	[smem:$0x7D4] =	sst s20  }
0xd9: {  	s24 =	sadd.s32 s19, s5;
	[smem:$0x7D6] =	sst s22  }
0xda: {  	s0 =	sshll.u32 s17, $0xC;
	s26 =	sadd.s32 s19, s7;
	[smem:$0x7D8] =	sst s24  }
0xdb: {  	s16 =	sadd.s32 s8, s0;
	[smem:$0x7DA] =	sst s26  }
0xdc: {  	s19 =	sadd.s32 s0, s9;
	[smem:$0x7DB] =	sst s16  }
0xdd: {  	s2 =	sor.u32 $0x1B, s6;
	s21 =	sadd.s32 s0, s10;
	[smem:$0x7DD] =	sst s19  }
0xde: {  	s17 =	sshll.u32 s2, $0xD;
	s23 =	sadd.s32 s0, s11;
	[smem:$0x7DF] =	sst s21  }
0xdf: {  	s18 =	sadd.s32 s1, s17;
	[smem:$0x7E1] =	sst s23  }
0xe0: {  	s20 =	sadd.s32 s17, s4;
	[smem:$0x7DC] =	sst s18  }
0xe1: {  	s22 =	sadd.s32 s17, s5;
	[smem:$0x7DE] =	sst s20  }
0xe2: {  	s25 =	sshll.u32 s2, $0xC;
	s24 =	sadd.s32 s17, s7;
	[smem:$0x7E0] =	sst s22  }
0xe3: {  	s0 =	sadd.s32 s8, s25;
	[smem:$0x7E2] =	sst s24  }
0xe4: {  	s17 =	sadd.s32 s25, s9;
	[smem:$0x7E3] =	sst s0  }
0xe5: {  	s26 =	sor.u32 $0x1C, s6;
	s19 =	sadd.s32 s25, s10;
	[smem:$0x7E5] =	sst s17  }
0xe6: {  	s21 =	sadd.s32 s25, s11;
	s2 =	sshll.u32 s26, $0xD;
	[smem:$0x7E7] =	sst s19  }
0xe7: {  	[smem:$0x7E9] =	sst s21;
	s16 =	sadd.s32 s1, s2  }
0xe8: {  	s18 =	sadd.s32 s2, s4;
	[smem:$0x7E4] =	sst s16  }
0xe9: {  	s20 =	sadd.s32 s2, s5;
	[smem:$0x7E6] =	sst s18  }
0xea: {  	s23 =	sshll.u32 s26, $0xC;
	s22 =	sadd.s32 s2, s7;
	[smem:$0x7E8] =	sst s20  }
0xeb: {  	s25 =	sadd.s32 s8, s23;
	[smem:$0x7EA] =	sst s22  }
0xec: {  	s28 =	simm.s32 $0x17000;
	s2 =	sadd.s32 s23, s9;
	[smem:$0x7EB] =	sst s25  }
0xed: {  	s24 =	sor.u32 $0x1D, s6;
	s17 =	sadd.s32 s23, s10;
	[smem:$0x7ED] =	sst s2  }
0xee: {  	s26 =	sshll.u32 s24, $0xD;
	s19 =	sadd.s32 s23, s11;
	[smem:$0x7EF] =	sst s17  }
0xef: {  	s29 =	simm.s32 $0x5;
	s0 =	sadd.s32 s1, s26;
	[smem:$0x7F1] =	sst s19  }
0xf0: {  	s30 =	simm.s32 $0x6;
	s16 =	sadd.s32 s26, s4;
	[smem:$0x7EC] =	sst s0  }
0xf1: {  	s31 =	simm.s32 $0x7;
	s18 =	sadd.s32 s26, s5;
	[smem:$0x7EE] =	sst s16  }
0xf2: {  	s21 =	sshll.u32 s24, $0xC;
	s20 =	sadd.s32 s26, s7;
	[smem:$0x7F0] =	sst s18  }
0xf3: {  	s3 =	ssub.s32 $0x2, s3;
	s23 =	sadd.s32 s8, s21;
	[smem:$0x7F2] =	sst s20  }
0xf4: {  	s14 =	simm.s32 $0x100;
	s26 =	sadd.s32 s21, s9;
	[smem:$0x7F3] =	sst s23  }
0xf5: {  	s13 =	simm.s32 $0x9;
	s2 =	sadd.s32 s21, s10;
	[smem:$0x7F5] =	sst s26  }
0xf6: {  	s22 =	sor.u32 $0x1E, s6;
	s17 =	sadd.s32 s21, s11;
	[smem:$0x7F7] =	sst s2  }
0xf7: {  	s15 =	simm.s32 $0x400;
	s24 =	sshll.u32 s22, $0xD;
	[smem:$0x7F9] =	sst s17  }
0xf8: {  	s19 =	sshll.u32 s22, $0xC;
	s20 =	sor.u32 $0x1F, s6;
	s23 =	sshrl.u32 s3, $0x1  }
0xf9: {  	s17 =	simm.s32 $0x5000;
	s25 =	sadd.s32 s1, s24;
	s0 =	sadd.s32 s24, s4  }
0xfa: {  	s16 =	sadd.s32 s24, s5;
	s18 =	sadd.s32 s24, s7;
	[smem:$0x7F4] =	sst s25  }
0xfb: {  	s21 =	sadd.s32 s8, s19;
	s22 =	sshll.u32 s20, $0xD;
	[smem:$0x7F6] =	sst s0  }
0xfc: {  	s24 =	sadd.s32 s19, s9;
	s6 =	sadd.s32 s19, s11;
	[smem:$0x7F8] =	sst s16  }
0xfd: {  	s26 =	sshll.u32 s20, $0xC;
	s20 =	simm.s32 $0x1;
	[smem:$0x7FA] =	sst s18  }
0xfe: {  	[smem:$0x7FB] =	sst s21;
	s1 =	sadd.s32 s1, s22;
	s25 =	ssub.s32 s3, s23  }
0xff: {  	[smem:$0x7FD] =	sst s24;
	s3 =	sadd.s32 s22, s4;
	s4 =	sadd.s32 s19, s10  }
0x100: {  	s5 =	sadd.s32 s22, s5;
	s7 =	sadd.s32 s22, s7;
	s8 =	sadd.s32 s8, s26  }
0x101: {  	s9 =	sadd.s32 s26, s9;
	s10 =	sadd.s32 s26, s10;
	s11 =	sadd.s32 s26, s11  }
0x102: {  	s16 =	simm.s32 $0x1000;
	s18 =	simm.s32 $0x9000;
	s19 =	simm.s32 $0xD000  }
0x103: {  	s21 =	simm.s32 $0x11000;
	s22 =	simm.s32 $0x2;
	s23 =	simm.s32 $0x13000  }
0x104: {  	s24 =	simm.s32 $0x3;
	s26 =	simm.s32 $0x4;
	[smem:$0x7FC] =	sst s1  }
0x105: {  	s12 =	smax.u32 s25, $0x1;
	s25 =	simm.s32 $0x15000;
	s1 =	simm.s32 $0x8  }
.LBB2_1:
0x106: {  	s0 =	rddreg [dreg:$0x4];
	s2 =	simm.s32 $0x0  }
0x107: {  	[tilespmem:s2], [sflag:$0x9] =	stream.linear.gather [hbm4b:s0+s2], $0x1000, $0x38;
	[tilespmem:$0x19000] =	vst v63  }
0x108: {  	_ =	swait.ge [sflag:s13], $0x1000  }
0x109: {  	[sflag:s13] =	ssyncset.done $0x0  }
0x10a: {  	s0 =	rddreg [dreg:$0x5];
	[sflag:s13] =	ssyncadd.s32 $0xFFFFF000  }
0x10b: {  	[tilespmem:s16], [sflag:$0x1] =	stream.strided.gather [hbm4b:s0+s14], $0x4000, s15, s14, $0x38;
	[tilespmem:$0x19000] =	vst v63  }
0x10c: {  	s2 =	rddreg [dreg:$0x6]  }
0x10d: {  	[tilespmem:s17], [sflag:$0x2] =	stream.strided.gather [hbm4b:s2+s14], $0x4000, s15, s14, $0x38;
	[tilespmem:$0x19000] =	vst v63  }
0x10e: {  	s0 =	rddreg [dreg:$0x7]  }
0x10f: {  	[tilespmem:s18], [sflag:$0x3] =	stream.strided.gather [hbm4b:s0+s14], $0x4000, s15, s14, $0x38;
	[tilespmem:$0x19000] =	vst v63  }
0x110: {  	s2 =	rddreg [dreg:$0x8]  }
0x111: {  	[tilespmem:s19], [sflag:$0x4] =	stream.strided.gather [hbm4b:s2+s14], $0x4000, s15, s14, $0x38;
	[tilespmem:$0x19000] =	vst v63  }
0x112: {  	_ =	swait.ge [sflag:s20], $0x4000  }
0x113: {  	[sflag:s20] =	ssyncset.done $0x0  }
0x114: {  	s0 =	rddreg [dreg:$0x9];
	[sflag:s20] =	ssyncadd.s32 $0xFFFFC000  }
0x115: {  	[hbm4b:s0+s14] =	stream.strided.scatter [tilespmem:s21], [sflag:$0x5], $0x2000, s15, s14, $0x38;
	[tilespmem:$0x19000] =	vst v63  }
0x116: {  	s2 =	rddreg [dreg:$0xa]  }
0x117: {  	[tilespmem:s16], [sflag:$0x1] =	stream.strided.gather [hbm4b:s2+s14], $0x4000, s15, s14, $0x38;
	[tilespmem:$0x19000] =	vst v63  }
0x118: {  	_ =	swait.ge [sflag:s22], $0x4000  }
0x119: {  	[sflag:s22] =	ssyncset.done $0x0  }
0x11a: {  	[sflag:s22] =	ssyncadd.s32 $0xFFFFC000  }
0x11b: {  	s0 =	rddreg [dreg:$0xb]  }
0x11c: {  	[hbm4b:s0+s14] =	stream.strided.scatter [tilespmem:s23], [sflag:$0x6], $0x2000, s15, s14, $0x38;
	[tilespmem:$0x19000] =	vst v63  }
0x11d: {  	s2 =	rddreg [dreg:$0xc]  }
0x11e: {  	[tilespmem:s17], [sflag:$0x2] =	stream.strided.gather [hbm4b:s2+s14], $0x4000, s15, s14, $0x38;
	[tilespmem:$0x19000] =	vst v63  }
0x11f: {  	_ =	swait.ge [sflag:s24], $0x4000  }
0x120: {  	[sflag:s24] =	ssyncset.done $0x0  }
0x121: {  	s0 =	rddreg [dreg:$0xd];
	[sflag:s24] =	ssyncadd.s32 $0xFFFFC000  }
0x122: {  	[hbm4b:s0+s14] =	stream.strided.scatter [tilespmem:s25], [sflag:$0x7], $0x2000, s15, s14, $0x38;
	[tilespmem:$0x19000] =	vst v63  }
0x123: {  	s2 =	rddreg [dreg:$0xe]  }
0x124: {  	[tilespmem:s18], [sflag:$0x3] =	stream.strided.gather [hbm4b:s2+s14], $0x4000, s15, s14, $0x38;
	[tilespmem:$0x19000] =	vst v63  }
0x125: {  	_ =	swait.ge [sflag:s26], $0x4000  }
0x126: {  	[sflag:s26] =	ssyncset.done $0x0  }
0x127: {  	s0 =	rddreg [dreg:$0xf];
	[sflag:s26] =	ssyncadd.s32 $0xFFFFC000  }
0x128: {  	[hbm4b:s0+s14] =	stream.strided.scatter [tilespmem:s28], [sflag:$0x8], $0x2000, s15, s14, $0x38;
	[tilespmem:$0x19000] =	vst v63  }
0x129: {  	s2 =	rddreg [dreg:$0x10]  }
0x12a: {  	[tilespmem:s19], [sflag:$0x4] =	stream.strided.gather [hbm4b:s2+s14], $0x4000, s15, s14, $0x38;
	[tilespmem:$0x19000] =	vst v63  }
0x12b: {  	_ =	swait.ge [sflag:s20], $0x4000  }
0x12c: {  	[sflag:s20] =	ssyncset.done $0x0  }
0x12d: {  	[sflag:s20] =	ssyncadd.s32 $0xFFFFC000  }
0x12e: {  	_ =	swait.ge [sflag:s29], $0x2000  }
0x12f: {  	[sflag:s29] =	ssyncset.done $0x0  }
0x130: {  	s0 =	rddreg [dreg:$0x11];
	[sflag:s29] =	ssyncadd.s32 $0xFFFFE000  }
0x131: {  	[hbm4b:s0+s14] =	stream.strided.scatter [tilespmem:s21], [sflag:$0x5], $0x2000, s15, s14, $0x38;
	[tilespmem:$0x19000] =	vst v63  }
0x132: {  	s2 =	rddreg [dreg:$0x12]  }
0x133: {  	[tilespmem:s16], [sflag:$0x1] =	stream.strided.gather [hbm4b:s2+s14], $0x4000, s15, s14, $0x38;
	[tilespmem:$0x19000] =	vst v63  }
0x134: {  	_ =	swait.ge [sflag:s22], $0x4000  }
0x135: {  	[sflag:s22] =	ssyncset.done $0x0  }
0x136: {  	[sflag:s22] =	ssyncadd.s32 $0xFFFFC000  }
0x137: {  	_ =	swait.ge [sflag:s30], $0x2000  }
0x138: {  	[sflag:s30] =	ssyncset.done $0x0  }
0x139: {  	s0 =	rddreg [dreg:$0x13];
	[sflag:s30] =	ssyncadd.s32 $0xFFFFE000  }
0x13a: {  	[hbm4b:s0+s14] =	stream.strided.scatter [tilespmem:s23], [sflag:$0x6], $0x2000, s15, s14, $0x38;
	[tilespmem:$0x19000] =	vst v63  }
0x13b: {  	s2 =	rddreg [dreg:$0x14]  }
0x13c: {  	[tilespmem:s17], [sflag:$0x2] =	stream.strided.gather [hbm4b:s2+s14], $0x4000, s15, s14, $0x38;
	[tilespmem:$0x19000] =	vst v63  }
0x13d: {  	_ =	swait.ge [sflag:s24], $0x4000  }
0x13e: {  	[sflag:s24] =	ssyncset.done $0x0  }
0x13f: {  	[sflag:s24] =	ssyncadd.s32 $0xFFFFC000  }
0x140: {  	_ =	swait.ge [sflag:s31], $0x2000  }
0x141: {  	[sflag:s31] =	ssyncset.done $0x0  }
0x142: {  	s0 =	rddreg [dreg:$0x15];
	[sflag:s31] =	ssyncadd.s32 $0xFFFFE000  }
0x143: {  	[hbm4b:s0+s14] =	stream.strided.scatter [tilespmem:s25], [sflag:$0x7], $0x2000, s15, s14, $0x38;
	[tilespmem:$0x19000] =	vst v63  }
0x144: {  	s2 =	rddreg [dreg:$0x16]  }
0x145: {  	[tilespmem:s18], [sflag:$0x3] =	stream.strided.gather [hbm4b:s2+s14], $0x4000, s15, s14, $0x38;
	[tilespmem:$0x19000] =	vst v63  }
0x146: {  	_ =	swait.ge [sflag:s26], $0x4000  }
0x147: {  	[sflag:s26] =	ssyncset.done $0x0  }
0x148: {  	[sflag:s26] =	ssyncadd.s32 $0xFFFFC000  }
0x149: {  	_ =	swait.ge [sflag:s1], $0x2000  }
0x14a: {  	[sflag:s1] =	ssyncset.done $0x0  }
0x14b: {  	s0 =	rddreg [dreg:$0x17];
	[sflag:s1] =	ssyncadd.s32 $0xFFFFE000  }
0x14c: {  	[hbm4b:s0+s14] =	stream.strided.scatter [tilespmem:s28], [sflag:$0x8], $0x2000, s15, s14, $0x38;
	[tilespmem:$0x19000] =	vst v63  }
0x14d: {  	s2 =	rddreg [dreg:$0x18]  }
0x14e: {  	[tilespmem:s19], [sflag:$0x4] =	stream.strided.gather [hbm4b:s2+s14], $0x4000, s15, s14, $0x38;
	[tilespmem:$0x19000] =	vst v63  }
0x14f: {  	_ =	swait.ge [sflag:s20], $0x4000  }
0x150: {  	[sflag:s20] =	ssyncset.done $0x0  }
0x151: {  	[sflag:s20] =	ssyncadd.s32 $0xFFFFC000  }
0x152: {  	_ =	swait.ge [sflag:s29], $0x2000  }
0x153: {  	[sflag:s29] =	ssyncset.done $0x0  }
0x154: {  	s0 =	rddreg [dreg:$0x19];
	[sflag:s29] =	ssyncadd.s32 $0xFFFFE000  }
0x155: {  	[hbm4b:s0+s14] =	stream.strided.scatter [tilespmem:s21], [sflag:$0x5], $0x2000, s15, s14, $0x38;
	[tilespmem:$0x19000] =	vst v63  }
0x156: {  	s2 =	rddreg [dreg:$0x1a]  }
0x157: {  	[tilespmem:s16], [sflag:$0x1] =	stream.strided.gather [hbm4b:s2+s14], $0x4000, s15, s14, $0x38;
	[tilespmem:$0x19000] =	vst v63  }
0x158: {  	_ =	swait.ge [sflag:s22], $0x4000  }
0x159: {  	[sflag:s22] =	ssyncset.done $0x0  }
0x15a: {  	[sflag:s22] =	ssyncadd.s32 $0xFFFFC000  }
0x15b: {  	_ =	swait.ge [sflag:s30], $0x2000  }
0x15c: {  	[sflag:s30] =	ssyncset.done $0x0  }
0x15d: {  	s0 =	rddreg [dreg:$0x1b];
	[sflag:s30] =	ssyncadd.s32 $0xFFFFE000  }
0x15e: {  	[hbm4b:s0+s14] =	stream.strided.scatter [tilespmem:s23], [sflag:$0x6], $0x2000, s15, s14, $0x38;
	[tilespmem:$0x19000] =	vst v63  }
0x15f: {  	s2 =	rddreg [dreg:$0x1c]  }
0x160: {  	[tilespmem:s17], [sflag:$0x2] =	stream.strided.gather [hbm4b:s2+s14], $0x4000, s15, s14, $0x38;
	[tilespmem:$0x19000] =	vst v63  }
0x161: {  	_ =	swait.ge [sflag:s24], $0x4000  }
0x162: {  	[sflag:s24] =	ssyncset.done $0x0  }
0x163: {  	[sflag:s24] =	ssyncadd.s32 $0xFFFFC000  }
0x164: {  	_ =	swait.ge [sflag:s31], $0x2000  }
0x165: {  	[sflag:s31] =	ssyncset.done $0x0  }
0x166: {  	s0 =	rddreg [dreg:$0x1d];
	[sflag:s31] =	ssyncadd.s32 $0xFFFFE000  }
0x167: {  	[hbm4b:s0+s14] =	stream.strided.scatter [tilespmem:s25], [sflag:$0x7], $0x2000, s15, s14, $0x38;
	[tilespmem:$0x19000] =	vst v63  }
0x168: {  	s2 =	rddreg [dreg:$0x1e]  }
0x169: {  	[tilespmem:s18], [sflag:$0x3] =	stream.strided.gather [hbm4b:s2+s14], $0x4000, s15, s14, $0x38;
	[tilespmem:$0x19000] =	vst v63  }
0x16a: {  	_ =	swait.ge [sflag:s26], $0x4000  }
0x16b: {  	[sflag:s26] =	ssyncset.done $0x0  }
0x16c: {  	[sflag:s26] =	ssyncadd.s32 $0xFFFFC000  }
0x16d: {  	_ =	swait.ge [sflag:s1], $0x2000  }
0x16e: {  	s0 =	rddreg [dreg:$0x1f];
	[sflag:s1] =	ssyncset.done $0x0  }
0x16f: {  	s2 =	sld [smem:$0x722];
	[sflag:s1] =	ssyncadd.s32 $0xFFFFE000  }
0x170: {  	[hbm4b:s0+s14] =	stream.strided.scatter [tilespmem:s28], [sflag:$0x8], $0x2000, s15, s14, $0x38;
	[tilespmem:$0x19000] =	vst v63  }
0x171: {  	_ = 	snop  }
0x172: {  	[tilespmem:s19], [sflag:$0x4] =	stream.strided.gather [hbm4b:s2+s14], $0x4000, s15, s14, $0x38;
	[tilespmem:$0x19000] =	vst v63  }
0x173: {  	_ =	swait.ge [sflag:s20], $0x4000  }
0x174: {  	[sflag:s20] =	ssyncset.done $0x0  }
0x175: {  	[sflag:s20] =	ssyncadd.s32 $0xFFFFC000  }
0x176: {  	_ =	swait.ge [sflag:s29], $0x2000  }
0x177: {  	s0 =	sld [smem:$0x723]  }
0x178: {  	[sflag:s29] =	ssyncset.done $0x0  }
0x179: {  	s2 =	sld [smem:$0x724];
	[sflag:s29] =	ssyncadd.s32 $0xFFFFE000  }
0x17a: {  	[hbm4b:s0+s14] =	stream.strided.scatter [tilespmem:s21], [sflag:$0x5], $0x2000, s15, s14, $0x38;
	[tilespmem:$0x19000] =	vst v63  }
0x17b: {  	_ = 	snop  }
0x17c: {  	[tilespmem:s16], [sflag:$0x1] =	stream.strided.gather [hbm4b:s2+s14], $0x4000, s15, s14, $0x38;
	[tilespmem:$0x19000] =	vst v63  }
0x17d: {  	_ =	swait.ge [sflag:s22], $0x4000  }
0x17e: {  	[sflag:s22] =	ssyncset.done $0x0  }
0x17f: {  	[sflag:s22] =	ssyncadd.s32 $0xFFFFC000  }
0x180: {  	_ =	swait.ge [sflag:s30], $0x2000  }
0x181: {  	s0 =	sld [smem:$0x725]  }
0x182: {  	[sflag:s30] =	ssyncset.done $0x0  }
0x183: {  	s2 =	sld [smem:$0x726];
	[sflag:s30] =	ssyncadd.s32 $0xFFFFE000  }
0x184: {  	[hbm4b:s0+s14] =	stream.strided.scatter [tilespmem:s23], [sflag:$0x6], $0x2000, s15, s14, $0x38;
	[tilespmem:$0x19000] =	vst v63  }
0x185: {  	_ = 	snop  }
0x186: {  	[tilespmem:s17], [sflag:$0x2] =	stream.strided.gather [hbm4b:s2+s14], $0x4000, s15, s14, $0x38;
	[tilespmem:$0x19000] =	vst v63  }
0x187: {  	_ =	swait.ge [sflag:s24], $0x4000  }
0x188: {  	[sflag:s24] =	ssyncset.done $0x0  }
0x189: {  	[sflag:s24] =	ssyncadd.s32 $0xFFFFC000  }
0x18a: {  	_ =	swait.ge [sflag:s31], $0x2000  }
0x18b: {  	s0 =	sld [smem:$0x727]  }
0x18c: {  	[sflag:s31] =	ssyncset.done $0x0  }
0x18d: {  	s2 =	sld [smem:$0x728];
	[sflag:s31] =	ssyncadd.s32 $0xFFFFE000  }
0x18e: {  	[hbm4b:s0+s14] =	stream.strided.scatter [tilespmem:s25], [sflag:$0x7], $0x2000, s15, s14, $0x38;
	[tilespmem:$0x19000] =	vst v63  }
0x18f: {  	_ = 	snop  }
0x190: {  	[tilespmem:s18], [sflag:$0x3] =	stream.strided.gather [hbm4b:s2+s14], $0x4000, s15, s14, $0x38;
	[tilespmem:$0x19000] =	vst v63  }
0x191: {  	_ =	swait.ge [sflag:s26], $0x4000  }
0x192: {  	[sflag:s26] =	ssyncset.done $0x0  }
0x193: {  	[sflag:s26] =	ssyncadd.s32 $0xFFFFC000  }
0x194: {  	_ =	swait.ge [sflag:s1], $0x2000  }
0x195: {  	s0 =	sld [smem:$0x729]  }
0x196: {  	[sflag:s1] =	ssyncset.done $0x0  }
0x197: {  	s2 =	sld [smem:$0x72A];
	[sflag:s1] =	ssyncadd.s32 $0xFFFFE000  }
0x198: {  	[hbm4b:s0+s14] =	stream.strided.scatter [tilespmem:s28], [sflag:$0x8], $0x2000, s15, s14, $0x38;
	[tilespmem:$0x19000] =	vst v63  }
0x199: {  	_ = 	snop  }
0x19a: {  	[tilespmem:s19], [sflag:$0x4] =	stream.strided.gather [hbm4b:s2+s14], $0x4000, s15, s14, $0x38;
	[tilespmem:$0x19000] =	vst v63  }
0x19b: {  	_ =	swait.ge [sflag:s20], $0x4000  }
0x19c: {  	[sflag:s20] =	ssyncset.done $0x0  }
0x19d: {  	[sflag:s20] =	ssyncadd.s32 $0xFFFFC000  }
0x19e: {  	_ =	swait.ge [sflag:s29], $0x2000  }
0x19f: {  	s0 =	sld [smem:$0x72B]  }
0x1a0: {  	[sflag:s29] =	ssyncset.done $0x0  }
0x1a1: {  	s2 =	sld [smem:$0x72C];
	[sflag:s29] =	ssyncadd.s32 $0xFFFFE000  }
0x1a2: {  	[hbm4b:s0+s14] =	stream.strided.scatter [tilespmem:s21], [sflag:$0x5], $0x2000, s15, s14, $0x38;
	[tilespmem:$0x19000] =	vst v63  }
0x1a3: {  	_ = 	snop  }
0x1a4: {  	[tilespmem:s16], [sflag:$0x1] =	stream.strided.gather [hbm4b:s2+s14], $0x4000, s15, s14, $0x38;
	[tilespmem:$0x19000] =	vst v63  }
0x1a5: {  	_ =	swait.ge [sflag:s22], $0x4000  }
0x1a6: {  	[sflag:s22] =	ssyncset.done $0x0  }
0x1a7: {  	[sflag:s22] =	ssyncadd.s32 $0xFFFFC000  }
0x1a8: {  	_ =	swait.ge [sflag:s30], $0x2000  }
0x1a9: {  	s0 =	sld [smem:$0x72D]  }
0x1aa: {  	[sflag:s30] =	ssyncset.done $0x0  }
0x1ab: {  	s2 =	sld [smem:$0x72E];
	[sflag:s30] =	ssyncadd.s32 $0xFFFFE000  }
0x1ac: {  	[hbm4b:s0+s14] =	stream.strided.scatter [tilespmem:s23], [sflag:$0x6], $0x2000, s15, s14, $0x38;
	[tilespmem:$0x19000] =	vst v63  }
0x1ad: {  	_ = 	snop  }
0x1ae: {  	[tilespmem:s17], [sflag:$0x2] =	stream.strided.gather [hbm4b:s2+s14], $0x4000, s15, s14, $0x38;
	[tilespmem:$0x19000] =	vst v63  }
0x1af: {  	_ =	swait.ge [sflag:s24], $0x4000  }
0x1b0: {  	[sflag:s24] =	ssyncset.done $0x0  }
0x1b1: {  	[sflag:s24] =	ssyncadd.s32 $0xFFFFC000  }
0x1b2: {  	_ =	swait.ge [sflag:s31], $0x2000  }
0x1b3: {  	s0 =	sld [smem:$0x72F]  }
0x1b4: {  	[sflag:s31] =	ssyncset.done $0x0  }
0x1b5: {  	s2 =	sld [smem:$0x730];
	[sflag:s31] =	ssyncadd.s32 $0xFFFFE000  }
0x1b6: {  	[hbm4b:s0+s14] =	stream.strided.scatter [tilespmem:s25], [sflag:$0x7], $0x2000, s15, s14, $0x38;
	[tilespmem:$0x19000] =	vst v63  }
0x1b7: {  	_ = 	snop  }
0x1b8: {  	[tilespmem:s18], [sflag:$0x3] =	stream.strided.gather [hbm4b:s2+s14], $0x4000, s15, s14, $0x38;
	[tilespmem:$0x19000] =	vst v63  }
0x1b9: {  	_ =	swait.ge [sflag:s26], $0x4000  }
0x1ba: {  	[sflag:s26] =	ssyncset.done $0x0  }
0x1bb: {  	[sflag:s26] =	ssyncadd.s32 $0xFFFFC000  }
0x1bc: {  	_ =	swait.ge [sflag:s1], $0x2000  }
0x1bd: {  	s0 =	sld [smem:$0x731]  }
0x1be: {  	[sflag:s1] =	ssyncset.done $0x0  }
0x1bf: {  	s2 =	sld [smem:$0x732];
	[sflag:s1] =	ssyncadd.s32 $0xFFFFE000  }
0x1c0: {  	[hbm4b:s0+s14] =	stream.strided.scatter [tilespmem:s28], [sflag:$0x8], $0x2000, s15, s14, $0x38;
	[tilespmem:$0x19000] =	vst v63  }
0x1c1: {  	_ = 	snop  }
0x1c2: {  	[tilespmem:s19], [sflag:$0x4] =	stream.strided.gather [hbm4b:s2+s14], $0x4000, s15, s14, $0x38;
	[tilespmem:$0x19000] =	vst v63  }
0x1c3: {  	_ =	swait.ge [sflag:s20], $0x4000  }
0x1c4: {  	[sflag:s20] =	ssyncset.done $0x0  }
0x1c5: {  	[sflag:s20] =	ssyncadd.s32 $0xFFFFC000  }
0x1c6: {  	_ =	swait.ge [sflag:s29], $0x2000  }
0x1c7: {  	s0 =	sld [smem:$0x733]  }
0x1c8: {  	[sflag:s29] =	ssyncset.done $0x0  }
0x1c9: {  	s2 =	sld [smem:$0x734];
	[sflag:s29] =	ssyncadd.s32 $0xFFFFE000  }
0x1ca: {  	[hbm4b:s0+s14] =	stream.strided.scatter [tilespmem:s21], [sflag:$0x5], $0x2000, s15, s14, $0x38;
	[tilespmem:$0x19000] =	vst v63  }
0x1cb: {  	_ = 	snop  }
0x1cc: {  	[tilespmem:s16], [sflag:$0x1] =	stream.strided.gather [hbm4b:s2+s14], $0x4000, s15, s14, $0x38;
	[tilespmem:$0x19000] =	vst v63  }
0x1cd: {  	_ =	swait.ge [sflag:s22], $0x4000  }
0x1ce: {  	[sflag:s22] =	ssyncset.done $0x0  }
0x1cf: {  	[sflag:s22] =	ssyncadd.s32 $0xFFFFC000  }
0x1d0: {  	_ =	swait.ge [sflag:s30], $0x2000  }
0x1d1: {  	s0 =	sld [smem:$0x735]  }
0x1d2: {  	[sflag:s30] =	ssyncset.done $0x0  }
0x1d3: {  	s2 =	sld [smem:$0x736];
	[sflag:s30] =	ssyncadd.s32 $0xFFFFE000  }
0x1d4: {  	[hbm4b:s0+s14] =	stream.strided.scatter [tilespmem:s23], [sflag:$0x6], $0x2000, s15, s14, $0x38;
	[tilespmem:$0x19000] =	vst v63  }
0x1d5: {  	_ = 	snop  }
0x1d6: {  	[tilespmem:s17], [sflag:$0x2] =	stream.strided.gather [hbm4b:s2+s14], $0x4000, s15, s14, $0x38;
	[tilespmem:$0x19000] =	vst v63  }
0x1d7: {  	_ =	swait.ge [sflag:s24], $0x4000  }
0x1d8: {  	[sflag:s24] =	ssyncset.done $0x0  }
0x1d9: {  	[sflag:s24] =	ssyncadd.s32 $0xFFFFC000  }
0x1da: {  	_ =	swait.ge [sflag:s31], $0x2000  }
0x1db: {  	s0 =	sld [smem:$0x737]  }
0x1dc: {  	[sflag:s31] =	ssyncset.done $0x0  }
0x1dd: {  	s2 =	sld [smem:$0x738];
	[sflag:s31] =	ssyncadd.s32 $0xFFFFE000  }
0x1de: {  	[hbm4b:s0+s14] =	stream.strided.scatter [tilespmem:s25], [sflag:$0x7], $0x2000, s15, s14, $0x38;
	[tilespmem:$0x19000] =	vst v63  }
0x1df: {  	_ = 	snop  }
0x1e0: {  	[tilespmem:s18], [sflag:$0x3] =	stream.strided.gather [hbm4b:s2+s14], $0x4000, s15, s14, $0x38;
	[tilespmem:$0x19000] =	vst v63  }
0x1e1: {  	_ =	swait.ge [sflag:s26], $0x4000  }
0x1e2: {  	[sflag:s26] =	ssyncset.done $0x0  }
0x1e3: {  	[sflag:s26] =	ssyncadd.s32 $0xFFFFC000  }
0x1e4: {  	_ =	swait.ge [sflag:s1], $0x2000  }
0x1e5: {  	s0 =	sld [smem:$0x739]  }
0x1e6: {  	[sflag:s1] =	ssyncset.done $0x0  }
0x1e7: {  	s2 =	sld [smem:$0x73A];
	[sflag:s1] =	ssyncadd.s32 $0xFFFFE000  }
0x1e8: {  	[hbm4b:s0+s14] =	stream.strided.scatter [tilespmem:s28], [sflag:$0x8], $0x2000, s15, s14, $0x38;
	[tilespmem:$0x19000] =	vst v63  }
0x1e9: {  	_ = 	snop  }
0x1ea: {  	[tilespmem:s19], [sflag:$0x4] =	stream.strided.gather [hbm4b:s2+s14], $0x4000, s15, s14, $0x38;
	[tilespmem:$0x19000] =	vst v63  }
0x1eb: {  	_ =	swait.ge [sflag:s20], $0x4000  }
0x1ec: {  	[sflag:s20] =	ssyncset.done $0x0  }
0x1ed: {  	[sflag:s20] =	ssyncadd.s32 $0xFFFFC000  }
0x1ee: {  	_ =	swait.ge [sflag:s29], $0x2000  }
0x1ef: {  	s0 =	sld [smem:$0x73B]  }
0x1f0: {  	[sflag:s29] =	ssyncset.done $0x0  }
0x1f1: {  	s2 =	sld [smem:$0x73C];
	[sflag:s29] =	ssyncadd.s32 $0xFFFFE000  }
0x1f2: {  	[hbm4b:s0+s14] =	stream.strided.scatter [tilespmem:s21], [sflag:$0x5], $0x2000, s15, s14, $0x38;
	[tilespmem:$0x19000] =	vst v63  }
0x1f3: {  	_ = 	snop  }
0x1f4: {  	[tilespmem:s16], [sflag:$0x1] =	stream.strided.gather [hbm4b:s2+s14], $0x4000, s15, s14, $0x38;
	[tilespmem:$0x19000] =	vst v63  }
0x1f5: {  	_ =	swait.ge [sflag:s22], $0x4000  }
0x1f6: {  	[sflag:s22] =	ssyncset.done $0x0  }
0x1f7: {  	[sflag:s22] =	ssyncadd.s32 $0xFFFFC000  }
0x1f8: {  	_ =	swait.ge [sflag:s30], $0x2000  }
0x1f9: {  	s0 =	sld [smem:$0x73D]  }
0x1fa: {  	[sflag:s30] =	ssyncset.done $0x0  }
0x1fb: {  	s2 =	sld [smem:$0x73E];
	[sflag:s30] =	ssyncadd.s32 $0xFFFFE000  }
0x1fc: {  	[hbm4b:s0+s14] =	stream.strided.scatter [tilespmem:s23], [sflag:$0x6], $0x2000, s15, s14, $0x38;
	[tilespmem:$0x19000] =	vst v63  }
0x1fd: {  	_ = 	snop  }
0x1fe: {  	[tilespmem:s17], [sflag:$0x2] =	stream.strided.gather [hbm4b:s2+s14], $0x4000, s15, s14, $0x38;
	[tilespmem:$0x19000] =	vst v63  }
0x1ff: {  	_ =	swait.ge [sflag:s24], $0x4000  }
0x200: {  	[sflag:s24] =	ssyncset.done $0x0  }
0x201: {  	[sflag:s24] =	ssyncadd.s32 $0xFFFFC000  }
0x202: {  	_ =	swait.ge [sflag:s31], $0x2000  }
0x203: {  	s0 =	sld [smem:$0x73F]  }
0x204: {  	[sflag:s31] =	ssyncset.done $0x0  }
0x205: {  	s2 =	sld [smem:$0x740];
	[sflag:s31] =	ssyncadd.s32 $0xFFFFE000  }
0x206: {  	[hbm4b:s0+s14] =	stream.strided.scatter [tilespmem:s25], [sflag:$0x7], $0x2000, s15, s14, $0x38;
	[tilespmem:$0x19000] =	vst v63  }
0x207: {  	_ = 	snop  }
0x208: {  	[tilespmem:s18], [sflag:$0x3] =	stream.strided.gather [hbm4b:s2+s14], $0x4000, s15, s14, $0x38;
	[tilespmem:$0x19000] =	vst v63  }
0x209: {  	_ =	swait.ge [sflag:s26], $0x4000  }
0x20a: {  	[sflag:s26] =	ssyncset.done $0x0  }
0x20b: {  	[sflag:s26] =	ssyncadd.s32 $0xFFFFC000  }
0x20c: {  	_ =	swait.ge [sflag:s1], $0x2000  }
0x20d: {  	s0 =	sld [smem:$0x741]  }
0x20e: {  	[sflag:s1] =	ssyncset.done $0x0  }
0x20f: {  	s2 =	sld [smem:$0x742];
	[sflag:s1] =	ssyncadd.s32 $0xFFFFE000  }
0x210: {  	[hbm4b:s0+s14] =	stream.strided.scatter [tilespmem:s28], [sflag:$0x8], $0x2000, s15, s14, $0x38;
	[tilespmem:$0x19000] =	vst v63  }
0x211: {  	_ = 	snop  }
0x212: {  	[tilespmem:s19], [sflag:$0x4] =	stream.strided.gather [hbm4b:s2+s14], $0x4000, s15, s14, $0x38;
	[tilespmem:$0x19000] =	vst v63  }
0x213: {  	_ =	swait.ge [sflag:s20], $0x4000  }
0x214: {  	[sflag:s20] =	ssyncset.done $0x0  }
0x215: {  	[sflag:s20] =	ssyncadd.s32 $0xFFFFC000  }
0x216: {  	_ =	swait.ge [sflag:s29], $0x2000  }
0x217: {  	s0 =	sld [smem:$0x743]  }
0x218: {  	[sflag:s29] =	ssyncset.done $0x0  }
0x219: {  	s2 =	sld [smem:$0x744];
	[sflag:s29] =	ssyncadd.s32 $0xFFFFE000  }
0x21a: {  	[hbm4b:s0+s14] =	stream.strided.scatter [tilespmem:s21], [sflag:$0x5], $0x2000, s15, s14, $0x38;
	[tilespmem:$0x19000] =	vst v63  }
0x21b: {  	_ = 	snop  }
0x21c: {  	[tilespmem:s16], [sflag:$0x1] =	stream.strided.gather [hbm4b:s2+s14], $0x4000, s15, s14, $0x38;
	[tilespmem:$0x19000] =	vst v63  }
0x21d: {  	_ =	swait.ge [sflag:s22], $0x4000  }
0x21e: {  	[sflag:s22] =	ssyncset.done $0x0  }
0x21f: {  	[sflag:s22] =	ssyncadd.s32 $0xFFFFC000  }
0x220: {  	_ =	swait.ge [sflag:s30], $0x2000  }
0x221: {  	s0 =	sld [smem:$0x745]  }
0x222: {  	[sflag:s30] =	ssyncset.done $0x0  }
0x223: {  	s2 =	sld [smem:$0x746];
	[sflag:s30] =	ssyncadd.s32 $0xFFFFE000  }
0x224: {  	[hbm4b:s0+s14] =	stream.strided.scatter [tilespmem:s23], [sflag:$0x6], $0x2000, s15, s14, $0x38;
	[tilespmem:$0x19000] =	vst v63  }
0x225: {  	_ = 	snop  }
0x226: {  	[tilespmem:s17], [sflag:$0x2] =	stream.strided.gather [hbm4b:s2+s14], $0x4000, s15, s14, $0x38;
	[tilespmem:$0x19000] =	vst v63  }
0x227: {  	_ =	swait.ge [sflag:s24], $0x4000  }
0x228: {  	[sflag:s24] =	ssyncset.done $0x0  }
0x229: {  	[sflag:s24] =	ssyncadd.s32 $0xFFFFC000  }
0x22a: {  	_ =	swait.ge [sflag:s31], $0x2000  }
0x22b: {  	s0 =	sld [smem:$0x747]  }
0x22c: {  	[sflag:s31] =	ssyncset.done $0x0  }
0x22d: {  	s2 =	sld [smem:$0x748];
	[sflag:s31] =	ssyncadd.s32 $0xFFFFE000  }
0x22e: {  	[hbm4b:s0+s14] =	stream.strided.scatter [tilespmem:s25], [sflag:$0x7], $0x2000, s15, s14, $0x38;
	[tilespmem:$0x19000] =	vst v63  }
0x22f: {  	_ = 	snop  }
0x230: {  	[tilespmem:s18], [sflag:$0x3] =	stream.strided.gather [hbm4b:s2+s14], $0x4000, s15, s14, $0x38;
	[tilespmem:$0x19000] =	vst v63  }
0x231: {  	_ =	swait.ge [sflag:s26], $0x4000  }
0x232: {  	[sflag:s26] =	ssyncset.done $0x0  }
0x233: {  	[sflag:s26] =	ssyncadd.s32 $0xFFFFC000  }
0x234: {  	_ =	swait.ge [sflag:s1], $0x2000  }
0x235: {  	s0 =	sld [smem:$0x749]  }
0x236: {  	[sflag:s1] =	ssyncset.done $0x0  }
0x237: {  	s2 =	sld [smem:$0x74A];
	[sflag:s1] =	ssyncadd.s32 $0xFFFFE000  }
0x238: {  	[hbm4b:s0+s14] =	stream.strided.scatter [tilespmem:s28], [sflag:$0x8], $0x2000, s15, s14, $0x38;
	[tilespmem:$0x19000] =	vst v63  }
0x239: {  	_ = 	snop  }
0x23a: {  	[tilespmem:s19], [sflag:$0x4] =	stream.strided.gather [hbm4b:s2+s14], $0x4000, s15, s14, $0x38;
	[tilespmem:$0x19000] =	vst v63  }
0x23b: {  	_ =	swait.ge [sflag:s20], $0x4000  }
0x23c: {  	[sflag:s20] =	ssyncset.done $0x0  }
0x23d: {  	[sflag:s20] =	ssyncadd.s32 $0xFFFFC000  }
0x23e: {  	_ =	swait.ge [sflag:s29], $0x2000  }
0x23f: {  	s0 =	sld [smem:$0x74B]  }
0x240: {  	[sflag:s29] =	ssyncset.done $0x0  }
0x241: {  	s2 =	sld [smem:$0x74C];
	[sflag:s29] =	ssyncadd.s32 $0xFFFFE000  }
0x242: {  	[hbm4b:s0+s14] =	stream.strided.scatter [tilespmem:s21], [sflag:$0x5], $0x2000, s15, s14, $0x38;
	[tilespmem:$0x19000] =	vst v63  }
0x243: {  	_ = 	snop  }
0x244: {  	[tilespmem:s16], [sflag:$0x1] =	stream.strided.gather [hbm4b:s2+s14], $0x4000, s15, s14, $0x38;
	[tilespmem:$0x19000] =	vst v63  }
0x245: {  	_ =	swait.ge [sflag:s22], $0x4000  }
0x246: {  	[sflag:s22] =	ssyncset.done $0x0  }
0x247: {  	[sflag:s22] =	ssyncadd.s32 $0xFFFFC000  }
0x248: {  	_ =	swait.ge [sflag:s30], $0x2000  }
0x249: {  	s0 =	sld [smem:$0x74D]  }
0x24a: {  	[sflag:s30] =	ssyncset.done $0x0  }
0x24b: {  	s2 =	sld [smem:$0x74E];
	[sflag:s30] =	ssyncadd.s32 $0xFFFFE000  }
0x24c: {  	[hbm4b:s0+s14] =	stream.strided.scatter [tilespmem:s23], [sflag:$0x6], $0x2000, s15, s14, $0x38;
	[tilespmem:$0x19000] =	vst v63  }
0x24d: {  	_ = 	snop  }
0x24e: {  	[tilespmem:s17], [sflag:$0x2] =	stream.strided.gather [hbm4b:s2+s14], $0x4000, s15, s14, $0x38;
	[tilespmem:$0x19000] =	vst v63  }
0x24f: {  	_ =	swait.ge [sflag:s24], $0x4000  }
0x250: {  	[sflag:s24] =	ssyncset.done $0x0  }
0x251: {  	[sflag:s24] =	ssyncadd.s32 $0xFFFFC000  }
0x252: {  	_ =	swait.ge [sflag:s31], $0x2000  }
0x253: {  	s0 =	sld [smem:$0x74F]  }
0x254: {  	[sflag:s31] =	ssyncset.done $0x0  }
0x255: {  	s2 =	sld [smem:$0x750];
	[sflag:s31] =	ssyncadd.s32 $0xFFFFE000  }
0x256: {  	[hbm4b:s0+s14] =	stream.strided.scatter [tilespmem:s25], [sflag:$0x7], $0x2000, s15, s14, $0x38;
	[tilespmem:$0x19000] =	vst v63  }
0x257: {  	_ = 	snop  }
0x258: {  	[tilespmem:s18], [sflag:$0x3] =	stream.strided.gather [hbm4b:s2+s14], $0x4000, s15, s14, $0x38;
	[tilespmem:$0x19000] =	vst v63  }
0x259: {  	_ =	swait.ge [sflag:s26], $0x4000  }
0x25a: {  	[sflag:s26] =	ssyncset.done $0x0  }
0x25b: {  	[sflag:s26] =	ssyncadd.s32 $0xFFFFC000  }
0x25c: {  	_ =	swait.ge [sflag:s1], $0x2000  }
0x25d: {  	s0 =	sld [smem:$0x751]  }
0x25e: {  	[sflag:s1] =	ssyncset.done $0x0  }
0x25f: {  	s2 =	sld [smem:$0x752];
	[sflag:s1] =	ssyncadd.s32 $0xFFFFE000  }
0x260: {  	[hbm4b:s0+s14] =	stream.strided.scatter [tilespmem:s28], [sflag:$0x8], $0x2000, s15, s14, $0x38;
	[tilespmem:$0x19000] =	vst v63  }
0x261: {  	_ = 	snop  }
0x262: {  	[tilespmem:s19], [sflag:$0x4] =	stream.strided.gather [hbm4b:s2+s14], $0x4000, s15, s14, $0x38;
	[tilespmem:$0x19000] =	vst v63  }
0x263: {  	_ =	swait.ge [sflag:s20], $0x4000  }
0x264: {  	[sflag:s20] =	ssyncset.done $0x0  }
0x265: {  	[sflag:s20] =	ssyncadd.s32 $0xFFFFC000  }
0x266: {  	_ =	swait.ge [sflag:s29], $0x2000  }
0x267: {  	s0 =	sld [smem:$0x753]  }
0x268: {  	[sflag:s29] =	ssyncset.done $0x0  }
0x269: {  	s2 =	sld [smem:$0x754];
	[sflag:s29] =	ssyncadd.s32 $0xFFFFE000  }
0x26a: {  	[hbm4b:s0+s14] =	stream.strided.scatter [tilespmem:s21], [sflag:$0x5], $0x2000, s15, s14, $0x38;
	[tilespmem:$0x19000] =	vst v63  }
0x26b: {  	_ = 	snop  }
0x26c: {  	[tilespmem:s16], [sflag:$0x1] =	stream.strided.gather [hbm4b:s2+s14], $0x4000, s15, s14, $0x38;
	[tilespmem:$0x19000] =	vst v63  }
0x26d: {  	_ =	swait.ge [sflag:s22], $0x4000  }
0x26e: {  	[sflag:s22] =	ssyncset.done $0x0  }
0x26f: {  	[sflag:s22] =	ssyncadd.s32 $0xFFFFC000  }
0x270: {  	_ =	swait.ge [sflag:s30], $0x2000  }
0x271: {  	s0 =	sld [smem:$0x755]  }
0x272: {  	[sflag:s30] =	ssyncset.done $0x0  }
0x273: {  	s2 =	sld [smem:$0x756];
	[sflag:s30] =	ssyncadd.s32 $0xFFFFE000  }
0x274: {  	[hbm4b:s0+s14] =	stream.strided.scatter [tilespmem:s23], [sflag:$0x6], $0x2000, s15, s14, $0x38;
	[tilespmem:$0x19000] =	vst v63  }
0x275: {  	_ = 	snop  }
0x276: {  	[tilespmem:s17], [sflag:$0x2] =	stream.strided.gather [hbm4b:s2+s14], $0x4000, s15, s14, $0x38;
	[tilespmem:$0x19000] =	vst v63  }
0x277: {  	_ =	swait.ge [sflag:s24], $0x4000  }
0x278: {  	[sflag:s24] =	ssyncset.done $0x0  }
0x279: {  	[sflag:s24] =	ssyncadd.s32 $0xFFFFC000  }
0x27a: {  	_ =	swait.ge [sflag:s31], $0x2000  }
0x27b: {  	s0 =	sld [smem:$0x757]  }
0x27c: {  	[sflag:s31] =	ssyncset.done $0x0  }
0x27d: {  	s2 =	sld [smem:$0x758];
	[sflag:s31] =	ssyncadd.s32 $0xFFFFE000  }
0x27e: {  	[hbm4b:s0+s14] =	stream.strided.scatter [tilespmem:s25], [sflag:$0x7], $0x2000, s15, s14, $0x38;
	[tilespmem:$0x19000] =	vst v63  }
0x27f: {  	_ = 	snop  }
0x280: {  	[tilespmem:s18], [sflag:$0x3] =	stream.strided.gather [hbm4b:s2+s14], $0x4000, s15, s14, $0x38;
	[tilespmem:$0x19000] =	vst v63  }
0x281: {  	_ =	swait.ge [sflag:s26], $0x4000  }
0x282: {  	[sflag:s26] =	ssyncset.done $0x0  }
0x283: {  	[sflag:s26] =	ssyncadd.s32 $0xFFFFC000  }
0x284: {  	_ =	swait.ge [sflag:s1], $0x2000  }
0x285: {  	s0 =	sld [smem:$0x759]  }
0x286: {  	[sflag:s1] =	ssyncset.done $0x0  }
0x287: {  	s2 =	sld [smem:$0x75A];
	[sflag:s1] =	ssyncadd.s32 $0xFFFFE000  }
0x288: {  	[hbm4b:s0+s14] =	stream.strided.scatter [tilespmem:s28], [sflag:$0x8], $0x2000, s15, s14, $0x38;
	[tilespmem:$0x19000] =	vst v63  }
0x289: {  	_ = 	snop  }
0x28a: {  	[tilespmem:s19], [sflag:$0x4] =	stream.strided.gather [hbm4b:s2+s14], $0x4000, s15, s14, $0x38;
	[tilespmem:$0x19000] =	vst v63  }
0x28b: {  	_ =	swait.ge [sflag:s20], $0x4000  }
0x28c: {  	[sflag:s20] =	ssyncset.done $0x0  }
0x28d: {  	[sflag:s20] =	ssyncadd.s32 $0xFFFFC000  }
0x28e: {  	_ =	swait.ge [sflag:s29], $0x2000  }
0x28f: {  	s0 =	sld [smem:$0x75B]  }
0x290: {  	[sflag:s29] =	ssyncset.done $0x0  }
0x291: {  	s2 =	sld [smem:$0x75C];
	[sflag:s29] =	ssyncadd.s32 $0xFFFFE000  }
0x292: {  	[hbm4b:s0+s14] =	stream.strided.scatter [tilespmem:s21], [sflag:$0x5], $0x2000, s15, s14, $0x38;
	[tilespmem:$0x19000] =	vst v63  }
0x293: {  	_ = 	snop  }
0x294: {  	[tilespmem:s16], [sflag:$0x1] =	stream.strided.gather [hbm4b:s2+s14], $0x4000, s15, s14, $0x38;
	[tilespmem:$0x19000] =	vst v63  }
0x295: {  	_ =	swait.ge [sflag:s22], $0x4000  }
0x296: {  	[sflag:s22] =	ssyncset.done $0x0  }
0x297: {  	[sflag:s22] =	ssyncadd.s32 $0xFFFFC000  }
0x298: {  	_ =	swait.ge [sflag:s30], $0x2000  }
0x299: {  	s0 =	sld [smem:$0x75D]  }
0x29a: {  	[sflag:s30] =	ssyncset.done $0x0  }
0x29b: {  	s2 =	sld [smem:$0x75E];
	[sflag:s30] =	ssyncadd.s32 $0xFFFFE000  }
0x29c: {  	[hbm4b:s0+s14] =	stream.strided.scatter [tilespmem:s23], [sflag:$0x6], $0x2000, s15, s14, $0x38;
	[tilespmem:$0x19000] =	vst v63  }
0x29d: {  	_ = 	snop  }
0x29e: {  	[tilespmem:s17], [sflag:$0x2] =	stream.strided.gather [hbm4b:s2+s14], $0x4000, s15, s14, $0x38;
	[tilespmem:$0x19000] =	vst v63  }
0x29f: {  	_ =	swait.ge [sflag:s24], $0x4000  }
0x2a0: {  	[sflag:s24] =	ssyncset.done $0x0  }
0x2a1: {  	[sflag:s24] =	ssyncadd.s32 $0xFFFFC000  }
0x2a2: {  	_ =	swait.ge [sflag:s31], $0x2000  }
0x2a3: {  	s0 =	sld [smem:$0x75F]  }
0x2a4: {  	[sflag:s31] =	ssyncset.done $0x0  }
0x2a5: {  	s2 =	sld [smem:$0x760];
	[sflag:s31] =	ssyncadd.s32 $0xFFFFE000  }
0x2a6: {  	[hbm4b:s0+s14] =	stream.strided.scatter [tilespmem:s25], [sflag:$0x7], $0x2000, s15, s14, $0x38;
	[tilespmem:$0x19000] =	vst v63  }
0x2a7: {  	_ = 	snop  }
0x2a8: {  	[tilespmem:s18], [sflag:$0x3] =	stream.strided.gather [hbm4b:s2+s14], $0x4000, s15, s14, $0x38;
	[tilespmem:$0x19000] =	vst v63  }
0x2a9: {  	_ =	swait.ge [sflag:s26], $0x4000  }
0x2aa: {  	[sflag:s26] =	ssyncset.done $0x0  }
0x2ab: {  	[sflag:s26] =	ssyncadd.s32 $0xFFFFC000  }
0x2ac: {  	_ =	swait.ge [sflag:s1], $0x2000  }
0x2ad: {  	s0 =	sld [smem:$0x761]  }
0x2ae: {  	[sflag:s1] =	ssyncset.done $0x0  }
0x2af: {  	s2 =	sld [smem:$0x762];
	[sflag:s1] =	ssyncadd.s32 $0xFFFFE000  }
0x2b0: {  	[hbm4b:s0+s14] =	stream.strided.scatter [tilespmem:s28], [sflag:$0x8], $0x2000, s15, s14, $0x38;
	[tilespmem:$0x19000] =	vst v63  }
0x2b1: {  	_ = 	snop  }
0x2b2: {  	[tilespmem:s19], [sflag:$0x4] =	stream.strided.gather [hbm4b:s2+s14], $0x4000, s15, s14, $0x38;
	[tilespmem:$0x19000] =	vst v63  }
0x2b3: {  	_ =	swait.ge [sflag:s20], $0x4000  }
0x2b4: {  	[sflag:s20] =	ssyncset.done $0x0  }
0x2b5: {  	[sflag:s20] =	ssyncadd.s32 $0xFFFFC000  }
0x2b6: {  	_ =	swait.ge [sflag:s29], $0x2000  }
0x2b7: {  	s0 =	sld [smem:$0x763]  }
0x2b8: {  	[sflag:s29] =	ssyncset.done $0x0  }
0x2b9: {  	s2 =	sld [smem:$0x764];
	[sflag:s29] =	ssyncadd.s32 $0xFFFFE000  }
0x2ba: {  	[hbm4b:s0+s14] =	stream.strided.scatter [tilespmem:s21], [sflag:$0x5], $0x2000, s15, s14, $0x38;
	[tilespmem:$0x19000] =	vst v63  }
0x2bb: {  	_ = 	snop  }
0x2bc: {  	[tilespmem:s16], [sflag:$0x1] =	stream.strided.gather [hbm4b:s2+s14], $0x4000, s15, s14, $0x38;
	[tilespmem:$0x19000] =	vst v63  }
0x2bd: {  	_ =	swait.ge [sflag:s22], $0x4000  }
0x2be: {  	[sflag:s22] =	ssyncset.done $0x0  }
0x2bf: {  	[sflag:s22] =	ssyncadd.s32 $0xFFFFC000  }
0x2c0: {  	_ =	swait.ge [sflag:s30], $0x2000  }
0x2c1: {  	s0 =	sld [smem:$0x765]  }
0x2c2: {  	[sflag:s30] =	ssyncset.done $0x0  }
0x2c3: {  	s2 =	sld [smem:$0x766];
	[sflag:s30] =	ssyncadd.s32 $0xFFFFE000  }
0x2c4: {  	[hbm4b:s0+s14] =	stream.strided.scatter [tilespmem:s23], [sflag:$0x6], $0x2000, s15, s14, $0x38;
	[tilespmem:$0x19000] =	vst v63  }
0x2c5: {  	_ = 	snop  }
0x2c6: {  	[tilespmem:s17], [sflag:$0x2] =	stream.strided.gather [hbm4b:s2+s14], $0x4000, s15, s14, $0x38;
	[tilespmem:$0x19000] =	vst v63  }
0x2c7: {  	_ =	swait.ge [sflag:s24], $0x4000  }
0x2c8: {  	[sflag:s24] =	ssyncset.done $0x0  }
0x2c9: {  	[sflag:s24] =	ssyncadd.s32 $0xFFFFC000  }
0x2ca: {  	_ =	swait.ge [sflag:s31], $0x2000  }
0x2cb: {  	s0 =	sld [smem:$0x767]  }
0x2cc: {  	[sflag:s31] =	ssyncset.done $0x0  }
0x2cd: {  	s2 =	sld [smem:$0x768];
	[sflag:s31] =	ssyncadd.s32 $0xFFFFE000  }
0x2ce: {  	[hbm4b:s0+s14] =	stream.strided.scatter [tilespmem:s25], [sflag:$0x7], $0x2000, s15, s14, $0x38;
	[tilespmem:$0x19000] =	vst v63  }
0x2cf: {  	_ = 	snop  }
0x2d0: {  	[tilespmem:s18], [sflag:$0x3] =	stream.strided.gather [hbm4b:s2+s14], $0x4000, s15, s14, $0x38;
	[tilespmem:$0x19000] =	vst v63  }
0x2d1: {  	_ =	swait.ge [sflag:s26], $0x4000  }
0x2d2: {  	[sflag:s26] =	ssyncset.done $0x0  }
0x2d3: {  	[sflag:s26] =	ssyncadd.s32 $0xFFFFC000  }
0x2d4: {  	_ =	swait.ge [sflag:s1], $0x2000  }
0x2d5: {  	s0 =	sld [smem:$0x769]  }
0x2d6: {  	[sflag:s1] =	ssyncset.done $0x0  }
0x2d7: {  	s2 =	sld [smem:$0x76A];
	[sflag:s1] =	ssyncadd.s32 $0xFFFFE000  }
0x2d8: {  	[hbm4b:s0+s14] =	stream.strided.scatter [tilespmem:s28], [sflag:$0x8], $0x2000, s15, s14, $0x38;
	[tilespmem:$0x19000] =	vst v63  }
0x2d9: {  	_ = 	snop  }
0x2da: {  	[tilespmem:s19], [sflag:$0x4] =	stream.strided.gather [hbm4b:s2+s14], $0x4000, s15, s14, $0x38;
	[tilespmem:$0x19000] =	vst v63  }
0x2db: {  	_ =	swait.ge [sflag:s20], $0x4000  }
0x2dc: {  	[sflag:s20] =	ssyncset.done $0x0  }
0x2dd: {  	[sflag:s20] =	ssyncadd.s32 $0xFFFFC000  }
0x2de: {  	_ =	swait.ge [sflag:s29], $0x2000  }
0x2df: {  	s0 =	sld [smem:$0x76B]  }
0x2e0: {  	[sflag:s29] =	ssyncset.done $0x0  }
0x2e1: {  	s2 =	sld [smem:$0x76C];
	[sflag:s29] =	ssyncadd.s32 $0xFFFFE000  }
0x2e2: {  	[hbm4b:s0+s14] =	stream.strided.scatter [tilespmem:s21], [sflag:$0x5], $0x2000, s15, s14, $0x38;
	[tilespmem:$0x19000] =	vst v63  }
0x2e3: {  	_ = 	snop  }
0x2e4: {  	[tilespmem:s16], [sflag:$0x1] =	stream.strided.gather [hbm4b:s2+s14], $0x4000, s15, s14, $0x38;
	[tilespmem:$0x19000] =	vst v63  }
0x2e5: {  	_ =	swait.ge [sflag:s22], $0x4000  }
0x2e6: {  	[sflag:s22] =	ssyncset.done $0x0  }
0x2e7: {  	[sflag:s22] =	ssyncadd.s32 $0xFFFFC000  }
0x2e8: {  	_ =	swait.ge [sflag:s30], $0x2000  }
0x2e9: {  	s0 =	sld [smem:$0x76D]  }
0x2ea: {  	[sflag:s30] =	ssyncset.done $0x0  }
0x2eb: {  	s2 =	sld [smem:$0x76E];
	[sflag:s30] =	ssyncadd.s32 $0xFFFFE000  }
0x2ec: {  	[hbm4b:s0+s14] =	stream.strided.scatter [tilespmem:s23], [sflag:$0x6], $0x2000, s15, s14, $0x38;
	[tilespmem:$0x19000] =	vst v63  }
0x2ed: {  	_ = 	snop  }
0x2ee: {  	[tilespmem:s17], [sflag:$0x2] =	stream.strided.gather [hbm4b:s2+s14], $0x4000, s15, s14, $0x38;
	[tilespmem:$0x19000] =	vst v63  }
0x2ef: {  	_ =	swait.ge [sflag:s24], $0x4000  }
0x2f0: {  	[sflag:s24] =	ssyncset.done $0x0  }
0x2f1: {  	[sflag:s24] =	ssyncadd.s32 $0xFFFFC000  }
0x2f2: {  	_ =	swait.ge [sflag:s31], $0x2000  }
0x2f3: {  	s0 =	sld [smem:$0x76F]  }
0x2f4: {  	[sflag:s31] =	ssyncset.done $0x0  }
0x2f5: {  	s2 =	sld [smem:$0x770];
	[sflag:s31] =	ssyncadd.s32 $0xFFFFE000  }
0x2f6: {  	[hbm4b:s0+s14] =	stream.strided.scatter [tilespmem:s25], [sflag:$0x7], $0x2000, s15, s14, $0x38;
	[tilespmem:$0x19000] =	vst v63  }
0x2f7: {  	_ = 	snop  }
0x2f8: {  	[tilespmem:s18], [sflag:$0x3] =	stream.strided.gather [hbm4b:s2+s14], $0x4000, s15, s14, $0x38;
	[tilespmem:$0x19000] =	vst v63  }
0x2f9: {  	_ =	swait.ge [sflag:s26], $0x4000  }
0x2fa: {  	[sflag:s26] =	ssyncset.done $0x0  }
0x2fb: {  	[sflag:s26] =	ssyncadd.s32 $0xFFFFC000  }
0x2fc: {  	_ =	swait.ge [sflag:s1], $0x2000  }
0x2fd: {  	s0 =	sld [smem:$0x771]  }
0x2fe: {  	[sflag:s1] =	ssyncset.done $0x0  }
0x2ff: {  	s2 =	sld [smem:$0x772];
	[sflag:s1] =	ssyncadd.s32 $0xFFFFE000  }
0x300: {  	[hbm4b:s0+s14] =	stream.strided.scatter [tilespmem:s28], [sflag:$0x8], $0x2000, s15, s14, $0x38;
	[tilespmem:$0x19000] =	vst v63  }
0x301: {  	_ = 	snop  }
0x302: {  	[tilespmem:s19], [sflag:$0x4] =	stream.strided.gather [hbm4b:s2+s14], $0x4000, s15, s14, $0x38;
	[tilespmem:$0x19000] =	vst v63  }
0x303: {  	_ =	swait.ge [sflag:s20], $0x4000  }
0x304: {  	[sflag:s20] =	ssyncset.done $0x0  }
0x305: {  	[sflag:s20] =	ssyncadd.s32 $0xFFFFC000  }
0x306: {  	_ =	swait.ge [sflag:s29], $0x2000  }
0x307: {  	s0 =	sld [smem:$0x773]  }
0x308: {  	[sflag:s29] =	ssyncset.done $0x0  }
0x309: {  	s2 =	sld [smem:$0x774];
	[sflag:s29] =	ssyncadd.s32 $0xFFFFE000  }
0x30a: {  	[hbm4b:s0+s14] =	stream.strided.scatter [tilespmem:s21], [sflag:$0x5], $0x2000, s15, s14, $0x38;
	[tilespmem:$0x19000] =	vst v63  }
0x30b: {  	_ = 	snop  }
0x30c: {  	[tilespmem:s16], [sflag:$0x1] =	stream.strided.gather [hbm4b:s2+s14], $0x4000, s15, s14, $0x38;
	[tilespmem:$0x19000] =	vst v63  }
0x30d: {  	_ =	swait.ge [sflag:s22], $0x4000  }
0x30e: {  	[sflag:s22] =	ssyncset.done $0x0  }
0x30f: {  	[sflag:s22] =	ssyncadd.s32 $0xFFFFC000  }
0x310: {  	_ =	swait.ge [sflag:s30], $0x2000  }
0x311: {  	s0 =	sld [smem:$0x775]  }
0x312: {  	[sflag:s30] =	ssyncset.done $0x0  }
0x313: {  	s2 =	sld [smem:$0x776];
	[sflag:s30] =	ssyncadd.s32 $0xFFFFE000  }
0x314: {  	[hbm4b:s0+s14] =	stream.strided.scatter [tilespmem:s23], [sflag:$0x6], $0x2000, s15, s14, $0x38;
	[tilespmem:$0x19000] =	vst v63  }
0x315: {  	_ = 	snop  }
0x316: {  	[tilespmem:s17], [sflag:$0x2] =	stream.strided.gather [hbm4b:s2+s14], $0x4000, s15, s14, $0x38;
	[tilespmem:$0x19000] =	vst v63  }
0x317: {  	_ =	swait.ge [sflag:s24], $0x4000  }
0x318: {  	[sflag:s24] =	ssyncset.done $0x0  }
0x319: {  	[sflag:s24] =	ssyncadd.s32 $0xFFFFC000  }
0x31a: {  	_ =	swait.ge [sflag:s31], $0x2000  }
0x31b: {  	s0 =	sld [smem:$0x777]  }
0x31c: {  	[sflag:s31] =	ssyncset.done $0x0  }
0x31d: {  	s2 =	sld [smem:$0x778];
	[sflag:s31] =	ssyncadd.s32 $0xFFFFE000  }
0x31e: {  	[hbm4b:s0+s14] =	stream.strided.scatter [tilespmem:s25], [sflag:$0x7], $0x2000, s15, s14, $0x38;
	[tilespmem:$0x19000] =	vst v63  }
0x31f: {  	_ = 	snop  }
0x320: {  	[tilespmem:s18], [sflag:$0x3] =	stream.strided.gather [hbm4b:s2+s14], $0x4000, s15, s14, $0x38;
	[tilespmem:$0x19000] =	vst v63  }
0x321: {  	_ =	swait.ge [sflag:s26], $0x4000  }
0x322: {  	[sflag:s26] =	ssyncset.done $0x0  }
0x323: {  	[sflag:s26] =	ssyncadd.s32 $0xFFFFC000  }
0x324: {  	_ =	swait.ge [sflag:s1], $0x2000  }
0x325: {  	s0 =	sld [smem:$0x779]  }
0x326: {  	[sflag:s1] =	ssyncset.done $0x0  }
0x327: {  	s2 =	sld [smem:$0x77A];
	[sflag:s1] =	ssyncadd.s32 $0xFFFFE000  }
0x328: {  	[hbm4b:s0+s14] =	stream.strided.scatter [tilespmem:s28], [sflag:$0x8], $0x2000, s15, s14, $0x38;
	[tilespmem:$0x19000] =	vst v63  }
0x329: {  	_ = 	snop  }
0x32a: {  	[tilespmem:s19], [sflag:$0x4] =	stream.strided.gather [hbm4b:s2+s14], $0x4000, s15, s14, $0x38;
	[tilespmem:$0x19000] =	vst v63  }
0x32b: {  	_ =	swait.ge [sflag:s20], $0x4000  }
0x32c: {  	[sflag:s20] =	ssyncset.done $0x0  }
0x32d: {  	[sflag:s20] =	ssyncadd.s32 $0xFFFFC000  }
0x32e: {  	_ =	swait.ge [sflag:s29], $0x2000  }
0x32f: {  	s0 =	sld [smem:$0x77B]  }
0x330: {  	[sflag:s29] =	ssyncset.done $0x0  }
0x331: {  	s2 =	sld [smem:$0x77C];
	[sflag:s29] =	ssyncadd.s32 $0xFFFFE000  }
0x332: {  	[hbm4b:s0+s14] =	stream.strided.scatter [tilespmem:s21], [sflag:$0x5], $0x2000, s15, s14, $0x38;
	[tilespmem:$0x19000] =	vst v63  }
0x333: {  	_ = 	snop  }
0x334: {  	[tilespmem:s16], [sflag:$0x1] =	stream.strided.gather [hbm4b:s2+s14], $0x4000, s15, s14, $0x38;
	[tilespmem:$0x19000] =	vst v63  }
0x335: {  	_ =	swait.ge [sflag:s22], $0x4000  }
0x336: {  	[sflag:s22] =	ssyncset.done $0x0  }
0x337: {  	[sflag:s22] =	ssyncadd.s32 $0xFFFFC000  }
0x338: {  	_ =	swait.ge [sflag:s30], $0x2000  }
0x339: {  	s0 =	sld [smem:$0x77D]  }
0x33a: {  	[sflag:s30] =	ssyncset.done $0x0  }
0x33b: {  	s2 =	sld [smem:$0x77E];
	[sflag:s30] =	ssyncadd.s32 $0xFFFFE000  }
0x33c: {  	[hbm4b:s0+s14] =	stream.strided.scatter [tilespmem:s23], [sflag:$0x6], $0x2000, s15, s14, $0x38;
	[tilespmem:$0x19000] =	vst v63  }
0x33d: {  	_ = 	snop  }
0x33e: {  	[tilespmem:s17], [sflag:$0x2] =	stream.strided.gather [hbm4b:s2+s14], $0x4000, s15, s14, $0x38;
	[tilespmem:$0x19000] =	vst v63  }
0x33f: {  	_ =	swait.ge [sflag:s24], $0x4000  }
0x340: {  	[sflag:s24] =	ssyncset.done $0x0  }
0x341: {  	[sflag:s24] =	ssyncadd.s32 $0xFFFFC000  }
0x342: {  	_ =	swait.ge [sflag:s31], $0x2000  }
0x343: {  	s0 =	sld [smem:$0x77F]  }
0x344: {  	[sflag:s31] =	ssyncset.done $0x0  }
0x345: {  	s2 =	sld [smem:$0x780];
	[sflag:s31] =	ssyncadd.s32 $0xFFFFE000  }
0x346: {  	[hbm4b:s0+s14] =	stream.strided.scatter [tilespmem:s25], [sflag:$0x7], $0x2000, s15, s14, $0x38;
	[tilespmem:$0x19000] =	vst v63  }
0x347: {  	_ = 	snop  }
0x348: {  	[tilespmem:s18], [sflag:$0x3] =	stream.strided.gather [hbm4b:s2+s14], $0x4000, s15, s14, $0x38;
	[tilespmem:$0x19000] =	vst v63  }
0x349: {  	_ =	swait.ge [sflag:s26], $0x4000  }
0x34a: {  	[sflag:s26] =	ssyncset.done $0x0  }
0x34b: {  	[sflag:s26] =	ssyncadd.s32 $0xFFFFC000  }
0x34c: {  	_ =	swait.ge [sflag:s1], $0x2000  }
0x34d: {  	s0 =	sld [smem:$0x781]  }
0x34e: {  	[sflag:s1] =	ssyncset.done $0x0  }
0x34f: {  	s2 =	sld [smem:$0x782];
	[sflag:s1] =	ssyncadd.s32 $0xFFFFE000  }
0x350: {  	[hbm4b:s0+s14] =	stream.strided.scatter [tilespmem:s28], [sflag:$0x8], $0x2000, s15, s14, $0x38;
	[tilespmem:$0x19000] =	vst v63  }
0x351: {  	_ = 	snop  }
0x352: {  	[tilespmem:s19], [sflag:$0x4] =	stream.strided.gather [hbm4b:s2+s14], $0x4000, s15, s14, $0x38;
	[tilespmem:$0x19000] =	vst v63  }
0x353: {  	_ =	swait.ge [sflag:s20], $0x4000  }
0x354: {  	[sflag:s20] =	ssyncset.done $0x0  }
0x355: {  	[sflag:s20] =	ssyncadd.s32 $0xFFFFC000  }
0x356: {  	_ =	swait.ge [sflag:s29], $0x2000  }
0x357: {  	s0 =	sld [smem:$0x783]  }
0x358: {  	[sflag:s29] =	ssyncset.done $0x0  }
0x359: {  	s2 =	sld [smem:$0x784];
	[sflag:s29] =	ssyncadd.s32 $0xFFFFE000  }
0x35a: {  	[hbm4b:s0+s14] =	stream.strided.scatter [tilespmem:s21], [sflag:$0x5], $0x2000, s15, s14, $0x38;
	[tilespmem:$0x19000] =	vst v63  }
0x35b: {  	_ = 	snop  }
0x35c: {  	[tilespmem:s16], [sflag:$0x1] =	stream.strided.gather [hbm4b:s2+s14], $0x4000, s15, s14, $0x38;
	[tilespmem:$0x19000] =	vst v63  }
0x35d: {  	_ =	swait.ge [sflag:s22], $0x4000  }
0x35e: {  	[sflag:s22] =	ssyncset.done $0x0  }
0x35f: {  	[sflag:s22] =	ssyncadd.s32 $0xFFFFC000  }
0x360: {  	_ =	swait.ge [sflag:s30], $0x2000  }
0x361: {  	s0 =	sld [smem:$0x785]  }
0x362: {  	[sflag:s30] =	ssyncset.done $0x0  }
0x363: {  	s2 =	sld [smem:$0x786];
	[sflag:s30] =	ssyncadd.s32 $0xFFFFE000  }
0x364: {  	[hbm4b:s0+s14] =	stream.strided.scatter [tilespmem:s23], [sflag:$0x6], $0x2000, s15, s14, $0x38;
	[tilespmem:$0x19000] =	vst v63  }
0x365: {  	_ = 	snop  }
0x366: {  	[tilespmem:s17], [sflag:$0x2] =	stream.strided.gather [hbm4b:s2+s14], $0x4000, s15, s14, $0x38;
	[tilespmem:$0x19000] =	vst v63  }
0x367: {  	_ =	swait.ge [sflag:s24], $0x4000  }
0x368: {  	[sflag:s24] =	ssyncset.done $0x0  }
0x369: {  	[sflag:s24] =	ssyncadd.s32 $0xFFFFC000  }
0x36a: {  	_ =	swait.ge [sflag:s31], $0x2000  }
0x36b: {  	s0 =	sld [smem:$0x787]  }
0x36c: {  	[sflag:s31] =	ssyncset.done $0x0  }
0x36d: {  	s2 =	sld [smem:$0x788];
	[sflag:s31] =	ssyncadd.s32 $0xFFFFE000  }
0x36e: {  	[hbm4b:s0+s14] =	stream.strided.scatter [tilespmem:s25], [sflag:$0x7], $0x2000, s15, s14, $0x38;
	[tilespmem:$0x19000] =	vst v63  }
0x36f: {  	_ = 	snop  }
0x370: {  	[tilespmem:s18], [sflag:$0x3] =	stream.strided.gather [hbm4b:s2+s14], $0x4000, s15, s14, $0x38;
	[tilespmem:$0x19000] =	vst v63  }
0x371: {  	_ =	swait.ge [sflag:s26], $0x4000  }
0x372: {  	[sflag:s26] =	ssyncset.done $0x0  }
0x373: {  	[sflag:s26] =	ssyncadd.s32 $0xFFFFC000  }
0x374: {  	_ =	swait.ge [sflag:s1], $0x2000  }
0x375: {  	s0 =	sld [smem:$0x789]  }
0x376: {  	[sflag:s1] =	ssyncset.done $0x0  }
0x377: {  	s2 =	sld [smem:$0x78A];
	[sflag:s1] =	ssyncadd.s32 $0xFFFFE000  }
0x378: {  	[hbm4b:s0+s14] =	stream.strided.scatter [tilespmem:s28], [sflag:$0x8], $0x2000, s15, s14, $0x38;
	[tilespmem:$0x19000] =	vst v63  }
0x379: {  	_ = 	snop  }
0x37a: {  	[tilespmem:s19], [sflag:$0x4] =	stream.strided.gather [hbm4b:s2+s14], $0x4000, s15, s14, $0x38;
	[tilespmem:$0x19000] =	vst v63  }
0x37b: {  	_ =	swait.ge [sflag:s20], $0x4000  }
0x37c: {  	[sflag:s20] =	ssyncset.done $0x0  }
0x37d: {  	[sflag:s20] =	ssyncadd.s32 $0xFFFFC000  }
0x37e: {  	_ =	swait.ge [sflag:s29], $0x2000  }
0x37f: {  	[sflag:s29] =	ssyncset.done $0x0  }
0x380: {  	[sflag:s29] =	ssyncadd.s32 $0xFFFFE000  }
0x381: {  	s0 =	sld [smem:$0x78B];
	_ =	sdelay $0x1  }
0x382: {  	s2 =	sld [smem:$0x78C]  }
0x383: {  	[hbm4b:s0+s14] =	stream.strided.scatter [tilespmem:s21], [sflag:$0x5], $0x2000, s15, s14, $0x38;
	[tilespmem:$0x19000] =	vst v63  }
0x384: {  	_ = 	snop  }
0x385: {  	[tilespmem:s16], [sflag:$0x1] =	stream.strided.gather [hbm4b:s2+s14], $0x4000, s15, s14, $0x38;
	[tilespmem:$0x19000] =	vst v63  }
0x386: {  	_ =	swait.ge [sflag:s22], $0x4000  }
0x387: {  	[sflag:s22] =	ssyncset.done $0x0  }
0x388: {  	[sflag:s22] =	ssyncadd.s32 $0xFFFFC000  }
0x389: {  	_ =	swait.ge [sflag:s30], $0x2000  }
0x38a: {  	s0 =	sld [smem:$0x78D]  }
0x38b: {  	[sflag:s30] =	ssyncset.done $0x0  }
0x38c: {  	s2 =	sld [smem:$0x78E];
	[sflag:s30] =	ssyncadd.s32 $0xFFFFE000  }
0x38d: {  	[hbm4b:s0+s14] =	stream.strided.scatter [tilespmem:s23], [sflag:$0x6], $0x2000, s15, s14, $0x38;
	[tilespmem:$0x19000] =	vst v63  }
0x38e: {  	_ = 	snop  }
0x38f: {  	[tilespmem:s17], [sflag:$0x2] =	stream.strided.gather [hbm4b:s2+s14], $0x4000, s15, s14, $0x38;
	[tilespmem:$0x19000] =	vst v63  }
0x390: {  	_ =	swait.ge [sflag:s24], $0x4000  }
0x391: {  	[sflag:s24] =	ssyncset.done $0x0  }
0x392: {  	[sflag:s24] =	ssyncadd.s32 $0xFFFFC000  }
0x393: {  	_ =	swait.ge [sflag:s31], $0x2000  }
0x394: {  	s0 =	sld [smem:$0x78F]  }
0x395: {  	[sflag:s31] =	ssyncset.done $0x0  }
0x396: {  	s2 =	sld [smem:$0x790];
	[sflag:s31] =	ssyncadd.s32 $0xFFFFE000  }
0x397: {  	[hbm4b:s0+s14] =	stream.strided.scatter [tilespmem:s25], [sflag:$0x7], $0x2000, s15, s14, $0x38;
	[tilespmem:$0x19000] =	vst v63  }
0x398: {  	_ = 	snop  }
0x399: {  	[tilespmem:s18], [sflag:$0x3] =	stream.strided.gather [hbm4b:s2+s14], $0x4000, s15, s14, $0x38;
	[tilespmem:$0x19000] =	vst v63  }
0x39a: {  	_ =	swait.ge [sflag:s26], $0x4000  }
0x39b: {  	[sflag:s26] =	ssyncset.done $0x0  }
0x39c: {  	[sflag:s26] =	ssyncadd.s32 $0xFFFFC000  }
0x39d: {  	_ =	swait.ge [sflag:s1], $0x2000  }
0x39e: {  	s0 =	sld [smem:$0x791]  }
0x39f: {  	[sflag:s1] =	ssyncset.done $0x0  }
0x3a0: {  	s2 =	sld [smem:$0x792];
	[sflag:s1] =	ssyncadd.s32 $0xFFFFE000  }
0x3a1: {  	[hbm4b:s0+s14] =	stream.strided.scatter [tilespmem:s28], [sflag:$0x8], $0x2000, s15, s14, $0x38;
	[tilespmem:$0x19000] =	vst v63  }
0x3a2: {  	_ = 	snop  }
0x3a3: {  	[tilespmem:s19], [sflag:$0x4] =	stream.strided.gather [hbm4b:s2+s14], $0x4000, s15, s14, $0x38;
	[tilespmem:$0x19000] =	vst v63  }
0x3a4: {  	_ =	swait.ge [sflag:s20], $0x4000  }
0x3a5: {  	[sflag:s20] =	ssyncset.done $0x0  }
0x3a6: {  	[sflag:s20] =	ssyncadd.s32 $0xFFFFC000  }
0x3a7: {  	_ =	swait.ge [sflag:s29], $0x2000  }
0x3a8: {  	s0 =	sld [smem:$0x793]  }
0x3a9: {  	[sflag:s29] =	ssyncset.done $0x0  }
0x3aa: {  	s2 =	sld [smem:$0x794];
	[sflag:s29] =	ssyncadd.s32 $0xFFFFE000  }
0x3ab: {  	[hbm4b:s0+s14] =	stream.strided.scatter [tilespmem:s21], [sflag:$0x5], $0x2000, s15, s14, $0x38;
	[tilespmem:$0x19000] =	vst v63  }
0x3ac: {  	_ = 	snop  }
0x3ad: {  	[tilespmem:s16], [sflag:$0x1] =	stream.strided.gather [hbm4b:s2+s14], $0x4000, s15, s14, $0x38;
	[tilespmem:$0x19000] =	vst v63  }
0x3ae: {  	_ =	swait.ge [sflag:s22], $0x4000  }
0x3af: {  	[sflag:s22] =	ssyncset.done $0x0  }
0x3b0: {  	[sflag:s22] =	ssyncadd.s32 $0xFFFFC000  }
0x3b1: {  	_ =	swait.ge [sflag:s30], $0x2000  }
0x3b2: {  	s0 =	sld [smem:$0x795]  }
0x3b3: {  	[sflag:s30] =	ssyncset.done $0x0  }
0x3b4: {  	s2 =	sld [smem:$0x796];
	[sflag:s30] =	ssyncadd.s32 $0xFFFFE000  }
0x3b5: {  	[hbm4b:s0+s14] =	stream.strided.scatter [tilespmem:s23], [sflag:$0x6], $0x2000, s15, s14, $0x38;
	[tilespmem:$0x19000] =	vst v63  }
0x3b6: {  	_ = 	snop  }
0x3b7: {  	[tilespmem:s17], [sflag:$0x2] =	stream.strided.gather [hbm4b:s2+s14], $0x4000, s15, s14, $0x38;
	[tilespmem:$0x19000] =	vst v63  }
0x3b8: {  	_ =	swait.ge [sflag:s24], $0x4000  }
0x3b9: {  	[sflag:s24] =	ssyncset.done $0x0  }
0x3ba: {  	[sflag:s24] =	ssyncadd.s32 $0xFFFFC000  }
0x3bb: {  	_ =	swait.ge [sflag:s31], $0x2000  }
0x3bc: {  	s0 =	sld [smem:$0x797]  }
0x3bd: {  	[sflag:s31] =	ssyncset.done $0x0  }
0x3be: {  	s2 =	sld [smem:$0x798];
	[sflag:s31] =	ssyncadd.s32 $0xFFFFE000  }
0x3bf: {  	[hbm4b:s0+s14] =	stream.strided.scatter [tilespmem:s25], [sflag:$0x7], $0x2000, s15, s14, $0x38;
	[tilespmem:$0x19000] =	vst v63  }
0x3c0: {  	_ = 	snop  }
0x3c1: {  	[tilespmem:s18], [sflag:$0x3] =	stream.strided.gather [hbm4b:s2+s14], $0x4000, s15, s14, $0x38;
	[tilespmem:$0x19000] =	vst v63  }
0x3c2: {  	_ =	swait.ge [sflag:s26], $0x4000  }
0x3c3: {  	[sflag:s26] =	ssyncset.done $0x0  }
0x3c4: {  	[sflag:s26] =	ssyncadd.s32 $0xFFFFC000  }
0x3c5: {  	_ =	swait.ge [sflag:s1], $0x2000  }
0x3c6: {  	s0 =	sld [smem:$0x799]  }
0x3c7: {  	[sflag:s1] =	ssyncset.done $0x0  }
0x3c8: {  	s2 =	sld [smem:$0x79A];
	[sflag:s1] =	ssyncadd.s32 $0xFFFFE000  }
0x3c9: {  	[hbm4b:s0+s14] =	stream.strided.scatter [tilespmem:s28], [sflag:$0x8], $0x2000, s15, s14, $0x38;
	[tilespmem:$0x19000] =	vst v63  }
0x3ca: {  	_ = 	snop  }
0x3cb: {  	[tilespmem:s19], [sflag:$0x4] =	stream.strided.gather [hbm4b:s2+s14], $0x4000, s15, s14, $0x38;
	[tilespmem:$0x19000] =	vst v63  }
0x3cc: {  	_ =	swait.ge [sflag:s20], $0x4000  }
0x3cd: {  	[sflag:s20] =	ssyncset.done $0x0  }
0x3ce: {  	[sflag:s20] =	ssyncadd.s32 $0xFFFFC000  }
0x3cf: {  	_ =	swait.ge [sflag:s29], $0x2000  }
0x3d0: {  	s0 =	sld [smem:$0x79B]  }
0x3d1: {  	[sflag:s29] =	ssyncset.done $0x0  }
0x3d2: {  	s2 =	sld [smem:$0x79C];
	[sflag:s29] =	ssyncadd.s32 $0xFFFFE000  }
0x3d3: {  	[hbm4b:s0+s14] =	stream.strided.scatter [tilespmem:s21], [sflag:$0x5], $0x2000, s15, s14, $0x38;
	[tilespmem:$0x19000] =	vst v63  }
0x3d4: {  	_ = 	snop  }
0x3d5: {  	[tilespmem:s16], [sflag:$0x1] =	stream.strided.gather [hbm4b:s2+s14], $0x4000, s15, s14, $0x38;
	[tilespmem:$0x19000] =	vst v63  }
0x3d6: {  	_ =	swait.ge [sflag:s22], $0x4000  }
0x3d7: {  	[sflag:s22] =	ssyncset.done $0x0  }
0x3d8: {  	[sflag:s22] =	ssyncadd.s32 $0xFFFFC000  }
0x3d9: {  	_ =	swait.ge [sflag:s30], $0x2000  }
0x3da: {  	s0 =	sld [smem:$0x79D]  }
0x3db: {  	[sflag:s30] =	ssyncset.done $0x0  }
0x3dc: {  	s2 =	sld [smem:$0x79E];
	[sflag:s30] =	ssyncadd.s32 $0xFFFFE000  }
0x3dd: {  	[hbm4b:s0+s14] =	stream.strided.scatter [tilespmem:s23], [sflag:$0x6], $0x2000, s15, s14, $0x38;
	[tilespmem:$0x19000] =	vst v63  }
0x3de: {  	_ = 	snop  }
0x3df: {  	[tilespmem:s17], [sflag:$0x2] =	stream.strided.gather [hbm4b:s2+s14], $0x4000, s15, s14, $0x38;
	[tilespmem:$0x19000] =	vst v63  }
0x3e0: {  	_ =	swait.ge [sflag:s24], $0x4000  }
0x3e1: {  	[sflag:s24] =	ssyncset.done $0x0  }
0x3e2: {  	[sflag:s24] =	ssyncadd.s32 $0xFFFFC000  }
0x3e3: {  	_ =	swait.ge [sflag:s31], $0x2000  }
0x3e4: {  	s0 =	sld [smem:$0x79F]  }
0x3e5: {  	[sflag:s31] =	ssyncset.done $0x0  }
0x3e6: {  	s2 =	sld [smem:$0x7A0];
	[sflag:s31] =	ssyncadd.s32 $0xFFFFE000  }
0x3e7: {  	[hbm4b:s0+s14] =	stream.strided.scatter [tilespmem:s25], [sflag:$0x7], $0x2000, s15, s14, $0x38;
	[tilespmem:$0x19000] =	vst v63  }
0x3e8: {  	_ = 	snop  }
0x3e9: {  	[tilespmem:s18], [sflag:$0x3] =	stream.strided.gather [hbm4b:s2+s14], $0x4000, s15, s14, $0x38;
	[tilespmem:$0x19000] =	vst v63  }
0x3ea: {  	_ =	swait.ge [sflag:s26], $0x4000  }
0x3eb: {  	[sflag:s26] =	ssyncset.done $0x0  }
0x3ec: {  	[sflag:s26] =	ssyncadd.s32 $0xFFFFC000  }
0x3ed: {  	_ =	swait.ge [sflag:s1], $0x2000  }
0x3ee: {  	s0 =	sld [smem:$0x7A1]  }
0x3ef: {  	[sflag:s1] =	ssyncset.done $0x0  }
0x3f0: {  	s2 =	sld [smem:$0x7A2];
	[sflag:s1] =	ssyncadd.s32 $0xFFFFE000  }
0x3f1: {  	[hbm4b:s0+s14] =	stream.strided.scatter [tilespmem:s28], [sflag:$0x8], $0x2000, s15, s14, $0x38;
	[tilespmem:$0x19000] =	vst v63  }
0x3f2: {  	_ = 	snop  }
0x3f3: {  	[tilespmem:s19], [sflag:$0x4] =	stream.strided.gather [hbm4b:s2+s14], $0x4000, s15, s14, $0x38;
	[tilespmem:$0x19000] =	vst v63  }
0x3f4: {  	_ =	swait.ge [sflag:s20], $0x4000  }
0x3f5: {  	[sflag:s20] =	ssyncset.done $0x0  }
0x3f6: {  	[sflag:s20] =	ssyncadd.s32 $0xFFFFC000  }
0x3f7: {  	_ =	swait.ge [sflag:s29], $0x2000  }
0x3f8: {  	s0 =	sld [smem:$0x7A3]  }
0x3f9: {  	[sflag:s29] =	ssyncset.done $0x0  }
0x3fa: {  	s2 =	sld [smem:$0x7A4];
	[sflag:s29] =	ssyncadd.s32 $0xFFFFE000  }
0x3fb: {  	[hbm4b:s0+s14] =	stream.strided.scatter [tilespmem:s21], [sflag:$0x5], $0x2000, s15, s14, $0x38;
	[tilespmem:$0x19000] =	vst v63  }
0x3fc: {  	_ = 	snop  }
0x3fd: {  	[tilespmem:s16], [sflag:$0x1] =	stream.strided.gather [hbm4b:s2+s14], $0x4000, s15, s14, $0x38;
	[tilespmem:$0x19000] =	vst v63  }
0x3fe: {  	_ =	swait.ge [sflag:s22], $0x4000  }
0x3ff: {  	[sflag:s22] =	ssyncset.done $0x0  }
0x400: {  	[sflag:s22] =	ssyncadd.s32 $0xFFFFC000  }
0x401: {  	_ =	swait.ge [sflag:s30], $0x2000  }
0x402: {  	s0 =	sld [smem:$0x7A5]  }
0x403: {  	[sflag:s30] =	ssyncset.done $0x0  }
0x404: {  	s2 =	sld [smem:$0x7A6];
	[sflag:s30] =	ssyncadd.s32 $0xFFFFE000  }
0x405: {  	[hbm4b:s0+s14] =	stream.strided.scatter [tilespmem:s23], [sflag:$0x6], $0x2000, s15, s14, $0x38;
	[tilespmem:$0x19000] =	vst v63  }
0x406: {  	_ = 	snop  }
0x407: {  	[tilespmem:s17], [sflag:$0x2] =	stream.strided.gather [hbm4b:s2+s14], $0x4000, s15, s14, $0x38;
	[tilespmem:$0x19000] =	vst v63  }
0x408: {  	_ =	swait.ge [sflag:s24], $0x4000  }
0x409: {  	[sflag:s24] =	ssyncset.done $0x0  }
0x40a: {  	[sflag:s24] =	ssyncadd.s32 $0xFFFFC000  }
0x40b: {  	_ =	swait.ge [sflag:s31], $0x2000  }
0x40c: {  	s0 =	sld [smem:$0x7A7]  }
0x40d: {  	[sflag:s31] =	ssyncset.done $0x0  }
0x40e: {  	s2 =	sld [smem:$0x7A8];
	[sflag:s31] =	ssyncadd.s32 $0xFFFFE000  }
0x40f: {  	[hbm4b:s0+s14] =	stream.strided.scatter [tilespmem:s25], [sflag:$0x7], $0x2000, s15, s14, $0x38;
	[tilespmem:$0x19000] =	vst v63  }
0x410: {  	_ = 	snop  }
0x411: {  	[tilespmem:s18], [sflag:$0x3] =	stream.strided.gather [hbm4b:s2+s14], $0x4000, s15, s14, $0x38;
	[tilespmem:$0x19000] =	vst v63  }
0x412: {  	_ =	swait.ge [sflag:s26], $0x4000  }
0x413: {  	[sflag:s26] =	ssyncset.done $0x0  }
0x414: {  	[sflag:s26] =	ssyncadd.s32 $0xFFFFC000  }
0x415: {  	_ =	swait.ge [sflag:s1], $0x2000  }
0x416: {  	s0 =	sld [smem:$0x7A9]  }
0x417: {  	[sflag:s1] =	ssyncset.done $0x0  }
0x418: {  	s2 =	sld [smem:$0x7AA];
	[sflag:s1] =	ssyncadd.s32 $0xFFFFE000  }
0x419: {  	[hbm4b:s0+s14] =	stream.strided.scatter [tilespmem:s28], [sflag:$0x8], $0x2000, s15, s14, $0x38;
	[tilespmem:$0x19000] =	vst v63  }
0x41a: {  	_ = 	snop  }
0x41b: {  	[tilespmem:s19], [sflag:$0x4] =	stream.strided.gather [hbm4b:s2+s14], $0x4000, s15, s14, $0x38;
	[tilespmem:$0x19000] =	vst v63  }
0x41c: {  	_ =	swait.ge [sflag:s20], $0x4000  }
0x41d: {  	[sflag:s20] =	ssyncset.done $0x0  }
0x41e: {  	[sflag:s20] =	ssyncadd.s32 $0xFFFFC000  }
0x41f: {  	_ =	swait.ge [sflag:s29], $0x2000  }
0x420: {  	s0 =	sld [smem:$0x7AB]  }
0x421: {  	[sflag:s29] =	ssyncset.done $0x0  }
0x422: {  	s2 =	sld [smem:$0x7AC];
	[sflag:s29] =	ssyncadd.s32 $0xFFFFE000  }
0x423: {  	[hbm4b:s0+s14] =	stream.strided.scatter [tilespmem:s21], [sflag:$0x5], $0x2000, s15, s14, $0x38;
	[tilespmem:$0x19000] =	vst v63  }
0x424: {  	_ = 	snop  }
0x425: {  	[tilespmem:s16], [sflag:$0x1] =	stream.strided.gather [hbm4b:s2+s14], $0x4000, s15, s14, $0x38;
	[tilespmem:$0x19000] =	vst v63  }
0x426: {  	_ =	swait.ge [sflag:s22], $0x4000  }
0x427: {  	[sflag:s22] =	ssyncset.done $0x0  }
0x428: {  	[sflag:s22] =	ssyncadd.s32 $0xFFFFC000  }
0x429: {  	_ =	swait.ge [sflag:s30], $0x2000  }
0x42a: {  	s0 =	sld [smem:$0x7AD]  }
0x42b: {  	[sflag:s30] =	ssyncset.done $0x0  }
0x42c: {  	s2 =	sld [smem:$0x7AE];
	[sflag:s30] =	ssyncadd.s32 $0xFFFFE000  }
0x42d: {  	[hbm4b:s0+s14] =	stream.strided.scatter [tilespmem:s23], [sflag:$0x6], $0x2000, s15, s14, $0x38;
	[tilespmem:$0x19000] =	vst v63  }
0x42e: {  	_ = 	snop  }
0x42f: {  	[tilespmem:s17], [sflag:$0x2] =	stream.strided.gather [hbm4b:s2+s14], $0x4000, s15, s14, $0x38;
	[tilespmem:$0x19000] =	vst v63  }
0x430: {  	_ =	swait.ge [sflag:s24], $0x4000  }
0x431: {  	[sflag:s24] =	ssyncset.done $0x0  }
0x432: {  	[sflag:s24] =	ssyncadd.s32 $0xFFFFC000  }
0x433: {  	_ =	swait.ge [sflag:s31], $0x2000  }
0x434: {  	s0 =	sld [smem:$0x7AF]  }
0x435: {  	[sflag:s31] =	ssyncset.done $0x0  }
0x436: {  	s2 =	sld [smem:$0x7B0];
	[sflag:s31] =	ssyncadd.s32 $0xFFFFE000  }
0x437: {  	[hbm4b:s0+s14] =	stream.strided.scatter [tilespmem:s25], [sflag:$0x7], $0x2000, s15, s14, $0x38;
	[tilespmem:$0x19000] =	vst v63  }
0x438: {  	_ = 	snop  }
0x439: {  	[tilespmem:s18], [sflag:$0x3] =	stream.strided.gather [hbm4b:s2+s14], $0x4000, s15, s14, $0x38;
	[tilespmem:$0x19000] =	vst v63  }
0x43a: {  	_ =	swait.ge [sflag:s26], $0x4000  }
0x43b: {  	[sflag:s26] =	ssyncset.done $0x0  }
0x43c: {  	[sflag:s26] =	ssyncadd.s32 $0xFFFFC000  }
0x43d: {  	_ =	swait.ge [sflag:s1], $0x2000  }
0x43e: {  	s0 =	sld [smem:$0x7B1]  }
0x43f: {  	[sflag:s1] =	ssyncset.done $0x0  }
0x440: {  	s2 =	sld [smem:$0x7B2];
	[sflag:s1] =	ssyncadd.s32 $0xFFFFE000  }
0x441: {  	[hbm4b:s0+s14] =	stream.strided.scatter [tilespmem:s28], [sflag:$0x8], $0x2000, s15, s14, $0x38;
	[tilespmem:$0x19000] =	vst v63  }
0x442: {  	_ = 	snop  }
0x443: {  	[tilespmem:s19], [sflag:$0x4] =	stream.strided.gather [hbm4b:s2+s14], $0x4000, s15, s14, $0x38;
	[tilespmem:$0x19000] =	vst v63  }
0x444: {  	_ =	swait.ge [sflag:s20], $0x4000  }
0x445: {  	[sflag:s20] =	ssyncset.done $0x0  }
0x446: {  	[sflag:s20] =	ssyncadd.s32 $0xFFFFC000  }
0x447: {  	_ =	swait.ge [sflag:s29], $0x2000  }
0x448: {  	s0 =	sld [smem:$0x7B3]  }
0x449: {  	[sflag:s29] =	ssyncset.done $0x0  }
0x44a: {  	s2 =	sld [smem:$0x7B4];
	[sflag:s29] =	ssyncadd.s32 $0xFFFFE000  }
0x44b: {  	[hbm4b:s0+s14] =	stream.strided.scatter [tilespmem:s21], [sflag:$0x5], $0x2000, s15, s14, $0x38;
	[tilespmem:$0x19000] =	vst v63  }
0x44c: {  	_ = 	snop  }
0x44d: {  	[tilespmem:s16], [sflag:$0x1] =	stream.strided.gather [hbm4b:s2+s14], $0x4000, s15, s14, $0x38;
	[tilespmem:$0x19000] =	vst v63  }
0x44e: {  	_ =	swait.ge [sflag:s22], $0x4000  }
0x44f: {  	[sflag:s22] =	ssyncset.done $0x0  }
0x450: {  	[sflag:s22] =	ssyncadd.s32 $0xFFFFC000  }
0x451: {  	_ =	swait.ge [sflag:s30], $0x2000  }
0x452: {  	s0 =	sld [smem:$0x7B5]  }
0x453: {  	[sflag:s30] =	ssyncset.done $0x0  }
0x454: {  	s2 =	sld [smem:$0x7B6];
	[sflag:s30] =	ssyncadd.s32 $0xFFFFE000  }
0x455: {  	[hbm4b:s0+s14] =	stream.strided.scatter [tilespmem:s23], [sflag:$0x6], $0x2000, s15, s14, $0x38;
	[tilespmem:$0x19000] =	vst v63  }
0x456: {  	_ = 	snop  }
0x457: {  	[tilespmem:s17], [sflag:$0x2] =	stream.strided.gather [hbm4b:s2+s14], $0x4000, s15, s14, $0x38;
	[tilespmem:$0x19000] =	vst v63  }
0x458: {  	_ =	swait.ge [sflag:s24], $0x4000  }
0x459: {  	[sflag:s24] =	ssyncset.done $0x0  }
0x45a: {  	[sflag:s24] =	ssyncadd.s32 $0xFFFFC000  }
0x45b: {  	_ =	swait.ge [sflag:s31], $0x2000  }
0x45c: {  	s0 =	sld [smem:$0x7B7]  }
0x45d: {  	[sflag:s31] =	ssyncset.done $0x0  }
0x45e: {  	s2 =	sld [smem:$0x7B8];
	[sflag:s31] =	ssyncadd.s32 $0xFFFFE000  }
0x45f: {  	[hbm4b:s0+s14] =	stream.strided.scatter [tilespmem:s25], [sflag:$0x7], $0x2000, s15, s14, $0x38;
	[tilespmem:$0x19000] =	vst v63  }
0x460: {  	_ = 	snop  }
0x461: {  	[tilespmem:s18], [sflag:$0x3] =	stream.strided.gather [hbm4b:s2+s14], $0x4000, s15, s14, $0x38;
	[tilespmem:$0x19000] =	vst v63  }
0x462: {  	_ =	swait.ge [sflag:s26], $0x4000  }
0x463: {  	[sflag:s26] =	ssyncset.done $0x0  }
0x464: {  	[sflag:s26] =	ssyncadd.s32 $0xFFFFC000  }
0x465: {  	_ =	swait.ge [sflag:s1], $0x2000  }
0x466: {  	s0 =	sld [smem:$0x7B9]  }
0x467: {  	[sflag:s1] =	ssyncset.done $0x0  }
0x468: {  	s2 =	sld [smem:$0x7BA];
	[sflag:s1] =	ssyncadd.s32 $0xFFFFE000  }
0x469: {  	[hbm4b:s0+s14] =	stream.strided.scatter [tilespmem:s28], [sflag:$0x8], $0x2000, s15, s14, $0x38;
	[tilespmem:$0x19000] =	vst v63  }
0x46a: {  	_ = 	snop  }
0x46b: {  	[tilespmem:s19], [sflag:$0x4] =	stream.strided.gather [hbm4b:s2+s14], $0x4000, s15, s14, $0x38;
	[tilespmem:$0x19000] =	vst v63  }
0x46c: {  	_ =	swait.ge [sflag:s20], $0x4000  }
0x46d: {  	[sflag:s20] =	ssyncset.done $0x0  }
0x46e: {  	[sflag:s20] =	ssyncadd.s32 $0xFFFFC000  }
0x46f: {  	_ =	swait.ge [sflag:s29], $0x2000  }
0x470: {  	s0 =	sld [smem:$0x7BB]  }
0x471: {  	[sflag:s29] =	ssyncset.done $0x0  }
0x472: {  	s2 =	sld [smem:$0x7BC];
	[sflag:s29] =	ssyncadd.s32 $0xFFFFE000  }
0x473: {  	[hbm4b:s0+s14] =	stream.strided.scatter [tilespmem:s21], [sflag:$0x5], $0x2000, s15, s14, $0x38;
	[tilespmem:$0x19000] =	vst v63  }
0x474: {  	_ = 	snop  }
0x475: {  	[tilespmem:s16], [sflag:$0x1] =	stream.strided.gather [hbm4b:s2+s14], $0x4000, s15, s14, $0x38;
	[tilespmem:$0x19000] =	vst v63  }
0x476: {  	_ =	swait.ge [sflag:s22], $0x4000  }
0x477: {  	[sflag:s22] =	ssyncset.done $0x0  }
0x478: {  	[sflag:s22] =	ssyncadd.s32 $0xFFFFC000  }
0x479: {  	_ =	swait.ge [sflag:s30], $0x2000  }
0x47a: {  	s0 =	sld [smem:$0x7BD]  }
0x47b: {  	[sflag:s30] =	ssyncset.done $0x0  }
0x47c: {  	s2 =	sld [smem:$0x7BE];
	[sflag:s30] =	ssyncadd.s32 $0xFFFFE000  }
0x47d: {  	[hbm4b:s0+s14] =	stream.strided.scatter [tilespmem:s23], [sflag:$0x6], $0x2000, s15, s14, $0x38;
	[tilespmem:$0x19000] =	vst v63  }
0x47e: {  	_ = 	snop  }
0x47f: {  	[tilespmem:s17], [sflag:$0x2] =	stream.strided.gather [hbm4b:s2+s14], $0x4000, s15, s14, $0x38;
	[tilespmem:$0x19000] =	vst v63  }
0x480: {  	_ =	swait.ge [sflag:s24], $0x4000  }
0x481: {  	[sflag:s24] =	ssyncset.done $0x0  }
0x482: {  	[sflag:s24] =	ssyncadd.s32 $0xFFFFC000  }
0x483: {  	_ =	swait.ge [sflag:s31], $0x2000  }
0x484: {  	s0 =	sld [smem:$0x7BF]  }
0x485: {  	[sflag:s31] =	ssyncset.done $0x0  }
0x486: {  	s2 =	sld [smem:$0x7C0];
	[sflag:s31] =	ssyncadd.s32 $0xFFFFE000  }
0x487: {  	[hbm4b:s0+s14] =	stream.strided.scatter [tilespmem:s25], [sflag:$0x7], $0x2000, s15, s14, $0x38;
	[tilespmem:$0x19000] =	vst v63  }
0x488: {  	_ = 	snop  }
0x489: {  	[tilespmem:s18], [sflag:$0x3] =	stream.strided.gather [hbm4b:s2+s14], $0x4000, s15, s14, $0x38;
	[tilespmem:$0x19000] =	vst v63  }
0x48a: {  	_ =	swait.ge [sflag:s26], $0x4000  }
0x48b: {  	[sflag:s26] =	ssyncset.done $0x0  }
0x48c: {  	[sflag:s26] =	ssyncadd.s32 $0xFFFFC000  }
0x48d: {  	_ =	swait.ge [sflag:s1], $0x2000  }
0x48e: {  	s0 =	sld [smem:$0x7C1]  }
0x48f: {  	[sflag:s1] =	ssyncset.done $0x0  }
0x490: {  	s2 =	sld [smem:$0x7C2];
	[sflag:s1] =	ssyncadd.s32 $0xFFFFE000  }
0x491: {  	[hbm4b:s0+s14] =	stream.strided.scatter [tilespmem:s28], [sflag:$0x8], $0x2000, s15, s14, $0x38;
	[tilespmem:$0x19000] =	vst v63  }
0x492: {  	_ = 	snop  }
0x493: {  	[tilespmem:s19], [sflag:$0x4] =	stream.strided.gather [hbm4b:s2+s14], $0x4000, s15, s14, $0x38;
	[tilespmem:$0x19000] =	vst v63  }
0x494: {  	_ =	swait.ge [sflag:s20], $0x4000  }
0x495: {  	[sflag:s20] =	ssyncset.done $0x0  }
0x496: {  	[sflag:s20] =	ssyncadd.s32 $0xFFFFC000  }
0x497: {  	_ =	swait.ge [sflag:s29], $0x2000  }
0x498: {  	s0 =	sld [smem:$0x7C3]  }
0x499: {  	[sflag:s29] =	ssyncset.done $0x0  }
0x49a: {  	s2 =	sld [smem:$0x7C4];
	[sflag:s29] =	ssyncadd.s32 $0xFFFFE000  }
0x49b: {  	[hbm4b:s0+s14] =	stream.strided.scatter [tilespmem:s21], [sflag:$0x5], $0x2000, s15, s14, $0x38;
	[tilespmem:$0x19000] =	vst v63  }
0x49c: {  	_ = 	snop  }
0x49d: {  	[tilespmem:s16], [sflag:$0x1] =	stream.strided.gather [hbm4b:s2+s14], $0x4000, s15, s14, $0x38;
	[tilespmem:$0x19000] =	vst v63  }
0x49e: {  	_ =	swait.ge [sflag:s22], $0x4000  }
0x49f: {  	[sflag:s22] =	ssyncset.done $0x0  }
0x4a0: {  	[sflag:s22] =	ssyncadd.s32 $0xFFFFC000  }
0x4a1: {  	_ =	swait.ge [sflag:s30], $0x2000  }
0x4a2: {  	s0 =	sld [smem:$0x7C5]  }
0x4a3: {  	[sflag:s30] =	ssyncset.done $0x0  }
0x4a4: {  	s2 =	sld [smem:$0x7C6];
	[sflag:s30] =	ssyncadd.s32 $0xFFFFE000  }
0x4a5: {  	[hbm4b:s0+s14] =	stream.strided.scatter [tilespmem:s23], [sflag:$0x6], $0x2000, s15, s14, $0x38;
	[tilespmem:$0x19000] =	vst v63  }
0x4a6: {  	_ = 	snop  }
0x4a7: {  	[tilespmem:s17], [sflag:$0x2] =	stream.strided.gather [hbm4b:s2+s14], $0x4000, s15, s14, $0x38;
	[tilespmem:$0x19000] =	vst v63  }
0x4a8: {  	_ =	swait.ge [sflag:s24], $0x4000  }
0x4a9: {  	[sflag:s24] =	ssyncset.done $0x0  }
0x4aa: {  	[sflag:s24] =	ssyncadd.s32 $0xFFFFC000  }
0x4ab: {  	_ =	swait.ge [sflag:s31], $0x2000  }
0x4ac: {  	s0 =	sld [smem:$0x7C7]  }
0x4ad: {  	[sflag:s31] =	ssyncset.done $0x0  }
0x4ae: {  	s2 =	sld [smem:$0x7C8];
	[sflag:s31] =	ssyncadd.s32 $0xFFFFE000  }
0x4af: {  	[hbm4b:s0+s14] =	stream.strided.scatter [tilespmem:s25], [sflag:$0x7], $0x2000, s15, s14, $0x38;
	[tilespmem:$0x19000] =	vst v63  }
0x4b0: {  	_ = 	snop  }
0x4b1: {  	[tilespmem:s18], [sflag:$0x3] =	stream.strided.gather [hbm4b:s2+s14], $0x4000, s15, s14, $0x38;
	[tilespmem:$0x19000] =	vst v63  }
0x4b2: {  	_ =	swait.ge [sflag:s26], $0x4000  }
0x4b3: {  	[sflag:s26] =	ssyncset.done $0x0  }
0x4b4: {  	[sflag:s26] =	ssyncadd.s32 $0xFFFFC000  }
0x4b5: {  	_ =	swait.ge [sflag:s1], $0x2000  }
0x4b6: {  	s0 =	sld [smem:$0x7C9]  }
0x4b7: {  	[sflag:s1] =	ssyncset.done $0x0  }
0x4b8: {  	s2 =	sld [smem:$0x7CA];
	[sflag:s1] =	ssyncadd.s32 $0xFFFFE000  }
0x4b9: {  	[hbm4b:s0+s14] =	stream.strided.scatter [tilespmem:s28], [sflag:$0x8], $0x2000, s15, s14, $0x38;
	[tilespmem:$0x19000] =	vst v63  }
0x4ba: {  	_ = 	snop  }
0x4bb: {  	[tilespmem:s19], [sflag:$0x4] =	stream.strided.gather [hbm4b:s2+s14], $0x4000, s15, s14, $0x38;
	[tilespmem:$0x19000] =	vst v63  }
0x4bc: {  	_ =	swait.ge [sflag:s20], $0x4000  }
0x4bd: {  	[sflag:s20] =	ssyncset.done $0x0  }
0x4be: {  	[sflag:s20] =	ssyncadd.s32 $0xFFFFC000  }
0x4bf: {  	_ =	swait.ge [sflag:s29], $0x2000  }
0x4c0: {  	s0 =	sld [smem:$0x7CB]  }
0x4c1: {  	[sflag:s29] =	ssyncset.done $0x0  }
0x4c2: {  	s2 =	sld [smem:$0x7CC];
	[sflag:s29] =	ssyncadd.s32 $0xFFFFE000  }
0x4c3: {  	[hbm4b:s0+s14] =	stream.strided.scatter [tilespmem:s21], [sflag:$0x5], $0x2000, s15, s14, $0x38;
	[tilespmem:$0x19000] =	vst v63  }
0x4c4: {  	_ = 	snop  }
0x4c5: {  	[tilespmem:s16], [sflag:$0x1] =	stream.strided.gather [hbm4b:s2+s14], $0x4000, s15, s14, $0x38;
	[tilespmem:$0x19000] =	vst v63  }
0x4c6: {  	_ =	swait.ge [sflag:s22], $0x4000  }
0x4c7: {  	[sflag:s22] =	ssyncset.done $0x0  }
0x4c8: {  	[sflag:s22] =	ssyncadd.s32 $0xFFFFC000  }
0x4c9: {  	_ =	swait.ge [sflag:s30], $0x2000  }
0x4ca: {  	s0 =	sld [smem:$0x7CD]  }
0x4cb: {  	[sflag:s30] =	ssyncset.done $0x0  }
0x4cc: {  	s2 =	sld [smem:$0x7CE];
	[sflag:s30] =	ssyncadd.s32 $0xFFFFE000  }
0x4cd: {  	[hbm4b:s0+s14] =	stream.strided.scatter [tilespmem:s23], [sflag:$0x6], $0x2000, s15, s14, $0x38;
	[tilespmem:$0x19000] =	vst v63  }
0x4ce: {  	_ = 	snop  }
0x4cf: {  	[tilespmem:s17], [sflag:$0x2] =	stream.strided.gather [hbm4b:s2+s14], $0x4000, s15, s14, $0x38;
	[tilespmem:$0x19000] =	vst v63  }
0x4d0: {  	_ =	swait.ge [sflag:s24], $0x4000  }
0x4d1: {  	[sflag:s24] =	ssyncset.done $0x0  }
0x4d2: {  	[sflag:s24] =	ssyncadd.s32 $0xFFFFC000  }
0x4d3: {  	_ =	swait.ge [sflag:s31], $0x2000  }
0x4d4: {  	s0 =	sld [smem:$0x7CF]  }
0x4d5: {  	[sflag:s31] =	ssyncset.done $0x0  }
0x4d6: {  	s2 =	sld [smem:$0x7D0];
	[sflag:s31] =	ssyncadd.s32 $0xFFFFE000  }
0x4d7: {  	[hbm4b:s0+s14] =	stream.strided.scatter [tilespmem:s25], [sflag:$0x7], $0x2000, s15, s14, $0x38;
	[tilespmem:$0x19000] =	vst v63  }
0x4d8: {  	_ = 	snop  }
0x4d9: {  	[tilespmem:s18], [sflag:$0x3] =	stream.strided.gather [hbm4b:s2+s14], $0x4000, s15, s14, $0x38;
	[tilespmem:$0x19000] =	vst v63  }
0x4da: {  	_ =	swait.ge [sflag:s26], $0x4000  }
0x4db: {  	[sflag:s26] =	ssyncset.done $0x0  }
0x4dc: {  	[sflag:s26] =	ssyncadd.s32 $0xFFFFC000  }
0x4dd: {  	_ =	swait.ge [sflag:s1], $0x2000  }
0x4de: {  	s0 =	sld [smem:$0x7D1]  }
0x4df: {  	[sflag:s1] =	ssyncset.done $0x0  }
0x4e0: {  	s2 =	sld [smem:$0x7D2];
	[sflag:s1] =	ssyncadd.s32 $0xFFFFE000  }
0x4e1: {  	[hbm4b:s0+s14] =	stream.strided.scatter [tilespmem:s28], [sflag:$0x8], $0x2000, s15, s14, $0x38;
	[tilespmem:$0x19000] =	vst v63  }
0x4e2: {  	_ = 	snop  }
0x4e3: {  	[tilespmem:s19], [sflag:$0x4] =	stream.strided.gather [hbm4b:s2+s14], $0x4000, s15, s14, $0x38;
	[tilespmem:$0x19000] =	vst v63  }
0x4e4: {  	_ =	swait.ge [sflag:s20], $0x4000  }
0x4e5: {  	[sflag:s20] =	ssyncset.done $0x0  }
0x4e6: {  	[sflag:s20] =	ssyncadd.s32 $0xFFFFC000  }
0x4e7: {  	_ =	swait.ge [sflag:s29], $0x2000  }
0x4e8: {  	s0 =	sld [smem:$0x7D3]  }
0x4e9: {  	[sflag:s29] =	ssyncset.done $0x0  }
0x4ea: {  	s2 =	sld [smem:$0x7D4];
	[sflag:s29] =	ssyncadd.s32 $0xFFFFE000  }
0x4eb: {  	[hbm4b:s0+s14] =	stream.strided.scatter [tilespmem:s21], [sflag:$0x5], $0x2000, s15, s14, $0x38;
	[tilespmem:$0x19000] =	vst v63  }
0x4ec: {  	_ = 	snop  }
0x4ed: {  	[tilespmem:s16], [sflag:$0x1] =	stream.strided.gather [hbm4b:s2+s14], $0x4000, s15, s14, $0x38;
	[tilespmem:$0x19000] =	vst v63  }
0x4ee: {  	_ =	swait.ge [sflag:s22], $0x4000  }
0x4ef: {  	[sflag:s22] =	ssyncset.done $0x0  }
0x4f0: {  	[sflag:s22] =	ssyncadd.s32 $0xFFFFC000  }
0x4f1: {  	_ =	swait.ge [sflag:s30], $0x2000  }
0x4f2: {  	s0 =	sld [smem:$0x7D5]  }
0x4f3: {  	[sflag:s30] =	ssyncset.done $0x0  }
0x4f4: {  	s2 =	sld [smem:$0x7D6];
	[sflag:s30] =	ssyncadd.s32 $0xFFFFE000  }
0x4f5: {  	[hbm4b:s0+s14] =	stream.strided.scatter [tilespmem:s23], [sflag:$0x6], $0x2000, s15, s14, $0x38;
	[tilespmem:$0x19000] =	vst v63  }
0x4f6: {  	_ = 	snop  }
0x4f7: {  	[tilespmem:s17], [sflag:$0x2] =	stream.strided.gather [hbm4b:s2+s14], $0x4000, s15, s14, $0x38;
	[tilespmem:$0x19000] =	vst v63  }
0x4f8: {  	_ =	swait.ge [sflag:s24], $0x4000  }
0x4f9: {  	[sflag:s24] =	ssyncset.done $0x0  }
0x4fa: {  	[sflag:s24] =	ssyncadd.s32 $0xFFFFC000  }
0x4fb: {  	_ =	swait.ge [sflag:s31], $0x2000  }
0x4fc: {  	s0 =	sld [smem:$0x7D7]  }
0x4fd: {  	[sflag:s31] =	ssyncset.done $0x0  }
0x4fe: {  	s2 =	sld [smem:$0x7D8];
	[sflag:s31] =	ssyncadd.s32 $0xFFFFE000  }
0x4ff: {  	[hbm4b:s0+s14] =	stream.strided.scatter [tilespmem:s25], [sflag:$0x7], $0x2000, s15, s14, $0x38;
	[tilespmem:$0x19000] =	vst v63  }
0x500: {  	_ = 	snop  }
0x501: {  	[tilespmem:s18], [sflag:$0x3] =	stream.strided.gather [hbm4b:s2+s14], $0x4000, s15, s14, $0x38;
	[tilespmem:$0x19000] =	vst v63  }
0x502: {  	_ =	swait.ge [sflag:s26], $0x4000  }
0x503: {  	[sflag:s26] =	ssyncset.done $0x0  }
0x504: {  	[sflag:s26] =	ssyncadd.s32 $0xFFFFC000  }
0x505: {  	_ =	swait.ge [sflag:s1], $0x2000  }
0x506: {  	s0 =	sld [smem:$0x7D9]  }
0x507: {  	[sflag:s1] =	ssyncset.done $0x0  }
0x508: {  	s2 =	sld [smem:$0x7DA];
	[sflag:s1] =	ssyncadd.s32 $0xFFFFE000  }
0x509: {  	[hbm4b:s0+s14] =	stream.strided.scatter [tilespmem:s28], [sflag:$0x8], $0x2000, s15, s14, $0x38;
	[tilespmem:$0x19000] =	vst v63  }
0x50a: {  	_ = 	snop  }
0x50b: {  	[tilespmem:s19], [sflag:$0x4] =	stream.strided.gather [hbm4b:s2+s14], $0x4000, s15, s14, $0x38;
	[tilespmem:$0x19000] =	vst v63  }
0x50c: {  	_ =	swait.ge [sflag:s20], $0x4000  }
0x50d: {  	[sflag:s20] =	ssyncset.done $0x0  }
0x50e: {  	[sflag:s20] =	ssyncadd.s32 $0xFFFFC000  }
0x50f: {  	_ =	swait.ge [sflag:s29], $0x2000  }
0x510: {  	s0 =	sld [smem:$0x7DB]  }
0x511: {  	[sflag:s29] =	ssyncset.done $0x0  }
0x512: {  	s2 =	sld [smem:$0x7DC];
	[sflag:s29] =	ssyncadd.s32 $0xFFFFE000  }
0x513: {  	[hbm4b:s0+s14] =	stream.strided.scatter [tilespmem:s21], [sflag:$0x5], $0x2000, s15, s14, $0x38;
	[tilespmem:$0x19000] =	vst v63  }
0x514: {  	_ = 	snop  }
0x515: {  	[tilespmem:s16], [sflag:$0x1] =	stream.strided.gather [hbm4b:s2+s14], $0x4000, s15, s14, $0x38;
	[tilespmem:$0x19000] =	vst v63  }
0x516: {  	_ =	swait.ge [sflag:s22], $0x4000  }
0x517: {  	[sflag:s22] =	ssyncset.done $0x0  }
0x518: {  	[sflag:s22] =	ssyncadd.s32 $0xFFFFC000  }
0x519: {  	_ =	swait.ge [sflag:s30], $0x2000  }
0x51a: {  	s0 =	sld [smem:$0x7DD]  }
0x51b: {  	[sflag:s30] =	ssyncset.done $0x0  }
0x51c: {  	s2 =	sld [smem:$0x7DE];
	[sflag:s30] =	ssyncadd.s32 $0xFFFFE000  }
0x51d: {  	[hbm4b:s0+s14] =	stream.strided.scatter [tilespmem:s23], [sflag:$0x6], $0x2000, s15, s14, $0x38;
	[tilespmem:$0x19000] =	vst v63  }
0x51e: {  	_ = 	snop  }
0x51f: {  	[tilespmem:s17], [sflag:$0x2] =	stream.strided.gather [hbm4b:s2+s14], $0x4000, s15, s14, $0x38;
	[tilespmem:$0x19000] =	vst v63  }
0x520: {  	_ =	swait.ge [sflag:s24], $0x4000  }
0x521: {  	[sflag:s24] =	ssyncset.done $0x0  }
0x522: {  	[sflag:s24] =	ssyncadd.s32 $0xFFFFC000  }
0x523: {  	_ =	swait.ge [sflag:s31], $0x2000  }
0x524: {  	s0 =	sld [smem:$0x7DF]  }
0x525: {  	[sflag:s31] =	ssyncset.done $0x0  }
0x526: {  	s2 =	sld [smem:$0x7E0];
	[sflag:s31] =	ssyncadd.s32 $0xFFFFE000  }
0x527: {  	[hbm4b:s0+s14] =	stream.strided.scatter [tilespmem:s25], [sflag:$0x7], $0x2000, s15, s14, $0x38;
	[tilespmem:$0x19000] =	vst v63  }
0x528: {  	_ = 	snop  }
0x529: {  	[tilespmem:s18], [sflag:$0x3] =	stream.strided.gather [hbm4b:s2+s14], $0x4000, s15, s14, $0x38;
	[tilespmem:$0x19000] =	vst v63  }
0x52a: {  	_ =	swait.ge [sflag:s26], $0x4000  }
0x52b: {  	[sflag:s26] =	ssyncset.done $0x0  }
0x52c: {  	[sflag:s26] =	ssyncadd.s32 $0xFFFFC000  }
0x52d: {  	_ =	swait.ge [sflag:s1], $0x2000  }
0x52e: {  	s0 =	sld [smem:$0x7E1]  }
0x52f: {  	[sflag:s1] =	ssyncset.done $0x0  }
0x530: {  	s2 =	sld [smem:$0x7E2];
	[sflag:s1] =	ssyncadd.s32 $0xFFFFE000  }
0x531: {  	[hbm4b:s0+s14] =	stream.strided.scatter [tilespmem:s28], [sflag:$0x8], $0x2000, s15, s14, $0x38;
	[tilespmem:$0x19000] =	vst v63  }
0x532: {  	_ = 	snop  }
0x533: {  	[tilespmem:s19], [sflag:$0x4] =	stream.strided.gather [hbm4b:s2+s14], $0x4000, s15, s14, $0x38;
	[tilespmem:$0x19000] =	vst v63  }
0x534: {  	_ =	swait.ge [sflag:s20], $0x4000  }
0x535: {  	[sflag:s20] =	ssyncset.done $0x0  }
0x536: {  	[sflag:s20] =	ssyncadd.s32 $0xFFFFC000  }
0x537: {  	_ =	swait.ge [sflag:s29], $0x2000  }
0x538: {  	s0 =	sld [smem:$0x7E3]  }
0x539: {  	[sflag:s29] =	ssyncset.done $0x0  }
0x53a: {  	s2 =	sld [smem:$0x7E4];
	[sflag:s29] =	ssyncadd.s32 $0xFFFFE000  }
0x53b: {  	[hbm4b:s0+s14] =	stream.strided.scatter [tilespmem:s21], [sflag:$0x5], $0x2000, s15, s14, $0x38;
	[tilespmem:$0x19000] =	vst v63  }
0x53c: {  	_ = 	snop  }
0x53d: {  	[tilespmem:s16], [sflag:$0x1] =	stream.strided.gather [hbm4b:s2+s14], $0x4000, s15, s14, $0x38;
	[tilespmem:$0x19000] =	vst v63  }
0x53e: {  	_ =	swait.ge [sflag:s22], $0x4000  }
0x53f: {  	[sflag:s22] =	ssyncset.done $0x0  }
0x540: {  	[sflag:s22] =	ssyncadd.s32 $0xFFFFC000  }
0x541: {  	_ =	swait.ge [sflag:s30], $0x2000  }
0x542: {  	s0 =	sld [smem:$0x7E5]  }
0x543: {  	[sflag:s30] =	ssyncset.done $0x0  }
0x544: {  	s2 =	sld [smem:$0x7E6];
	[sflag:s30] =	ssyncadd.s32 $0xFFFFE000  }
0x545: {  	[hbm4b:s0+s14] =	stream.strided.scatter [tilespmem:s23], [sflag:$0x6], $0x2000, s15, s14, $0x38;
	[tilespmem:$0x19000] =	vst v63  }
0x546: {  	_ = 	snop  }
0x547: {  	[tilespmem:s17], [sflag:$0x2] =	stream.strided.gather [hbm4b:s2+s14], $0x4000, s15, s14, $0x38;
	[tilespmem:$0x19000] =	vst v63  }
0x548: {  	_ =	swait.ge [sflag:s24], $0x4000  }
0x549: {  	[sflag:s24] =	ssyncset.done $0x0  }
0x54a: {  	[sflag:s24] =	ssyncadd.s32 $0xFFFFC000  }
0x54b: {  	_ =	swait.ge [sflag:s31], $0x2000  }
0x54c: {  	s0 =	sld [smem:$0x7E7]  }
0x54d: {  	[sflag:s31] =	ssyncset.done $0x0  }
0x54e: {  	s2 =	sld [smem:$0x7E8];
	[sflag:s31] =	ssyncadd.s32 $0xFFFFE000  }
0x54f: {  	[hbm4b:s0+s14] =	stream.strided.scatter [tilespmem:s25], [sflag:$0x7], $0x2000, s15, s14, $0x38;
	[tilespmem:$0x19000] =	vst v63  }
0x550: {  	_ = 	snop  }
0x551: {  	[tilespmem:s18], [sflag:$0x3] =	stream.strided.gather [hbm4b:s2+s14], $0x4000, s15, s14, $0x38;
	[tilespmem:$0x19000] =	vst v63  }
0x552: {  	_ =	swait.ge [sflag:s26], $0x4000  }
0x553: {  	[sflag:s26] =	ssyncset.done $0x0  }
0x554: {  	[sflag:s26] =	ssyncadd.s32 $0xFFFFC000  }
0x555: {  	_ =	swait.ge [sflag:s1], $0x2000  }
0x556: {  	s0 =	sld [smem:$0x7E9]  }
0x557: {  	[sflag:s1] =	ssyncset.done $0x0  }
0x558: {  	s2 =	sld [smem:$0x7EA];
	[sflag:s1] =	ssyncadd.s32 $0xFFFFE000  }
0x559: {  	[hbm4b:s0+s14] =	stream.strided.scatter [tilespmem:s28], [sflag:$0x8], $0x2000, s15, s14, $0x38;
	[tilespmem:$0x19000] =	vst v63  }
0x55a: {  	_ = 	snop  }
0x55b: {  	[tilespmem:s19], [sflag:$0x4] =	stream.strided.gather [hbm4b:s2+s14], $0x4000, s15, s14, $0x38;
	[tilespmem:$0x19000] =	vst v63  }
0x55c: {  	_ =	swait.ge [sflag:s20], $0x4000  }
0x55d: {  	[sflag:s20] =	ssyncset.done $0x0  }
0x55e: {  	[sflag:s20] =	ssyncadd.s32 $0xFFFFC000  }
0x55f: {  	_ =	swait.ge [sflag:s29], $0x2000  }
0x560: {  	s0 =	sld [smem:$0x7EB]  }
0x561: {  	[sflag:s29] =	ssyncset.done $0x0  }
0x562: {  	s2 =	sld [smem:$0x7EC];
	[sflag:s29] =	ssyncadd.s32 $0xFFFFE000  }
0x563: {  	[hbm4b:s0+s14] =	stream.strided.scatter [tilespmem:s21], [sflag:$0x5], $0x2000, s15, s14, $0x38;
	[tilespmem:$0x19000] =	vst v63  }
0x564: {  	_ = 	snop  }
0x565: {  	[tilespmem:s16], [sflag:$0x1] =	stream.strided.gather [hbm4b:s2+s14], $0x4000, s15, s14, $0x38;
	[tilespmem:$0x19000] =	vst v63  }
0x566: {  	_ =	swait.ge [sflag:s22], $0x4000  }
0x567: {  	[sflag:s22] =	ssyncset.done $0x0  }
0x568: {  	[sflag:s22] =	ssyncadd.s32 $0xFFFFC000  }
0x569: {  	_ =	swait.ge [sflag:s30], $0x2000  }
0x56a: {  	s0 =	sld [smem:$0x7ED]  }
0x56b: {  	[sflag:s30] =	ssyncset.done $0x0  }
0x56c: {  	s2 =	sld [smem:$0x7EE];
	[sflag:s30] =	ssyncadd.s32 $0xFFFFE000  }
0x56d: {  	[hbm4b:s0+s14] =	stream.strided.scatter [tilespmem:s23], [sflag:$0x6], $0x2000, s15, s14, $0x38;
	[tilespmem:$0x19000] =	vst v63  }
0x56e: {  	_ = 	snop  }
0x56f: {  	[tilespmem:s17], [sflag:$0x2] =	stream.strided.gather [hbm4b:s2+s14], $0x4000, s15, s14, $0x38;
	[tilespmem:$0x19000] =	vst v63  }
0x570: {  	_ =	swait.ge [sflag:s24], $0x4000  }
0x571: {  	[sflag:s24] =	ssyncset.done $0x0  }
0x572: {  	[sflag:s24] =	ssyncadd.s32 $0xFFFFC000  }
0x573: {  	_ =	swait.ge [sflag:s31], $0x2000  }
0x574: {  	s0 =	sld [smem:$0x7EF]  }
0x575: {  	[sflag:s31] =	ssyncset.done $0x0  }
0x576: {  	s2 =	sld [smem:$0x7F0];
	[sflag:s31] =	ssyncadd.s32 $0xFFFFE000  }
0x577: {  	[hbm4b:s0+s14] =	stream.strided.scatter [tilespmem:s25], [sflag:$0x7], $0x2000, s15, s14, $0x38;
	[tilespmem:$0x19000] =	vst v63  }
0x578: {  	_ = 	snop  }
0x579: {  	[tilespmem:s18], [sflag:$0x3] =	stream.strided.gather [hbm4b:s2+s14], $0x4000, s15, s14, $0x38;
	[tilespmem:$0x19000] =	vst v63  }
0x57a: {  	_ =	swait.ge [sflag:s26], $0x4000  }
0x57b: {  	[sflag:s26] =	ssyncset.done $0x0  }
0x57c: {  	[sflag:s26] =	ssyncadd.s32 $0xFFFFC000  }
0x57d: {  	_ =	swait.ge [sflag:s1], $0x2000  }
0x57e: {  	s0 =	sld [smem:$0x7F1]  }
0x57f: {  	[sflag:s1] =	ssyncset.done $0x0  }
0x580: {  	s2 =	sld [smem:$0x7F2];
	[sflag:s1] =	ssyncadd.s32 $0xFFFFE000  }
0x581: {  	[hbm4b:s0+s14] =	stream.strided.scatter [tilespmem:s28], [sflag:$0x8], $0x2000, s15, s14, $0x38;
	[tilespmem:$0x19000] =	vst v63  }
0x582: {  	_ = 	snop  }
0x583: {  	[tilespmem:s19], [sflag:$0x4] =	stream.strided.gather [hbm4b:s2+s14], $0x4000, s15, s14, $0x38;
	[tilespmem:$0x19000] =	vst v63  }
0x584: {  	_ =	swait.ge [sflag:s20], $0x4000  }
0x585: {  	[sflag:s20] =	ssyncset.done $0x0  }
0x586: {  	[sflag:s20] =	ssyncadd.s32 $0xFFFFC000  }
0x587: {  	_ =	swait.ge [sflag:s29], $0x2000  }
0x588: {  	s0 =	sld [smem:$0x7F3]  }
0x589: {  	[sflag:s29] =	ssyncset.done $0x0  }
0x58a: {  	s2 =	sld [smem:$0x7F4];
	[sflag:s29] =	ssyncadd.s32 $0xFFFFE000  }
0x58b: {  	[hbm4b:s0+s14] =	stream.strided.scatter [tilespmem:s21], [sflag:$0x5], $0x2000, s15, s14, $0x38;
	[tilespmem:$0x19000] =	vst v63  }
0x58c: {  	_ = 	snop  }
0x58d: {  	[tilespmem:s16], [sflag:$0x1] =	stream.strided.gather [hbm4b:s2+s14], $0x4000, s15, s14, $0x38;
	[tilespmem:$0x19000] =	vst v63  }
0x58e: {  	_ =	swait.ge [sflag:s22], $0x4000  }
0x58f: {  	[sflag:s22] =	ssyncset.done $0x0  }
0x590: {  	[sflag:s22] =	ssyncadd.s32 $0xFFFFC000  }
0x591: {  	_ =	swait.ge [sflag:s30], $0x2000  }
0x592: {  	s0 =	sld [smem:$0x7F5]  }
0x593: {  	[sflag:s30] =	ssyncset.done $0x0  }
0x594: {  	s2 =	sld [smem:$0x7F6];
	[sflag:s30] =	ssyncadd.s32 $0xFFFFE000  }
0x595: {  	[hbm4b:s0+s14] =	stream.strided.scatter [tilespmem:s23], [sflag:$0x6], $0x2000, s15, s14, $0x38;
	[tilespmem:$0x19000] =	vst v63  }
0x596: {  	_ = 	snop  }
0x597: {  	[tilespmem:s17], [sflag:$0x2] =	stream.strided.gather [hbm4b:s2+s14], $0x4000, s15, s14, $0x38;
	[tilespmem:$0x19000] =	vst v63  }
0x598: {  	_ =	swait.ge [sflag:s24], $0x4000  }
0x599: {  	[sflag:s24] =	ssyncset.done $0x0  }
0x59a: {  	[sflag:s24] =	ssyncadd.s32 $0xFFFFC000  }
0x59b: {  	_ =	swait.ge [sflag:s31], $0x2000  }
0x59c: {  	s0 =	sld [smem:$0x7F7]  }
0x59d: {  	[sflag:s31] =	ssyncset.done $0x0  }
0x59e: {  	s2 =	sld [smem:$0x7F8];
	[sflag:s31] =	ssyncadd.s32 $0xFFFFE000  }
0x59f: {  	[hbm4b:s0+s14] =	stream.strided.scatter [tilespmem:s25], [sflag:$0x7], $0x2000, s15, s14, $0x38;
	[tilespmem:$0x19000] =	vst v63  }
0x5a0: {  	_ = 	snop  }
0x5a1: {  	[tilespmem:s18], [sflag:$0x3] =	stream.strided.gather [hbm4b:s2+s14], $0x4000, s15, s14, $0x38;
	[tilespmem:$0x19000] =	vst v63  }
0x5a2: {  	_ =	swait.ge [sflag:s26], $0x4000  }
0x5a3: {  	[sflag:s26] =	ssyncset.done $0x0  }
0x5a4: {  	[sflag:s26] =	ssyncadd.s32 $0xFFFFC000  }
0x5a5: {  	_ =	swait.ge [sflag:s1], $0x2000  }
0x5a6: {  	s0 =	sld [smem:$0x7F9]  }
0x5a7: {  	[sflag:s1] =	ssyncset.done $0x0  }
0x5a8: {  	s2 =	sld [smem:$0x7FA];
	[sflag:s1] =	ssyncadd.s32 $0xFFFFE000  }
0x5a9: {  	[hbm4b:s0+s14] =	stream.strided.scatter [tilespmem:s28], [sflag:$0x8], $0x2000, s15, s14, $0x38;
	[tilespmem:$0x19000] =	vst v63  }
0x5aa: {  	_ = 	snop  }
0x5ab: {  	[tilespmem:s19], [sflag:$0x4] =	stream.strided.gather [hbm4b:s2+s14], $0x4000, s15, s14, $0x38;
	[tilespmem:$0x19000] =	vst v63  }
0x5ac: {  	_ =	swait.ge [sflag:s20], $0x4000  }
0x5ad: {  	[sflag:s20] =	ssyncset.done $0x0  }
0x5ae: {  	[sflag:s20] =	ssyncadd.s32 $0xFFFFC000  }
0x5af: {  	_ =	swait.ge [sflag:s29], $0x2000  }
0x5b0: {  	s0 =	sld [smem:$0x7FB]  }
0x5b1: {  	[sflag:s29] =	ssyncset.done $0x0  }
0x5b2: {  	s2 =	sld [smem:$0x7FC];
	[sflag:s29] =	ssyncadd.s32 $0xFFFFE000  }
0x5b3: {  	[hbm4b:s0+s14] =	stream.strided.scatter [tilespmem:s21], [sflag:$0x5], $0x2000, s15, s14, $0x38;
	[tilespmem:$0x19000] =	vst v63  }
0x5b4: {  	_ = 	snop  }
0x5b5: {  	[tilespmem:s16], [sflag:$0x1] =	stream.strided.gather [hbm4b:s2+s14], $0x4000, s15, s14, $0x38;
	[tilespmem:$0x19000] =	vst v63  }
0x5b6: {  	_ =	swait.ge [sflag:s22], $0x4000  }
0x5b7: {  	[sflag:s22] =	ssyncset.done $0x0  }
0x5b8: {  	[sflag:s22] =	ssyncadd.s32 $0xFFFFC000  }
0x5b9: {  	_ =	swait.ge [sflag:s30], $0x2000  }
0x5ba: {  	s2 =	sld [smem:$0x7FD]  }
0x5bb: {  	[sflag:s30] =	ssyncset.done $0x0  }
0x5bc: {  	[sflag:s30] =	ssyncadd.s32 $0xFFFFE000  }
0x5bd: {  	[hbm4b:s2+s14] =	stream.strided.scatter [tilespmem:s23], [sflag:$0x6], $0x2000, s15, s14, $0x38;
	[tilespmem:$0x19000] =	vst v63  }
0x5be: {  	_ = 	snop  }
0x5bf: {  	[tilespmem:s17], [sflag:$0x2] =	stream.strided.gather [hbm4b:s3+s14], $0x4000, s15, s14, $0x38;
	[tilespmem:$0x19000] =	vst v63  }
0x5c0: {  	_ =	swait.ge [sflag:s24], $0x4000  }
0x5c1: {  	[sflag:s24] =	ssyncset.done $0x0  }
0x5c2: {  	[sflag:s24] =	ssyncadd.s32 $0xFFFFC000  }
0x5c3: {  	_ =	swait.ge [sflag:s31], $0x2000  }
0x5c4: {  	[sflag:s31] =	ssyncset.done $0x0  }
0x5c5: {  	[sflag:s31] =	ssyncadd.s32 $0xFFFFE000  }
0x5c6: {  	[hbm4b:s4+s14] =	stream.strided.scatter [tilespmem:s25], [sflag:$0x7], $0x2000, s15, s14, $0x38;
	[tilespmem:$0x19000] =	vst v63  }
0x5c7: {  	_ = 	snop  }
0x5c8: {  	[tilespmem:s18], [sflag:$0x3] =	stream.strided.gather [hbm4b:s5+s14], $0x4000, s15, s14, $0x38;
	[tilespmem:$0x19000] =	vst v63  }
0x5c9: {  	_ =	swait.ge [sflag:s26], $0x4000  }
0x5ca: {  	[sflag:s26] =	ssyncset.done $0x0  }
0x5cb: {  	[sflag:s26] =	ssyncadd.s32 $0xFFFFC000  }
0x5cc: {  	_ =	swait.ge [sflag:s1], $0x2000  }
0x5cd: {  	[sflag:s1] =	ssyncset.done $0x0  }
0x5ce: {  	[sflag:s1] =	ssyncadd.s32 $0xFFFFE000  }
0x5cf: {  	[hbm4b:s6+s14] =	stream.strided.scatter [tilespmem:s28], [sflag:$0x8], $0x2000, s15, s14, $0x38;
	[tilespmem:$0x19000] =	vst v63  }
0x5d0: {  	_ = 	snop  }
0x5d1: {  	[tilespmem:s19], [sflag:$0x4] =	stream.strided.gather [hbm4b:s7+s14], $0x4000, s15, s14, $0x38;
	[tilespmem:$0x19000] =	vst v63  }
0x5d2: {  	_ =	swait.ge [sflag:s20], $0x4000  }
0x5d3: {  	[sflag:s20] =	ssyncset.done $0x0  }
0x5d4: {  	[sflag:s20] =	ssyncadd.s32 $0xFFFFC000  }
0x5d5: {  	_ =	swait.ge [sflag:s29], $0x2000  }
0x5d6: {  	[sflag:s29] =	ssyncset.done $0x0  }
0x5d7: {  	[sflag:s29] =	ssyncadd.s32 $0xFFFFE000  }
0x5d8: {  	[hbm4b:s8+s14] =	stream.strided.scatter [tilespmem:s21], [sflag:$0x5], $0x2000, s15, s14, $0x38;
	[tilespmem:$0x19000] =	vst v63  }
0x5d9: {  	_ =	swait.ge [sflag:s22], $0x4000  }
0x5da: {  	[sflag:s22] =	ssyncset.done $0x0  }
0x5db: {  	[sflag:s22] =	ssyncadd.s32 $0xFFFFC000  }
0x5dc: {  	_ =	swait.ge [sflag:s30], $0x2000  }
0x5dd: {  	[sflag:s30] =	ssyncset.done $0x0  }
0x5de: {  	[sflag:s30] =	ssyncadd.s32 $0xFFFFE000  }
0x5df: {  	[hbm4b:s9+s14] =	stream.strided.scatter [tilespmem:s23], [sflag:$0x6], $0x2000, s15, s14, $0x38;
	[tilespmem:$0x19000] =	vst v63  }
0x5e0: {  	_ =	swait.ge [sflag:s24], $0x4000  }
0x5e1: {  	[sflag:s24] =	ssyncset.done $0x0  }
0x5e2: {  	[sflag:s24] =	ssyncadd.s32 $0xFFFFC000  }
0x5e3: {  	_ =	swait.ge [sflag:s31], $0x2000  }
0x5e4: {  	[sflag:s31] =	ssyncset.done $0x0  }
0x5e5: {  	[sflag:s31] =	ssyncadd.s32 $0xFFFFE000  }
0x5e6: {  	[hbm4b:s10+s14] =	stream.strided.scatter [tilespmem:s25], [sflag:$0x7], $0x2000, s15, s14, $0x38;
	[tilespmem:$0x19000] =	vst v63  }
0x5e7: {  	_ =	swait.ge [sflag:s26], $0x4000  }
0x5e8: {  	[sflag:s26] =	ssyncset.done $0x0  }
0x5e9: {  	[sflag:s26] =	ssyncadd.s32 $0xFFFFC000  }
0x5ea: {  	_ =	swait.ge [sflag:s1], $0x2000  }
0x5eb: {  	[sflag:s1] =	ssyncset.done $0x0  }
0x5ec: {  	[sflag:s1] =	ssyncadd.s32 $0xFFFFE000  }
0x5ed: {  	[hbm4b:s11+s14] =	stream.strided.scatter [tilespmem:s28], [sflag:$0x8], $0x2000, s15, s14, $0x38;
	[tilespmem:$0x19000] =	vst v63  }
0x5ee: {  	_ =	swait.ge [sflag:s29], $0x2000  }
0x5ef: {  	[sflag:s29] =	ssyncset.done $0x0  }
0x5f0: {  	[sflag:s29] =	ssyncadd.s32 $0xFFFFE000  }
0x5f1: {  	_ =	swait.ge [sflag:s30], $0x2000  }
0x5f2: {  	[sflag:s30] =	ssyncset.done $0x0  }
0x5f3: {  	[sflag:s30] =	ssyncadd.s32 $0xFFFFE000  }
0x5f4: {  	p0 =	sne.s32 s12, $0x1;
	_ =	swait.ge [sflag:s31], $0x2000  }
.Ltmp0:
0x5f5: {  	[sflag:s31] =	ssyncset.done $0x0;
	(pc) =	sbr.rel @p0 .LBB2_1-.Ltmp0, $4  }
0x5f6: {  	[sflag:s31] =	ssyncadd.s32 $0xFFFFE000  }
0x5f7: {  	_ =	swait.ge [sflag:s1], $0x2000  }
0x5f8: {  	[sflag:s1] =	ssyncset.done $0x0  }
0x5f9: {  	s12 =	sadd.s32 $0xFFFFFFFF, s12;
	[sflag:s1] =	ssyncadd.s32 $0xFFFFE000  }
0x5fa: {  	_ =	sfence.sel $0x180000  }
0x5fb: {  	[bflag:$0x0] =	sbarrier.arrive $0xFFFF  }
0x5fc: {  	_ =	strace $0x90000047  }
0x5fd: {  	s0 =	stileid.u32;
	[bflag:$0x2] =	sbarrier.arrive $0xFFFF  }
0x5fe: {  	p0 =	sne.s32 s0, $0x0;
	s0 =	rddreg [dreg:$0x3]  }
0x5ff: {  	s0 =	sadd.s32 @!p0 $0x100000, s0  }
0x600: {  	[sflag:s0] =	ssyncadd.tile.s32 @!p0 $0x1;
	_ =	shalt  }
.Lfunc_end2:
_tile_overlayer_lowered:
.L_overlay_start_2:
0x601: {  	(tag) =	ssettag $0x2  }
0x602: {  	s0 =	rddreg [dreg:$0x0];
	s2 =	stileid.u32  }
0x603: {  	s1 =	rddreg [dreg:$0x1];
	p0 =	sne.s32 s2, $0x0  }
0x604: {  	s3 =	rddreg [dreg:$0x2];
	[bflag:$0x3] =	sbarrier.arrive $0xFFFF;
	s2 =	simm.s32 @!p0 $0x1C09  }
0x605: {  	[timem:s3], [sflag:s2] =	dma.local @!p0 [hbm:s0], s1  }
0x606: {  	s0 =	simm.s32 @!p0 $0x9  }
0x607: {  	_ =	swait.ge @!p0 [sflag:s0], s1  }
0x608: {  	s1 =	ssub.s32 @!p0 $0x0, s1;
	[sflag:s0] =	ssyncset.done @!p0 $0x0  }
0x609: {  	[sflag:s0] =	ssyncadd.s32 @!p0 s1  }
0x60a: {  	[bflag:$0x3] =	sbarrier.arrive $0xFFFF  }
0x60b: {  	_ =	shalt  }

</sc_bundles>
